<compile_context>
chip_gen: v7x
topology: tpu7x:2x2x1
jax: 0.10.2.dev20260603
libtpu: 0.0.44.dev20260713+nightly
codegen_flags: <defaults>
</compile_context>

<pallas_src>
import functools

import jax
import jax.numpy as jnp
from jax import lax
from jax.experimental import pallas as pl
from jax.experimental.pallas import tpu as pltpu
from jax.experimental.pallas import tpu_sc as plsc

N = 10000
E = 320000
D = 128
DE = 16
NC, NS, L = 2, 16, 16
NW = NC * NS
EPT = E // NW
EP = 320512
EPT1 = EP // NW
C1 = 32
NCHUNK1 = EPT1 // C1
NITER1 = NCHUNK1 // 4
C2 = 80
NCHUNK2 = EPT // C2
NP = 10240
RPS = NP // NS

_f32 = jnp.float32


def _tc_prep_body(x_ref, wm_ref, bm_ref, ms_ref, md_ref):
    x = x_ref[...]
    ms_ref[...] = jnp.dot(x, wm_ref[0:D, :], preferred_element_type=_f32)
    md_ref[...] = (jnp.dot(x, wm_ref[D:2 * D, :], preferred_element_type=_f32)
                   + bm_ref[...])


def _tc_prep(xp, w_msg, b_msg):
    bn = 2048
    return pl.pallas_call(
        _tc_prep_body,
        grid=(NP // bn,),
        in_specs=[
            pl.BlockSpec((bn, D), lambda i: (i, 0)),
            pl.BlockSpec((2 * D, D), lambda i: (0, 0)),
            pl.BlockSpec((1, D), lambda i: (0, 0)),
        ],
        out_specs=[
            pl.BlockSpec((bn, D), lambda i: (i, 0)),
            pl.BlockSpec((bn, D), lambda i: (i, 0)),
        ],
        out_shape=[
            jax.ShapeDtypeStruct((NP, D), _f32),
            jax.ShapeDtypeStruct((NP, D), _f32),
        ],
    )(xp, w_msg, b_msg.reshape(1, D))


def _sc_nodeagg_body(ms_hbm, md_hbm, src_hbm, dst_hbm, zeros_agg_hbm,
                     agg_out, deg_out,
                     sidx_v, didx_v, gs_v, gd_v, m_v, deg_loc,
                     agg_sh, sem_i, sem_g0, sem_g1, sem_s0, sem_s1):
    c = lax.axis_index("c")
    s = lax.axis_index("s")
    wid = c * NS + s
    sem_g = (sem_g0, sem_g1)
    sem_s = (sem_s0, sem_s1)

    pltpu.sync_copy(zeros_agg_hbm.at[pl.ds(s * RPS, RPS)],
                    agg_sh.at[pl.ds(s * RPS, RPS)])

    def zero_body(r, _):
        deg_loc[pl.ds(r * L, L)] = jnp.zeros((L,), _f32)
        return 0
    lax.fori_loop(0, NP // L, zero_body, 0)
    plsc.subcore_barrier()

    ones16 = jnp.full((L,), 1.0, _f32)

    def fire_idx(k, slot):
        pltpu.async_copy(src_hbm.at[wid, k], sidx_v.at[slot], sem_i)
        pltpu.async_copy(dst_hbm.at[wid, k], didx_v.at[slot], sem_i)

    def wait_idx(k, slot):
        pltpu.make_async_copy(src_hbm.at[wid, k], sidx_v.at[slot],
                              sem_i).wait()
        pltpu.make_async_copy(dst_hbm.at[wid, k], didx_v.at[slot],
                              sem_i).wait()

    def fire_gathers(slot, b):
        pltpu.async_copy(ms_hbm.at[sidx_v.at[slot]], gs_v.at[b], sem_g[b])
        pltpu.async_copy(md_hbm.at[didx_v.at[slot]], gd_v.at[b], sem_g[b])

    def wait_gathers(slot, b):
        pltpu.make_async_copy(ms_hbm.at[sidx_v.at[slot]], gs_v.at[b],
                              sem_g[b]).wait()
        pltpu.make_async_copy(md_hbm.at[didx_v.at[slot]], gd_v.at[b],
                              sem_g[b]).wait()

    def wait_scatter(slot, b):
        pltpu.make_async_copy(m_v.at[b], agg_sh.at[didx_v.at[slot]],
                              sem_s[b]).wait()

    def process(slot, b):
        @plsc.parallel_loop(0, C1, unroll=4)
        def _(e):
            for j in range(D // L):
                sl = pl.ds(j * L, L)
                m_v[b, e, sl] = jnp.maximum(
                    gs_v[b, e, sl] + gd_v[b, e, sl], 0.0)
        for g in range(C1 // L):
            plsc.addupdate_scatter(
                deg_loc, [didx_v[slot, pl.ds(g * L, L)]], ones16)
        pltpu.async_copy(m_v.at[b], agg_sh.at[didx_v.at[slot]], sem_s[b],
                         add=True)

    fire_idx(0, 0)
    fire_idx(1, 1)
    wait_idx(0, 0)
    fire_gathers(0, 0)

    def loop_body(i, carry):
        for b in range(4):
            k = i * 4 + b
            gb = b % 2
            wait_gathers(b, gb)
            wait_idx(k + 1, (b + 1) % 4)
            fire_gathers((b + 1) % 4, 1 - gb)
            if b < 2:
                @pl.when(i >= 1)
                def _():
                    wait_scatter((b + 2) % 4, gb)
            else:
                wait_scatter((b + 2) % 4, gb)
            if b < 3:
                fire_idx(k + 2, (b + 2) % 4)
            else:
                @pl.when(i < NITER1 - 1)
                def _():
                    fire_idx(k + 2, (b + 2) % 4)
            process(b, gb)
        return carry

    lax.fori_loop(0, NITER1, loop_body, 0)
    wait_gathers(0, 0)
    wait_scatter(2, 0)
    process(0, 0)
    wait_scatter(3, 1)
    wait_scatter(0, 0)

    pltpu.sync_copy(deg_loc, deg_out.at[pl.ds(wid * NP, NP)])
    plsc.subcore_barrier()

    pltpu.sync_copy(agg_sh.at[pl.ds(s * RPS, RPS)],
                    agg_out.at[pl.ds(c * NP + s * RPS, RPS)])


def _sc_nodeagg(ms, md, src3, dst3):
    mesh = plsc.VectorSubcoreMesh(core_axis_name="c", subcore_axis_name="s",
                                  num_cores=NC, num_subcores=NS)
    zeros_agg = jnp.zeros((NP, D), _f32)
    fn = functools.partial(
        pl.kernel,
        out_type=[
            jax.ShapeDtypeStruct((NC * NP, D), _f32),
            jax.ShapeDtypeStruct((NW * NP,), _f32),
        ],
        mesh=mesh,
        scratch_types=[
            pltpu.VMEM((4, C1), jnp.int32),
            pltpu.VMEM((4, C1), jnp.int32),
            pltpu.VMEM((2, C1, D), _f32),
            pltpu.VMEM((2, C1, D), _f32),
            pltpu.VMEM((2, C1, D), _f32),
            pltpu.VMEM((NP,), _f32),
            pltpu.VMEM_SHARED((NP, D), _f32),
            pltpu.SemaphoreType.DMA,
            pltpu.SemaphoreType.DMA,
            pltpu.SemaphoreType.DMA,
            pltpu.SemaphoreType.DMA,
            pltpu.SemaphoreType.DMA,
        ],
        compiler_params=pltpu.CompilerParams(needs_layout_passes=False),
    )(_sc_nodeagg_body)
    return fn(ms, md, src3, dst3, zeros_agg)


def _tc_mid_body(x_ref, a0_ref, a1_ref, dp_ref, wn_ref, bn_ref,
                 we1_ref, be1_ref, a_out, b_out):
    agg = a0_ref[...] + a1_ref[...]
    deg = lax.dot_general(dp_ref[...], jnp.ones((NW, 1), _f32),
                          (((0,), (0,)), ((), ())),
                          preferred_element_type=_f32)
    aggn = agg / jnp.maximum(deg, 1.0)
    x2 = jnp.maximum(
        jnp.dot(x_ref[...], wn_ref[0:D, :], preferred_element_type=_f32)
        + jnp.dot(aggn, wn_ref[D:2 * D, :], preferred_element_type=_f32)
        + bn_ref[...], 0.0)
    a_out[...] = jnp.dot(x2, we1_ref[0:D, :], preferred_element_type=_f32)
    b_out[...] = (jnp.dot(x2, we1_ref[D:2 * D, :], preferred_element_type=_f32)
                  + be1_ref[...])


def _tc_mid(x, agg0, agg1, degp, w_nout, b_nout, w_e1, b_e1):
    bn = 2048
    return pl.pallas_call(
        _tc_mid_body,
        grid=(NP // bn,),
        in_specs=[
            pl.BlockSpec((bn, D), lambda i: (i, 0)),
            pl.BlockSpec((bn, D), lambda i: (i, 0)),
            pl.BlockSpec((bn, D), lambda i: (i, 0)),
            pl.BlockSpec((NW, bn), lambda i: (0, i)),
            pl.BlockSpec((2 * D, D), lambda i: (0, 0)),
            pl.BlockSpec((1, D), lambda i: (0, 0)),
            pl.BlockSpec((2 * D, D), lambda i: (0, 0)),
            pl.BlockSpec((1, D), lambda i: (0, 0)),
        ],
        out_specs=[
            pl.BlockSpec((bn, D), lambda i: (i, 0)),
            pl.BlockSpec((bn, D), lambda i: (i, 0)),
        ],
        out_shape=[
            jax.ShapeDtypeStruct((NP, D), _f32),
            jax.ShapeDtypeStruct((NP, D), _f32),
        ],
    )(x, agg0, agg1, degp, w_nout, b_nout.reshape(1, D),
      w_e1, b_e1.reshape(1, D))


def _sc_edge_body(a_hbm, b_hbm, src_hbm, dst_hbm, w2_hbm,
                  dot_out, ssq_out,
                  sidx_all, didx_all, ga_v, gb_v, dot_v, w2_v, ssq_v,
                  sem_g0, sem_g1, sem_w0, sem_w1):
    c = lax.axis_index("c")
    s = lax.axis_index("s")
    wid = c * NS + s
    base = wid * EPT
    sem_g = (sem_g0, sem_g1)
    sem_w = (sem_w0, sem_w1)

    pltpu.sync_copy(w2_hbm, w2_v)
    pltpu.sync_copy(src_hbm.at[wid], sidx_all)
    pltpu.sync_copy(dst_hbm.at[wid], didx_all)

    def fire_gathers(k, b):
        pltpu.async_copy(a_hbm.at[sidx_all.at[k]], ga_v.at[b], sem_g[b])
        pltpu.async_copy(b_hbm.at[didx_all.at[k]], gb_v.at[b], sem_g[b])

    def wait_gathers(k, b):
        pltpu.make_async_copy(a_hbm.at[sidx_all.at[k]], ga_v.at[b],
                              sem_g[b]).wait()
        pltpu.make_async_copy(b_hbm.at[didx_all.at[k]], gb_v.at[b],
                              sem_g[b]).wait()

    def wait_write(k, b):
        pltpu.make_async_copy(dot_v.at[b],
                              dot_out.at[pl.ds(base + k * C2, C2)],
                              sem_w[b]).wait()

    def process(k, b, sacc0):
        def edge_body(e, sacc):
            dot = jnp.zeros((L,), _f32)
            for j in range(D // L):
                sl = pl.ds(j * L, L)
                pair = ga_v[b, e, sl] + gb_v[b, e, sl]
                sacc = sacc + pair * pair
                dot = dot + jnp.maximum(pair, 0.0) * w2_v[j, :]
            dot_v[b, e, :] = dot
            return sacc

        sacc0 = plsc.parallel_loop(0, C2, unroll=2, carry=sacc0)(edge_body)
        pltpu.async_copy(dot_v.at[b], dot_out.at[pl.ds(base + k * C2, C2)],
                         sem_w[b])
        return sacc0

    fire_gathers(0, 0)

    def loop_body(i, ssq_acc):
        for b in range(2):
            k = i * 2 + b
            wait_gathers(k, b)
            fire_gathers(k + 1, 1 - b)

            @pl.when(i >= 1)
            def _():
                wait_write(k - 2, b)
            ssq_acc = process(k, b, ssq_acc)
        return ssq_acc

    ssq = lax.fori_loop(0, (NCHUNK2 - 1) // 2, loop_body,
                        jnp.zeros((L,), _f32))
    klast = NCHUNK2 - 1
    wait_gathers(klast, 0)
    wait_write(klast - 2, 0)
    ssq = process(klast, 0, ssq)
    wait_write(klast, 0)
    wait_write(klast - 1, 1)

    for r in range(8):
        ssq_v[r, :] = jnp.zeros((L,), _f32)
    ssq_v[0, :] = ssq
    pltpu.sync_copy(ssq_v, ssq_out.at[wid])


def _sc_edge(a, b, src3, dst3, w2):
    mesh = plsc.VectorSubcoreMesh(core_axis_name="c", subcore_axis_name="s",
                                  num_cores=NC, num_subcores=NS)
    fn = functools.partial(
        pl.kernel,
        out_type=[
            jax.ShapeDtypeStruct((E, L), _f32),
            jax.ShapeDtypeStruct((NW, 8, L), _f32),
        ],
        mesh=mesh,
        scratch_types=[
            pltpu.VMEM((NCHUNK2, C2), jnp.int32),
            pltpu.VMEM((NCHUNK2, C2), jnp.int32),
            pltpu.VMEM((2, C2, D), _f32),
            pltpu.VMEM((2, C2, D), _f32),
            pltpu.VMEM((2, C2, L), _f32),
            pltpu.VMEM((D // L, L), _f32),
            pltpu.VMEM((8, L), _f32),
            pltpu.SemaphoreType.DMA,
            pltpu.SemaphoreType.DMA,
            pltpu.SemaphoreType.DMA,
            pltpu.SemaphoreType.DMA,
        ],
        compiler_params=pltpu.CompilerParams(needs_layout_passes=False),
    )(_sc_edge_body)
    return fn(a, b, src3, dst3, w2.reshape(D // L, L))


def _tc_final_body(dot16_ref, ef_ref, wtail_ref, be2_ref, ssq_ref,
                   out_ref, loss_ref):
    s = (jnp.sum(dot16_ref[...], axis=1, keepdims=True)
         + jnp.sum(ef_ref[...] * wtail_ref[...], axis=1, keepdims=True)
         + be2_ref[...])
    out_ref[...] = s

    @pl.when(pl.program_id(0) == 0)
    def _():
        loss_ref[...] = jnp.sum(ssq_ref[...]).reshape(1, 1) / (E * D)


def _tc_final(dot16, ef, w_tail, b_e2, ssq):
    be = 8000
    return pl.pallas_call(
        _tc_final_body,
        grid=(E // be,),
        in_specs=[
            pl.BlockSpec((be, L), lambda i: (i, 0)),
            pl.BlockSpec((be, DE), lambda i: (i, 0)),
            pl.BlockSpec((1, DE), lambda i: (0, 0)),
            pl.BlockSpec((1, 1), lambda i: (0, 0)),
            pl.BlockSpec((NW, 8, L), lambda i: (0, 0, 0)),
        ],
        out_specs=[
            pl.BlockSpec((be, 1), lambda i: (i, 0)),
            pl.BlockSpec((1, 1), lambda i: (0, 0)),
        ],
        out_shape=[
            jax.ShapeDtypeStruct((E, 1), _f32),
            jax.ShapeDtypeStruct((1, 1), _f32),
        ],
    )(dot16, ef, w_tail, b_e2, ssq)


def kernel(node_features, edge_features, edge_index, gt_edges,
           W_msg, b_msg, W_nout, b_nout, W_e1, b_e1, W_e2, b_e2):
    pad = jnp.full((EP - E,), NP - 1, edge_index.dtype)
    src1 = jnp.concatenate([edge_index[0], pad]).reshape(NW, NCHUNK1, C1)
    dst1 = jnp.concatenate([edge_index[1], pad]).reshape(NW, NCHUNK1, C1)
    src2 = edge_index[0].reshape(NW, NCHUNK2, C2)
    dst2 = edge_index[1].reshape(NW, NCHUNK2, C2)

    xp = jnp.concatenate([node_features, jnp.zeros((NP - N, D), _f32)])
    ms, md = _tc_prep(xp, W_msg, b_msg)
    aggp, degp = _sc_nodeagg(ms, md, src1, dst1)
    a, b = _tc_mid(xp, aggp[:NP], aggp[NP:2 * NP],
                   degp.reshape(NW, NP), W_nout, b_nout, W_e1, b_e1)
    dot16, ssq = _sc_edge(a, b, src2, dst2, W_e2[:D, 0])
    w_tail = W_e2[D:D + DE, 0].reshape(1, DE)
    edge_out, loss = _tc_final(dot16, edge_features, w_tail,
                               b_e2.reshape(1, 1), ssq)
    return edge_out, loss.reshape(())

# --- scband reference (transcript-rebuilt; emitter-appended) ---
"""Pipeline reference for scband-qgnn-13477607374969 (READ-ONLY COPY).

The authoritative reference and input builder live on the scoring server;
editing this copy changes nothing except your own understanding.
"""

import jax, jax.numpy as jnp
import numpy as np

N_NODES = 10000
N_EDGES = 320000
D = 128
D_EDGE = 16
D_OUT = 1


def setup_inputs(seed: int = 0) -> dict:
    key = jax.random.key(seed)
    ks = jax.random.split(key, 12)
    node_features = jax.random.normal(ks[0], (N_NODES, D), dtype=jnp.float32)
    edge_features = jax.random.normal(ks[1], (N_EDGES, D_EDGE), dtype=jnp.float32)
    edge_index = jax.random.randint(ks[2], (2, N_EDGES), 0, N_NODES, dtype=jnp.int32)
    gt_edges = jax.random.uniform(ks[3], (N_EDGES,), dtype=jnp.float32)
    # NodeConv1 params: message MLP [2D -> D], update MLP [2D -> D]
    W_msg = jax.random.normal(ks[4], (2 * D, D), dtype=jnp.float32) / np.sqrt(2 * D)
    b_msg = jnp.zeros((D,), dtype=jnp.float32)
    W_nout = jax.random.normal(ks[5], (2 * D, D), dtype=jnp.float32) / np.sqrt(2 * D)
    b_nout = jnp.zeros((D,), dtype=jnp.float32)
    # EdgeConv1 params: pair MLP [2D -> D], fuse MLP [D + D_EDGE -> D_OUT]
    W_e1 = jax.random.normal(ks[6], (2 * D, D), dtype=jnp.float32) / np.sqrt(2 * D)
    b_e1 = jnp.zeros((D,), dtype=jnp.float32)
    W_e2 = jax.random.normal(ks[7], (D + D_EDGE, D_OUT), dtype=jnp.float32) / np.sqrt(D + D_EDGE)
    b_e2 = jnp.zeros((D_OUT,), dtype=jnp.float32)
    return {
        "node_features": node_features,
        "edge_features": edge_features,
        "edge_index": edge_index,
        "gt_edges": gt_edges,
        "W_msg": W_msg, "b_msg": b_msg,
        "W_nout": W_nout, "b_nout": b_nout,
        "W_e1": W_e1, "b_e1": b_e1,
        "W_e2": W_e2, "b_e2": b_e2,
    }


def _node_conv(x, edge_index, W_msg, b_msg, W_nout, b_nout):
    src = edge_index[0]
    dst = edge_index[1]
    x_src = jnp.take(x, src, axis=0)
    x_dst = jnp.take(x, dst, axis=0)
    m = jax.nn.relu(jnp.concatenate([x_src, x_dst], axis=1) @ W_msg + b_msg)
    agg = jax.ops.segment_sum(m, dst, num_segments=N_NODES)
    deg = jax.ops.segment_sum(jnp.ones((m.shape[0],), x.dtype), dst, num_segments=N_NODES)
    agg = agg / jnp.clip(deg, 1.0)[:, None]
    out = jax.nn.relu(jnp.concatenate([x, agg], axis=1) @ W_nout + b_nout)
    return out


def _edge_conv(x, edge_index, e_init, W_e1, b_e1, W_e2, b_e2):
    src = edge_index[0]
    dst = edge_index[1]
    x_src = jnp.take(x, src, axis=0)
    x_dst = jnp.take(x, dst, axis=0)
    pair = jnp.concatenate([x_src, x_dst], axis=1) @ W_e1 + b_e1
    side_loss = jnp.mean(pair ** 2)
    h = jax.nn.relu(pair)
    out = jnp.concatenate([h, e_init], axis=1) @ W_e2 + b_e2
    return out, side_loss


def reference(node_features, edge_features, edge_index, gt_edges,
              W_msg, b_msg, W_nout, b_nout, W_e1, b_e1, W_e2, b_e2):
    # depth == 1 path: node_conv1 then edge_conv1 (post_data=False => no plotting branch)
    x = _node_conv(node_features, edge_index, W_msg, b_msg, W_nout, b_nout)
    edge_out, side_loss = _edge_conv(x, edge_index, edge_features, W_e1, b_e1, W_e2, b_e2)
    return edge_out, side_loss

if __name__ == "__main__":
    import jax
    _d = setup_inputs()
    print(jax.jit(kernel)(*tuple(_d.values())))

</pallas_src>

<mosaic_0001>
#map = affine_map<(d0, d1) -> (0, 0)>
#map1 = affine_map<(d0, d1) -> (0, 0, 0)>
module attributes {stable_mosaic.version = 14 : i64} {
  func.func @_sc_edge_body(%arg0: i32, %arg1: i32, %arg2: memref<10240x128xf32, #tpu.memory_space<hbm>>, %arg3: memref<10240x128xf32, #tpu.memory_space<hbm>>, %arg4: memref<32x125x80xi32, #tpu.memory_space<hbm>>, %arg5: memref<32x125x80xi32, #tpu.memory_space<hbm>>, %arg6: memref<8x16xf32, #tpu.memory_space<hbm>>, %arg7: memref<320000x16xf32, #tpu.memory_space<hbm>>, %arg8: memref<32x8x16xf32, #tpu.memory_space<hbm>>, %arg9: memref<125x80xi32, #tpu.memory_space<vmem>>, %arg10: memref<125x80xi32, #tpu.memory_space<vmem>>, %arg11: memref<2x80x128xf32, #tpu.memory_space<vmem>>, %arg12: memref<2x80x128xf32, #tpu.memory_space<vmem>>, %arg13: memref<2x80x16xf32, #tpu.memory_space<vmem>>, %arg14: memref<8x16xf32, #tpu.memory_space<vmem>>, %arg15: memref<8x16xf32, #tpu.memory_space<vmem>>, %arg16: memref<!tpu.dma_semaphore, #tpu.memory_space<semaphore_mem>>, %arg17: memref<!tpu.dma_semaphore, #tpu.memory_space<semaphore_mem>>, %arg18: memref<!tpu.dma_semaphore, #tpu.memory_space<semaphore_mem>>, %arg19: memref<!tpu.dma_semaphore, #tpu.memory_space<semaphore_mem>>) attributes {dimension_semantics = [#tpu.dimension_semantics<core_parallel>, #tpu.dimension_semantics<subcore_parallel>], iteration_bounds = array<i64: 2, 16>, scalar_prefetch = 0 : i64, scratch_operands = 11 : i64, tpu.core_type = #tpu.core_type<sc_vector_subcore>, window_params = [{transform_indices = #map}, {transform_indices = #map}, {transform_indices = #map1}, {transform_indices = #map1}, {transform_indices = #map}, {transform_indices = #map}, {transform_indices = #map1}]} {
    %mul3A = arith.constant 16 : i32
    %mul3A_0 = arith.muli %arg0, %mul3A : i32
    %add3A = arith.addi %mul3A_0, %arg1 : i32
    %mul3A_1 = arith.constant 10000 : i32
    %mul3A_2 = arith.muli %add3A, %mul3A_1 : i32
    "tpu.region"() ({
      %run_scoped3A = tpu.sem_alloc : memref<!tpu.dma_semaphore, #tpu.memory_space<semaphore_mem>>
      tpu.enqueue_dma source(%arg6 : memref<8x16xf32, #tpu.memory_space<hbm>>) target(%arg14 : memref<8x16xf32, #tpu.memory_space<vmem>>) target_semaphore(%run_scoped3A : memref<!tpu.dma_semaphore, #tpu.memory_space<semaphore_mem>>)
      tpu.wait_dma2 semaphore(%run_scoped3A : memref<!tpu.dma_semaphore, #tpu.memory_space<semaphore_mem>>) src(%arg6 : memref<8x16xf32, #tpu.memory_space<hbm>>) dst(%arg14 : memref<8x16xf32, #tpu.memory_space<vmem>>)
      tpu.yield
    }) : () -> ()
    "tpu.region"() ({
      %run_scoped3A = tpu.sem_alloc : memref<!tpu.dma_semaphore, #tpu.memory_space<semaphore_mem>>
      %dma_start3A_169 = arith.constant 0 : i32
      %dma_start3A_170 = arith.constant 0 : i32
      %dma_start3A_171 = tpu.memref_slice %arg4[%add3A, %dma_start3A_169, %dma_start3A_170] : memref<32x125x80xi32, #tpu.memory_space<hbm>> -> memref<1x125x80xi32, #tpu.memory_space<hbm>>
      %dma_start3A_172 = tpu.memref_squeeze %dma_start3A_171 : memref<1x125x80xi32, #tpu.memory_space<hbm>> -> memref<125x80xi32, #tpu.memory_space<hbm>>
      %dma_start3A_173 = arith.constant 0 : i32
      %dma_start3A_174 = arith.constant 0 : i32
      %dma_start3A_175 = tpu.memref_slice %arg4[%add3A, %dma_start3A_173, %dma_start3A_174] : memref<32x125x80xi32, #tpu.memory_space<hbm>> -> memref<1x125x80xi32, #tpu.memory_space<hbm>>
      %dma_start3A_176 = tpu.memref_squeeze %dma_start3A_175 : memref<1x125x80xi32, #tpu.memory_space<hbm>> -> memref<125x80xi32, #tpu.memory_space<hbm>>
      tpu.enqueue_dma source(%dma_start3A_176 : memref<125x80xi32, #tpu.memory_space<hbm>>) target(%arg9 : memref<125x80xi32, #tpu.memory_space<vmem>>) target_semaphore(%run_scoped3A : memref<!tpu.dma_semaphore, #tpu.memory_space<semaphore_mem>>)
      %dma_wait3A_177 = arith.constant 0 : i32
      %dma_wait3A_178 = arith.constant 0 : i32
      %dma_wait3A_179 = tpu.memref_slice %arg4[%add3A, %dma_wait3A_177, %dma_wait3A_178] : memref<32x125x80xi32, #tpu.memory_space<hbm>> -> memref<1x125x80xi32, #tpu.memory_space<hbm>>
      %dma_wait3A_180 = tpu.memref_squeeze %dma_wait3A_179 : memref<1x125x80xi32, #tpu.memory_space<hbm>> -> memref<125x80xi32, #tpu.memory_space<hbm>>
      %dma_wait3A_181 = arith.constant 0 : i32
      %dma_wait3A_182 = arith.constant 0 : i32
      %dma_wait3A_183 = tpu.memref_slice %arg4[%add3A, %dma_wait3A_181, %dma_wait3A_182] : memref<32x125x80xi32, #tpu.memory_space<hbm>> -> memref<1x125x80xi32, #tpu.memory_space<hbm>>
      %dma_wait3A_184 = tpu.memref_squeeze %dma_wait3A_183 : memref<1x125x80xi32, #tpu.memory_space<hbm>> -> memref<125x80xi32, #tpu.memory_space<hbm>>
      tpu.wait_dma2 semaphore(%run_scoped3A : memref<!tpu.dma_semaphore, #tpu.memory_space<semaphore_mem>>) src(%dma_wait3A_184 : memref<125x80xi32, #tpu.memory_space<hbm>>) dst(%arg9 : memref<125x80xi32, #tpu.memory_space<vmem>>)
      tpu.yield
    }) : () -> ()
    "tpu.region"() ({
      %run_scoped3A = tpu.sem_alloc : memref<!tpu.dma_semaphore, #tpu.memory_space<semaphore_mem>>
      %dma_start3A_169 = arith.constant 0 : i32
      %dma_start3A_170 = arith.constant 0 : i32
      %dma_start3A_171 = tpu.memref_slice %arg5[%add3A, %dma_start3A_169, %dma_start3A_170] : memref<32x125x80xi32, #tpu.memory_space<hbm>> -> memref<1x125x80xi32, #tpu.memory_space<hbm>>
      %dma_start3A_172 = tpu.memref_squeeze %dma_start3A_171 : memref<1x125x80xi32, #tpu.memory_space<hbm>> -> memref<125x80xi32, #tpu.memory_space<hbm>>
      %dma_start3A_173 = arith.constant 0 : i32
      %dma_start3A_174 = arith.constant 0 : i32
      %dma_start3A_175 = tpu.memref_slice %arg5[%add3A, %dma_start3A_173, %dma_start3A_174] : memref<32x125x80xi32, #tpu.memory_space<hbm>> -> memref<1x125x80xi32, #tpu.memory_space<hbm>>
      %dma_start3A_176 = tpu.memref_squeeze %dma_start3A_175 : memref<1x125x80xi32, #tpu.memory_space<hbm>> -> memref<125x80xi32, #tpu.memory_space<hbm>>
      tpu.enqueue_dma source(%dma_start3A_176 : memref<125x80xi32, #tpu.memory_space<hbm>>) target(%arg10 : memref<125x80xi32, #tpu.memory_space<vmem>>) target_semaphore(%run_scoped3A : memref<!tpu.dma_semaphore, #tpu.memory_space<semaphore_mem>>)
      %dma_wait3A_177 = arith.constant 0 : i32
      %dma_wait3A_178 = arith.constant 0 : i32
      %dma_wait3A_179 = tpu.memref_slice %arg5[%add3A, %dma_wait3A_177, %dma_wait3A_178] : memref<32x125x80xi32, #tpu.memory_space<hbm>> -> memref<1x125x80xi32, #tpu.memory_space<hbm>>
      %dma_wait3A_180 = tpu.memref_squeeze %dma_wait3A_179 : memref<1x125x80xi32, #tpu.memory_space<hbm>> -> memref<125x80xi32, #tpu.memory_space<hbm>>
      %dma_wait3A_181 = arith.constant 0 : i32
      %dma_wait3A_182 = arith.constant 0 : i32
      %dma_wait3A_183 = tpu.memref_slice %arg5[%add3A, %dma_wait3A_181, %dma_wait3A_182] : memref<32x125x80xi32, #tpu.memory_space<hbm>> -> memref<1x125x80xi32, #tpu.memory_space<hbm>>
      %dma_wait3A_184 = tpu.memref_squeeze %dma_wait3A_183 : memref<1x125x80xi32, #tpu.memory_space<hbm>> -> memref<125x80xi32, #tpu.memory_space<hbm>>
      tpu.wait_dma2 semaphore(%run_scoped3A : memref<!tpu.dma_semaphore, #tpu.memory_space<semaphore_mem>>) src(%dma_wait3A_184 : memref<125x80xi32, #tpu.memory_space<hbm>>) dst(%arg10 : memref<125x80xi32, #tpu.memory_space<vmem>>)
      tpu.yield
    }) : () -> ()
    %dma_start3A = arith.constant 0 : i32
    %dma_start3A_3 = arith.constant 0 : i32
    %dma_start3A_4 = arith.constant 0 : i32
    %dma_start3A_5 = arith.constant 0 : i32
    %dma_start3A_6 = tpu.memref_slice %arg11[%dma_start3A_3, %dma_start3A_4, %dma_start3A_5] : memref<2x80x128xf32, #tpu.memory_space<vmem>> -> memref<1x80x128xf32, #tpu.memory_space<vmem>>
    %dma_start3A_7 = tpu.memref_squeeze %dma_start3A_6 : memref<1x80x128xf32, #tpu.memory_space<vmem>> -> memref<80x128xf32, #tpu.memory_space<vmem>>
    %dma_start3A_8 = arith.constant 0 : i32
    %dma_start3A_9 = tpu.memref_slice %arg9[%dma_start3A, %dma_start3A_8] : memref<125x80xi32, #tpu.memory_space<vmem>> -> memref<1x80xi32, #tpu.memory_space<vmem>>
    %dma_start3A_10 = tpu.memref_squeeze %dma_start3A_9 : memref<1x80xi32, #tpu.memory_space<vmem>> -> memref<80xi32, #tpu.memory_space<vmem>>
    %dma_start3A_11 = arith.constant 0 : i32
    %dma_start3A_12 = arith.constant 0 : i32
    %dma_start3A_13 = tpu.memref_slice %arg2[%dma_start3A_11, %dma_start3A_12] : memref<10240x128xf32, #tpu.memory_space<hbm>> -> memref<10240x128xf32, #tpu.memory_space<hbm>>
    tpu.enqueue_indirect_dma source(%dma_start3A_13 : memref<10240x128xf32, #tpu.memory_space<hbm>>) target(%dma_start3A_7 : memref<80x128xf32, #tpu.memory_space<vmem>>) offsets(%dma_start3A_10 : memref<80xi32, #tpu.memory_space<vmem>>) semaphore(%arg16 : memref<!tpu.dma_semaphore, #tpu.memory_space<semaphore_mem>>)
    %dma_start3A_14 = arith.constant 0 : i32
    %dma_start3A_15 = arith.constant 0 : i32
    %dma_start3A_16 = arith.constant 0 : i32
    %dma_start3A_17 = arith.constant 0 : i32
    %dma_start3A_18 = tpu.memref_slice %arg12[%dma_start3A_15, %dma_start3A_16, %dma_start3A_17] : memref<2x80x128xf32, #tpu.memory_space<vmem>> -> memref<1x80x128xf32, #tpu.memory_space<vmem>>
    %dma_start3A_19 = tpu.memref_squeeze %dma_start3A_18 : memref<1x80x128xf32, #tpu.memory_space<vmem>> -> memref<80x128xf32, #tpu.memory_space<vmem>>
    %dma_start3A_20 = arith.constant 0 : i32
    %dma_start3A_21 = tpu.memref_slice %arg10[%dma_start3A_14, %dma_start3A_20] : memref<125x80xi32, #tpu.memory_space<vmem>> -> memref<1x80xi32, #tpu.memory_space<vmem>>
    %dma_start3A_22 = tpu.memref_squeeze %dma_start3A_21 : memref<1x80xi32, #tpu.memory_space<vmem>> -> memref<80xi32, #tpu.memory_space<vmem>>
    %dma_start3A_23 = arith.constant 0 : i32
    %dma_start3A_24 = arith.constant 0 : i32
    %dma_start3A_25 = tpu.memref_slice %arg3[%dma_start3A_23, %dma_start3A_24] : memref<10240x128xf32, #tpu.memory_space<hbm>> -> memref<10240x128xf32, #tpu.memory_space<hbm>>
    tpu.enqueue_indirect_dma source(%dma_start3A_25 : memref<10240x128xf32, #tpu.memory_space<hbm>>) target(%dma_start3A_19 : memref<80x128xf32, #tpu.memory_space<vmem>>) offsets(%dma_start3A_22 : memref<80xi32, #tpu.memory_space<vmem>>) semaphore(%arg16 : memref<!tpu.dma_semaphore, #tpu.memory_space<semaphore_mem>>)
    %broadcast_in_dim3A = arith.constant 0.000000e+00 : f32
    %broadcast_in_dim3A_26 = vector.broadcast %broadcast_in_dim3A : f32 to vector<16xf32>
    %scan3A = arith.constant 0 : i32
    %scan3A_27 = arith.constant 62 : i32
    %scan3A_28 = arith.addi %scan3A, %scan3A_27 : i32
    %scan3A_29 = arith.constant 1 : i32
    %scan3A_30 = scf.for %scan3A_169 = %scan3A to %scan3A_28 step %scan3A_29 iter_args(%scan3A_170 = %broadcast_in_dim3A_26) -> (vector<16xf32>)  : i32 {
      %mul3A_171 = arith.constant 2 : i32
      %mul3A_172 = arith.muli %scan3A_169, %mul3A_171 : i32
      %add3A_173 = arith.constant 0 : i32
      %add3A_174 = arith.addi %mul3A_172, %add3A_173 : i32
      %dma_wait3A_175 = arith.constant 0 : i32
      %dma_wait3A_176 = arith.constant 0 : i32
      %dma_wait3A_177 = arith.constant 0 : i32
      %dma_wait3A_178 = tpu.memref_slice %arg11[%dma_wait3A_175, %dma_wait3A_176, %dma_wait3A_177] : memref<2x80x128xf32, #tpu.memory_space<vmem>> -> memref<1x80x128xf32, #tpu.memory_space<vmem>>
      %dma_wait3A_179 = tpu.memref_squeeze %dma_wait3A_178 : memref<1x80x128xf32, #tpu.memory_space<vmem>> -> memref<80x128xf32, #tpu.memory_space<vmem>>
      %dma_wait3A_180 = arith.constant 0 : i32
      %dma_wait3A_181 = tpu.memref_slice %arg9[%add3A_174, %dma_wait3A_180] : memref<125x80xi32, #tpu.memory_space<vmem>> -> memref<1x80xi32, #tpu.memory_space<vmem>>
      %dma_wait3A_182 = tpu.memref_squeeze %dma_wait3A_181 : memref<1x80xi32, #tpu.memory_space<vmem>> -> memref<80xi32, #tpu.memory_space<vmem>>
      %dma_wait3A_183 = arith.constant 0 : i32
      %dma_wait3A_184 = arith.constant 0 : i32
      %dma_wait3A_185 = tpu.memref_slice %arg2[%dma_wait3A_183, %dma_wait3A_184] : memref<10240x128xf32, #tpu.memory_space<hbm>> -> memref<10240x128xf32, #tpu.memory_space<hbm>>
      tpu.wait_indirect_dma semaphore(%arg16 : memref<!tpu.dma_semaphore, #tpu.memory_space<semaphore_mem>>) src(%dma_wait3A_185 : memref<10240x128xf32, #tpu.memory_space<hbm>>) dst(%dma_wait3A_179 : memref<80x128xf32, #tpu.memory_space<vmem>>)
      %dma_wait3A_186 = arith.constant 0 : i32
      %dma_wait3A_187 = arith.constant 0 : i32
      %dma_wait3A_188 = arith.constant 0 : i32
      %dma_wait3A_189 = tpu.memref_slice %arg12[%dma_wait3A_186, %dma_wait3A_187, %dma_wait3A_188] : memref<2x80x128xf32, #tpu.memory_space<vmem>> -> memref<1x80x128xf32, #tpu.memory_space<vmem>>
      %dma_wait3A_190 = tpu.memref_squeeze %dma_wait3A_189 : memref<1x80x128xf32, #tpu.memory_space<vmem>> -> memref<80x128xf32, #tpu.memory_space<vmem>>
      %dma_wait3A_191 = arith.constant 0 : i32
      %dma_wait3A_192 = tpu.memref_slice %arg10[%add3A_174, %dma_wait3A_191] : memref<125x80xi32, #tpu.memory_space<vmem>> -> memref<1x80xi32, #tpu.memory_space<vmem>>
      %dma_wait3A_193 = tpu.memref_squeeze %dma_wait3A_192 : memref<1x80xi32, #tpu.memory_space<vmem>> -> memref<80xi32, #tpu.memory_space<vmem>>
      %dma_wait3A_194 = arith.constant 0 : i32
      %dma_wait3A_195 = arith.constant 0 : i32
      %dma_wait3A_196 = tpu.memref_slice %arg3[%dma_wait3A_194, %dma_wait3A_195] : memref<10240x128xf32, #tpu.memory_space<hbm>> -> memref<10240x128xf32, #tpu.memory_space<hbm>>
      tpu.wait_indirect_dma semaphore(%arg16 : memref<!tpu.dma_semaphore, #tpu.memory_space<semaphore_mem>>) src(%dma_wait3A_196 : memref<10240x128xf32, #tpu.memory_space<hbm>>) dst(%dma_wait3A_190 : memref<80x128xf32, #tpu.memory_space<vmem>>)
      %add3A_197 = arith.constant 1 : i32
      %add3A_198 = arith.addi %add3A_174, %add3A_197 : i32
      %dma_start3A_199 = arith.constant 1 : i32
      %dma_start3A_200 = arith.constant 0 : i32
      %dma_start3A_201 = arith.constant 0 : i32
      %dma_start3A_202 = tpu.memref_slice %arg11[%dma_start3A_199, %dma_start3A_200, %dma_start3A_201] : memref<2x80x128xf32, #tpu.memory_space<vmem>> -> memref<1x80x128xf32, #tpu.memory_space<vmem>>
      %dma_start3A_203 = tpu.memref_squeeze %dma_start3A_202 : memref<1x80x128xf32, #tpu.memory_space<vmem>> -> memref<80x128xf32, #tpu.memory_space<vmem>>
      %dma_start3A_204 = arith.constant 0 : i32
      %dma_start3A_205 = tpu.memref_slice %arg9[%add3A_198, %dma_start3A_204] : memref<125x80xi32, #tpu.memory_space<vmem>> -> memref<1x80xi32, #tpu.memory_space<vmem>>
      %dma_start3A_206 = tpu.memref_squeeze %dma_start3A_205 : memref<1x80xi32, #tpu.memory_space<vmem>> -> memref<80xi32, #tpu.memory_space<vmem>>
      %dma_start3A_207 = arith.constant 0 : i32
      %dma_start3A_208 = arith.constant 0 : i32
      %dma_start3A_209 = tpu.memref_slice %arg2[%dma_start3A_207, %dma_start3A_208] : memref<10240x128xf32, #tpu.memory_space<hbm>> -> memref<10240x128xf32, #tpu.memory_space<hbm>>
      tpu.enqueue_indirect_dma source(%dma_start3A_209 : memref<10240x128xf32, #tpu.memory_space<hbm>>) target(%dma_start3A_203 : memref<80x128xf32, #tpu.memory_space<vmem>>) offsets(%dma_start3A_206 : memref<80xi32, #tpu.memory_space<vmem>>) semaphore(%arg17 : memref<!tpu.dma_semaphore, #tpu.memory_space<semaphore_mem>>)
      %dma_start3A_210 = arith.constant 1 : i32
      %dma_start3A_211 = arith.constant 0 : i32
      %dma_start3A_212 = arith.constant 0 : i32
      %dma_start3A_213 = tpu.memref_slice %arg12[%dma_start3A_210, %dma_start3A_211, %dma_start3A_212] : memref<2x80x128xf32, #tpu.memory_space<vmem>> -> memref<1x80x128xf32, #tpu.memory_space<vmem>>
      %dma_start3A_214 = tpu.memref_squeeze %dma_start3A_213 : memref<1x80x128xf32, #tpu.memory_space<vmem>> -> memref<80x128xf32, #tpu.memory_space<vmem>>
      %dma_start3A_215 = arith.constant 0 : i32
      %dma_start3A_216 = tpu.memref_slice %arg10[%add3A_198, %dma_start3A_215] : memref<125x80xi32, #tpu.memory_space<vmem>> -> memref<1x80xi32, #tpu.memory_space<vmem>>
      %dma_start3A_217 = tpu.memref_squeeze %dma_start3A_216 : memref<1x80xi32, #tpu.memory_space<vmem>> -> memref<80xi32, #tpu.memory_space<vmem>>
      %dma_start3A_218 = arith.constant 0 : i32
      %dma_start3A_219 = arith.constant 0 : i32
      %dma_start3A_220 = tpu.memref_slice %arg3[%dma_start3A_218, %dma_start3A_219] : memref<10240x128xf32, #tpu.memory_space<hbm>> -> memref<10240x128xf32, #tpu.memory_space<hbm>>
      tpu.enqueue_indirect_dma source(%dma_start3A_220 : memref<10240x128xf32, #tpu.memory_space<hbm>>) target(%dma_start3A_214 : memref<80x128xf32, #tpu.memory_space<vmem>>) offsets(%dma_start3A_217 : memref<80xi32, #tpu.memory_space<vmem>>) semaphore(%arg17 : memref<!tpu.dma_semaphore, #tpu.memory_space<semaphore_mem>>)
      %ge3A = arith.constant 1 : i32
      %ge3A_221 = arith.cmpi sge, %scan3A_169, %ge3A : i32
      %convert_element_type3A = arith.extui %ge3A_221 : i1 to i32
      %cond3A = arith.constant 0 : i32
      %cond3A_222 = arith.cmpi ne, %convert_element_type3A, %cond3A : i32
      scf.if %cond3A_222 {
        %sub3A = arith.constant 2 : i32
        %sub3A_318 = arith.subi %add3A_174, %sub3A : i32
        %mul3A_319 = arith.constant 80 : i32
        %mul3A_320 = arith.muli %sub3A_318, %mul3A_319 : i32
        %add3A_321 = arith.addi %mul3A_2, %mul3A_320 : i32
        %dma_wait3A_322 = arith.constant 0 : i32
        %dma_wait3A_323 = arith.constant 0 : i32
        %dma_wait3A_324 = arith.constant 0 : i32
        %dma_wait3A_325 = tpu.memref_slice %arg13[%dma_wait3A_322, %dma_wait3A_323, %dma_wait3A_324] : memref<2x80x16xf32, #tpu.memory_space<vmem>> -> memref<1x80x16xf32, #tpu.memory_space<vmem>>
        %dma_wait3A_326 = tpu.memref_squeeze %dma_wait3A_325 : memref<1x80x16xf32, #tpu.memory_space<vmem>> -> memref<80x16xf32, #tpu.memory_space<vmem>>
        %dma_wait3A_327 = arith.constant 0 : i32
        %dma_wait3A_328 = tpu.memref_slice %arg7[%add3A_321, %dma_wait3A_327] : memref<320000x16xf32, #tpu.memory_space<hbm>> -> memref<80x16xf32, #tpu.memory_space<hbm>>
        %dma_wait3A_329 = arith.constant 0 : i32
        %dma_wait3A_330 = tpu.memref_slice %arg7[%add3A_321, %dma_wait3A_329] : memref<320000x16xf32, #tpu.memory_space<hbm>> -> memref<80x16xf32, #tpu.memory_space<hbm>>
        %dma_wait3A_331 = arith.constant 0 : i32
        %dma_wait3A_332 = arith.constant 0 : i32
        %dma_wait3A_333 = tpu.memref_slice %arg13[%dma_wait3A_322, %dma_wait3A_331, %dma_wait3A_332] : memref<2x80x16xf32, #tpu.memory_space<vmem>> -> memref<1x80x16xf32, #tpu.memory_space<vmem>>
        %dma_wait3A_334 = tpu.memref_squeeze %dma_wait3A_333 : memref<1x80x16xf32, #tpu.memory_space<vmem>> -> memref<80x16xf32, #tpu.memory_space<vmem>>
        tpu.wait_dma2 semaphore(%arg18 : memref<!tpu.dma_semaphore, #tpu.memory_space<semaphore_mem>>) src(%dma_wait3A_334 : memref<80x16xf32, #tpu.memory_space<vmem>>) dst(%dma_wait3A_330 : memref<80x16xf32, #tpu.memory_space<hbm>>)
      } else {
      }
      %parallel_loop3A_223 = arith.constant 0 : i32
      %parallel_loop3A_224 = arith.constant 80 : i32
      %parallel_loop3A_225 = arith.constant 1 : i32
      %parallel_loop3A_226 = scf.for %parallel_loop3A_318 = %parallel_loop3A_223 to %parallel_loop3A_224 step %parallel_loop3A_225 iter_args(%parallel_loop3A_319 = %scan3A_170) -> (vector<16xf32>)  : i32 {
        %parallel_loop3A_320 = arith.constant 0.000000e+00 : f32
        %parallel_loop3A_321 = vector.broadcast %parallel_loop3A_320 : f32 to vector<16xf32>
        %parallel_loop3A_322 = arith.constant 0 : i32
        %parallel_loop3A_323 = arith.index_cast %parallel_loop3A_322 : i32 to index
        %parallel_loop3A_324 = arith.index_cast %parallel_loop3A_318 : i32 to index
        %parallel_loop3A_325 = arith.constant 0 : index
        %parallel_loop3A_326 = tpu.vector_load %arg11[%parallel_loop3A_323, %parallel_loop3A_324, %parallel_loop3A_325] {strides = array<i32>} : memref<2x80x128xf32, #tpu.memory_space<vmem>>, vector<16xf32>,
        %parallel_loop3A_327 = arith.constant 0 : i32
        %parallel_loop3A_328 = arith.index_cast %parallel_loop3A_327 : i32 to index
        %parallel_loop3A_329 = arith.index_cast %parallel_loop3A_318 : i32 to index
        %parallel_loop3A_330 = arith.constant 0 : index
        %parallel_loop3A_331 = tpu.vector_load %arg12[%parallel_loop3A_328, %parallel_loop3A_329, %parallel_loop3A_330] {strides = array<i32>} : memref<2x80x128xf32, #tpu.memory_space<vmem>>, vector<16xf32>,
        %parallel_loop3A_332 = arith.addf %parallel_loop3A_326, %parallel_loop3A_331 : vector<16xf32>
        %parallel_loop3A_333 = arith.mulf %parallel_loop3A_332, %parallel_loop3A_332 : vector<16xf32>
        %parallel_loop3A_334 = arith.addf %parallel_loop3A_319, %parallel_loop3A_333 : vector<16xf32>
        %parallel_loop3A_335 = arith.constant 0.000000e+00 : f32
        %parallel_loop3A_336 = vector.broadcast %parallel_loop3A_335 : f32 to vector<16xf32>
        %parallel_loop3A_337 = arith.maximumf %parallel_loop3A_332, %parallel_loop3A_336 : vector<16xf32>
        %parallel_loop3A_338 = arith.constant 0 : i32
        %parallel_loop3A_339 = arith.index_cast %parallel_loop3A_338 : i32 to index
        %parallel_loop3A_340 = arith.constant 0 : index
        %parallel_loop3A_341 = tpu.vector_load %arg14[%parallel_loop3A_339, %parallel_loop3A_340] {strides = array<i32>} : memref<8x16xf32, #tpu.memory_space<vmem>>, vector<16xf32>,
        %parallel_loop3A_342 = arith.mulf %parallel_loop3A_337, %parallel_loop3A_341 : vector<16xf32>
        %parallel_loop3A_343 = arith.addf %parallel_loop3A_321, %parallel_loop3A_342 : vector<16xf32>
        %parallel_loop3A_344 = arith.constant 0 : i32
        %parallel_loop3A_345 = arith.index_cast %parallel_loop3A_344 : i32 to index
        %parallel_loop3A_346 = arith.index_cast %parallel_loop3A_318 : i32 to index
        %parallel_loop3A_347 = arith.constant 16 : index
        %parallel_loop3A_348 = tpu.vector_load %arg11[%parallel_loop3A_345, %parallel_loop3A_346, %parallel_loop3A_347] {strides = array<i32>} : memref<2x80x128xf32, #tpu.memory_space<vmem>>, vector<16xf32>,
        %parallel_loop3A_349 = arith.constant 0 : i32
        %parallel_loop3A_350 = arith.index_cast %parallel_loop3A_349 : i32 to index
        %parallel_loop3A_351 = arith.index_cast %parallel_loop3A_318 : i32 to index
        %parallel_loop3A_352 = arith.constant 16 : index
        %parallel_loop3A_353 = tpu.vector_load %arg12[%parallel_loop3A_350, %parallel_loop3A_351, %parallel_loop3A_352] {strides = array<i32>} : memref<2x80x128xf32, #tpu.memory_space<vmem>>, vector<16xf32>,
        %parallel_loop3A_354 = arith.addf %parallel_loop3A_348, %parallel_loop3A_353 : vector<16xf32>
        %parallel_loop3A_355 = arith.mulf %parallel_loop3A_354, %parallel_loop3A_354 : vector<16xf32>
        %parallel_loop3A_356 = arith.addf %parallel_loop3A_334, %parallel_loop3A_355 : vector<16xf32>
        %parallel_loop3A_357 = arith.constant 0.000000e+00 : f32
        %parallel_loop3A_358 = vector.broadcast %parallel_loop3A_357 : f32 to vector<16xf32>
        %parallel_loop3A_359 = arith.maximumf %parallel_loop3A_354, %parallel_loop3A_358 : vector<16xf32>
        %parallel_loop3A_360 = arith.constant 1 : i32
        %parallel_loop3A_361 = arith.index_cast %parallel_loop3A_360 : i32 to index
        %parallel_loop3A_362 = arith.constant 0 : index
        %parallel_loop3A_363 = tpu.vector_load %arg14[%parallel_loop3A_361, %parallel_loop3A_362] {strides = array<i32>} : memref<8x16xf32, #tpu.memory_space<vmem>>, vector<16xf32>,
        %parallel_loop3A_364 = arith.mulf %parallel_loop3A_359, %parallel_loop3A_363 : vector<16xf32>
        %parallel_loop3A_365 = arith.addf %parallel_loop3A_343, %parallel_loop3A_364 : vector<16xf32>
        %parallel_loop3A_366 = arith.constant 0 : i32
        %parallel_loop3A_367 = arith.index_cast %parallel_loop3A_366 : i32 to index
        %parallel_loop3A_368 = arith.index_cast %parallel_loop3A_318 : i32 to index
        %parallel_loop3A_369 = arith.constant 32 : index
        %parallel_loop3A_370 = tpu.vector_load %arg11[%parallel_loop3A_367, %parallel_loop3A_368, %parallel_loop3A_369] {strides = array<i32>} : memref<2x80x128xf32, #tpu.memory_space<vmem>>, vector<16xf32>,
        %parallel_loop3A_371 = arith.constant 0 : i32
        %parallel_loop3A_372 = arith.index_cast %parallel_loop3A_371 : i32 to index
        %parallel_loop3A_373 = arith.index_cast %parallel_loop3A_318 : i32 to index
        %parallel_loop3A_374 = arith.constant 32 : index
        %parallel_loop3A_375 = tpu.vector_load %arg12[%parallel_loop3A_372, %parallel_loop3A_373, %parallel_loop3A_374] {strides = array<i32>} : memref<2x80x128xf32, #tpu.memory_space<vmem>>, vector<16xf32>,
        %parallel_loop3A_376 = arith.addf %parallel_loop3A_370, %parallel_loop3A_375 : vector<16xf32>
        %parallel_loop3A_377 = arith.mulf %parallel_loop3A_376, %parallel_loop3A_376 : vector<16xf32>
        %parallel_loop3A_378 = arith.addf %parallel_loop3A_356, %parallel_loop3A_377 : vector<16xf32>
        %parallel_loop3A_379 = arith.constant 0.000000e+00 : f32
        %parallel_loop3A_380 = vector.broadcast %parallel_loop3A_379 : f32 to vector<16xf32>
        %parallel_loop3A_381 = arith.maximumf %parallel_loop3A_376, %parallel_loop3A_380 : vector<16xf32>
        %parallel_loop3A_382 = arith.constant 2 : i32
        %parallel_loop3A_383 = arith.index_cast %parallel_loop3A_382 : i32 to index
        %parallel_loop3A_384 = arith.constant 0 : index
        %parallel_loop3A_385 = tpu.vector_load %arg14[%parallel_loop3A_383, %parallel_loop3A_384] {strides = array<i32>} : memref<8x16xf32, #tpu.memory_space<vmem>>, vector<16xf32>,
        %parallel_loop3A_386 = arith.mulf %parallel_loop3A_381, %parallel_loop3A_385 : vector<16xf32>
        %parallel_loop3A_387 = arith.addf %parallel_loop3A_365, %parallel_loop3A_386 : vector<16xf32>
        %parallel_loop3A_388 = arith.constant 0 : i32
        %parallel_loop3A_389 = arith.index_cast %parallel_loop3A_388 : i32 to index
        %parallel_loop3A_390 = arith.index_cast %parallel_loop3A_318 : i32 to index
        %parallel_loop3A_391 = arith.constant 48 : index
        %parallel_loop3A_392 = tpu.vector_load %arg11[%parallel_loop3A_389, %parallel_loop3A_390, %parallel_loop3A_391] {strides = array<i32>} : memref<2x80x128xf32, #tpu.memory_space<vmem>>, vector<16xf32>,
        %parallel_loop3A_393 = arith.constant 0 : i32
        %parallel_loop3A_394 = arith.index_cast %parallel_loop3A_393 : i32 to index
        %parallel_loop3A_395 = arith.index_cast %parallel_loop3A_318 : i32 to index
        %parallel_loop3A_396 = arith.constant 48 : index
        %parallel_loop3A_397 = tpu.vector_load %arg12[%parallel_loop3A_394, %parallel_loop3A_395, %parallel_loop3A_396] {strides = array<i32>} : memref<2x80x128xf32, #tpu.memory_space<vmem>>, vector<16xf32>,
        %parallel_loop3A_398 = arith.addf %parallel_loop3A_392, %parallel_loop3A_397 : vector<16xf32>
        %parallel_loop3A_399 = arith.mulf %parallel_loop3A_398, %parallel_loop3A_398 : vector<16xf32>
        %parallel_loop3A_400 = arith.addf %parallel_loop3A_378, %parallel_loop3A_399 : vector<16xf32>
        %parallel_loop3A_401 = arith.constant 0.000000e+00 : f32
        %parallel_loop3A_402 = vector.broadcast %parallel_loop3A_401 : f32 to vector<16xf32>
        %parallel_loop3A_403 = arith.maximumf %parallel_loop3A_398, %parallel_loop3A_402 : vector<16xf32>
        %parallel_loop3A_404 = arith.constant 3 : i32
        %parallel_loop3A_405 = arith.index_cast %parallel_loop3A_404 : i32 to index
        %parallel_loop3A_406 = arith.constant 0 : index
        %parallel_loop3A_407 = tpu.vector_load %arg14[%parallel_loop3A_405, %parallel_loop3A_406] {strides = array<i32>} : memref<8x16xf32, #tpu.memory_space<vmem>>, vector<16xf32>,
        %parallel_loop3A_408 = arith.mulf %parallel_loop3A_403, %parallel_loop3A_407 : vector<16xf32>
        %parallel_loop3A_409 = arith.addf %parallel_loop3A_387, %parallel_loop3A_408 : vector<16xf32>
        %parallel_loop3A_410 = arith.constant 0 : i32
        %parallel_loop3A_411 = arith.index_cast %parallel_loop3A_410 : i32 to index
        %parallel_loop3A_412 = arith.index_cast %parallel_loop3A_318 : i32 to index
        %parallel_loop3A_413 = arith.constant 64 : index
        %parallel_loop3A_414 = tpu.vector_load %arg11[%parallel_loop3A_411, %parallel_loop3A_412, %parallel_loop3A_413] {strides = array<i32>} : memref<2x80x128xf32, #tpu.memory_space<vmem>>, vector<16xf32>,
        %parallel_loop3A_415 = arith.constant 0 : i32
        %parallel_loop3A_416 = arith.index_cast %parallel_loop3A_415 : i32 to index
        %parallel_loop3A_417 = arith.index_cast %parallel_loop3A_318 : i32 to index
        %parallel_loop3A_418 = arith.constant 64 : index
        %parallel_loop3A_419 = tpu.vector_load %arg12[%parallel_loop3A_416, %parallel_loop3A_417, %parallel_loop3A_418] {strides = array<i32>} : memref<2x80x128xf32, #tpu.memory_space<vmem>>, vector<16xf32>,
        %parallel_loop3A_420 = arith.addf %parallel_loop3A_414, %parallel_loop3A_419 : vector<16xf32>
        %parallel_loop3A_421 = arith.mulf %parallel_loop3A_420, %parallel_loop3A_420 : vector<16xf32>
        %parallel_loop3A_422 = arith.addf %parallel_loop3A_400, %parallel_loop3A_421 : vector<16xf32>
        %parallel_loop3A_423 = arith.constant 0.000000e+00 : f32
        %parallel_loop3A_424 = vector.broadcast %parallel_loop3A_423 : f32 to vector<16xf32>
        %parallel_loop3A_425 = arith.maximumf %parallel_loop3A_420, %parallel_loop3A_424 : vector<16xf32>
        %parallel_loop3A_426 = arith.constant 4 : i32
        %parallel_loop3A_427 = arith.index_cast %parallel_loop3A_426 : i32 to index
        %parallel_loop3A_428 = arith.constant 0 : index
        %parallel_loop3A_429 = tpu.vector_load %arg14[%parallel_loop3A_427, %parallel_loop3A_428] {strides = array<i32>} : memref<8x16xf32, #tpu.memory_space<vmem>>, vector<16xf32>,
        %parallel_loop3A_430 = arith.mulf %parallel_loop3A_425, %parallel_loop3A_429 : vector<16xf32>
        %parallel_loop3A_431 = arith.addf %parallel_loop3A_409, %parallel_loop3A_430 : vector<16xf32>
        %parallel_loop3A_432 = arith.constant 0 : i32
        %parallel_loop3A_433 = arith.index_cast %parallel_loop3A_432 : i32 to index
        %parallel_loop3A_434 = arith.index_cast %parallel_loop3A_318 : i32 to index
        %parallel_loop3A_435 = arith.constant 80 : index
        %parallel_loop3A_436 = tpu.vector_load %arg11[%parallel_loop3A_433, %parallel_loop3A_434, %parallel_loop3A_435] {strides = array<i32>} : memref<2x80x128xf32, #tpu.memory_space<vmem>>, vector<16xf32>,
        %parallel_loop3A_437 = arith.constant 0 : i32
        %parallel_loop3A_438 = arith.index_cast %parallel_loop3A_437 : i32 to index
        %parallel_loop3A_439 = arith.index_cast %parallel_loop3A_318 : i32 to index
        %parallel_loop3A_440 = arith.constant 80 : index
        %parallel_loop3A_441 = tpu.vector_load %arg12[%parallel_loop3A_438, %parallel_loop3A_439, %parallel_loop3A_440] {strides = array<i32>} : memref<2x80x128xf32, #tpu.memory_space<vmem>>, vector<16xf32>,
        %parallel_loop3A_442 = arith.addf %parallel_loop3A_436, %parallel_loop3A_441 : vector<16xf32>
        %parallel_loop3A_443 = arith.mulf %parallel_loop3A_442, %parallel_loop3A_442 : vector<16xf32>
        %parallel_loop3A_444 = arith.addf %parallel_loop3A_422, %parallel_loop3A_443 : vector<16xf32>
        %parallel_loop3A_445 = arith.constant 0.000000e+00 : f32
        %parallel_loop3A_446 = vector.broadcast %parallel_loop3A_445 : f32 to vector<16xf32>
        %parallel_loop3A_447 = arith.maximumf %parallel_loop3A_442, %parallel_loop3A_446 : vector<16xf32>
        %parallel_loop3A_448 = arith.constant 5 : i32
        %parallel_loop3A_449 = arith.index_cast %parallel_loop3A_448 : i32 to index
        %parallel_loop3A_450 = arith.constant 0 : index
        %parallel_loop3A_451 = tpu.vector_load %arg14[%parallel_loop3A_449, %parallel_loop3A_450] {strides = array<i32>} : memref<8x16xf32, #tpu.memory_space<vmem>>, vector<16xf32>,
        %parallel_loop3A_452 = arith.mulf %parallel_loop3A_447, %parallel_loop3A_451 : vector<16xf32>
        %parallel_loop3A_453 = arith.addf %parallel_loop3A_431, %parallel_loop3A_452 : vector<16xf32>
        %parallel_loop3A_454 = arith.constant 0 : i32
        %parallel_loop3A_455 = arith.index_cast %parallel_loop3A_454 : i32 to index
        %parallel_loop3A_456 = arith.index_cast %parallel_loop3A_318 : i32 to index
        %parallel_loop3A_457 = arith.constant 96 : index
        %parallel_loop3A_458 = tpu.vector_load %arg11[%parallel_loop3A_455, %parallel_loop3A_456, %parallel_loop3A_457] {strides = array<i32>} : memref<2x80x128xf32, #tpu.memory_space<vmem>>, vector<16xf32>,
        %parallel_loop3A_459 = arith.constant 0 : i32
        %parallel_loop3A_460 = arith.index_cast %parallel_loop3A_459 : i32 to index
        %parallel_loop3A_461 = arith.index_cast %parallel_loop3A_318 : i32 to index
        %parallel_loop3A_462 = arith.constant 96 : index
        %parallel_loop3A_463 = tpu.vector_load %arg12[%parallel_loop3A_460, %parallel_loop3A_461, %parallel_loop3A_462] {strides = array<i32>} : memref<2x80x128xf32, #tpu.memory_space<vmem>>, vector<16xf32>,
        %parallel_loop3A_464 = arith.addf %parallel_loop3A_458, %parallel_loop3A_463 : vector<16xf32>
        %parallel_loop3A_465 = arith.mulf %parallel_loop3A_464, %parallel_loop3A_464 : vector<16xf32>
        %parallel_loop3A_466 = arith.addf %parallel_loop3A_444, %parallel_loop3A_465 : vector<16xf32>
        %parallel_loop3A_467 = arith.constant 0.000000e+00 : f32
        %parallel_loop3A_468 = vector.broadcast %parallel_loop3A_467 : f32 to vector<16xf32>
        %parallel_loop3A_469 = arith.maximumf %parallel_loop3A_464, %parallel_loop3A_468 : vector<16xf32>
        %parallel_loop3A_470 = arith.constant 6 : i32
        %parallel_loop3A_471 = arith.index_cast %parallel_loop3A_470 : i32 to index
        %parallel_loop3A_472 = arith.constant 0 : index
        %parallel_loop3A_473 = tpu.vector_load %arg14[%parallel_loop3A_471, %parallel_loop3A_472] {strides = array<i32>} : memref<8x16xf32, #tpu.memory_space<vmem>>, vector<16xf32>,
        %parallel_loop3A_474 = arith.mulf %parallel_loop3A_469, %parallel_loop3A_473 : vector<16xf32>
        %parallel_loop3A_475 = arith.addf %parallel_loop3A_453, %parallel_loop3A_474 : vector<16xf32>
        %parallel_loop3A_476 = arith.constant 0 : i32
        %parallel_loop3A_477 = arith.index_cast %parallel_loop3A_476 : i32 to index
        %parallel_loop3A_478 = arith.index_cast %parallel_loop3A_318 : i32 to index
        %parallel_loop3A_479 = arith.constant 112 : index
        %parallel_loop3A_480 = tpu.vector_load %arg11[%parallel_loop3A_477, %parallel_loop3A_478, %parallel_loop3A_479] {strides = array<i32>} : memref<2x80x128xf32, #tpu.memory_space<vmem>>, vector<16xf32>,
        %parallel_loop3A_481 = arith.constant 0 : i32
        %parallel_loop3A_482 = arith.index_cast %parallel_loop3A_481 : i32 to index
        %parallel_loop3A_483 = arith.index_cast %parallel_loop3A_318 : i32 to index
        %parallel_loop3A_484 = arith.constant 112 : index
        %parallel_loop3A_485 = tpu.vector_load %arg12[%parallel_loop3A_482, %parallel_loop3A_483, %parallel_loop3A_484] {strides = array<i32>} : memref<2x80x128xf32, #tpu.memory_space<vmem>>, vector<16xf32>,
        %parallel_loop3A_486 = arith.addf %parallel_loop3A_480, %parallel_loop3A_485 : vector<16xf32>
        %parallel_loop3A_487 = arith.mulf %parallel_loop3A_486, %parallel_loop3A_486 : vector<16xf32>
        %parallel_loop3A_488 = arith.addf %parallel_loop3A_466, %parallel_loop3A_487 : vector<16xf32>
        %parallel_loop3A_489 = arith.constant 0.000000e+00 : f32
        %parallel_loop3A_490 = vector.broadcast %parallel_loop3A_489 : f32 to vector<16xf32>
        %parallel_loop3A_491 = arith.maximumf %parallel_loop3A_486, %parallel_loop3A_490 : vector<16xf32>
        %parallel_loop3A_492 = arith.constant 7 : i32
        %parallel_loop3A_493 = arith.index_cast %parallel_loop3A_492 : i32 to index
        %parallel_loop3A_494 = arith.constant 0 : index
        %parallel_loop3A_495 = tpu.vector_load %arg14[%parallel_loop3A_493, %parallel_loop3A_494] {strides = array<i32>} : memref<8x16xf32, #tpu.memory_space<vmem>>, vector<16xf32>,
        %parallel_loop3A_496 = arith.mulf %parallel_loop3A_491, %parallel_loop3A_495 : vector<16xf32>
        %parallel_loop3A_497 = arith.addf %parallel_loop3A_475, %parallel_loop3A_496 : vector<16xf32>
        %parallel_loop3A_498 = arith.constant 0 : i32
        %parallel_loop3A_499 = arith.index_cast %parallel_loop3A_498 : i32 to index
        %parallel_loop3A_500 = arith.index_cast %parallel_loop3A_318 : i32 to index
        %parallel_loop3A_501 = arith.constant 0 : index
        %parallel_loop3A_502 = tpu.vector_load %arg13[%parallel_loop3A_499, %parallel_loop3A_500, %parallel_loop3A_501] {strides = array<i32>} : memref<2x80x16xf32, #tpu.memory_space<vmem>>, vector<16xf32>,
        tpu.vector_store %arg13[%parallel_loop3A_499, %parallel_loop3A_500, %parallel_loop3A_501], %parallel_loop3A_497 {strides = array<i32>} : memref<2x80x16xf32, #tpu.memory_space<vmem>>, vector<16xf32>,
        scf.yield %parallel_loop3A_488 : vector<16xf32>
      } {sc.loop_unroll_factor = 2 : i64, sc.parallel_access}
      %mul3A_227 = arith.constant 80 : i32
      %mul3A_228 = arith.muli %add3A_174, %mul3A_227 : i32
      %add3A_229 = arith.addi %mul3A_2, %mul3A_228 : i32
      %dma_start3A_230 = arith.constant 0 : i32
      %dma_start3A_231 = arith.constant 0 : i32
      %dma_start3A_232 = arith.constant 0 : i32
      %dma_start3A_233 = tpu.memref_slice %arg13[%dma_start3A_230, %dma_start3A_231, %dma_start3A_232] : memref<2x80x16xf32, #tpu.memory_space<vmem>> -> memref<1x80x16xf32, #tpu.memory_space<vmem>>
      %dma_start3A_234 = tpu.memref_squeeze %dma_start3A_233 : memref<1x80x16xf32, #tpu.memory_space<vmem>> -> memref<80x16xf32, #tpu.memory_space<vmem>>
      %dma_start3A_235 = arith.constant 0 : i32
      %dma_start3A_236 = tpu.memref_slice %arg7[%add3A_229, %dma_start3A_235] : memref<320000x16xf32, #tpu.memory_space<hbm>> -> memref<80x16xf32, #tpu.memory_space<hbm>>
      %dma_start3A_237 = arith.constant 0 : i32
      %dma_start3A_238 = tpu.memref_slice %arg7[%add3A_229, %dma_start3A_237] : memref<320000x16xf32, #tpu.memory_space<hbm>> -> memref<80x16xf32, #tpu.memory_space<hbm>>
      %dma_start3A_239 = arith.constant 0 : i32
      %dma_start3A_240 = arith.constant 0 : i32
      %dma_start3A_241 = tpu.memref_slice %arg13[%dma_start3A_230, %dma_start3A_239, %dma_start3A_240] : memref<2x80x16xf32, #tpu.memory_space<vmem>> -> memref<1x80x16xf32, #tpu.memory_space<vmem>>
      %dma_start3A_242 = tpu.memref_squeeze %dma_start3A_241 : memref<1x80x16xf32, #tpu.memory_space<vmem>> -> memref<80x16xf32, #tpu.memory_space<vmem>>
      tpu.enqueue_dma source(%dma_start3A_242 : memref<80x16xf32, #tpu.memory_space<vmem>>) target(%dma_start3A_238 : memref<80x16xf32, #tpu.memory_space<hbm>>) target_semaphore(%arg18 : memref<!tpu.dma_semaphore, #tpu.memory_space<semaphore_mem>>)
      %mul3A_243 = arith.constant 2 : i32
      %mul3A_244 = arith.muli %scan3A_169, %mul3A_243 : i32
      %add3A_245 = arith.constant 1 : i32
      %add3A_246 = arith.addi %mul3A_244, %add3A_245 : i32
      %dma_wait3A_247 = arith.constant 1 : i32
      %dma_wait3A_248 = arith.constant 0 : i32
      %dma_wait3A_249 = arith.constant 0 : i32
      %dma_wait3A_250 = tpu.memref_slice %arg11[%dma_wait3A_247, %dma_wait3A_248, %dma_wait3A_249] : memref<2x80x128xf32, #tpu.memory_space<vmem>> -> memref<1x80x128xf32, #tpu.memory_space<vmem>>
      %dma_wait3A_251 = tpu.memref_squeeze %dma_wait3A_250 : memref<1x80x128xf32, #tpu.memory_space<vmem>> -> memref<80x128xf32, #tpu.memory_space<vmem>>
      %dma_wait3A_252 = arith.constant 0 : i32
      %dma_wait3A_253 = tpu.memref_slice %arg9[%add3A_246, %dma_wait3A_252] : memref<125x80xi32, #tpu.memory_space<vmem>> -> memref<1x80xi32, #tpu.memory_space<vmem>>
      %dma_wait3A_254 = tpu.memref_squeeze %dma_wait3A_253 : memref<1x80xi32, #tpu.memory_space<vmem>> -> memref<80xi32, #tpu.memory_space<vmem>>
      %dma_wait3A_255 = arith.constant 0 : i32
      %dma_wait3A_256 = arith.constant 0 : i32
      %dma_wait3A_257 = tpu.memref_slice %arg2[%dma_wait3A_255, %dma_wait3A_256] : memref<10240x128xf32, #tpu.memory_space<hbm>> -> memref<10240x128xf32, #tpu.memory_space<hbm>>
      tpu.wait_indirect_dma semaphore(%arg17 : memref<!tpu.dma_semaphore, #tpu.memory_space<semaphore_mem>>) src(%dma_wait3A_257 : memref<10240x128xf32, #tpu.memory_space<hbm>>) dst(%dma_wait3A_251 : memref<80x128xf32, #tpu.memory_space<vmem>>)
      %dma_wait3A_258 = arith.constant 1 : i32
      %dma_wait3A_259 = arith.constant 0 : i32
      %dma_wait3A_260 = arith.constant 0 : i32
      %dma_wait3A_261 = tpu.memref_slice %arg12[%dma_wait3A_258, %dma_wait3A_259, %dma_wait3A_260] : memref<2x80x128xf32, #tpu.memory_space<vmem>> -> memref<1x80x128xf32, #tpu.memory_space<vmem>>
      %dma_wait3A_262 = tpu.memref_squeeze %dma_wait3A_261 : memref<1x80x128xf32, #tpu.memory_space<vmem>> -> memref<80x128xf32, #tpu.memory_space<vmem>>
      %dma_wait3A_263 = arith.constant 0 : i32
      %dma_wait3A_264 = tpu.memref_slice %arg10[%add3A_246, %dma_wait3A_263] : memref<125x80xi32, #tpu.memory_space<vmem>> -> memref<1x80xi32, #tpu.memory_space<vmem>>
      %dma_wait3A_265 = tpu.memref_squeeze %dma_wait3A_264 : memref<1x80xi32, #tpu.memory_space<vmem>> -> memref<80xi32, #tpu.memory_space<vmem>>
      %dma_wait3A_266 = arith.constant 0 : i32
      %dma_wait3A_267 = arith.constant 0 : i32
      %dma_wait3A_268 = tpu.memref_slice %arg3[%dma_wait3A_266, %dma_wait3A_267] : memref<10240x128xf32, #tpu.memory_space<hbm>> -> memref<10240x128xf32, #tpu.memory_space<hbm>>
      tpu.wait_indirect_dma semaphore(%arg17 : memref<!tpu.dma_semaphore, #tpu.memory_space<semaphore_mem>>) src(%dma_wait3A_268 : memref<10240x128xf32, #tpu.memory_space<hbm>>) dst(%dma_wait3A_262 : memref<80x128xf32, #tpu.memory_space<vmem>>)
      %add3A_269 = arith.constant 1 : i32
      %add3A_270 = arith.addi %add3A_246, %add3A_269 : i32
      %dma_start3A_271 = arith.constant 0 : i32
      %dma_start3A_272 = arith.constant 0 : i32
      %dma_start3A_273 = arith.constant 0 : i32
      %dma_start3A_274 = tpu.memref_slice %arg11[%dma_start3A_271, %dma_start3A_272, %dma_start3A_273] : memref<2x80x128xf32, #tpu.memory_space<vmem>> -> memref<1x80x128xf32, #tpu.memory_space<vmem>>
      %dma_start3A_275 = tpu.memref_squeeze %dma_start3A_274 : memref<1x80x128xf32, #tpu.memory_space<vmem>> -> memref<80x128xf32, #tpu.memory_space<vmem>>
      %dma_start3A_276 = arith.constant 0 : i32
      %dma_start3A_277 = tpu.memref_slice %arg9[%add3A_270, %dma_start3A_276] : memref<125x80xi32, #tpu.memory_space<vmem>> -> memref<1x80xi32, #tpu.memory_space<vmem>>
      %dma_start3A_278 = tpu.memref_squeeze %dma_start3A_277 : memref<1x80xi32, #tpu.memory_space<vmem>> -> memref<80xi32, #tpu.memory_space<vmem>>
      %dma_start3A_279 = arith.constant 0 : i32
      %dma_start3A_280 = arith.constant 0 : i32
      %dma_start3A_281 = tpu.memref_slice %arg2[%dma_start3A_279, %dma_start3A_280] : memref<10240x128xf32, #tpu.memory_space<hbm>> -> memref<10240x128xf32, #tpu.memory_space<hbm>>
      tpu.enqueue_indirect_dma source(%dma_start3A_281 : memref<10240x128xf32, #tpu.memory_space<hbm>>) target(%dma_start3A_275 : memref<80x128xf32, #tpu.memory_space<vmem>>) offsets(%dma_start3A_278 : memref<80xi32, #tpu.memory_space<vmem>>) semaphore(%arg16 : memref<!tpu.dma_semaphore, #tpu.memory_space<semaphore_mem>>)
      %dma_start3A_282 = arith.constant 0 : i32
      %dma_start3A_283 = arith.constant 0 : i32
      %dma_start3A_284 = arith.constant 0 : i32
      %dma_start3A_285 = tpu.memref_slice %arg12[%dma_start3A_282, %dma_start3A_283, %dma_start3A_284] : memref<2x80x128xf32, #tpu.memory_space<vmem>> -> memref<1x80x128xf32, #tpu.memory_space<vmem>>
      %dma_start3A_286 = tpu.memref_squeeze %dma_start3A_285 : memref<1x80x128xf32, #tpu.memory_space<vmem>> -> memref<80x128xf32, #tpu.memory_space<vmem>>
      %dma_start3A_287 = arith.constant 0 : i32
      %dma_start3A_288 = tpu.memref_slice %arg10[%add3A_270, %dma_start3A_287] : memref<125x80xi32, #tpu.memory_space<vmem>> -> memref<1x80xi32, #tpu.memory_space<vmem>>
      %dma_start3A_289 = tpu.memref_squeeze %dma_start3A_288 : memref<1x80xi32, #tpu.memory_space<vmem>> -> memref<80xi32, #tpu.memory_space<vmem>>
      %dma_start3A_290 = arith.constant 0 : i32
      %dma_start3A_291 = arith.constant 0 : i32
      %dma_start3A_292 = tpu.memref_slice %arg3[%dma_start3A_290, %dma_start3A_291] : memref<10240x128xf32, #tpu.memory_space<hbm>> -> memref<10240x128xf32, #tpu.memory_space<hbm>>
      tpu.enqueue_indirect_dma source(%dma_start3A_292 : memref<10240x128xf32, #tpu.memory_space<hbm>>) target(%dma_start3A_286 : memref<80x128xf32, #tpu.memory_space<vmem>>) offsets(%dma_start3A_289 : memref<80xi32, #tpu.memory_space<vmem>>) semaphore(%arg16 : memref<!tpu.dma_semaphore, #tpu.memory_space<semaphore_mem>>)
      %ge3A_293 = arith.constant 1 : i32
      %ge3A_294 = arith.cmpi sge, %scan3A_169, %ge3A_293 : i32
      %convert_element_type3A_295 = arith.extui %ge3A_294 : i1 to i32
      %cond3A_296 = arith.constant 0 : i32
      %cond3A_297 = arith.cmpi ne, %convert_element_type3A_295, %cond3A_296 : i32
      scf.if %cond3A_297 {
        %sub3A = arith.constant 2 : i32
        %sub3A_318 = arith.subi %add3A_246, %sub3A : i32
        %mul3A_319 = arith.constant 80 : i32
        %mul3A_320 = arith.muli %sub3A_318, %mul3A_319 : i32
        %add3A_321 = arith.addi %mul3A_2, %mul3A_320 : i32
        %dma_wait3A_322 = arith.constant 1 : i32
        %dma_wait3A_323 = arith.constant 0 : i32
        %dma_wait3A_324 = arith.constant 0 : i32
        %dma_wait3A_325 = tpu.memref_slice %arg13[%dma_wait3A_322, %dma_wait3A_323, %dma_wait3A_324] : memref<2x80x16xf32, #tpu.memory_space<vmem>> -> memref<1x80x16xf32, #tpu.memory_space<vmem>>
        %dma_wait3A_326 = tpu.memref_squeeze %dma_wait3A_325 : memref<1x80x16xf32, #tpu.memory_space<vmem>> -> memref<80x16xf32, #tpu.memory_space<vmem>>
        %dma_wait3A_327 = arith.constant 0 : i32
        %dma_wait3A_328 = tpu.memref_slice %arg7[%add3A_321, %dma_wait3A_327] : memref<320000x16xf32, #tpu.memory_space<hbm>> -> memref<80x16xf32, #tpu.memory_space<hbm>>
        %dma_wait3A_329 = arith.constant 0 : i32
        %dma_wait3A_330 = tpu.memref_slice %arg7[%add3A_321, %dma_wait3A_329] : memref<320000x16xf32, #tpu.memory_space<hbm>> -> memref<80x16xf32, #tpu.memory_space<hbm>>
        %dma_wait3A_331 = arith.constant 0 : i32
        %dma_wait3A_332 = arith.constant 0 : i32
        %dma_wait3A_333 = tpu.memref_slice %arg13[%dma_wait3A_322, %dma_wait3A_331, %dma_wait3A_332] : memref<2x80x16xf32, #tpu.memory_space<vmem>> -> memref<1x80x16xf32, #tpu.memory_space<vmem>>
        %dma_wait3A_334 = tpu.memref_squeeze %dma_wait3A_333 : memref<1x80x16xf32, #tpu.memory_space<vmem>> -> memref<80x16xf32, #tpu.memory_space<vmem>>
        tpu.wait_dma2 semaphore(%arg19 : memref<!tpu.dma_semaphore, #tpu.memory_space<semaphore_mem>>) src(%dma_wait3A_334 : memref<80x16xf32, #tpu.memory_space<vmem>>) dst(%dma_wait3A_330 : memref<80x16xf32, #tpu.memory_space<hbm>>)
      } else {
      }
      %parallel_loop3A_298 = arith.constant 0 : i32
      %parallel_loop3A_299 = arith.constant 80 : i32
      %parallel_loop3A_300 = arith.constant 1 : i32
      %parallel_loop3A_301 = scf.for %parallel_loop3A_318 = %parallel_loop3A_298 to %parallel_loop3A_299 step %parallel_loop3A_300 iter_args(%parallel_loop3A_319 = %parallel_loop3A_226) -> (vector<16xf32>)  : i32 {
        %parallel_loop3A_320 = arith.constant 0.000000e+00 : f32
        %parallel_loop3A_321 = vector.broadcast %parallel_loop3A_320 : f32 to vector<16xf32>
        %parallel_loop3A_322 = arith.constant 1 : i32
        %parallel_loop3A_323 = arith.index_cast %parallel_loop3A_322 : i32 to index
        %parallel_loop3A_324 = arith.index_cast %parallel_loop3A_318 : i32 to index
        %parallel_loop3A_325 = arith.constant 0 : index
        %parallel_loop3A_326 = tpu.vector_load %arg11[%parallel_loop3A_323, %parallel_loop3A_324, %parallel_loop3A_325] {strides = array<i32>} : memref<2x80x128xf32, #tpu.memory_space<vmem>>, vector<16xf32>,
        %parallel_loop3A_327 = arith.constant 1 : i32
        %parallel_loop3A_328 = arith.index_cast %parallel_loop3A_327 : i32 to index
        %parallel_loop3A_329 = arith.index_cast %parallel_loop3A_318 : i32 to index
        %parallel_loop3A_330 = arith.constant 0 : index
        %parallel_loop3A_331 = tpu.vector_load %arg12[%parallel_loop3A_328, %parallel_loop3A_329, %parallel_loop3A_330] {strides = array<i32>} : memref<2x80x128xf32, #tpu.memory_space<vmem>>, vector<16xf32>,
        %parallel_loop3A_332 = arith.addf %parallel_loop3A_326, %parallel_loop3A_331 : vector<16xf32>
        %parallel_loop3A_333 = arith.mulf %parallel_loop3A_332, %parallel_loop3A_332 : vector<16xf32>
        %parallel_loop3A_334 = arith.addf %parallel_loop3A_319, %parallel_loop3A_333 : vector<16xf32>
        %parallel_loop3A_335 = arith.constant 0.000000e+00 : f32
        %parallel_loop3A_336 = vector.broadcast %parallel_loop3A_335 : f32 to vector<16xf32>
        %parallel_loop3A_337 = arith.maximumf %parallel_loop3A_332, %parallel_loop3A_336 : vector<16xf32>
        %parallel_loop3A_338 = arith.constant 0 : i32
        %parallel_loop3A_339 = arith.index_cast %parallel_loop3A_338 : i32 to index
        %parallel_loop3A_340 = arith.constant 0 : index
        %parallel_loop3A_341 = tpu.vector_load %arg14[%parallel_loop3A_339, %parallel_loop3A_340] {strides = array<i32>} : memref<8x16xf32, #tpu.memory_space<vmem>>, vector<16xf32>,
        %parallel_loop3A_342 = arith.mulf %parallel_loop3A_337, %parallel_loop3A_341 : vector<16xf32>
        %parallel_loop3A_343 = arith.addf %parallel_loop3A_321, %parallel_loop3A_342 : vector<16xf32>
        %parallel_loop3A_344 = arith.constant 1 : i32
        %parallel_loop3A_345 = arith.index_cast %parallel_loop3A_344 : i32 to index
        %parallel_loop3A_346 = arith.index_cast %parallel_loop3A_318 : i32 to index
        %parallel_loop3A_347 = arith.constant 16 : index
        %parallel_loop3A_348 = tpu.vector_load %arg11[%parallel_loop3A_345, %parallel_loop3A_346, %parallel_loop3A_347] {strides = array<i32>} : memref<2x80x128xf32, #tpu.memory_space<vmem>>, vector<16xf32>,
        %parallel_loop3A_349 = arith.constant 1 : i32
        %parallel_loop3A_350 = arith.index_cast %parallel_loop3A_349 : i32 to index
        %parallel_loop3A_351 = arith.index_cast %parallel_loop3A_318 : i32 to index
        %parallel_loop3A_352 = arith.constant 16 : index
        %parallel_loop3A_353 = tpu.vector_load %arg12[%parallel_loop3A_350, %parallel_loop3A_351, %parallel_loop3A_352] {strides = array<i32>} : memref<2x80x128xf32, #tpu.memory_space<vmem>>, vector<16xf32>,
        %parallel_loop3A_354 = arith.addf %parallel_loop3A_348, %parallel_loop3A_353 : vector<16xf32>
        %parallel_loop3A_355 = arith.mulf %parallel_loop3A_354, %parallel_loop3A_354 : vector<16xf32>
        %parallel_loop3A_356 = arith.addf %parallel_loop3A_334, %parallel_loop3A_355 : vector<16xf32>
        %parallel_loop3A_357 = arith.constant 0.000000e+00 : f32
        %parallel_loop3A_358 = vector.broadcast %parallel_loop3A_357 : f32 to vector<16xf32>
        %parallel_loop3A_359 = arith.maximumf %parallel_loop3A_354, %parallel_loop3A_358 : vector<16xf32>
        %parallel_loop3A_360 = arith.constant 1 : i32
        %parallel_loop3A_361 = arith.index_cast %parallel_loop3A_360 : i32 to index
        %parallel_loop3A_362 = arith.constant 0 : index
        %parallel_loop3A_363 = tpu.vector_load %arg14[%parallel_loop3A_361, %parallel_loop3A_362] {strides = array<i32>} : memref<8x16xf32, #tpu.memory_space<vmem>>, vector<16xf32>,
        %parallel_loop3A_364 = arith.mulf %parallel_loop3A_359, %parallel_loop3A_363 : vector<16xf32>
        %parallel_loop3A_365 = arith.addf %parallel_loop3A_343, %parallel_loop3A_364 : vector<16xf32>
        %parallel_loop3A_366 = arith.constant 1 : i32
        %parallel_loop3A_367 = arith.index_cast %parallel_loop3A_366 : i32 to index
        %parallel_loop3A_368 = arith.index_cast %parallel_loop3A_318 : i32 to index
        %parallel_loop3A_369 = arith.constant 32 : index
        %parallel_loop3A_370 = tpu.vector_load %arg11[%parallel_loop3A_367, %parallel_loop3A_368, %parallel_loop3A_369] {strides = array<i32>} : memref<2x80x128xf32, #tpu.memory_space<vmem>>, vector<16xf32>,
        %parallel_loop3A_371 = arith.constant 1 : i32
        %parallel_loop3A_372 = arith.index_cast %parallel_loop3A_371 : i32 to index
        %parallel_loop3A_373 = arith.index_cast %parallel_loop3A_318 : i32 to index
        %parallel_loop3A_374 = arith.constant 32 : index
        %parallel_loop3A_375 = tpu.vector_load %arg12[%parallel_loop3A_372, %parallel_loop3A_373, %parallel_loop3A_374] {strides = array<i32>} : memref<2x80x128xf32, #tpu.memory_space<vmem>>, vector<16xf32>,
        %parallel_loop3A_376 = arith.addf %parallel_loop3A_370, %parallel_loop3A_375 : vector<16xf32>
        %parallel_loop3A_377 = arith.mulf %parallel_loop3A_376, %parallel_loop3A_376 : vector<16xf32>
        %parallel_loop3A_378 = arith.addf %parallel_loop3A_356, %parallel_loop3A_377 : vector<16xf32>
        %parallel_loop3A_379 = arith.constant 0.000000e+00 : f32
        %parallel_loop3A_380 = vector.broadcast %parallel_loop3A_379 : f32 to vector<16xf32>
        %parallel_loop3A_381 = arith.maximumf %parallel_loop3A_376, %parallel_loop3A_380 : vector<16xf32>
        %parallel_loop3A_382 = arith.constant 2 : i32
        %parallel_loop3A_383 = arith.index_cast %parallel_loop3A_382 : i32 to index
        %parallel_loop3A_384 = arith.constant 0 : index
        %parallel_loop3A_385 = tpu.vector_load %arg14[%parallel_loop3A_383, %parallel_loop3A_384] {strides = array<i32>} : memref<8x16xf32, #tpu.memory_space<vmem>>, vector<16xf32>,
        %parallel_loop3A_386 = arith.mulf %parallel_loop3A_381, %parallel_loop3A_385 : vector<16xf32>
        %parallel_loop3A_387 = arith.addf %parallel_loop3A_365, %parallel_loop3A_386 : vector<16xf32>
        %parallel_loop3A_388 = arith.constant 1 : i32
        %parallel_loop3A_389 = arith.index_cast %parallel_loop3A_388 : i32 to index
        %parallel_loop3A_390 = arith.index_cast %parallel_loop3A_318 : i32 to index
        %parallel_loop3A_391 = arith.constant 48 : index
        %parallel_loop3A_392 = tpu.vector_load %arg11[%parallel_loop3A_389, %parallel_loop3A_390, %parallel_loop3A_391] {strides = array<i32>} : memref<2x80x128xf32, #tpu.memory_space<vmem>>, vector<16xf32>,
        %parallel_loop3A_393 = arith.constant 1 : i32
        %parallel_loop3A_394 = arith.index_cast %parallel_loop3A_393 : i32 to index
        %parallel_loop3A_395 = arith.index_cast %parallel_loop3A_318 : i32 to index
        %parallel_loop3A_396 = arith.constant 48 : index
        %parallel_loop3A_397 = tpu.vector_load %arg12[%parallel_loop3A_394, %parallel_loop3A_395, %parallel_loop3A_396] {strides = array<i32>} : memref<2x80x128xf32, #tpu.memory_space<vmem>>, vector<16xf32>,
        %parallel_loop3A_398 = arith.addf %parallel_loop3A_392, %parallel_loop3A_397 : vector<16xf32>
        %parallel_loop3A_399 = arith.mulf %parallel_loop3A_398, %parallel_loop3A_398 : vector<16xf32>
        %parallel_loop3A_400 = arith.addf %parallel_loop3A_378, %parallel_loop3A_399 : vector<16xf32>
        %parallel_loop3A_401 = arith.constant 0.000000e+00 : f32
        %parallel_loop3A_402 = vector.broadcast %parallel_loop3A_401 : f32 to vector<16xf32>
        %parallel_loop3A_403 = arith.maximumf %parallel_loop3A_398, %parallel_loop3A_402 : vector<16xf32>
        %parallel_loop3A_404 = arith.constant 3 : i32
        %parallel_loop3A_405 = arith.index_cast %parallel_loop3A_404 : i32 to index
        %parallel_loop3A_406 = arith.constant 0 : index
        %parallel_loop3A_407 = tpu.vector_load %arg14[%parallel_loop3A_405, %parallel_loop3A_406] {strides = array<i32>} : memref<8x16xf32, #tpu.memory_space<vmem>>, vector<16xf32>,
        %parallel_loop3A_408 = arith.mulf %parallel_loop3A_403, %parallel_loop3A_407 : vector<16xf32>
        %parallel_loop3A_409 = arith.addf %parallel_loop3A_387, %parallel_loop3A_408 : vector<16xf32>
        %parallel_loop3A_410 = arith.constant 1 : i32
        %parallel_loop3A_411 = arith.index_cast %parallel_loop3A_410 : i32 to index
        %parallel_loop3A_412 = arith.index_cast %parallel_loop3A_318 : i32 to index
        %parallel_loop3A_413 = arith.constant 64 : index
        %parallel_loop3A_414 = tpu.vector_load %arg11[%parallel_loop3A_411, %parallel_loop3A_412, %parallel_loop3A_413] {strides = array<i32>} : memref<2x80x128xf32, #tpu.memory_space<vmem>>, vector<16xf32>,
        %parallel_loop3A_415 = arith.constant 1 : i32
        %parallel_loop3A_416 = arith.index_cast %parallel_loop3A_415 : i32 to index
        %parallel_loop3A_417 = arith.index_cast %parallel_loop3A_318 : i32 to index
        %parallel_loop3A_418 = arith.constant 64 : index
        %parallel_loop3A_419 = tpu.vector_load %arg12[%parallel_loop3A_416, %parallel_loop3A_417, %parallel_loop3A_418] {strides = array<i32>} : memref<2x80x128xf32, #tpu.memory_space<vmem>>, vector<16xf32>,
        %parallel_loop3A_420 = arith.addf %parallel_loop3A_414, %parallel_loop3A_419 : vector<16xf32>
        %parallel_loop3A_421 = arith.mulf %parallel_loop3A_420, %parallel_loop3A_420 : vector<16xf32>
        %parallel_loop3A_422 = arith.addf %parallel_loop3A_400, %parallel_loop3A_421 : vector<16xf32>
        %parallel_loop3A_423 = arith.constant 0.000000e+00 : f32
        %parallel_loop3A_424 = vector.broadcast %parallel_loop3A_423 : f32 to vector<16xf32>
        %parallel_loop3A_425 = arith.maximumf %parallel_loop3A_420, %parallel_loop3A_424 : vector<16xf32>
        %parallel_loop3A_426 = arith.constant 4 : i32
        %parallel_loop3A_427 = arith.index_cast %parallel_loop3A_426 : i32 to index
        %parallel_loop3A_428 = arith.constant 0 : index
        %parallel_loop3A_429 = tpu.vector_load %arg14[%parallel_loop3A_427, %parallel_loop3A_428] {strides = array<i32>} : memref<8x16xf32, #tpu.memory_space<vmem>>, vector<16xf32>,
        %parallel_loop3A_430 = arith.mulf %parallel_loop3A_425, %parallel_loop3A_429 : vector<16xf32>
        %parallel_loop3A_431 = arith.addf %parallel_loop3A_409, %parallel_loop3A_430 : vector<16xf32>
        %parallel_loop3A_432 = arith.constant 1 : i32
        %parallel_loop3A_433 = arith.index_cast %parallel_loop3A_432 : i32 to index
        %parallel_loop3A_434 = arith.index_cast %parallel_loop3A_318 : i32 to index
        %parallel_loop3A_435 = arith.constant 80 : index
        %parallel_loop3A_436 = tpu.vector_load %arg11[%parallel_loop3A_433, %parallel_loop3A_434, %parallel_loop3A_435] {strides = array<i32>} : memref<2x80x128xf32, #tpu.memory_space<vmem>>, vector<16xf32>,
        %parallel_loop3A_437 = arith.constant 1 : i32
        %parallel_loop3A_438 = arith.index_cast %parallel_loop3A_437 : i32 to index
        %parallel_loop3A_439 = arith.index_cast %parallel_loop3A_318 : i32 to index
        %parallel_loop3A_440 = arith.constant 80 : index
        %parallel_loop3A_441 = tpu.vector_load %arg12[%parallel_loop3A_438, %parallel_loop3A_439, %parallel_loop3A_440] {strides = array<i32>} : memref<2x80x128xf32, #tpu.memory_space<vmem>>, vector<16xf32>,
        %parallel_loop3A_442 = arith.addf %parallel_loop3A_436, %parallel_loop3A_441 : vector<16xf32>
        %parallel_loop3A_443 = arith.mulf %parallel_loop3A_442, %parallel_loop3A_442 : vector<16xf32>
        %parallel_loop3A_444 = arith.addf %parallel_loop3A_422, %parallel_loop3A_443 : vector<16xf32>
        %parallel_loop3A_445 = arith.constant 0.000000e+00 : f32
        %parallel_loop3A_446 = vector.broadcast %parallel_loop3A_445 : f32 to vector<16xf32>
        %parallel_loop3A_447 = arith.maximumf %parallel_loop3A_442, %parallel_loop3A_446 : vector<16xf32>
        %parallel_loop3A_448 = arith.constant 5 : i32
        %parallel_loop3A_449 = arith.index_cast %parallel_loop3A_448 : i32 to index
        %parallel_loop3A_450 = arith.constant 0 : index
        %parallel_loop3A_451 = tpu.vector_load %arg14[%parallel_loop3A_449, %parallel_loop3A_450] {strides = array<i32>} : memref<8x16xf32, #tpu.memory_space<vmem>>, vector<16xf32>,
        %parallel_loop3A_452 = arith.mulf %parallel_loop3A_447, %parallel_loop3A_451 : vector<16xf32>
        %parallel_loop3A_453 = arith.addf %parallel_loop3A_431, %parallel_loop3A_452 : vector<16xf32>
        %parallel_loop3A_454 = arith.constant 1 : i32
        %parallel_loop3A_455 = arith.index_cast %parallel_loop3A_454 : i32 to index
        %parallel_loop3A_456 = arith.index_cast %parallel_loop3A_318 : i32 to index
        %parallel_loop3A_457 = arith.constant 96 : index
        %parallel_loop3A_458 = tpu.vector_load %arg11[%parallel_loop3A_455, %parallel_loop3A_456, %parallel_loop3A_457] {strides = array<i32>} : memref<2x80x128xf32, #tpu.memory_space<vmem>>, vector<16xf32>,
        %parallel_loop3A_459 = arith.constant 1 : i32
        %parallel_loop3A_460 = arith.index_cast %parallel_loop3A_459 : i32 to index
        %parallel_loop3A_461 = arith.index_cast %parallel_loop3A_318 : i32 to index
        %parallel_loop3A_462 = arith.constant 96 : index
        %parallel_loop3A_463 = tpu.vector_load %arg12[%parallel_loop3A_460, %parallel_loop3A_461, %parallel_loop3A_462] {strides = array<i32>} : memref<2x80x128xf32, #tpu.memory_space<vmem>>, vector<16xf32>,
        %parallel_loop3A_464 = arith.addf %parallel_loop3A_458, %parallel_loop3A_463 : vector<16xf32>
        %parallel_loop3A_465 = arith.mulf %parallel_loop3A_464, %parallel_loop3A_464 : vector<16xf32>
        %parallel_loop3A_466 = arith.addf %parallel_loop3A_444, %parallel_loop3A_465 : vector<16xf32>
        %parallel_loop3A_467 = arith.constant 0.000000e+00 : f32
        %parallel_loop3A_468 = vector.broadcast %parallel_loop3A_467 : f32 to vector<16xf32>
        %parallel_loop3A_469 = arith.maximumf %parallel_loop3A_464, %parallel_loop3A_468 : vector<16xf32>
        %parallel_loop3A_470 = arith.constant 6 : i32
        %parallel_loop3A_471 = arith.index_cast %parallel_loop3A_470 : i32 to index
        %parallel_loop3A_472 = arith.constant 0 : index
        %parallel_loop3A_473 = tpu.vector_load %arg14[%parallel_loop3A_471, %parallel_loop3A_472] {strides = array<i32>} : memref<8x16xf32, #tpu.memory_space<vmem>>, vector<16xf32>,
        %parallel_loop3A_474 = arith.mulf %parallel_loop3A_469, %parallel_loop3A_473 : vector<16xf32>
        %parallel_loop3A_475 = arith.addf %parallel_loop3A_453, %parallel_loop3A_474 : vector<16xf32>
        %parallel_loop3A_476 = arith.constant 1 : i32
        %parallel_loop3A_477 = arith.index_cast %parallel_loop3A_476 : i32 to index
        %parallel_loop3A_478 = arith.index_cast %parallel_loop3A_318 : i32 to index
        %parallel_loop3A_479 = arith.constant 112 : index
        %parallel_loop3A_480 = tpu.vector_load %arg11[%parallel_loop3A_477, %parallel_loop3A_478, %parallel_loop3A_479] {strides = array<i32>} : memref<2x80x128xf32, #tpu.memory_space<vmem>>, vector<16xf32>,
        %parallel_loop3A_481 = arith.constant 1 : i32
        %parallel_loop3A_482 = arith.index_cast %parallel_loop3A_481 : i32 to index
        %parallel_loop3A_483 = arith.index_cast %parallel_loop3A_318 : i32 to index
        %parallel_loop3A_484 = arith.constant 112 : index
        %parallel_loop3A_485 = tpu.vector_load %arg12[%parallel_loop3A_482, %parallel_loop3A_483, %parallel_loop3A_484] {strides = array<i32>} : memref<2x80x128xf32, #tpu.memory_space<vmem>>, vector<16xf32>,
        %parallel_loop3A_486 = arith.addf %parallel_loop3A_480, %parallel_loop3A_485 : vector<16xf32>
        %parallel_loop3A_487 = arith.mulf %parallel_loop3A_486, %parallel_loop3A_486 : vector<16xf32>
        %parallel_loop3A_488 = arith.addf %parallel_loop3A_466, %parallel_loop3A_487 : vector<16xf32>
        %parallel_loop3A_489 = arith.constant 0.000000e+00 : f32
        %parallel_loop3A_490 = vector.broadcast %parallel_loop3A_489 : f32 to vector<16xf32>
        %parallel_loop3A_491 = arith.maximumf %parallel_loop3A_486, %parallel_loop3A_490 : vector<16xf32>
        %parallel_loop3A_492 = arith.constant 7 : i32
        %parallel_loop3A_493 = arith.index_cast %parallel_loop3A_492 : i32 to index
        %parallel_loop3A_494 = arith.constant 0 : index
        %parallel_loop3A_495 = tpu.vector_load %arg14[%parallel_loop3A_493, %parallel_loop3A_494] {strides = array<i32>} : memref<8x16xf32, #tpu.memory_space<vmem>>, vector<16xf32>,
        %parallel_loop3A_496 = arith.mulf %parallel_loop3A_491, %parallel_loop3A_495 : vector<16xf32>
        %parallel_loop3A_497 = arith.addf %parallel_loop3A_475, %parallel_loop3A_496 : vector<16xf32>
        %parallel_loop3A_498 = arith.constant 1 : i32
        %parallel_loop3A_499 = arith.index_cast %parallel_loop3A_498 : i32 to index
        %parallel_loop3A_500 = arith.index_cast %parallel_loop3A_318 : i32 to index
        %parallel_loop3A_501 = arith.constant 0 : index
        %parallel_loop3A_502 = tpu.vector_load %arg13[%parallel_loop3A_499, %parallel_loop3A_500, %parallel_loop3A_501] {strides = array<i32>} : memref<2x80x16xf32, #tpu.memory_space<vmem>>, vector<16xf32>,
        tpu.vector_store %arg13[%parallel_loop3A_499, %parallel_loop3A_500, %parallel_loop3A_501], %parallel_loop3A_497 {strides = array<i32>} : memref<2x80x16xf32, #tpu.memory_space<vmem>>, vector<16xf32>,
        scf.yield %parallel_loop3A_488 : vector<16xf32>
      } {sc.loop_unroll_factor = 2 : i64, sc.parallel_access}
      %mul3A_302 = arith.constant 80 : i32
      %mul3A_303 = arith.muli %add3A_246, %mul3A_302 : i32
      %add3A_304 = arith.addi %mul3A_2, %mul3A_303 : i32
      %dma_start3A_305 = arith.constant 1 : i32
      %dma_start3A_306 = arith.constant 0 : i32
      %dma_start3A_307 = arith.constant 0 : i32
      %dma_start3A_308 = tpu.memref_slice %arg13[%dma_start3A_305, %dma_start3A_306, %dma_start3A_307] : memref<2x80x16xf32, #tpu.memory_space<vmem>> -> memref<1x80x16xf32, #tpu.memory_space<vmem>>
      %dma_start3A_309 = tpu.memref_squeeze %dma_start3A_308 : memref<1x80x16xf32, #tpu.memory_space<vmem>> -> memref<80x16xf32, #tpu.memory_space<vmem>>
      %dma_start3A_310 = arith.constant 0 : i32
      %dma_start3A_311 = tpu.memref_slice %arg7[%add3A_304, %dma_start3A_310] : memref<320000x16xf32, #tpu.memory_space<hbm>> -> memref<80x16xf32, #tpu.memory_space<hbm>>
      %dma_start3A_312 = arith.constant 0 : i32
      %dma_start3A_313 = tpu.memref_slice %arg7[%add3A_304, %dma_start3A_312] : memref<320000x16xf32, #tpu.memory_space<hbm>> -> memref<80x16xf32, #tpu.memory_space<hbm>>
      %dma_start3A_314 = arith.constant 0 : i32
      %dma_start3A_315 = arith.constant 0 : i32
      %dma_start3A_316 = tpu.memref_slice %arg13[%dma_start3A_305, %dma_start3A_314, %dma_start3A_315] : memref<2x80x16xf32, #tpu.memory_space<vmem>> -> memref<1x80x16xf32, #tpu.memory_space<vmem>>
      %dma_start3A_317 = tpu.memref_squeeze %dma_start3A_316 : memref<1x80x16xf32, #tpu.memory_space<vmem>> -> memref<80x16xf32, #tpu.memory_space<vmem>>
      tpu.enqueue_dma source(%dma_start3A_317 : memref<80x16xf32, #tpu.memory_space<vmem>>) target(%dma_start3A_313 : memref<80x16xf32, #tpu.memory_space<hbm>>) target_semaphore(%arg19 : memref<!tpu.dma_semaphore, #tpu.memory_space<semaphore_mem>>)
      scf.yield %parallel_loop3A_301 : vector<16xf32>
    }
    %scan3A_31 = arith.constant 62 : i32
    %dma_wait3A = arith.constant 124 : i32
    %dma_wait3A_32 = arith.constant 0 : i32
    %dma_wait3A_33 = arith.constant 0 : i32
    %dma_wait3A_34 = arith.constant 0 : i32
    %dma_wait3A_35 = tpu.memref_slice %arg11[%dma_wait3A_32, %dma_wait3A_33, %dma_wait3A_34] : memref<2x80x128xf32, #tpu.memory_space<vmem>> -> memref<1x80x128xf32, #tpu.memory_space<vmem>>
    %dma_wait3A_36 = tpu.memref_squeeze %dma_wait3A_35 : memref<1x80x128xf32, #tpu.memory_space<vmem>> -> memref<80x128xf32, #tpu.memory_space<vmem>>
    %dma_wait3A_37 = arith.constant 0 : i32
    %dma_wait3A_38 = tpu.memref_slice %arg9[%dma_wait3A, %dma_wait3A_37] : memref<125x80xi32, #tpu.memory_space<vmem>> -> memref<1x80xi32, #tpu.memory_space<vmem>>
    %dma_wait3A_39 = tpu.memref_squeeze %dma_wait3A_38 : memref<1x80xi32, #tpu.memory_space<vmem>> -> memref<80xi32, #tpu.memory_space<vmem>>
    %dma_wait3A_40 = arith.constant 0 : i32
    %dma_wait3A_41 = arith.constant 0 : i32
    %dma_wait3A_42 = tpu.memref_slice %arg2[%dma_wait3A_40, %dma_wait3A_41] : memref<10240x128xf32, #tpu.memory_space<hbm>> -> memref<10240x128xf32, #tpu.memory_space<hbm>>
    tpu.wait_indirect_dma semaphore(%arg16 : memref<!tpu.dma_semaphore, #tpu.memory_space<semaphore_mem>>) src(%dma_wait3A_42 : memref<10240x128xf32, #tpu.memory_space<hbm>>) dst(%dma_wait3A_36 : memref<80x128xf32, #tpu.memory_space<vmem>>)
    %dma_wait3A_43 = arith.constant 124 : i32
    %dma_wait3A_44 = arith.constant 0 : i32
    %dma_wait3A_45 = arith.constant 0 : i32
    %dma_wait3A_46 = arith.constant 0 : i32
    %dma_wait3A_47 = tpu.memref_slice %arg12[%dma_wait3A_44, %dma_wait3A_45, %dma_wait3A_46] : memref<2x80x128xf32, #tpu.memory_space<vmem>> -> memref<1x80x128xf32, #tpu.memory_space<vmem>>
    %dma_wait3A_48 = tpu.memref_squeeze %dma_wait3A_47 : memref<1x80x128xf32, #tpu.memory_space<vmem>> -> memref<80x128xf32, #tpu.memory_space<vmem>>
    %dma_wait3A_49 = arith.constant 0 : i32
    %dma_wait3A_50 = tpu.memref_slice %arg10[%dma_wait3A_43, %dma_wait3A_49] : memref<125x80xi32, #tpu.memory_space<vmem>> -> memref<1x80xi32, #tpu.memory_space<vmem>>
    %dma_wait3A_51 = tpu.memref_squeeze %dma_wait3A_50 : memref<1x80xi32, #tpu.memory_space<vmem>> -> memref<80xi32, #tpu.memory_space<vmem>>
    %dma_wait3A_52 = arith.constant 0 : i32
    %dma_wait3A_53 = arith.constant 0 : i32
    %dma_wait3A_54 = tpu.memref_slice %arg3[%dma_wait3A_52, %dma_wait3A_53] : memref<10240x128xf32, #tpu.memory_space<hbm>> -> memref<10240x128xf32, #tpu.memory_space<hbm>>
    tpu.wait_indirect_dma semaphore(%arg16 : memref<!tpu.dma_semaphore, #tpu.memory_space<semaphore_mem>>) src(%dma_wait3A_54 : memref<10240x128xf32, #tpu.memory_space<hbm>>) dst(%dma_wait3A_48 : memref<80x128xf32, #tpu.memory_space<vmem>>)
    %add3A_55 = arith.constant 9760 : i32
    %add3A_56 = arith.addi %mul3A_2, %add3A_55 : i32
    %dma_wait3A_57 = arith.constant 0 : i32
    %dma_wait3A_58 = arith.constant 0 : i32
    %dma_wait3A_59 = arith.constant 0 : i32
    %dma_wait3A_60 = tpu.memref_slice %arg13[%dma_wait3A_57, %dma_wait3A_58, %dma_wait3A_59] : memref<2x80x16xf32, #tpu.memory_space<vmem>> -> memref<1x80x16xf32, #tpu.memory_space<vmem>>
    %dma_wait3A_61 = tpu.memref_squeeze %dma_wait3A_60 : memref<1x80x16xf32, #tpu.memory_space<vmem>> -> memref<80x16xf32, #tpu.memory_space<vmem>>
    %dma_wait3A_62 = arith.constant 0 : i32
    %dma_wait3A_63 = tpu.memref_slice %arg7[%add3A_56, %dma_wait3A_62] : memref<320000x16xf32, #tpu.memory_space<hbm>> -> memref<80x16xf32, #tpu.memory_space<hbm>>
    %dma_wait3A_64 = arith.constant 0 : i32
    %dma_wait3A_65 = tpu.memref_slice %arg7[%add3A_56, %dma_wait3A_64] : memref<320000x16xf32, #tpu.memory_space<hbm>> -> memref<80x16xf32, #tpu.memory_space<hbm>>
    %dma_wait3A_66 = arith.constant 0 : i32
    %dma_wait3A_67 = arith.constant 0 : i32
    %dma_wait3A_68 = tpu.memref_slice %arg13[%dma_wait3A_57, %dma_wait3A_66, %dma_wait3A_67] : memref<2x80x16xf32, #tpu.memory_space<vmem>> -> memref<1x80x16xf32, #tpu.memory_space<vmem>>
    %dma_wait3A_69 = tpu.memref_squeeze %dma_wait3A_68 : memref<1x80x16xf32, #tpu.memory_space<vmem>> -> memref<80x16xf32, #tpu.memory_space<vmem>>
    tpu.wait_dma2 semaphore(%arg18 : memref<!tpu.dma_semaphore, #tpu.memory_space<semaphore_mem>>) src(%dma_wait3A_69 : memref<80x16xf32, #tpu.memory_space<vmem>>) dst(%dma_wait3A_65 : memref<80x16xf32, #tpu.memory_space<hbm>>)
    %parallel_loop3A = arith.constant 0 : i32
    %parallel_loop3A_70 = arith.constant 80 : i32
    %parallel_loop3A_71 = arith.constant 1 : i32
    %parallel_loop3A_72 = scf.for %parallel_loop3A_169 = %parallel_loop3A to %parallel_loop3A_70 step %parallel_loop3A_71 iter_args(%parallel_loop3A_170 = %scan3A_30) -> (vector<16xf32>)  : i32 {
      %parallel_loop3A_171 = arith.constant 0.000000e+00 : f32
      %parallel_loop3A_172 = vector.broadcast %parallel_loop3A_171 : f32 to vector<16xf32>
      %parallel_loop3A_173 = arith.constant 0 : i32
      %parallel_loop3A_174 = arith.index_cast %parallel_loop3A_173 : i32 to index
      %parallel_loop3A_175 = arith.index_cast %parallel_loop3A_169 : i32 to index
      %parallel_loop3A_176 = arith.constant 0 : index
      %parallel_loop3A_177 = tpu.vector_load %arg11[%parallel_loop3A_174, %parallel_loop3A_175, %parallel_loop3A_176] {strides = array<i32>} : memref<2x80x128xf32, #tpu.memory_space<vmem>>, vector<16xf32>,
      %parallel_loop3A_178 = arith.constant 0 : i32
      %parallel_loop3A_179 = arith.index_cast %parallel_loop3A_178 : i32 to index
      %parallel_loop3A_180 = arith.index_cast %parallel_loop3A_169 : i32 to index
      %parallel_loop3A_181 = arith.constant 0 : index
      %parallel_loop3A_182 = tpu.vector_load %arg12[%parallel_loop3A_179, %parallel_loop3A_180, %parallel_loop3A_181] {strides = array<i32>} : memref<2x80x128xf32, #tpu.memory_space<vmem>>, vector<16xf32>,
      %parallel_loop3A_183 = arith.addf %parallel_loop3A_177, %parallel_loop3A_182 : vector<16xf32>
      %parallel_loop3A_184 = arith.mulf %parallel_loop3A_183, %parallel_loop3A_183 : vector<16xf32>
      %parallel_loop3A_185 = arith.addf %parallel_loop3A_170, %parallel_loop3A_184 : vector<16xf32>
      %parallel_loop3A_186 = arith.constant 0.000000e+00 : f32
      %parallel_loop3A_187 = vector.broadcast %parallel_loop3A_186 : f32 to vector<16xf32>
      %parallel_loop3A_188 = arith.maximumf %parallel_loop3A_183, %parallel_loop3A_187 : vector<16xf32>
      %parallel_loop3A_189 = arith.constant 0 : i32
      %parallel_loop3A_190 = arith.index_cast %parallel_loop3A_189 : i32 to index
      %parallel_loop3A_191 = arith.constant 0 : index
      %parallel_loop3A_192 = tpu.vector_load %arg14[%parallel_loop3A_190, %parallel_loop3A_191] {strides = array<i32>} : memref<8x16xf32, #tpu.memory_space<vmem>>, vector<16xf32>,
      %parallel_loop3A_193 = arith.mulf %parallel_loop3A_188, %parallel_loop3A_192 : vector<16xf32>
      %parallel_loop3A_194 = arith.addf %parallel_loop3A_172, %parallel_loop3A_193 : vector<16xf32>
      %parallel_loop3A_195 = arith.constant 0 : i32
      %parallel_loop3A_196 = arith.index_cast %parallel_loop3A_195 : i32 to index
      %parallel_loop3A_197 = arith.index_cast %parallel_loop3A_169 : i32 to index
      %parallel_loop3A_198 = arith.constant 16 : index
      %parallel_loop3A_199 = tpu.vector_load %arg11[%parallel_loop3A_196, %parallel_loop3A_197, %parallel_loop3A_198] {strides = array<i32>} : memref<2x80x128xf32, #tpu.memory_space<vmem>>, vector<16xf32>,
      %parallel_loop3A_200 = arith.constant 0 : i32
      %parallel_loop3A_201 = arith.index_cast %parallel_loop3A_200 : i32 to index
      %parallel_loop3A_202 = arith.index_cast %parallel_loop3A_169 : i32 to index
      %parallel_loop3A_203 = arith.constant 16 : index
      %parallel_loop3A_204 = tpu.vector_load %arg12[%parallel_loop3A_201, %parallel_loop3A_202, %parallel_loop3A_203] {strides = array<i32>} : memref<2x80x128xf32, #tpu.memory_space<vmem>>, vector<16xf32>,
      %parallel_loop3A_205 = arith.addf %parallel_loop3A_199, %parallel_loop3A_204 : vector<16xf32>
      %parallel_loop3A_206 = arith.mulf %parallel_loop3A_205, %parallel_loop3A_205 : vector<16xf32>
      %parallel_loop3A_207 = arith.addf %parallel_loop3A_185, %parallel_loop3A_206 : vector<16xf32>
      %parallel_loop3A_208 = arith.constant 0.000000e+00 : f32
      %parallel_loop3A_209 = vector.broadcast %parallel_loop3A_208 : f32 to vector<16xf32>
      %parallel_loop3A_210 = arith.maximumf %parallel_loop3A_205, %parallel_loop3A_209 : vector<16xf32>
      %parallel_loop3A_211 = arith.constant 1 : i32
      %parallel_loop3A_212 = arith.index_cast %parallel_loop3A_211 : i32 to index
      %parallel_loop3A_213 = arith.constant 0 : index
      %parallel_loop3A_214 = tpu.vector_load %arg14[%parallel_loop3A_212, %parallel_loop3A_213] {strides = array<i32>} : memref<8x16xf32, #tpu.memory_space<vmem>>, vector<16xf32>,
      %parallel_loop3A_215 = arith.mulf %parallel_loop3A_210, %parallel_loop3A_214 : vector<16xf32>
      %parallel_loop3A_216 = arith.addf %parallel_loop3A_194, %parallel_loop3A_215 : vector<16xf32>
      %parallel_loop3A_217 = arith.constant 0 : i32
      %parallel_loop3A_218 = arith.index_cast %parallel_loop3A_217 : i32 to index
      %parallel_loop3A_219 = arith.index_cast %parallel_loop3A_169 : i32 to index
      %parallel_loop3A_220 = arith.constant 32 : index
      %parallel_loop3A_221 = tpu.vector_load %arg11[%parallel_loop3A_218, %parallel_loop3A_219, %parallel_loop3A_220] {strides = array<i32>} : memref<2x80x128xf32, #tpu.memory_space<vmem>>, vector<16xf32>,
      %parallel_loop3A_222 = arith.constant 0 : i32
      %parallel_loop3A_223 = arith.index_cast %parallel_loop3A_222 : i32 to index
      %parallel_loop3A_224 = arith.index_cast %parallel_loop3A_169 : i32 to index
      %parallel_loop3A_225 = arith.constant 32 : index
      %parallel_loop3A_226 = tpu.vector_load %arg12[%parallel_loop3A_223, %parallel_loop3A_224, %parallel_loop3A_225] {strides = array<i32>} : memref<2x80x128xf32, #tpu.memory_space<vmem>>, vector<16xf32>,
      %parallel_loop3A_227 = arith.addf %parallel_loop3A_221, %parallel_loop3A_226 : vector<16xf32>
      %parallel_loop3A_228 = arith.mulf %parallel_loop3A_227, %parallel_loop3A_227 : vector<16xf32>
      %parallel_loop3A_229 = arith.addf %parallel_loop3A_207, %parallel_loop3A_228 : vector<16xf32>
      %parallel_loop3A_230 = arith.constant 0.000000e+00 : f32
      %parallel_loop3A_231 = vector.broadcast %parallel_loop3A_230 : f32 to vector<16xf32>
      %parallel_loop3A_232 = arith.maximumf %parallel_loop3A_227, %parallel_loop3A_231 : vector<16xf32>
      %parallel_loop3A_233 = arith.constant 2 : i32
      %parallel_loop3A_234 = arith.index_cast %parallel_loop3A_233 : i32 to index
      %parallel_loop3A_235 = arith.constant 0 : index
      %parallel_loop3A_236 = tpu.vector_load %arg14[%parallel_loop3A_234, %parallel_loop3A_235] {strides = array<i32>} : memref<8x16xf32, #tpu.memory_space<vmem>>, vector<16xf32>,
      %parallel_loop3A_237 = arith.mulf %parallel_loop3A_232, %parallel_loop3A_236 : vector<16xf32>
      %parallel_loop3A_238 = arith.addf %parallel_loop3A_216, %parallel_loop3A_237 : vector<16xf32>
      %parallel_loop3A_239 = arith.constant 0 : i32
      %parallel_loop3A_240 = arith.index_cast %parallel_loop3A_239 : i32 to index
      %parallel_loop3A_241 = arith.index_cast %parallel_loop3A_169 : i32 to index
      %parallel_loop3A_242 = arith.constant 48 : index
      %parallel_loop3A_243 = tpu.vector_load %arg11[%parallel_loop3A_240, %parallel_loop3A_241, %parallel_loop3A_242] {strides = array<i32>} : memref<2x80x128xf32, #tpu.memory_space<vmem>>, vector<16xf32>,
      %parallel_loop3A_244 = arith.constant 0 : i32
      %parallel_loop3A_245 = arith.index_cast %parallel_loop3A_244 : i32 to index
      %parallel_loop3A_246 = arith.index_cast %parallel_loop3A_169 : i32 to index
      %parallel_loop3A_247 = arith.constant 48 : index
      %parallel_loop3A_248 = tpu.vector_load %arg12[%parallel_loop3A_245, %parallel_loop3A_246, %parallel_loop3A_247] {strides = array<i32>} : memref<2x80x128xf32, #tpu.memory_space<vmem>>, vector<16xf32>,
      %parallel_loop3A_249 = arith.addf %parallel_loop3A_243, %parallel_loop3A_248 : vector<16xf32>
      %parallel_loop3A_250 = arith.mulf %parallel_loop3A_249, %parallel_loop3A_249 : vector<16xf32>
      %parallel_loop3A_251 = arith.addf %parallel_loop3A_229, %parallel_loop3A_250 : vector<16xf32>
      %parallel_loop3A_252 = arith.constant 0.000000e+00 : f32
      %parallel_loop3A_253 = vector.broadcast %parallel_loop3A_252 : f32 to vector<16xf32>
      %parallel_loop3A_254 = arith.maximumf %parallel_loop3A_249, %parallel_loop3A_253 : vector<16xf32>
      %parallel_loop3A_255 = arith.constant 3 : i32
      %parallel_loop3A_256 = arith.index_cast %parallel_loop3A_255 : i32 to index
      %parallel_loop3A_257 = arith.constant 0 : index
      %parallel_loop3A_258 = tpu.vector_load %arg14[%parallel_loop3A_256, %parallel_loop3A_257] {strides = array<i32>} : memref<8x16xf32, #tpu.memory_space<vmem>>, vector<16xf32>,
      %parallel_loop3A_259 = arith.mulf %parallel_loop3A_254, %parallel_loop3A_258 : vector<16xf32>
      %parallel_loop3A_260 = arith.addf %parallel_loop3A_238, %parallel_loop3A_259 : vector<16xf32>
      %parallel_loop3A_261 = arith.constant 0 : i32
      %parallel_loop3A_262 = arith.index_cast %parallel_loop3A_261 : i32 to index
      %parallel_loop3A_263 = arith.index_cast %parallel_loop3A_169 : i32 to index
      %parallel_loop3A_264 = arith.constant 64 : index
      %parallel_loop3A_265 = tpu.vector_load %arg11[%parallel_loop3A_262, %parallel_loop3A_263, %parallel_loop3A_264] {strides = array<i32>} : memref<2x80x128xf32, #tpu.memory_space<vmem>>, vector<16xf32>,
      %parallel_loop3A_266 = arith.constant 0 : i32
      %parallel_loop3A_267 = arith.index_cast %parallel_loop3A_266 : i32 to index
      %parallel_loop3A_268 = arith.index_cast %parallel_loop3A_169 : i32 to index
      %parallel_loop3A_269 = arith.constant 64 : index
      %parallel_loop3A_270 = tpu.vector_load %arg12[%parallel_loop3A_267, %parallel_loop3A_268, %parallel_loop3A_269] {strides = array<i32>} : memref<2x80x128xf32, #tpu.memory_space<vmem>>, vector<16xf32>,
      %parallel_loop3A_271 = arith.addf %parallel_loop3A_265, %parallel_loop3A_270 : vector<16xf32>
      %parallel_loop3A_272 = arith.mulf %parallel_loop3A_271, %parallel_loop3A_271 : vector<16xf32>
      %parallel_loop3A_273 = arith.addf %parallel_loop3A_251, %parallel_loop3A_272 : vector<16xf32>
      %parallel_loop3A_274 = arith.constant 0.000000e+00 : f32
      %parallel_loop3A_275 = vector.broadcast %parallel_loop3A_274 : f32 to vector<16xf32>
      %parallel_loop3A_276 = arith.maximumf %parallel_loop3A_271, %parallel_loop3A_275 : vector<16xf32>
      %parallel_loop3A_277 = arith.constant 4 : i32
      %parallel_loop3A_278 = arith.index_cast %parallel_loop3A_277 : i32 to index
      %parallel_loop3A_279 = arith.constant 0 : index
      %parallel_loop3A_280 = tpu.vector_load %arg14[%parallel_loop3A_278, %parallel_loop3A_279] {strides = array<i32>} : memref<8x16xf32, #tpu.memory_space<vmem>>, vector<16xf32>,
      %parallel_loop3A_281 = arith.mulf %parallel_loop3A_276, %parallel_loop3A_280 : vector<16xf32>
      %parallel_loop3A_282 = arith.addf %parallel_loop3A_260, %parallel_loop3A_281 : vector<16xf32>
      %parallel_loop3A_283 = arith.constant 0 : i32
      %parallel_loop3A_284 = arith.index_cast %parallel_loop3A_283 : i32 to index
      %parallel_loop3A_285 = arith.index_cast %parallel_loop3A_169 : i32 to index
      %parallel_loop3A_286 = arith.constant 80 : index
      %parallel_loop3A_287 = tpu.vector_load %arg11[%parallel_loop3A_284, %parallel_loop3A_285, %parallel_loop3A_286] {strides = array<i32>} : memref<2x80x128xf32, #tpu.memory_space<vmem>>, vector<16xf32>,
      %parallel_loop3A_288 = arith.constant 0 : i32
      %parallel_loop3A_289 = arith.index_cast %parallel_loop3A_288 : i32 to index
      %parallel_loop3A_290 = arith.index_cast %parallel_loop3A_169 : i32 to index
      %parallel_loop3A_291 = arith.constant 80 : index
      %parallel_loop3A_292 = tpu.vector_load %arg12[%parallel_loop3A_289, %parallel_loop3A_290, %parallel_loop3A_291] {strides = array<i32>} : memref<2x80x128xf32, #tpu.memory_space<vmem>>, vector<16xf32>,
      %parallel_loop3A_293 = arith.addf %parallel_loop3A_287, %parallel_loop3A_292 : vector<16xf32>
      %parallel_loop3A_294 = arith.mulf %parallel_loop3A_293, %parallel_loop3A_293 : vector<16xf32>
      %parallel_loop3A_295 = arith.addf %parallel_loop3A_273, %parallel_loop3A_294 : vector<16xf32>
      %parallel_loop3A_296 = arith.constant 0.000000e+00 : f32
      %parallel_loop3A_297 = vector.broadcast %parallel_loop3A_296 : f32 to vector<16xf32>
      %parallel_loop3A_298 = arith.maximumf %parallel_loop3A_293, %parallel_loop3A_297 : vector<16xf32>
      %parallel_loop3A_299 = arith.constant 5 : i32
      %parallel_loop3A_300 = arith.index_cast %parallel_loop3A_299 : i32 to index
      %parallel_loop3A_301 = arith.constant 0 : index
      %parallel_loop3A_302 = tpu.vector_load %arg14[%parallel_loop3A_300, %parallel_loop3A_301] {strides = array<i32>} : memref<8x16xf32, #tpu.memory_space<vmem>>, vector<16xf32>,
      %parallel_loop3A_303 = arith.mulf %parallel_loop3A_298, %parallel_loop3A_302 : vector<16xf32>
      %parallel_loop3A_304 = arith.addf %parallel_loop3A_282, %parallel_loop3A_303 : vector<16xf32>
      %parallel_loop3A_305 = arith.constant 0 : i32
      %parallel_loop3A_306 = arith.index_cast %parallel_loop3A_305 : i32 to index
      %parallel_loop3A_307 = arith.index_cast %parallel_loop3A_169 : i32 to index
      %parallel_loop3A_308 = arith.constant 96 : index
      %parallel_loop3A_309 = tpu.vector_load %arg11[%parallel_loop3A_306, %parallel_loop3A_307, %parallel_loop3A_308] {strides = array<i32>} : memref<2x80x128xf32, #tpu.memory_space<vmem>>, vector<16xf32>,
      %parallel_loop3A_310 = arith.constant 0 : i32
      %parallel_loop3A_311 = arith.index_cast %parallel_loop3A_310 : i32 to index
      %parallel_loop3A_312 = arith.index_cast %parallel_loop3A_169 : i32 to index
      %parallel_loop3A_313 = arith.constant 96 : index
      %parallel_loop3A_314 = tpu.vector_load %arg12[%parallel_loop3A_311, %parallel_loop3A_312, %parallel_loop3A_313] {strides = array<i32>} : memref<2x80x128xf32, #tpu.memory_space<vmem>>, vector<16xf32>,
      %parallel_loop3A_315 = arith.addf %parallel_loop3A_309, %parallel_loop3A_314 : vector<16xf32>
      %parallel_loop3A_316 = arith.mulf %parallel_loop3A_315, %parallel_loop3A_315 : vector<16xf32>
      %parallel_loop3A_317 = arith.addf %parallel_loop3A_295, %parallel_loop3A_316 : vector<16xf32>
      %parallel_loop3A_318 = arith.constant 0.000000e+00 : f32
      %parallel_loop3A_319 = vector.broadcast %parallel_loop3A_318 : f32 to vector<16xf32>
      %parallel_loop3A_320 = arith.maximumf %parallel_loop3A_315, %parallel_loop3A_319 : vector<16xf32>
      %parallel_loop3A_321 = arith.constant 6 : i32
      %parallel_loop3A_322 = arith.index_cast %parallel_loop3A_321 : i32 to index
      %parallel_loop3A_323 = arith.constant 0 : index
      %parallel_loop3A_324 = tpu.vector_load %arg14[%parallel_loop3A_322, %parallel_loop3A_323] {strides = array<i32>} : memref<8x16xf32, #tpu.memory_space<vmem>>, vector<16xf32>,
      %parallel_loop3A_325 = arith.mulf %parallel_loop3A_320, %parallel_loop3A_324 : vector<16xf32>
      %parallel_loop3A_326 = arith.addf %parallel_loop3A_304, %parallel_loop3A_325 : vector<16xf32>
      %parallel_loop3A_327 = arith.constant 0 : i32
      %parallel_loop3A_328 = arith.index_cast %parallel_loop3A_327 : i32 to index
      %parallel_loop3A_329 = arith.index_cast %parallel_loop3A_169 : i32 to index
      %parallel_loop3A_330 = arith.constant 112 : index
      %parallel_loop3A_331 = tpu.vector_load %arg11[%parallel_loop3A_328, %parallel_loop3A_329, %parallel_loop3A_330] {strides = array<i32>} : memref<2x80x128xf32, #tpu.memory_space<vmem>>, vector<16xf32>,
      %parallel_loop3A_332 = arith.constant 0 : i32
      %parallel_loop3A_333 = arith.index_cast %parallel_loop3A_332 : i32 to index
      %parallel_loop3A_334 = arith.index_cast %parallel_loop3A_169 : i32 to index
      %parallel_loop3A_335 = arith.constant 112 : index
      %parallel_loop3A_336 = tpu.vector_load %arg12[%parallel_loop3A_333, %parallel_loop3A_334, %parallel_loop3A_335] {strides = array<i32>} : memref<2x80x128xf32, #tpu.memory_space<vmem>>, vector<16xf32>,
      %parallel_loop3A_337 = arith.addf %parallel_loop3A_331, %parallel_loop3A_336 : vector<16xf32>
      %parallel_loop3A_338 = arith.mulf %parallel_loop3A_337, %parallel_loop3A_337 : vector<16xf32>
      %parallel_loop3A_339 = arith.addf %parallel_loop3A_317, %parallel_loop3A_338 : vector<16xf32>
      %parallel_loop3A_340 = arith.constant 0.000000e+00 : f32
      %parallel_loop3A_341 = vector.broadcast %parallel_loop3A_340 : f32 to vector<16xf32>
      %parallel_loop3A_342 = arith.maximumf %parallel_loop3A_337, %parallel_loop3A_341 : vector<16xf32>
      %parallel_loop3A_343 = arith.constant 7 : i32
      %parallel_loop3A_344 = arith.index_cast %parallel_loop3A_343 : i32 to index
      %parallel_loop3A_345 = arith.constant 0 : index
      %parallel_loop3A_346 = tpu.vector_load %arg14[%parallel_loop3A_344, %parallel_loop3A_345] {strides = array<i32>} : memref<8x16xf32, #tpu.memory_space<vmem>>, vector<16xf32>,
      %parallel_loop3A_347 = arith.mulf %parallel_loop3A_342, %parallel_loop3A_346 : vector<16xf32>
      %parallel_loop3A_348 = arith.addf %parallel_loop3A_326, %parallel_loop3A_347 : vector<16xf32>
      %parallel_loop3A_349 = arith.constant 0 : i32
      %parallel_loop3A_350 = arith.index_cast %parallel_loop3A_349 : i32 to index
      %parallel_loop3A_351 = arith.index_cast %parallel_loop3A_169 : i32 to index
      %parallel_loop3A_352 = arith.constant 0 : index
      %parallel_loop3A_353 = tpu.vector_load %arg13[%parallel_loop3A_350, %parallel_loop3A_351, %parallel_loop3A_352] {strides = array<i32>} : memref<2x80x16xf32, #tpu.memory_space<vmem>>, vector<16xf32>,
      tpu.vector_store %arg13[%parallel_loop3A_350, %parallel_loop3A_351, %parallel_loop3A_352], %parallel_loop3A_348 {strides = array<i32>} : memref<2x80x16xf32, #tpu.memory_space<vmem>>, vector<16xf32>,
      scf.yield %parallel_loop3A_339 : vector<16xf32>
    } {sc.loop_unroll_factor = 2 : i64, sc.parallel_access}
    %add3A_73 = arith.constant 9920 : i32
    %add3A_74 = arith.addi %mul3A_2, %add3A_73 : i32
    %dma_start3A_75 = arith.constant 0 : i32
    %dma_start3A_76 = arith.constant 0 : i32
    %dma_start3A_77 = arith.constant 0 : i32
    %dma_start3A_78 = tpu.memref_slice %arg13[%dma_start3A_75, %dma_start3A_76, %dma_start3A_77] : memref<2x80x16xf32, #tpu.memory_space<vmem>> -> memref<1x80x16xf32, #tpu.memory_space<vmem>>
    %dma_start3A_79 = tpu.memref_squeeze %dma_start3A_78 : memref<1x80x16xf32, #tpu.memory_space<vmem>> -> memref<80x16xf32, #tpu.memory_space<vmem>>
    %dma_start3A_80 = arith.constant 0 : i32
    %dma_start3A_81 = tpu.memref_slice %arg7[%add3A_74, %dma_start3A_80] : memref<320000x16xf32, #tpu.memory_space<hbm>> -> memref<80x16xf32, #tpu.memory_space<hbm>>
    %dma_start3A_82 = arith.constant 0 : i32
    %dma_start3A_83 = tpu.memref_slice %arg7[%add3A_74, %dma_start3A_82] : memref<320000x16xf32, #tpu.memory_space<hbm>> -> memref<80x16xf32, #tpu.memory_space<hbm>>
    %dma_start3A_84 = arith.constant 0 : i32
    %dma_start3A_85 = arith.constant 0 : i32
    %dma_start3A_86 = tpu.memref_slice %arg13[%dma_start3A_75, %dma_start3A_84, %dma_start3A_85] : memref<2x80x16xf32, #tpu.memory_space<vmem>> -> memref<1x80x16xf32, #tpu.memory_space<vmem>>
    %dma_start3A_87 = tpu.memref_squeeze %dma_start3A_86 : memref<1x80x16xf32, #tpu.memory_space<vmem>> -> memref<80x16xf32, #tpu.memory_space<vmem>>
    tpu.enqueue_dma source(%dma_start3A_87 : memref<80x16xf32, #tpu.memory_space<vmem>>) target(%dma_start3A_83 : memref<80x16xf32, #tpu.memory_space<hbm>>) target_semaphore(%arg18 : memref<!tpu.dma_semaphore, #tpu.memory_space<semaphore_mem>>)
    %add3A_88 = arith.constant 9920 : i32
    %add3A_89 = arith.addi %mul3A_2, %add3A_88 : i32
    %dma_wait3A_90 = arith.constant 0 : i32
    %dma_wait3A_91 = arith.constant 0 : i32
    %dma_wait3A_92 = arith.constant 0 : i32
    %dma_wait3A_93 = tpu.memref_slice %arg13[%dma_wait3A_90, %dma_wait3A_91, %dma_wait3A_92] : memref<2x80x16xf32, #tpu.memory_space<vmem>> -> memref<1x80x16xf32, #tpu.memory_space<vmem>>
    %dma_wait3A_94 = tpu.memref_squeeze %dma_wait3A_93 : memref<1x80x16xf32, #tpu.memory_space<vmem>> -> memref<80x16xf32, #tpu.memory_space<vmem>>
    %dma_wait3A_95 = arith.constant 0 : i32
    %dma_wait3A_96 = tpu.memref_slice %arg7[%add3A_89, %dma_wait3A_95] : memref<320000x16xf32, #tpu.memory_space<hbm>> -> memref<80x16xf32, #tpu.memory_space<hbm>>
    %dma_wait3A_97 = arith.constant 0 : i32
    %dma_wait3A_98 = tpu.memref_slice %arg7[%add3A_89, %dma_wait3A_97] : memref<320000x16xf32, #tpu.memory_space<hbm>> -> memref<80x16xf32, #tpu.memory_space<hbm>>
    %dma_wait3A_99 = arith.constant 0 : i32
    %dma_wait3A_100 = arith.constant 0 : i32
    %dma_wait3A_101 = tpu.memref_slice %arg13[%dma_wait3A_90, %dma_wait3A_99, %dma_wait3A_100] : memref<2x80x16xf32, #tpu.memory_space<vmem>> -> memref<1x80x16xf32, #tpu.memory_space<vmem>>
    %dma_wait3A_102 = tpu.memref_squeeze %dma_wait3A_101 : memref<1x80x16xf32, #tpu.memory_space<vmem>> -> memref<80x16xf32, #tpu.memory_space<vmem>>
    tpu.wait_dma2 semaphore(%arg18 : memref<!tpu.dma_semaphore, #tpu.memory_space<semaphore_mem>>) src(%dma_wait3A_102 : memref<80x16xf32, #tpu.memory_space<vmem>>) dst(%dma_wait3A_98 : memref<80x16xf32, #tpu.memory_space<hbm>>)
    %add3A_103 = arith.constant 9840 : i32
    %add3A_104 = arith.addi %mul3A_2, %add3A_103 : i32
    %dma_wait3A_105 = arith.constant 1 : i32
    %dma_wait3A_106 = arith.constant 0 : i32
    %dma_wait3A_107 = arith.constant 0 : i32
    %dma_wait3A_108 = tpu.memref_slice %arg13[%dma_wait3A_105, %dma_wait3A_106, %dma_wait3A_107] : memref<2x80x16xf32, #tpu.memory_space<vmem>> -> memref<1x80x16xf32, #tpu.memory_space<vmem>>
    %dma_wait3A_109 = tpu.memref_squeeze %dma_wait3A_108 : memref<1x80x16xf32, #tpu.memory_space<vmem>> -> memref<80x16xf32, #tpu.memory_space<vmem>>
    %dma_wait3A_110 = arith.constant 0 : i32
    %dma_wait3A_111 = tpu.memref_slice %arg7[%add3A_104, %dma_wait3A_110] : memref<320000x16xf32, #tpu.memory_space<hbm>> -> memref<80x16xf32, #tpu.memory_space<hbm>>
    %dma_wait3A_112 = arith.constant 0 : i32
    %dma_wait3A_113 = tpu.memref_slice %arg7[%add3A_104, %dma_wait3A_112] : memref<320000x16xf32, #tpu.memory_space<hbm>> -> memref<80x16xf32, #tpu.memory_space<hbm>>
    %dma_wait3A_114 = arith.constant 0 : i32
    %dma_wait3A_115 = arith.constant 0 : i32
    %dma_wait3A_116 = tpu.memref_slice %arg13[%dma_wait3A_105, %dma_wait3A_114, %dma_wait3A_115] : memref<2x80x16xf32, #tpu.memory_space<vmem>> -> memref<1x80x16xf32, #tpu.memory_space<vmem>>
    %dma_wait3A_117 = tpu.memref_squeeze %dma_wait3A_116 : memref<1x80x16xf32, #tpu.memory_space<vmem>> -> memref<80x16xf32, #tpu.memory_space<vmem>>
    tpu.wait_dma2 semaphore(%arg19 : memref<!tpu.dma_semaphore, #tpu.memory_space<semaphore_mem>>) src(%dma_wait3A_117 : memref<80x16xf32, #tpu.memory_space<vmem>>) dst(%dma_wait3A_113 : memref<80x16xf32, #tpu.memory_space<hbm>>)
    %broadcast_in_dim3A_118 = arith.constant 0.000000e+00 : f32
    %broadcast_in_dim3A_119 = vector.broadcast %broadcast_in_dim3A_118 : f32 to vector<16xf32>
    %swap3A = arith.constant 0 : i32
    %swap3A_120 = arith.index_cast %swap3A : i32 to index
    %swap3A_121 = arith.constant 0 : index
    %swap3A_122 = tpu.vector_load %arg15[%swap3A_120, %swap3A_121] {strides = array<i32>} : memref<8x16xf32, #tpu.memory_space<vmem>>, vector<16xf32>,
    tpu.vector_store %arg15[%swap3A_120, %swap3A_121], %broadcast_in_dim3A_119 {strides = array<i32>} : memref<8x16xf32, #tpu.memory_space<vmem>>, vector<16xf32>,
    %broadcast_in_dim3A_123 = arith.constant 0.000000e+00 : f32
    %broadcast_in_dim3A_124 = vector.broadcast %broadcast_in_dim3A_123 : f32 to vector<16xf32>
    %swap3A_125 = arith.constant 1 : i32
    %swap3A_126 = arith.index_cast %swap3A_125 : i32 to index
    %swap3A_127 = arith.constant 0 : index
    %swap3A_128 = tpu.vector_load %arg15[%swap3A_126, %swap3A_127] {strides = array<i32>} : memref<8x16xf32, #tpu.memory_space<vmem>>, vector<16xf32>,
    tpu.vector_store %arg15[%swap3A_126, %swap3A_127], %broadcast_in_dim3A_124 {strides = array<i32>} : memref<8x16xf32, #tpu.memory_space<vmem>>, vector<16xf32>,
    %broadcast_in_dim3A_129 = arith.constant 0.000000e+00 : f32
    %broadcast_in_dim3A_130 = vector.broadcast %broadcast_in_dim3A_129 : f32 to vector<16xf32>
    %swap3A_131 = arith.constant 2 : i32
    %swap3A_132 = arith.index_cast %swap3A_131 : i32 to index
    %swap3A_133 = arith.constant 0 : index
    %swap3A_134 = tpu.vector_load %arg15[%swap3A_132, %swap3A_133] {strides = array<i32>} : memref<8x16xf32, #tpu.memory_space<vmem>>, vector<16xf32>,
    tpu.vector_store %arg15[%swap3A_132, %swap3A_133], %broadcast_in_dim3A_130 {strides = array<i32>} : memref<8x16xf32, #tpu.memory_space<vmem>>, vector<16xf32>,
    %broadcast_in_dim3A_135 = arith.constant 0.000000e+00 : f32
    %broadcast_in_dim3A_136 = vector.broadcast %broadcast_in_dim3A_135 : f32 to vector<16xf32>
    %swap3A_137 = arith.constant 3 : i32
    %swap3A_138 = arith.index_cast %swap3A_137 : i32 to index
    %swap3A_139 = arith.constant 0 : index
    %swap3A_140 = tpu.vector_load %arg15[%swap3A_138, %swap3A_139] {strides = array<i32>} : memref<8x16xf32, #tpu.memory_space<vmem>>, vector<16xf32>,
    tpu.vector_store %arg15[%swap3A_138, %swap3A_139], %broadcast_in_dim3A_136 {strides = array<i32>} : memref<8x16xf32, #tpu.memory_space<vmem>>, vector<16xf32>,
    %broadcast_in_dim3A_141 = arith.constant 0.000000e+00 : f32
    %broadcast_in_dim3A_142 = vector.broadcast %broadcast_in_dim3A_141 : f32 to vector<16xf32>
    %swap3A_143 = arith.constant 4 : i32
    %swap3A_144 = arith.index_cast %swap3A_143 : i32 to index
    %swap3A_145 = arith.constant 0 : index
    %swap3A_146 = tpu.vector_load %arg15[%swap3A_144, %swap3A_145] {strides = array<i32>} : memref<8x16xf32, #tpu.memory_space<vmem>>, vector<16xf32>,
    tpu.vector_store %arg15[%swap3A_144, %swap3A_145], %broadcast_in_dim3A_142 {strides = array<i32>} : memref<8x16xf32, #tpu.memory_space<vmem>>, vector<16xf32>,
    %broadcast_in_dim3A_147 = arith.constant 0.000000e+00 : f32
    %broadcast_in_dim3A_148 = vector.broadcast %broadcast_in_dim3A_147 : f32 to vector<16xf32>
    %swap3A_149 = arith.constant 5 : i32
    %swap3A_150 = arith.index_cast %swap3A_149 : i32 to index
    %swap3A_151 = arith.constant 0 : index
    %swap3A_152 = tpu.vector_load %arg15[%swap3A_150, %swap3A_151] {strides = array<i32>} : memref<8x16xf32, #tpu.memory_space<vmem>>, vector<16xf32>,
    tpu.vector_store %arg15[%swap3A_150, %swap3A_151], %broadcast_in_dim3A_148 {strides = array<i32>} : memref<8x16xf32, #tpu.memory_space<vmem>>, vector<16xf32>,
    %broadcast_in_dim3A_153 = arith.constant 0.000000e+00 : f32
    %broadcast_in_dim3A_154 = vector.broadcast %broadcast_in_dim3A_153 : f32 to vector<16xf32>
    %swap3A_155 = arith.constant 6 : i32
    %swap3A_156 = arith.index_cast %swap3A_155 : i32 to index
    %swap3A_157 = arith.constant 0 : index
    %swap3A_158 = tpu.vector_load %arg15[%swap3A_156, %swap3A_157] {strides = array<i32>} : memref<8x16xf32, #tpu.memory_space<vmem>>, vector<16xf32>,
    tpu.vector_store %arg15[%swap3A_156, %swap3A_157], %broadcast_in_dim3A_154 {strides = array<i32>} : memref<8x16xf32, #tpu.memory_space<vmem>>, vector<16xf32>,
    %broadcast_in_dim3A_159 = arith.constant 0.000000e+00 : f32
    %broadcast_in_dim3A_160 = vector.broadcast %broadcast_in_dim3A_159 : f32 to vector<16xf32>
    %swap3A_161 = arith.constant 7 : i32
    %swap3A_162 = arith.index_cast %swap3A_161 : i32 to index
    %swap3A_163 = arith.constant 0 : index
    %swap3A_164 = tpu.vector_load %arg15[%swap3A_162, %swap3A_163] {strides = array<i32>} : memref<8x16xf32, #tpu.memory_space<vmem>>, vector<16xf32>,
    tpu.vector_store %arg15[%swap3A_162, %swap3A_163], %broadcast_in_dim3A_160 {strides = array<i32>} : memref<8x16xf32, #tpu.memory_space<vmem>>, vector<16xf32>,
    %swap3A_165 = arith.constant 0 : i32
    %swap3A_166 = arith.index_cast %swap3A_165 : i32 to index
    %swap3A_167 = arith.constant 0 : index
    %swap3A_168 = tpu.vector_load %arg15[%swap3A_166, %swap3A_167] {strides = array<i32>} : memref<8x16xf32, #tpu.memory_space<vmem>>, vector<16xf32>,
    tpu.vector_store %arg15[%swap3A_166, %swap3A_167], %parallel_loop3A_72 {strides = array<i32>} : memref<8x16xf32, #tpu.memory_space<vmem>>, vector<16xf32>,
    "tpu.region"() ({
      %run_scoped3A = tpu.sem_alloc : memref<!tpu.dma_semaphore, #tpu.memory_space<semaphore_mem>>
      %dma_start3A_169 = arith.constant 0 : i32
      %dma_start3A_170 = arith.constant 0 : i32
      %dma_start3A_171 = tpu.memref_slice %arg8[%add3A, %dma_start3A_169, %dma_start3A_170] : memref<32x8x16xf32, #tpu.memory_space<hbm>> -> memref<1x8x16xf32, #tpu.memory_space<hbm>>
      %dma_start3A_172 = tpu.memref_squeeze %dma_start3A_171 : memref<1x8x16xf32, #tpu.memory_space<hbm>> -> memref<8x16xf32, #tpu.memory_space<hbm>>
      %dma_start3A_173 = arith.constant 0 : i32
      %dma_start3A_174 = arith.constant 0 : i32
      %dma_start3A_175 = tpu.memref_slice %arg8[%add3A, %dma_start3A_173, %dma_start3A_174] : memref<32x8x16xf32, #tpu.memory_space<hbm>> -> memref<1x8x16xf32, #tpu.memory_space<hbm>>
      %dma_start3A_176 = tpu.memref_squeeze %dma_start3A_175 : memref<1x8x16xf32, #tpu.memory_space<hbm>> -> memref<8x16xf32, #tpu.memory_space<hbm>>
      tpu.enqueue_dma source(%arg15 : memref<8x16xf32, #tpu.memory_space<vmem>>) target(%dma_start3A_176 : memref<8x16xf32, #tpu.memory_space<hbm>>) target_semaphore(%run_scoped3A : memref<!tpu.dma_semaphore, #tpu.memory_space<semaphore_mem>>)
      %dma_wait3A_177 = arith.constant 0 : i32
      %dma_wait3A_178 = arith.constant 0 : i32
      %dma_wait3A_179 = tpu.memref_slice %arg8[%add3A, %dma_wait3A_177, %dma_wait3A_178] : memref<32x8x16xf32, #tpu.memory_space<hbm>> -> memref<1x8x16xf32, #tpu.memory_space<hbm>>
      %dma_wait3A_180 = tpu.memref_squeeze %dma_wait3A_179 : memref<1x8x16xf32, #tpu.memory_space<hbm>> -> memref<8x16xf32, #tpu.memory_space<hbm>>
      %dma_wait3A_181 = arith.constant 0 : i32
      %dma_wait3A_182 = arith.constant 0 : i32
      %dma_wait3A_183 = tpu.memref_slice %arg8[%add3A, %dma_wait3A_181, %dma_wait3A_182] : memref<32x8x16xf32, #tpu.memory_space<hbm>> -> memref<1x8x16xf32, #tpu.memory_space<hbm>>
      %dma_wait3A_184 = tpu.memref_squeeze %dma_wait3A_183 : memref<1x8x16xf32, #tpu.memory_space<hbm>> -> memref<8x16xf32, #tpu.memory_space<hbm>>
      tpu.wait_dma2 semaphore(%run_scoped3A : memref<!tpu.dma_semaphore, #tpu.memory_space<semaphore_mem>>) src(%arg15 : memref<8x16xf32, #tpu.memory_space<vmem>>) dst(%dma_wait3A_184 : memref<8x16xf32, #tpu.memory_space<hbm>>)
      tpu.yield
    }) : () -> ()
    return
  }
}

#map = affine_map<(d0, d1) -> (0, 0)>
#map1 = affine_map<(d0, d1) -> (0, 0, 0)>
#map2 = affine_map<(d0, d1) -> (0)>
module attributes {stable_mosaic.version = 14 : i64} {
  func.func @_sc_nodeagg_body(%arg0: i32, %arg1: i32, %arg2: memref<10240x128xf32, #tpu.memory_space<hbm>>, %arg3: memref<10240x128xf32, #tpu.memory_space<hbm>>, %arg4: memref<32x313x32xi32, #tpu.memory_space<hbm>>, %arg5: memref<32x313x32xi32, #tpu.memory_space<hbm>>, %arg6: memref<10240x128xf32, #tpu.memory_space<hbm>>, %arg7: memref<20480x128xf32, #tpu.memory_space<hbm>>, %arg8: memref<327680xf32, #tpu.memory_space<hbm>>, %arg9: memref<4x32xi32, #tpu.memory_space<vmem>>, %arg10: memref<4x32xi32, #tpu.memory_space<vmem>>, %arg11: memref<2x32x128xf32, #tpu.memory_space<vmem>>, %arg12: memref<2x32x128xf32, #tpu.memory_space<vmem>>, %arg13: memref<2x32x128xf32, #tpu.memory_space<vmem>>, %arg14: memref<10240xf32, #tpu.memory_space<vmem>>, %arg15: memref<10240x128xf32, #tpu.memory_space<vmem_shared>>, %arg16: memref<!tpu.dma_semaphore, #tpu.memory_space<semaphore_mem>>, %arg17: memref<!tpu.dma_semaphore, #tpu.memory_space<semaphore_mem>>, %arg18: memref<!tpu.dma_semaphore, #tpu.memory_space<semaphore_mem>>, %arg19: memref<!tpu.dma_semaphore, #tpu.memory_space<semaphore_mem>>, %arg20: memref<!tpu.dma_semaphore, #tpu.memory_space<semaphore_mem>>) attributes {dimension_semantics = [#tpu.dimension_semantics<core_parallel>, #tpu.dimension_semantics<subcore_parallel>], iteration_bounds = array<i64: 2, 16>, scalar_prefetch = 0 : i64, scratch_operands = 12 : i64, tpu.core_type = #tpu.core_type<sc_vector_subcore>, window_params = [{transform_indices = #map}, {transform_indices = #map}, {transform_indices = #map1}, {transform_indices = #map1}, {transform_indices = #map}, {transform_indices = #map}, {transform_indices = #map2}]} {
    %mul3A = arith.constant 16 : i32
    %mul3A_0 = arith.muli %arg0, %mul3A : i32
    %add3A = arith.addi %mul3A_0, %arg1 : i32
    %mul3A_1 = arith.constant 640 : i32
    %mul3A_2 = arith.muli %arg1, %mul3A_1 : i32
    %mul3A_3 = arith.constant 640 : i32
    %mul3A_4 = arith.muli %arg1, %mul3A_3 : i32
    "tpu.region"() ({
      %run_scoped3A = tpu.sem_alloc : memref<!tpu.dma_semaphore, #tpu.memory_space<semaphore_mem>>
      %dma_start3A_215 = arith.constant 0 : i32
      %dma_start3A_216 = tpu.memref_slice %arg15[%mul3A_4, %dma_start3A_215] : memref<10240x128xf32, #tpu.memory_space<vmem_shared>> -> memref<640x128xf32, #tpu.memory_space<vmem_shared>>
      %dma_start3A_217 = arith.constant 0 : i32
      %dma_start3A_218 = tpu.memref_slice %arg6[%mul3A_2, %dma_start3A_217] : memref<10240x128xf32, #tpu.memory_space<hbm>> -> memref<640x128xf32, #tpu.memory_space<hbm>>
      tpu.enqueue_dma source(%dma_start3A_218 : memref<640x128xf32, #tpu.memory_space<hbm>>) target(%dma_start3A_216 : memref<640x128xf32, #tpu.memory_space<vmem_shared>>) target_semaphore(%run_scoped3A : memref<!tpu.dma_semaphore, #tpu.memory_space<semaphore_mem>>)
      %dma_wait3A_219 = arith.constant 0 : i32
      %dma_wait3A_220 = tpu.memref_slice %arg15[%mul3A_4, %dma_wait3A_219] : memref<10240x128xf32, #tpu.memory_space<vmem_shared>> -> memref<640x128xf32, #tpu.memory_space<vmem_shared>>
      %dma_wait3A_221 = arith.constant 0 : i32
      %dma_wait3A_222 = tpu.memref_slice %arg6[%mul3A_2, %dma_wait3A_221] : memref<10240x128xf32, #tpu.memory_space<hbm>> -> memref<640x128xf32, #tpu.memory_space<hbm>>
      tpu.wait_dma2 semaphore(%run_scoped3A : memref<!tpu.dma_semaphore, #tpu.memory_space<semaphore_mem>>) src(%dma_wait3A_222 : memref<640x128xf32, #tpu.memory_space<hbm>>) dst(%dma_wait3A_220 : memref<640x128xf32, #tpu.memory_space<vmem_shared>>)
      tpu.yield
    }) : () -> ()
    %scan3A = arith.constant 0 : i32
    %scan3A_5 = arith.constant 0 : i32
    %scan3A_6 = arith.constant 640 : i32
    %scan3A_7 = arith.addi %scan3A_5, %scan3A_6 : i32
    %scan3A_8 = arith.constant 1 : i32
    %scan3A_9 = scf.for %scan3A_215 = %scan3A_5 to %scan3A_7 step %scan3A_8 iter_args(%scan3A_216 = %scan3A) -> (i32)  : i32 {
      %broadcast_in_dim3A_217 = arith.constant 0.000000e+00 : f32
      %broadcast_in_dim3A_218 = vector.broadcast %broadcast_in_dim3A_217 : f32 to vector<16xf32>
      %mul3A_219 = arith.constant 16 : i32
      %mul3A_220 = arith.muli %scan3A_215, %mul3A_219 : i32
      %swap3A = arith.index_cast %mul3A_220 : i32 to index
      %swap3A_221 = tpu.vector_load %arg14[%swap3A] {strides = array<i32>} : memref<10240xf32, #tpu.memory_space<vmem>>, vector<16xf32>,
      tpu.vector_store %arg14[%swap3A], %broadcast_in_dim3A_218 {strides = array<i32>} : memref<10240xf32, #tpu.memory_space<vmem>>, vector<16xf32>,
      %scan3A_222 = arith.constant 0 : i32
      scf.yield %scan3A_222 : i32
    }
    %scan3A_10 = arith.constant 640 : i32
    %barrier3A = arith.constant 0 : index
    tpu.barrier barrier_id(%barrier3A)
    %broadcast_in_dim3A = arith.constant 1.000000e+00 : f32
    %broadcast_in_dim3A_11 = vector.broadcast %broadcast_in_dim3A : f32 to vector<16xf32>
    %dma_start3A = arith.constant 0 : i32
    %dma_start3A_12 = arith.constant 0 : i32
    %dma_start3A_13 = arith.constant 0 : i32
    %dma_start3A_14 = tpu.memref_slice %arg9[%dma_start3A_12, %dma_start3A_13] : memref<4x32xi32, #tpu.memory_space<vmem>> -> memref<1x32xi32, #tpu.memory_space<vmem>>
    %dma_start3A_15 = tpu.memref_squeeze %dma_start3A_14 : memref<1x32xi32, #tpu.memory_space<vmem>> -> memref<32xi32, #tpu.memory_space<vmem>>
    %dma_start3A_16 = arith.constant 0 : i32
    %dma_start3A_17 = tpu.memref_slice %arg4[%add3A, %dma_start3A, %dma_start3A_16] : memref<32x313x32xi32, #tpu.memory_space<hbm>> -> memref<1x1x32xi32, #tpu.memory_space<hbm>>
    %dma_start3A_18 = tpu.memref_squeeze %dma_start3A_17 : memref<1x1x32xi32, #tpu.memory_space<hbm>> -> memref<32xi32, #tpu.memory_space<hbm>>
    %dma_start3A_19 = arith.constant 0 : i32
    %dma_start3A_20 = tpu.memref_slice %arg9[%dma_start3A_12, %dma_start3A_19] : memref<4x32xi32, #tpu.memory_space<vmem>> -> memref<1x32xi32, #tpu.memory_space<vmem>>
    %dma_start3A_21 = tpu.memref_squeeze %dma_start3A_20 : memref<1x32xi32, #tpu.memory_space<vmem>> -> memref<32xi32, #tpu.memory_space<vmem>>
    %dma_start3A_22 = arith.constant 0 : i32
    %dma_start3A_23 = tpu.memref_slice %arg4[%add3A, %dma_start3A, %dma_start3A_22] : memref<32x313x32xi32, #tpu.memory_space<hbm>> -> memref<1x1x32xi32, #tpu.memory_space<hbm>>
    %dma_start3A_24 = tpu.memref_squeeze %dma_start3A_23 : memref<1x1x32xi32, #tpu.memory_space<hbm>> -> memref<32xi32, #tpu.memory_space<hbm>>
    tpu.enqueue_dma source(%dma_start3A_24 : memref<32xi32, #tpu.memory_space<hbm>>) target(%dma_start3A_21 : memref<32xi32, #tpu.memory_space<vmem>>) target_semaphore(%arg16 : memref<!tpu.dma_semaphore, #tpu.memory_space<semaphore_mem>>)
    %dma_start3A_25 = arith.constant 0 : i32
    %dma_start3A_26 = arith.constant 0 : i32
    %dma_start3A_27 = arith.constant 0 : i32
    %dma_start3A_28 = tpu.memref_slice %arg10[%dma_start3A_26, %dma_start3A_27] : memref<4x32xi32, #tpu.memory_space<vmem>> -> memref<1x32xi32, #tpu.memory_space<vmem>>
    %dma_start3A_29 = tpu.memref_squeeze %dma_start3A_28 : memref<1x32xi32, #tpu.memory_space<vmem>> -> memref<32xi32, #tpu.memory_space<vmem>>
    %dma_start3A_30 = arith.constant 0 : i32
    %dma_start3A_31 = tpu.memref_slice %arg5[%add3A, %dma_start3A_25, %dma_start3A_30] : memref<32x313x32xi32, #tpu.memory_space<hbm>> -> memref<1x1x32xi32, #tpu.memory_space<hbm>>
    %dma_start3A_32 = tpu.memref_squeeze %dma_start3A_31 : memref<1x1x32xi32, #tpu.memory_space<hbm>> -> memref<32xi32, #tpu.memory_space<hbm>>
    %dma_start3A_33 = arith.constant 0 : i32
    %dma_start3A_34 = tpu.memref_slice %arg10[%dma_start3A_26, %dma_start3A_33] : memref<4x32xi32, #tpu.memory_space<vmem>> -> memref<1x32xi32, #tpu.memory_space<vmem>>
    %dma_start3A_35 = tpu.memref_squeeze %dma_start3A_34 : memref<1x32xi32, #tpu.memory_space<vmem>> -> memref<32xi32, #tpu.memory_space<vmem>>
    %dma_start3A_36 = arith.constant 0 : i32
    %dma_start3A_37 = tpu.memref_slice %arg5[%add3A, %dma_start3A_25, %dma_start3A_36] : memref<32x313x32xi32, #tpu.memory_space<hbm>> -> memref<1x1x32xi32, #tpu.memory_space<hbm>>
    %dma_start3A_38 = tpu.memref_squeeze %dma_start3A_37 : memref<1x1x32xi32, #tpu.memory_space<hbm>> -> memref<32xi32, #tpu.memory_space<hbm>>
    tpu.enqueue_dma source(%dma_start3A_38 : memref<32xi32, #tpu.memory_space<hbm>>) target(%dma_start3A_35 : memref<32xi32, #tpu.memory_space<vmem>>) target_semaphore(%arg16 : memref<!tpu.dma_semaphore, #tpu.memory_space<semaphore_mem>>)
    %dma_start3A_39 = arith.constant 1 : i32
    %dma_start3A_40 = arith.constant 1 : i32
    %dma_start3A_41 = arith.constant 0 : i32
    %dma_start3A_42 = tpu.memref_slice %arg9[%dma_start3A_40, %dma_start3A_41] : memref<4x32xi32, #tpu.memory_space<vmem>> -> memref<1x32xi32, #tpu.memory_space<vmem>>
    %dma_start3A_43 = tpu.memref_squeeze %dma_start3A_42 : memref<1x32xi32, #tpu.memory_space<vmem>> -> memref<32xi32, #tpu.memory_space<vmem>>
    %dma_start3A_44 = arith.constant 0 : i32
    %dma_start3A_45 = tpu.memref_slice %arg4[%add3A, %dma_start3A_39, %dma_start3A_44] : memref<32x313x32xi32, #tpu.memory_space<hbm>> -> memref<1x1x32xi32, #tpu.memory_space<hbm>>
    %dma_start3A_46 = tpu.memref_squeeze %dma_start3A_45 : memref<1x1x32xi32, #tpu.memory_space<hbm>> -> memref<32xi32, #tpu.memory_space<hbm>>
    %dma_start3A_47 = arith.constant 0 : i32
    %dma_start3A_48 = tpu.memref_slice %arg9[%dma_start3A_40, %dma_start3A_47] : memref<4x32xi32, #tpu.memory_space<vmem>> -> memref<1x32xi32, #tpu.memory_space<vmem>>
    %dma_start3A_49 = tpu.memref_squeeze %dma_start3A_48 : memref<1x32xi32, #tpu.memory_space<vmem>> -> memref<32xi32, #tpu.memory_space<vmem>>
    %dma_start3A_50 = arith.constant 0 : i32
    %dma_start3A_51 = tpu.memref_slice %arg4[%add3A, %dma_start3A_39, %dma_start3A_50] : memref<32x313x32xi32, #tpu.memory_space<hbm>> -> memref<1x1x32xi32, #tpu.memory_space<hbm>>
    %dma_start3A_52 = tpu.memref_squeeze %dma_start3A_51 : memref<1x1x32xi32, #tpu.memory_space<hbm>> -> memref<32xi32, #tpu.memory_space<hbm>>
    tpu.enqueue_dma source(%dma_start3A_52 : memref<32xi32, #tpu.memory_space<hbm>>) target(%dma_start3A_49 : memref<32xi32, #tpu.memory_space<vmem>>) target_semaphore(%arg16 : memref<!tpu.dma_semaphore, #tpu.memory_space<semaphore_mem>>)
    %dma_start3A_53 = arith.constant 1 : i32
    %dma_start3A_54 = arith.constant 1 : i32
    %dma_start3A_55 = arith.constant 0 : i32
    %dma_start3A_56 = tpu.memref_slice %arg10[%dma_start3A_54, %dma_start3A_55] : memref<4x32xi32, #tpu.memory_space<vmem>> -> memref<1x32xi32, #tpu.memory_space<vmem>>
    %dma_start3A_57 = tpu.memref_squeeze %dma_start3A_56 : memref<1x32xi32, #tpu.memory_space<vmem>> -> memref<32xi32, #tpu.memory_space<vmem>>
    %dma_start3A_58 = arith.constant 0 : i32
    %dma_start3A_59 = tpu.memref_slice %arg5[%add3A, %dma_start3A_53, %dma_start3A_58] : memref<32x313x32xi32, #tpu.memory_space<hbm>> -> memref<1x1x32xi32, #tpu.memory_space<hbm>>
    %dma_start3A_60 = tpu.memref_squeeze %dma_start3A_59 : memref<1x1x32xi32, #tpu.memory_space<hbm>> -> memref<32xi32, #tpu.memory_space<hbm>>
    %dma_start3A_61 = arith.constant 0 : i32
    %dma_start3A_62 = tpu.memref_slice %arg10[%dma_start3A_54, %dma_start3A_61] : memref<4x32xi32, #tpu.memory_space<vmem>> -> memref<1x32xi32, #tpu.memory_space<vmem>>
    %dma_start3A_63 = tpu.memref_squeeze %dma_start3A_62 : memref<1x32xi32, #tpu.memory_space<vmem>> -> memref<32xi32, #tpu.memory_space<vmem>>
    %dma_start3A_64 = arith.constant 0 : i32
    %dma_start3A_65 = tpu.memref_slice %arg5[%add3A, %dma_start3A_53, %dma_start3A_64] : memref<32x313x32xi32, #tpu.memory_space<hbm>> -> memref<1x1x32xi32, #tpu.memory_space<hbm>>
    %dma_start3A_66 = tpu.memref_squeeze %dma_start3A_65 : memref<1x1x32xi32, #tpu.memory_space<hbm>> -> memref<32xi32, #tpu.memory_space<hbm>>
    tpu.enqueue_dma source(%dma_start3A_66 : memref<32xi32, #tpu.memory_space<hbm>>) target(%dma_start3A_63 : memref<32xi32, #tpu.memory_space<vmem>>) target_semaphore(%arg16 : memref<!tpu.dma_semaphore, #tpu.memory_space<semaphore_mem>>)
    %dma_wait3A = arith.constant 0 : i32
    %dma_wait3A_67 = arith.constant 0 : i32
    %dma_wait3A_68 = arith.constant 0 : i32
    %dma_wait3A_69 = tpu.memref_slice %arg9[%dma_wait3A_67, %dma_wait3A_68] : memref<4x32xi32, #tpu.memory_space<vmem>> -> memref<1x32xi32, #tpu.memory_space<vmem>>
    %dma_wait3A_70 = tpu.memref_squeeze %dma_wait3A_69 : memref<1x32xi32, #tpu.memory_space<vmem>> -> memref<32xi32, #tpu.memory_space<vmem>>
    %dma_wait3A_71 = arith.constant 0 : i32
    %dma_wait3A_72 = tpu.memref_slice %arg4[%add3A, %dma_wait3A, %dma_wait3A_71] : memref<32x313x32xi32, #tpu.memory_space<hbm>> -> memref<1x1x32xi32, #tpu.memory_space<hbm>>
    %dma_wait3A_73 = tpu.memref_squeeze %dma_wait3A_72 : memref<1x1x32xi32, #tpu.memory_space<hbm>> -> memref<32xi32, #tpu.memory_space<hbm>>
    %dma_wait3A_74 = arith.constant 0 : i32
    %dma_wait3A_75 = tpu.memref_slice %arg9[%dma_wait3A_67, %dma_wait3A_74] : memref<4x32xi32, #tpu.memory_space<vmem>> -> memref<1x32xi32, #tpu.memory_space<vmem>>
    %dma_wait3A_76 = tpu.memref_squeeze %dma_wait3A_75 : memref<1x32xi32, #tpu.memory_space<vmem>> -> memref<32xi32, #tpu.memory_space<vmem>>
    %dma_wait3A_77 = arith.constant 0 : i32
    %dma_wait3A_78 = tpu.memref_slice %arg4[%add3A, %dma_wait3A, %dma_wait3A_77] : memref<32x313x32xi32, #tpu.memory_space<hbm>> -> memref<1x1x32xi32, #tpu.memory_space<hbm>>
    %dma_wait3A_79 = tpu.memref_squeeze %dma_wait3A_78 : memref<1x1x32xi32, #tpu.memory_space<hbm>> -> memref<32xi32, #tpu.memory_space<hbm>>
    tpu.wait_dma2 semaphore(%arg16 : memref<!tpu.dma_semaphore, #tpu.memory_space<semaphore_mem>>) src(%dma_wait3A_79 : memref<32xi32, #tpu.memory_space<hbm>>) dst(%dma_wait3A_76 : memref<32xi32, #tpu.memory_space<vmem>>)
    %dma_wait3A_80 = arith.constant 0 : i32
    %dma_wait3A_81 = arith.constant 0 : i32
    %dma_wait3A_82 = arith.constant 0 : i32
    %dma_wait3A_83 = tpu.memref_slice %arg10[%dma_wait3A_81, %dma_wait3A_82] : memref<4x32xi32, #tpu.memory_space<vmem>> -> memref<1x32xi32, #tpu.memory_space<vmem>>
    %dma_wait3A_84 = tpu.memref_squeeze %dma_wait3A_83 : memref<1x32xi32, #tpu.memory_space<vmem>> -> memref<32xi32, #tpu.memory_space<vmem>>
    %dma_wait3A_85 = arith.constant 0 : i32
    %dma_wait3A_86 = tpu.memref_slice %arg5[%add3A, %dma_wait3A_80, %dma_wait3A_85] : memref<32x313x32xi32, #tpu.memory_space<hbm>> -> memref<1x1x32xi32, #tpu.memory_space<hbm>>
    %dma_wait3A_87 = tpu.memref_squeeze %dma_wait3A_86 : memref<1x1x32xi32, #tpu.memory_space<hbm>> -> memref<32xi32, #tpu.memory_space<hbm>>
    %dma_wait3A_88 = arith.constant 0 : i32
    %dma_wait3A_89 = tpu.memref_slice %arg10[%dma_wait3A_81, %dma_wait3A_88] : memref<4x32xi32, #tpu.memory_space<vmem>> -> memref<1x32xi32, #tpu.memory_space<vmem>>
    %dma_wait3A_90 = tpu.memref_squeeze %dma_wait3A_89 : memref<1x32xi32, #tpu.memory_space<vmem>> -> memref<32xi32, #tpu.memory_space<vmem>>
    %dma_wait3A_91 = arith.constant 0 : i32
    %dma_wait3A_92 = tpu.memref_slice %arg5[%add3A, %dma_wait3A_80, %dma_wait3A_91] : memref<32x313x32xi32, #tpu.memory_space<hbm>> -> memref<1x1x32xi32, #tpu.memory_space<hbm>>
    %dma_wait3A_93 = tpu.memref_squeeze %dma_wait3A_92 : memref<1x1x32xi32, #tpu.memory_space<hbm>> -> memref<32xi32, #tpu.memory_space<hbm>>
    tpu.wait_dma2 semaphore(%arg16 : memref<!tpu.dma_semaphore, #tpu.memory_space<semaphore_mem>>) src(%dma_wait3A_93 : memref<32xi32, #tpu.memory_space<hbm>>) dst(%dma_wait3A_90 : memref<32xi32, #tpu.memory_space<vmem>>)
    %dma_start3A_94 = arith.constant 0 : i32
    %dma_start3A_95 = arith.constant 0 : i32
    %dma_start3A_96 = arith.constant 0 : i32
    %dma_start3A_97 = arith.constant 0 : i32
    %dma_start3A_98 = tpu.memref_slice %arg11[%dma_start3A_95, %dma_start3A_96, %dma_start3A_97] : memref<2x32x128xf32, #tpu.memory_space<vmem>> -> memref<1x32x128xf32, #tpu.memory_space<vmem>>
    %dma_start3A_99 = tpu.memref_squeeze %dma_start3A_98 : memref<1x32x128xf32, #tpu.memory_space<vmem>> -> memref<32x128xf32, #tpu.memory_space<vmem>>
    %dma_start3A_100 = arith.constant 0 : i32
    %dma_start3A_101 = tpu.memref_slice %arg9[%dma_start3A_94, %dma_start3A_100] : memref<4x32xi32, #tpu.memory_space<vmem>> -> memref<1x32xi32, #tpu.memory_space<vmem>>
    %dma_start3A_102 = tpu.memref_squeeze %dma_start3A_101 : memref<1x32xi32, #tpu.memory_space<vmem>> -> memref<32xi32, #tpu.memory_space<vmem>>
    %dma_start3A_103 = arith.constant 0 : i32
    %dma_start3A_104 = arith.constant 0 : i32
    %dma_start3A_105 = tpu.memref_slice %arg2[%dma_start3A_103, %dma_start3A_104] : memref<10240x128xf32, #tpu.memory_space<hbm>> -> memref<10240x128xf32, #tpu.memory_space<hbm>>
    tpu.enqueue_indirect_dma source(%dma_start3A_105 : memref<10240x128xf32, #tpu.memory_space<hbm>>) target(%dma_start3A_99 : memref<32x128xf32, #tpu.memory_space<vmem>>) offsets(%dma_start3A_102 : memref<32xi32, #tpu.memory_space<vmem>>) semaphore(%arg17 : memref<!tpu.dma_semaphore, #tpu.memory_space<semaphore_mem>>)
    %dma_start3A_106 = arith.constant 0 : i32
    %dma_start3A_107 = arith.constant 0 : i32
    %dma_start3A_108 = arith.constant 0 : i32
    %dma_start3A_109 = arith.constant 0 : i32
    %dma_start3A_110 = tpu.memref_slice %arg12[%dma_start3A_107, %dma_start3A_108, %dma_start3A_109] : memref<2x32x128xf32, #tpu.memory_space<vmem>> -> memref<1x32x128xf32, #tpu.memory_space<vmem>>
    %dma_start3A_111 = tpu.memref_squeeze %dma_start3A_110 : memref<1x32x128xf32, #tpu.memory_space<vmem>> -> memref<32x128xf32, #tpu.memory_space<vmem>>
    %dma_start3A_112 = arith.constant 0 : i32
    %dma_start3A_113 = tpu.memref_slice %arg10[%dma_start3A_106, %dma_start3A_112] : memref<4x32xi32, #tpu.memory_space<vmem>> -> memref<1x32xi32, #tpu.memory_space<vmem>>
    %dma_start3A_114 = tpu.memref_squeeze %dma_start3A_113 : memref<1x32xi32, #tpu.memory_space<vmem>> -> memref<32xi32, #tpu.memory_space<vmem>>
    %dma_start3A_115 = arith.constant 0 : i32
    %dma_start3A_116 = arith.constant 0 : i32
    %dma_start3A_117 = tpu.memref_slice %arg3[%dma_start3A_115, %dma_start3A_116] : memref<10240x128xf32, #tpu.memory_space<hbm>> -> memref<10240x128xf32, #tpu.memory_space<hbm>>
    tpu.enqueue_indirect_dma source(%dma_start3A_117 : memref<10240x128xf32, #tpu.memory_space<hbm>>) target(%dma_start3A_111 : memref<32x128xf32, #tpu.memory_space<vmem>>) offsets(%dma_start3A_114 : memref<32xi32, #tpu.memory_space<vmem>>) semaphore(%arg17 : memref<!tpu.dma_semaphore, #tpu.memory_space<semaphore_mem>>)
    %scan3A_118 = arith.constant 0 : i32
    %scan3A_119 = arith.constant 0 : i32
    %scan3A_120 = arith.constant 78 : i32
    %scan3A_121 = arith.addi %scan3A_119, %scan3A_120 : i32
    %scan3A_122 = arith.constant 1 : i32
    scf.for %scan3A_215 = %scan3A_119 to %scan3A_121 step %scan3A_122  : i32 {
      %mul3A_216 = arith.constant 4 : i32
      %mul3A_217 = arith.muli %scan3A_215, %mul3A_216 : i32
      %add3A_218 = arith.constant 0 : i32
      %add3A_219 = arith.addi %mul3A_217, %add3A_218 : i32
      %dma_wait3A_220 = arith.constant 0 : i32
      %dma_wait3A_221 = arith.constant 0 : i32
      %dma_wait3A_222 = arith.constant 0 : i32
      %dma_wait3A_223 = arith.constant 0 : i32
      %dma_wait3A_224 = tpu.memref_slice %arg11[%dma_wait3A_221, %dma_wait3A_222, %dma_wait3A_223] : memref<2x32x128xf32, #tpu.memory_space<vmem>> -> memref<1x32x128xf32, #tpu.memory_space<vmem>>
      %dma_wait3A_225 = tpu.memref_squeeze %dma_wait3A_224 : memref<1x32x128xf32, #tpu.memory_space<vmem>> -> memref<32x128xf32, #tpu.memory_space<vmem>>
      %dma_wait3A_226 = arith.constant 0 : i32
      %dma_wait3A_227 = tpu.memref_slice %arg9[%dma_wait3A_220, %dma_wait3A_226] : memref<4x32xi32, #tpu.memory_space<vmem>> -> memref<1x32xi32, #tpu.memory_space<vmem>>
      %dma_wait3A_228 = tpu.memref_squeeze %dma_wait3A_227 : memref<1x32xi32, #tpu.memory_space<vmem>> -> memref<32xi32, #tpu.memory_space<vmem>>
      %dma_wait3A_229 = arith.constant 0 : i32
      %dma_wait3A_230 = arith.constant 0 : i32
      %dma_wait3A_231 = tpu.memref_slice %arg2[%dma_wait3A_229, %dma_wait3A_230] : memref<10240x128xf32, #tpu.memory_space<hbm>> -> memref<10240x128xf32, #tpu.memory_space<hbm>>
      tpu.wait_indirect_dma semaphore(%arg17 : memref<!tpu.dma_semaphore, #tpu.memory_space<semaphore_mem>>) src(%dma_wait3A_231 : memref<10240x128xf32, #tpu.memory_space<hbm>>) dst(%dma_wait3A_225 : memref<32x128xf32, #tpu.memory_space<vmem>>)
      %dma_wait3A_232 = arith.constant 0 : i32
      %dma_wait3A_233 = arith.constant 0 : i32
      %dma_wait3A_234 = arith.constant 0 : i32
      %dma_wait3A_235 = arith.constant 0 : i32
      %dma_wait3A_236 = tpu.memref_slice %arg12[%dma_wait3A_233, %dma_wait3A_234, %dma_wait3A_235] : memref<2x32x128xf32, #tpu.memory_space<vmem>> -> memref<1x32x128xf32, #tpu.memory_space<vmem>>
      %dma_wait3A_237 = tpu.memref_squeeze %dma_wait3A_236 : memref<1x32x128xf32, #tpu.memory_space<vmem>> -> memref<32x128xf32, #tpu.memory_space<vmem>>
      %dma_wait3A_238 = arith.constant 0 : i32
      %dma_wait3A_239 = tpu.memref_slice %arg10[%dma_wait3A_232, %dma_wait3A_238] : memref<4x32xi32, #tpu.memory_space<vmem>> -> memref<1x32xi32, #tpu.memory_space<vmem>>
      %dma_wait3A_240 = tpu.memref_squeeze %dma_wait3A_239 : memref<1x32xi32, #tpu.memory_space<vmem>> -> memref<32xi32, #tpu.memory_space<vmem>>
      %dma_wait3A_241 = arith.constant 0 : i32
      %dma_wait3A_242 = arith.constant 0 : i32
      %dma_wait3A_243 = tpu.memref_slice %arg3[%dma_wait3A_241, %dma_wait3A_242] : memref<10240x128xf32, #tpu.memory_space<hbm>> -> memref<10240x128xf32, #tpu.memory_space<hbm>>
      tpu.wait_indirect_dma semaphore(%arg17 : memref<!tpu.dma_semaphore, #tpu.memory_space<semaphore_mem>>) src(%dma_wait3A_243 : memref<10240x128xf32, #tpu.memory_space<hbm>>) dst(%dma_wait3A_237 : memref<32x128xf32, #tpu.memory_space<vmem>>)
      %add3A_244 = arith.constant 1 : i32
      %add3A_245 = arith.addi %add3A_219, %add3A_244 : i32
      %dma_wait3A_246 = arith.constant 1 : i32
      %dma_wait3A_247 = arith.constant 0 : i32
      %dma_wait3A_248 = tpu.memref_slice %arg9[%dma_wait3A_246, %dma_wait3A_247] : memref<4x32xi32, #tpu.memory_space<vmem>> -> memref<1x32xi32, #tpu.memory_space<vmem>>
      %dma_wait3A_249 = tpu.memref_squeeze %dma_wait3A_248 : memref<1x32xi32, #tpu.memory_space<vmem>> -> memref<32xi32, #tpu.memory_space<vmem>>
      %dma_wait3A_250 = arith.constant 0 : i32
      %dma_wait3A_251 = tpu.memref_slice %arg4[%add3A, %add3A_245, %dma_wait3A_250] : memref<32x313x32xi32, #tpu.memory_space<hbm>> -> memref<1x1x32xi32, #tpu.memory_space<hbm>>
      %dma_wait3A_252 = tpu.memref_squeeze %dma_wait3A_251 : memref<1x1x32xi32, #tpu.memory_space<hbm>> -> memref<32xi32, #tpu.memory_space<hbm>>
      %dma_wait3A_253 = arith.constant 0 : i32
      %dma_wait3A_254 = tpu.memref_slice %arg9[%dma_wait3A_246, %dma_wait3A_253] : memref<4x32xi32, #tpu.memory_space<vmem>> -> memref<1x32xi32, #tpu.memory_space<vmem>>
      %dma_wait3A_255 = tpu.memref_squeeze %dma_wait3A_254 : memref<1x32xi32, #tpu.memory_space<vmem>> -> memref<32xi32, #tpu.memory_space<vmem>>
      %dma_wait3A_256 = arith.constant 0 : i32
      %dma_wait3A_257 = tpu.memref_slice %arg4[%add3A, %add3A_245, %dma_wait3A_256] : memref<32x313x32xi32, #tpu.memory_space<hbm>> -> memref<1x1x32xi32, #tpu.memory_space<hbm>>
      %dma_wait3A_258 = tpu.memref_squeeze %dma_wait3A_257 : memref<1x1x32xi32, #tpu.memory_space<hbm>> -> memref<32xi32, #tpu.memory_space<hbm>>
      tpu.wait_dma2 semaphore(%arg16 : memref<!tpu.dma_semaphore, #tpu.memory_space<semaphore_mem>>) src(%dma_wait3A_258 : memref<32xi32, #tpu.memory_space<hbm>>) dst(%dma_wait3A_255 : memref<32xi32, #tpu.memory_space<vmem>>)
      %dma_wait3A_259 = arith.constant 1 : i32
      %dma_wait3A_260 = arith.constant 0 : i32
      %dma_wait3A_261 = tpu.memref_slice %arg10[%dma_wait3A_259, %dma_wait3A_260] : memref<4x32xi32, #tpu.memory_space<vmem>> -> memref<1x32xi32, #tpu.memory_space<vmem>>
      %dma_wait3A_262 = tpu.memref_squeeze %dma_wait3A_261 : memref<1x32xi32, #tpu.memory_space<vmem>> -> memref<32xi32, #tpu.memory_space<vmem>>
      %dma_wait3A_263 = arith.constant 0 : i32
      %dma_wait3A_264 = tpu.memref_slice %arg5[%add3A, %add3A_245, %dma_wait3A_263] : memref<32x313x32xi32, #tpu.memory_space<hbm>> -> memref<1x1x32xi32, #tpu.memory_space<hbm>>
      %dma_wait3A_265 = tpu.memref_squeeze %dma_wait3A_264 : memref<1x1x32xi32, #tpu.memory_space<hbm>> -> memref<32xi32, #tpu.memory_space<hbm>>
      %dma_wait3A_266 = arith.constant 0 : i32
      %dma_wait3A_267 = tpu.memref_slice %arg10[%dma_wait3A_259, %dma_wait3A_266] : memref<4x32xi32, #tpu.memory_space<vmem>> -> memref<1x32xi32, #tpu.memory_space<vmem>>
      %dma_wait3A_268 = tpu.memref_squeeze %dma_wait3A_267 : memref<1x32xi32, #tpu.memory_space<vmem>> -> memref<32xi32, #tpu.memory_space<vmem>>
      %dma_wait3A_269 = arith.constant 0 : i32
      %dma_wait3A_270 = tpu.memref_slice %arg5[%add3A, %add3A_245, %dma_wait3A_269] : memref<32x313x32xi32, #tpu.memory_space<hbm>> -> memref<1x1x32xi32, #tpu.memory_space<hbm>>
      %dma_wait3A_271 = tpu.memref_squeeze %dma_wait3A_270 : memref<1x1x32xi32, #tpu.memory_space<hbm>> -> memref<32xi32, #tpu.memory_space<hbm>>
      tpu.wait_dma2 semaphore(%arg16 : memref<!tpu.dma_semaphore, #tpu.memory_space<semaphore_mem>>) src(%dma_wait3A_271 : memref<32xi32, #tpu.memory_space<hbm>>) dst(%dma_wait3A_268 : memref<32xi32, #tpu.memory_space<vmem>>)
      %dma_start3A_272 = arith.constant 1 : i32
      %dma_start3A_273 = arith.constant 1 : i32
      %dma_start3A_274 = arith.constant 0 : i32
      %dma_start3A_275 = arith.constant 0 : i32
      %dma_start3A_276 = tpu.memref_slice %arg11[%dma_start3A_273, %dma_start3A_274, %dma_start3A_275] : memref<2x32x128xf32, #tpu.memory_space<vmem>> -> memref<1x32x128xf32, #tpu.memory_space<vmem>>
      %dma_start3A_277 = tpu.memref_squeeze %dma_start3A_276 : memref<1x32x128xf32, #tpu.memory_space<vmem>> -> memref<32x128xf32, #tpu.memory_space<vmem>>
      %dma_start3A_278 = arith.constant 0 : i32
      %dma_start3A_279 = tpu.memref_slice %arg9[%dma_start3A_272, %dma_start3A_278] : memref<4x32xi32, #tpu.memory_space<vmem>> -> memref<1x32xi32, #tpu.memory_space<vmem>>
      %dma_start3A_280 = tpu.memref_squeeze %dma_start3A_279 : memref<1x32xi32, #tpu.memory_space<vmem>> -> memref<32xi32, #tpu.memory_space<vmem>>
      %dma_start3A_281 = arith.constant 0 : i32
      %dma_start3A_282 = arith.constant 0 : i32
      %dma_start3A_283 = tpu.memref_slice %arg2[%dma_start3A_281, %dma_start3A_282] : memref<10240x128xf32, #tpu.memory_space<hbm>> -> memref<10240x128xf32, #tpu.memory_space<hbm>>
      tpu.enqueue_indirect_dma source(%dma_start3A_283 : memref<10240x128xf32, #tpu.memory_space<hbm>>) target(%dma_start3A_277 : memref<32x128xf32, #tpu.memory_space<vmem>>) offsets(%dma_start3A_280 : memref<32xi32, #tpu.memory_space<vmem>>) semaphore(%arg18 : memref<!tpu.dma_semaphore, #tpu.memory_space<semaphore_mem>>)
      %dma_start3A_284 = arith.constant 1 : i32
      %dma_start3A_285 = arith.constant 1 : i32
      %dma_start3A_286 = arith.constant 0 : i32
      %dma_start3A_287 = arith.constant 0 : i32
      %dma_start3A_288 = tpu.memref_slice %arg12[%dma_start3A_285, %dma_start3A_286, %dma_start3A_287] : memref<2x32x128xf32, #tpu.memory_space<vmem>> -> memref<1x32x128xf32, #tpu.memory_space<vmem>>
      %dma_start3A_289 = tpu.memref_squeeze %dma_start3A_288 : memref<1x32x128xf32, #tpu.memory_space<vmem>> -> memref<32x128xf32, #tpu.memory_space<vmem>>
      %dma_start3A_290 = arith.constant 0 : i32
      %dma_start3A_291 = tpu.memref_slice %arg10[%dma_start3A_284, %dma_start3A_290] : memref<4x32xi32, #tpu.memory_space<vmem>> -> memref<1x32xi32, #tpu.memory_space<vmem>>
      %dma_start3A_292 = tpu.memref_squeeze %dma_start3A_291 : memref<1x32xi32, #tpu.memory_space<vmem>> -> memref<32xi32, #tpu.memory_space<vmem>>
      %dma_start3A_293 = arith.constant 0 : i32
      %dma_start3A_294 = arith.constant 0 : i32
      %dma_start3A_295 = tpu.memref_slice %arg3[%dma_start3A_293, %dma_start3A_294] : memref<10240x128xf32, #tpu.memory_space<hbm>> -> memref<10240x128xf32, #tpu.memory_space<hbm>>
      tpu.enqueue_indirect_dma source(%dma_start3A_295 : memref<10240x128xf32, #tpu.memory_space<hbm>>) target(%dma_start3A_289 : memref<32x128xf32, #tpu.memory_space<vmem>>) offsets(%dma_start3A_292 : memref<32xi32, #tpu.memory_space<vmem>>) semaphore(%arg18 : memref<!tpu.dma_semaphore, #tpu.memory_space<semaphore_mem>>)
      %ge3A = arith.constant 1 : i32
      %ge3A_296 = arith.cmpi sge, %scan3A_215, %ge3A : i32
      %convert_element_type3A = arith.extui %ge3A_296 : i1 to i32
      %cond3A = arith.constant 0 : i32
      %cond3A_297 = arith.cmpi ne, %convert_element_type3A, %cond3A : i32
      scf.if %cond3A_297 {
        %dma_wait3A_747 = arith.constant 0 : i32
        %dma_wait3A_748 = arith.constant 2 : i32
        %dma_wait3A_749 = arith.constant 0 : i32
        %dma_wait3A_750 = arith.constant 0 : i32
        %dma_wait3A_751 = tpu.memref_slice %arg13[%dma_wait3A_747, %dma_wait3A_749, %dma_wait3A_750] : memref<2x32x128xf32, #tpu.memory_space<vmem>> -> memref<1x32x128xf32, #tpu.memory_space<vmem>>
        %dma_wait3A_752 = tpu.memref_squeeze %dma_wait3A_751 : memref<1x32x128xf32, #tpu.memory_space<vmem>> -> memref<32x128xf32, #tpu.memory_space<vmem>>
        %dma_wait3A_753 = arith.constant 0 : i32
        %dma_wait3A_754 = tpu.memref_slice %arg10[%dma_wait3A_748, %dma_wait3A_753] : memref<4x32xi32, #tpu.memory_space<vmem>> -> memref<1x32xi32, #tpu.memory_space<vmem>>
        %dma_wait3A_755 = tpu.memref_squeeze %dma_wait3A_754 : memref<1x32xi32, #tpu.memory_space<vmem>> -> memref<32xi32, #tpu.memory_space<vmem>>
        %dma_wait3A_756 = arith.constant 0 : i32
        %dma_wait3A_757 = arith.constant 0 : i32
        %dma_wait3A_758 = tpu.memref_slice %arg15[%dma_wait3A_756, %dma_wait3A_757] : memref<10240x128xf32, #tpu.memory_space<vmem_shared>> -> memref<10240x128xf32, #tpu.memory_space<vmem_shared>>
        tpu.wait_indirect_dma semaphore(%arg19 : memref<!tpu.dma_semaphore, #tpu.memory_space<semaphore_mem>>) src(%dma_wait3A_752 : memref<32x128xf32, #tpu.memory_space<vmem>>) dst(%dma_wait3A_758 : memref<10240x128xf32, #tpu.memory_space<vmem_shared>>)
      } else {
      }
      %add3A_298 = arith.constant 2 : i32
      %add3A_299 = arith.addi %add3A_219, %add3A_298 : i32
      %dma_start3A_300 = arith.constant 2 : i32
      %dma_start3A_301 = arith.constant 0 : i32
      %dma_start3A_302 = tpu.memref_slice %arg9[%dma_start3A_300, %dma_start3A_301] : memref<4x32xi32, #tpu.memory_space<vmem>> -> memref<1x32xi32, #tpu.memory_space<vmem>>
      %dma_start3A_303 = tpu.memref_squeeze %dma_start3A_302 : memref<1x32xi32, #tpu.memory_space<vmem>> -> memref<32xi32, #tpu.memory_space<vmem>>
      %dma_start3A_304 = arith.constant 0 : i32
      %dma_start3A_305 = tpu.memref_slice %arg4[%add3A, %add3A_299, %dma_start3A_304] : memref<32x313x32xi32, #tpu.memory_space<hbm>> -> memref<1x1x32xi32, #tpu.memory_space<hbm>>
      %dma_start3A_306 = tpu.memref_squeeze %dma_start3A_305 : memref<1x1x32xi32, #tpu.memory_space<hbm>> -> memref<32xi32, #tpu.memory_space<hbm>>
      %dma_start3A_307 = arith.constant 0 : i32
      %dma_start3A_308 = tpu.memref_slice %arg9[%dma_start3A_300, %dma_start3A_307] : memref<4x32xi32, #tpu.memory_space<vmem>> -> memref<1x32xi32, #tpu.memory_space<vmem>>
      %dma_start3A_309 = tpu.memref_squeeze %dma_start3A_308 : memref<1x32xi32, #tpu.memory_space<vmem>> -> memref<32xi32, #tpu.memory_space<vmem>>
      %dma_start3A_310 = arith.constant 0 : i32
      %dma_start3A_311 = tpu.memref_slice %arg4[%add3A, %add3A_299, %dma_start3A_310] : memref<32x313x32xi32, #tpu.memory_space<hbm>> -> memref<1x1x32xi32, #tpu.memory_space<hbm>>
      %dma_start3A_312 = tpu.memref_squeeze %dma_start3A_311 : memref<1x1x32xi32, #tpu.memory_space<hbm>> -> memref<32xi32, #tpu.memory_space<hbm>>
      tpu.enqueue_dma source(%dma_start3A_312 : memref<32xi32, #tpu.memory_space<hbm>>) target(%dma_start3A_309 : memref<32xi32, #tpu.memory_space<vmem>>) target_semaphore(%arg16 : memref<!tpu.dma_semaphore, #tpu.memory_space<semaphore_mem>>)
      %dma_start3A_313 = arith.constant 2 : i32
      %dma_start3A_314 = arith.constant 0 : i32
      %dma_start3A_315 = tpu.memref_slice %arg10[%dma_start3A_313, %dma_start3A_314] : memref<4x32xi32, #tpu.memory_space<vmem>> -> memref<1x32xi32, #tpu.memory_space<vmem>>
      %dma_start3A_316 = tpu.memref_squeeze %dma_start3A_315 : memref<1x32xi32, #tpu.memory_space<vmem>> -> memref<32xi32, #tpu.memory_space<vmem>>
      %dma_start3A_317 = arith.constant 0 : i32
      %dma_start3A_318 = tpu.memref_slice %arg5[%add3A, %add3A_299, %dma_start3A_317] : memref<32x313x32xi32, #tpu.memory_space<hbm>> -> memref<1x1x32xi32, #tpu.memory_space<hbm>>
      %dma_start3A_319 = tpu.memref_squeeze %dma_start3A_318 : memref<1x1x32xi32, #tpu.memory_space<hbm>> -> memref<32xi32, #tpu.memory_space<hbm>>
      %dma_start3A_320 = arith.constant 0 : i32
      %dma_start3A_321 = tpu.memref_slice %arg10[%dma_start3A_313, %dma_start3A_320] : memref<4x32xi32, #tpu.memory_space<vmem>> -> memref<1x32xi32, #tpu.memory_space<vmem>>
      %dma_start3A_322 = tpu.memref_squeeze %dma_start3A_321 : memref<1x32xi32, #tpu.memory_space<vmem>> -> memref<32xi32, #tpu.memory_space<vmem>>
      %dma_start3A_323 = arith.constant 0 : i32
      %dma_start3A_324 = tpu.memref_slice %arg5[%add3A, %add3A_299, %dma_start3A_323] : memref<32x313x32xi32, #tpu.memory_space<hbm>> -> memref<1x1x32xi32, #tpu.memory_space<hbm>>
      %dma_start3A_325 = tpu.memref_squeeze %dma_start3A_324 : memref<1x1x32xi32, #tpu.memory_space<hbm>> -> memref<32xi32, #tpu.memory_space<hbm>>
      tpu.enqueue_dma source(%dma_start3A_325 : memref<32xi32, #tpu.memory_space<hbm>>) target(%dma_start3A_322 : memref<32xi32, #tpu.memory_space<vmem>>) target_semaphore(%arg16 : memref<!tpu.dma_semaphore, #tpu.memory_space<semaphore_mem>>)
      %parallel_loop3A_326 = arith.constant 0 : i32
      %parallel_loop3A_327 = arith.constant 32 : i32
      %parallel_loop3A_328 = arith.constant 1 : i32
      scf.for %parallel_loop3A_747 = %parallel_loop3A_326 to %parallel_loop3A_327 step %parallel_loop3A_328  : i32 {
        %parallel_loop3A_748 = arith.constant 0 : i32
        %parallel_loop3A_749 = arith.index_cast %parallel_loop3A_748 : i32 to index
        %parallel_loop3A_750 = arith.index_cast %parallel_loop3A_747 : i32 to index
        %parallel_loop3A_751 = arith.constant 0 : index
        %parallel_loop3A_752 = tpu.vector_load %arg11[%parallel_loop3A_749, %parallel_loop3A_750, %parallel_loop3A_751] {strides = array<i32>} : memref<2x32x128xf32, #tpu.memory_space<vmem>>, vector<16xf32>,
        %parallel_loop3A_753 = arith.constant 0 : i32
        %parallel_loop3A_754 = arith.index_cast %parallel_loop3A_753 : i32 to index
        %parallel_loop3A_755 = arith.index_cast %parallel_loop3A_747 : i32 to index
        %parallel_loop3A_756 = arith.constant 0 : index
        %parallel_loop3A_757 = tpu.vector_load %arg12[%parallel_loop3A_754, %parallel_loop3A_755, %parallel_loop3A_756] {strides = array<i32>} : memref<2x32x128xf32, #tpu.memory_space<vmem>>, vector<16xf32>,
        %parallel_loop3A_758 = arith.addf %parallel_loop3A_752, %parallel_loop3A_757 : vector<16xf32>
        %parallel_loop3A_759 = arith.constant 0.000000e+00 : f32
        %parallel_loop3A_760 = vector.broadcast %parallel_loop3A_759 : f32 to vector<16xf32>
        %parallel_loop3A_761 = arith.maximumf %parallel_loop3A_758, %parallel_loop3A_760 : vector<16xf32>
        %parallel_loop3A_762 = arith.constant 0 : i32
        %parallel_loop3A_763 = arith.index_cast %parallel_loop3A_762 : i32 to index
        %parallel_loop3A_764 = arith.index_cast %parallel_loop3A_747 : i32 to index
        %parallel_loop3A_765 = arith.constant 0 : index
        %parallel_loop3A_766 = tpu.vector_load %arg13[%parallel_loop3A_763, %parallel_loop3A_764, %parallel_loop3A_765] {strides = array<i32>} : memref<2x32x128xf32, #tpu.memory_space<vmem>>, vector<16xf32>,
        tpu.vector_store %arg13[%parallel_loop3A_763, %parallel_loop3A_764, %parallel_loop3A_765], %parallel_loop3A_761 {strides = array<i32>} : memref<2x32x128xf32, #tpu.memory_space<vmem>>, vector<16xf32>,
        %parallel_loop3A_767 = arith.constant 0 : i32
        %parallel_loop3A_768 = arith.index_cast %parallel_loop3A_767 : i32 to index
        %parallel_loop3A_769 = arith.index_cast %parallel_loop3A_747 : i32 to index
        %parallel_loop3A_770 = arith.constant 16 : index
        %parallel_loop3A_771 = tpu.vector_load %arg11[%parallel_loop3A_768, %parallel_loop3A_769, %parallel_loop3A_770] {strides = array<i32>} : memref<2x32x128xf32, #tpu.memory_space<vmem>>, vector<16xf32>,
        %parallel_loop3A_772 = arith.constant 0 : i32
        %parallel_loop3A_773 = arith.index_cast %parallel_loop3A_772 : i32 to index
        %parallel_loop3A_774 = arith.index_cast %parallel_loop3A_747 : i32 to index
        %parallel_loop3A_775 = arith.constant 16 : index
        %parallel_loop3A_776 = tpu.vector_load %arg12[%parallel_loop3A_773, %parallel_loop3A_774, %parallel_loop3A_775] {strides = array<i32>} : memref<2x32x128xf32, #tpu.memory_space<vmem>>, vector<16xf32>,
        %parallel_loop3A_777 = arith.addf %parallel_loop3A_771, %parallel_loop3A_776 : vector<16xf32>
        %parallel_loop3A_778 = arith.constant 0.000000e+00 : f32
        %parallel_loop3A_779 = vector.broadcast %parallel_loop3A_778 : f32 to vector<16xf32>
        %parallel_loop3A_780 = arith.maximumf %parallel_loop3A_777, %parallel_loop3A_779 : vector<16xf32>
        %parallel_loop3A_781 = arith.constant 0 : i32
        %parallel_loop3A_782 = arith.index_cast %parallel_loop3A_781 : i32 to index
        %parallel_loop3A_783 = arith.index_cast %parallel_loop3A_747 : i32 to index
        %parallel_loop3A_784 = arith.constant 16 : index
        %parallel_loop3A_785 = tpu.vector_load %arg13[%parallel_loop3A_782, %parallel_loop3A_783, %parallel_loop3A_784] {strides = array<i32>} : memref<2x32x128xf32, #tpu.memory_space<vmem>>, vector<16xf32>,
        tpu.vector_store %arg13[%parallel_loop3A_782, %parallel_loop3A_783, %parallel_loop3A_784], %parallel_loop3A_780 {strides = array<i32>} : memref<2x32x128xf32, #tpu.memory_space<vmem>>, vector<16xf32>,
        %parallel_loop3A_786 = arith.constant 0 : i32
        %parallel_loop3A_787 = arith.index_cast %parallel_loop3A_786 : i32 to index
        %parallel_loop3A_788 = arith.index_cast %parallel_loop3A_747 : i32 to index
        %parallel_loop3A_789 = arith.constant 32 : index
        %parallel_loop3A_790 = tpu.vector_load %arg11[%parallel_loop3A_787, %parallel_loop3A_788, %parallel_loop3A_789] {strides = array<i32>} : memref<2x32x128xf32, #tpu.memory_space<vmem>>, vector<16xf32>,
        %parallel_loop3A_791 = arith.constant 0 : i32
        %parallel_loop3A_792 = arith.index_cast %parallel_loop3A_791 : i32 to index
        %parallel_loop3A_793 = arith.index_cast %parallel_loop3A_747 : i32 to index
        %parallel_loop3A_794 = arith.constant 32 : index
        %parallel_loop3A_795 = tpu.vector_load %arg12[%parallel_loop3A_792, %parallel_loop3A_793, %parallel_loop3A_794] {strides = array<i32>} : memref<2x32x128xf32, #tpu.memory_space<vmem>>, vector<16xf32>,
        %parallel_loop3A_796 = arith.addf %parallel_loop3A_790, %parallel_loop3A_795 : vector<16xf32>
        %parallel_loop3A_797 = arith.constant 0.000000e+00 : f32
        %parallel_loop3A_798 = vector.broadcast %parallel_loop3A_797 : f32 to vector<16xf32>
        %parallel_loop3A_799 = arith.maximumf %parallel_loop3A_796, %parallel_loop3A_798 : vector<16xf32>
        %parallel_loop3A_800 = arith.constant 0 : i32
        %parallel_loop3A_801 = arith.index_cast %parallel_loop3A_800 : i32 to index
        %parallel_loop3A_802 = arith.index_cast %parallel_loop3A_747 : i32 to index
        %parallel_loop3A_803 = arith.constant 32 : index
        %parallel_loop3A_804 = tpu.vector_load %arg13[%parallel_loop3A_801, %parallel_loop3A_802, %parallel_loop3A_803] {strides = array<i32>} : memref<2x32x128xf32, #tpu.memory_space<vmem>>, vector<16xf32>,
        tpu.vector_store %arg13[%parallel_loop3A_801, %parallel_loop3A_802, %parallel_loop3A_803], %parallel_loop3A_799 {strides = array<i32>} : memref<2x32x128xf32, #tpu.memory_space<vmem>>, vector<16xf32>,
        %parallel_loop3A_805 = arith.constant 0 : i32
        %parallel_loop3A_806 = arith.index_cast %parallel_loop3A_805 : i32 to index
        %parallel_loop3A_807 = arith.index_cast %parallel_loop3A_747 : i32 to index
        %parallel_loop3A_808 = arith.constant 48 : index
        %parallel_loop3A_809 = tpu.vector_load %arg11[%parallel_loop3A_806, %parallel_loop3A_807, %parallel_loop3A_808] {strides = array<i32>} : memref<2x32x128xf32, #tpu.memory_space<vmem>>, vector<16xf32>,
        %parallel_loop3A_810 = arith.constant 0 : i32
        %parallel_loop3A_811 = arith.index_cast %parallel_loop3A_810 : i32 to index
        %parallel_loop3A_812 = arith.index_cast %parallel_loop3A_747 : i32 to index
        %parallel_loop3A_813 = arith.constant 48 : index
        %parallel_loop3A_814 = tpu.vector_load %arg12[%parallel_loop3A_811, %parallel_loop3A_812, %parallel_loop3A_813] {strides = array<i32>} : memref<2x32x128xf32, #tpu.memory_space<vmem>>, vector<16xf32>,
        %parallel_loop3A_815 = arith.addf %parallel_loop3A_809, %parallel_loop3A_814 : vector<16xf32>
        %parallel_loop3A_816 = arith.constant 0.000000e+00 : f32
        %parallel_loop3A_817 = vector.broadcast %parallel_loop3A_816 : f32 to vector<16xf32>
        %parallel_loop3A_818 = arith.maximumf %parallel_loop3A_815, %parallel_loop3A_817 : vector<16xf32>
        %parallel_loop3A_819 = arith.constant 0 : i32
        %parallel_loop3A_820 = arith.index_cast %parallel_loop3A_819 : i32 to index
        %parallel_loop3A_821 = arith.index_cast %parallel_loop3A_747 : i32 to index
        %parallel_loop3A_822 = arith.constant 48 : index
        %parallel_loop3A_823 = tpu.vector_load %arg13[%parallel_loop3A_820, %parallel_loop3A_821, %parallel_loop3A_822] {strides = array<i32>} : memref<2x32x128xf32, #tpu.memory_space<vmem>>, vector<16xf32>,
        tpu.vector_store %arg13[%parallel_loop3A_820, %parallel_loop3A_821, %parallel_loop3A_822], %parallel_loop3A_818 {strides = array<i32>} : memref<2x32x128xf32, #tpu.memory_space<vmem>>, vector<16xf32>,
        %parallel_loop3A_824 = arith.constant 0 : i32
        %parallel_loop3A_825 = arith.index_cast %parallel_loop3A_824 : i32 to index
        %parallel_loop3A_826 = arith.index_cast %parallel_loop3A_747 : i32 to index
        %parallel_loop3A_827 = arith.constant 64 : index
        %parallel_loop3A_828 = tpu.vector_load %arg11[%parallel_loop3A_825, %parallel_loop3A_826, %parallel_loop3A_827] {strides = array<i32>} : memref<2x32x128xf32, #tpu.memory_space<vmem>>, vector<16xf32>,
        %parallel_loop3A_829 = arith.constant 0 : i32
        %parallel_loop3A_830 = arith.index_cast %parallel_loop3A_829 : i32 to index
        %parallel_loop3A_831 = arith.index_cast %parallel_loop3A_747 : i32 to index
        %parallel_loop3A_832 = arith.constant 64 : index
        %parallel_loop3A_833 = tpu.vector_load %arg12[%parallel_loop3A_830, %parallel_loop3A_831, %parallel_loop3A_832] {strides = array<i32>} : memref<2x32x128xf32, #tpu.memory_space<vmem>>, vector<16xf32>,
        %parallel_loop3A_834 = arith.addf %parallel_loop3A_828, %parallel_loop3A_833 : vector<16xf32>
        %parallel_loop3A_835 = arith.constant 0.000000e+00 : f32
        %parallel_loop3A_836 = vector.broadcast %parallel_loop3A_835 : f32 to vector<16xf32>
        %parallel_loop3A_837 = arith.maximumf %parallel_loop3A_834, %parallel_loop3A_836 : vector<16xf32>
        %parallel_loop3A_838 = arith.constant 0 : i32
        %parallel_loop3A_839 = arith.index_cast %parallel_loop3A_838 : i32 to index
        %parallel_loop3A_840 = arith.index_cast %parallel_loop3A_747 : i32 to index
        %parallel_loop3A_841 = arith.constant 64 : index
        %parallel_loop3A_842 = tpu.vector_load %arg13[%parallel_loop3A_839, %parallel_loop3A_840, %parallel_loop3A_841] {strides = array<i32>} : memref<2x32x128xf32, #tpu.memory_space<vmem>>, vector<16xf32>,
        tpu.vector_store %arg13[%parallel_loop3A_839, %parallel_loop3A_840, %parallel_loop3A_841], %parallel_loop3A_837 {strides = array<i32>} : memref<2x32x128xf32, #tpu.memory_space<vmem>>, vector<16xf32>,
        %parallel_loop3A_843 = arith.constant 0 : i32
        %parallel_loop3A_844 = arith.index_cast %parallel_loop3A_843 : i32 to index
        %parallel_loop3A_845 = arith.index_cast %parallel_loop3A_747 : i32 to index
        %parallel_loop3A_846 = arith.constant 80 : index
        %parallel_loop3A_847 = tpu.vector_load %arg11[%parallel_loop3A_844, %parallel_loop3A_845, %parallel_loop3A_846] {strides = array<i32>} : memref<2x32x128xf32, #tpu.memory_space<vmem>>, vector<16xf32>,
        %parallel_loop3A_848 = arith.constant 0 : i32
        %parallel_loop3A_849 = arith.index_cast %parallel_loop3A_848 : i32 to index
        %parallel_loop3A_850 = arith.index_cast %parallel_loop3A_747 : i32 to index
        %parallel_loop3A_851 = arith.constant 80 : index
        %parallel_loop3A_852 = tpu.vector_load %arg12[%parallel_loop3A_849, %parallel_loop3A_850, %parallel_loop3A_851] {strides = array<i32>} : memref<2x32x128xf32, #tpu.memory_space<vmem>>, vector<16xf32>,
        %parallel_loop3A_853 = arith.addf %parallel_loop3A_847, %parallel_loop3A_852 : vector<16xf32>
        %parallel_loop3A_854 = arith.constant 0.000000e+00 : f32
        %parallel_loop3A_855 = vector.broadcast %parallel_loop3A_854 : f32 to vector<16xf32>
        %parallel_loop3A_856 = arith.maximumf %parallel_loop3A_853, %parallel_loop3A_855 : vector<16xf32>
        %parallel_loop3A_857 = arith.constant 0 : i32
        %parallel_loop3A_858 = arith.index_cast %parallel_loop3A_857 : i32 to index
        %parallel_loop3A_859 = arith.index_cast %parallel_loop3A_747 : i32 to index
        %parallel_loop3A_860 = arith.constant 80 : index
        %parallel_loop3A_861 = tpu.vector_load %arg13[%parallel_loop3A_858, %parallel_loop3A_859, %parallel_loop3A_860] {strides = array<i32>} : memref<2x32x128xf32, #tpu.memory_space<vmem>>, vector<16xf32>,
        tpu.vector_store %arg13[%parallel_loop3A_858, %parallel_loop3A_859, %parallel_loop3A_860], %parallel_loop3A_856 {strides = array<i32>} : memref<2x32x128xf32, #tpu.memory_space<vmem>>, vector<16xf32>,
        %parallel_loop3A_862 = arith.constant 0 : i32
        %parallel_loop3A_863 = arith.index_cast %parallel_loop3A_862 : i32 to index
        %parallel_loop3A_864 = arith.index_cast %parallel_loop3A_747 : i32 to index
        %parallel_loop3A_865 = arith.constant 96 : index
        %parallel_loop3A_866 = tpu.vector_load %arg11[%parallel_loop3A_863, %parallel_loop3A_864, %parallel_loop3A_865] {strides = array<i32>} : memref<2x32x128xf32, #tpu.memory_space<vmem>>, vector<16xf32>,
        %parallel_loop3A_867 = arith.constant 0 : i32
        %parallel_loop3A_868 = arith.index_cast %parallel_loop3A_867 : i32 to index
        %parallel_loop3A_869 = arith.index_cast %parallel_loop3A_747 : i32 to index
        %parallel_loop3A_870 = arith.constant 96 : index
        %parallel_loop3A_871 = tpu.vector_load %arg12[%parallel_loop3A_868, %parallel_loop3A_869, %parallel_loop3A_870] {strides = array<i32>} : memref<2x32x128xf32, #tpu.memory_space<vmem>>, vector<16xf32>,
        %parallel_loop3A_872 = arith.addf %parallel_loop3A_866, %parallel_loop3A_871 : vector<16xf32>
        %parallel_loop3A_873 = arith.constant 0.000000e+00 : f32
        %parallel_loop3A_874 = vector.broadcast %parallel_loop3A_873 : f32 to vector<16xf32>
        %parallel_loop3A_875 = arith.maximumf %parallel_loop3A_872, %parallel_loop3A_874 : vector<16xf32>
        %parallel_loop3A_876 = arith.constant 0 : i32
        %parallel_loop3A_877 = arith.index_cast %parallel_loop3A_876 : i32 to index
        %parallel_loop3A_878 = arith.index_cast %parallel_loop3A_747 : i32 to index
        %parallel_loop3A_879 = arith.constant 96 : index
        %parallel_loop3A_880 = tpu.vector_load %arg13[%parallel_loop3A_877, %parallel_loop3A_878, %parallel_loop3A_879] {strides = array<i32>} : memref<2x32x128xf32, #tpu.memory_space<vmem>>, vector<16xf32>,
        tpu.vector_store %arg13[%parallel_loop3A_877, %parallel_loop3A_878, %parallel_loop3A_879], %parallel_loop3A_875 {strides = array<i32>} : memref<2x32x128xf32, #tpu.memory_space<vmem>>, vector<16xf32>,
        %parallel_loop3A_881 = arith.constant 0 : i32
        %parallel_loop3A_882 = arith.index_cast %parallel_loop3A_881 : i32 to index
        %parallel_loop3A_883 = arith.index_cast %parallel_loop3A_747 : i32 to index
        %parallel_loop3A_884 = arith.constant 112 : index
        %parallel_loop3A_885 = tpu.vector_load %arg11[%parallel_loop3A_882, %parallel_loop3A_883, %parallel_loop3A_884] {strides = array<i32>} : memref<2x32x128xf32, #tpu.memory_space<vmem>>, vector<16xf32>,
        %parallel_loop3A_886 = arith.constant 0 : i32
        %parallel_loop3A_887 = arith.index_cast %parallel_loop3A_886 : i32 to index
        %parallel_loop3A_888 = arith.index_cast %parallel_loop3A_747 : i32 to index
        %parallel_loop3A_889 = arith.constant 112 : index
        %parallel_loop3A_890 = tpu.vector_load %arg12[%parallel_loop3A_887, %parallel_loop3A_888, %parallel_loop3A_889] {strides = array<i32>} : memref<2x32x128xf32, #tpu.memory_space<vmem>>, vector<16xf32>,
        %parallel_loop3A_891 = arith.addf %parallel_loop3A_885, %parallel_loop3A_890 : vector<16xf32>
        %parallel_loop3A_892 = arith.constant 0.000000e+00 : f32
        %parallel_loop3A_893 = vector.broadcast %parallel_loop3A_892 : f32 to vector<16xf32>
        %parallel_loop3A_894 = arith.maximumf %parallel_loop3A_891, %parallel_loop3A_893 : vector<16xf32>
        %parallel_loop3A_895 = arith.constant 0 : i32
        %parallel_loop3A_896 = arith.index_cast %parallel_loop3A_895 : i32 to index
        %parallel_loop3A_897 = arith.index_cast %parallel_loop3A_747 : i32 to index
        %parallel_loop3A_898 = arith.constant 112 : index
        %parallel_loop3A_899 = tpu.vector_load %arg13[%parallel_loop3A_896, %parallel_loop3A_897, %parallel_loop3A_898] {strides = array<i32>} : memref<2x32x128xf32, #tpu.memory_space<vmem>>, vector<16xf32>,
        tpu.vector_store %arg13[%parallel_loop3A_896, %parallel_loop3A_897, %parallel_loop3A_898], %parallel_loop3A_894 {strides = array<i32>} : memref<2x32x128xf32, #tpu.memory_space<vmem>>, vector<16xf32>,
      } {sc.loop_unroll_factor = 4 : i64, sc.parallel_access}
      %get3A_329 = arith.constant 0 : i32
      %get3A_330 = arith.index_cast %get3A_329 : i32 to index
      %get3A_331 = arith.constant 0 : index
      %get3A_332 = tpu.vector_load %arg10[%get3A_330, %get3A_331] {strides = array<i32>} : memref<4x32xi32, #tpu.memory_space<vmem>>, vector<16xi32>,
      tpu.vector_store_idx %arg14[%get3A_332], %broadcast_in_dim3A_11 {add = true} : memref<10240xf32, #tpu.memory_space<vmem>>[vector<16xi32>], vector<16xf32>,
      %get3A_333 = arith.constant 0 : i32
      %get3A_334 = arith.index_cast %get3A_333 : i32 to index
      %get3A_335 = arith.constant 16 : index
      %get3A_336 = tpu.vector_load %arg10[%get3A_334, %get3A_335] {strides = array<i32>} : memref<4x32xi32, #tpu.memory_space<vmem>>, vector<16xi32>,
      tpu.vector_store_idx %arg14[%get3A_336], %broadcast_in_dim3A_11 {add = true} : memref<10240xf32, #tpu.memory_space<vmem>>[vector<16xi32>], vector<16xf32>,
      %dma_start3A_337 = arith.constant 0 : i32
      %dma_start3A_338 = arith.constant 0 : i32
      %dma_start3A_339 = arith.constant 0 : i32
      %dma_start3A_340 = arith.constant 0 : i32
      %dma_start3A_341 = tpu.memref_slice %arg13[%dma_start3A_337, %dma_start3A_339, %dma_start3A_340] : memref<2x32x128xf32, #tpu.memory_space<vmem>> -> memref<1x32x128xf32, #tpu.memory_space<vmem>>
      %dma_start3A_342 = tpu.memref_squeeze %dma_start3A_341 : memref<1x32x128xf32, #tpu.memory_space<vmem>> -> memref<32x128xf32, #tpu.memory_space<vmem>>
      %dma_start3A_343 = arith.constant 0 : i32
      %dma_start3A_344 = tpu.memref_slice %arg10[%dma_start3A_338, %dma_start3A_343] : memref<4x32xi32, #tpu.memory_space<vmem>> -> memref<1x32xi32, #tpu.memory_space<vmem>>
      %dma_start3A_345 = tpu.memref_squeeze %dma_start3A_344 : memref<1x32xi32, #tpu.memory_space<vmem>> -> memref<32xi32, #tpu.memory_space<vmem>>
      %dma_start3A_346 = arith.constant 0 : i32
      %dma_start3A_347 = arith.constant 0 : i32
      %dma_start3A_348 = tpu.memref_slice %arg15[%dma_start3A_346, %dma_start3A_347] : memref<10240x128xf32, #tpu.memory_space<vmem_shared>> -> memref<10240x128xf32, #tpu.memory_space<vmem_shared>>
      tpu.enqueue_indirect_dma source(%dma_start3A_342 : memref<32x128xf32, #tpu.memory_space<vmem>>) target(%dma_start3A_348 : memref<10240x128xf32, #tpu.memory_space<vmem_shared>>) offsets(%dma_start3A_345 : memref<32xi32, #tpu.memory_space<vmem>>) semaphore(%arg19 : memref<!tpu.dma_semaphore, #tpu.memory_space<semaphore_mem>>) {add = true}
      %mul3A_349 = arith.constant 4 : i32
      %mul3A_350 = arith.muli %scan3A_215, %mul3A_349 : i32
      %add3A_351 = arith.constant 1 : i32
      %add3A_352 = arith.addi %mul3A_350, %add3A_351 : i32
      %dma_wait3A_353 = arith.constant 1 : i32
      %dma_wait3A_354 = arith.constant 1 : i32
      %dma_wait3A_355 = arith.constant 0 : i32
      %dma_wait3A_356 = arith.constant 0 : i32
      %dma_wait3A_357 = tpu.memref_slice %arg11[%dma_wait3A_354, %dma_wait3A_355, %dma_wait3A_356] : memref<2x32x128xf32, #tpu.memory_space<vmem>> -> memref<1x32x128xf32, #tpu.memory_space<vmem>>
      %dma_wait3A_358 = tpu.memref_squeeze %dma_wait3A_357 : memref<1x32x128xf32, #tpu.memory_space<vmem>> -> memref<32x128xf32, #tpu.memory_space<vmem>>
      %dma_wait3A_359 = arith.constant 0 : i32
      %dma_wait3A_360 = tpu.memref_slice %arg9[%dma_wait3A_353, %dma_wait3A_359] : memref<4x32xi32, #tpu.memory_space<vmem>> -> memref<1x32xi32, #tpu.memory_space<vmem>>
      %dma_wait3A_361 = tpu.memref_squeeze %dma_wait3A_360 : memref<1x32xi32, #tpu.memory_space<vmem>> -> memref<32xi32, #tpu.memory_space<vmem>>
      %dma_wait3A_362 = arith.constant 0 : i32
      %dma_wait3A_363 = arith.constant 0 : i32
      %dma_wait3A_364 = tpu.memref_slice %arg2[%dma_wait3A_362, %dma_wait3A_363] : memref<10240x128xf32, #tpu.memory_space<hbm>> -> memref<10240x128xf32, #tpu.memory_space<hbm>>
      tpu.wait_indirect_dma semaphore(%arg18 : memref<!tpu.dma_semaphore, #tpu.memory_space<semaphore_mem>>) src(%dma_wait3A_364 : memref<10240x128xf32, #tpu.memory_space<hbm>>) dst(%dma_wait3A_358 : memref<32x128xf32, #tpu.memory_space<vmem>>)
      %dma_wait3A_365 = arith.constant 1 : i32
      %dma_wait3A_366 = arith.constant 1 : i32
      %dma_wait3A_367 = arith.constant 0 : i32
      %dma_wait3A_368 = arith.constant 0 : i32
      %dma_wait3A_369 = tpu.memref_slice %arg12[%dma_wait3A_366, %dma_wait3A_367, %dma_wait3A_368] : memref<2x32x128xf32, #tpu.memory_space<vmem>> -> memref<1x32x128xf32, #tpu.memory_space<vmem>>
      %dma_wait3A_370 = tpu.memref_squeeze %dma_wait3A_369 : memref<1x32x128xf32, #tpu.memory_space<vmem>> -> memref<32x128xf32, #tpu.memory_space<vmem>>
      %dma_wait3A_371 = arith.constant 0 : i32
      %dma_wait3A_372 = tpu.memref_slice %arg10[%dma_wait3A_365, %dma_wait3A_371] : memref<4x32xi32, #tpu.memory_space<vmem>> -> memref<1x32xi32, #tpu.memory_space<vmem>>
      %dma_wait3A_373 = tpu.memref_squeeze %dma_wait3A_372 : memref<1x32xi32, #tpu.memory_space<vmem>> -> memref<32xi32, #tpu.memory_space<vmem>>
      %dma_wait3A_374 = arith.constant 0 : i32
      %dma_wait3A_375 = arith.constant 0 : i32
      %dma_wait3A_376 = tpu.memref_slice %arg3[%dma_wait3A_374, %dma_wait3A_375] : memref<10240x128xf32, #tpu.memory_space<hbm>> -> memref<10240x128xf32, #tpu.memory_space<hbm>>
      tpu.wait_indirect_dma semaphore(%arg18 : memref<!tpu.dma_semaphore, #tpu.memory_space<semaphore_mem>>) src(%dma_wait3A_376 : memref<10240x128xf32, #tpu.memory_space<hbm>>) dst(%dma_wait3A_370 : memref<32x128xf32, #tpu.memory_space<vmem>>)
      %add3A_377 = arith.constant 1 : i32
      %add3A_378 = arith.addi %add3A_352, %add3A_377 : i32
      %dma_wait3A_379 = arith.constant 2 : i32
      %dma_wait3A_380 = arith.constant 0 : i32
      %dma_wait3A_381 = tpu.memref_slice %arg9[%dma_wait3A_379, %dma_wait3A_380] : memref<4x32xi32, #tpu.memory_space<vmem>> -> memref<1x32xi32, #tpu.memory_space<vmem>>
      %dma_wait3A_382 = tpu.memref_squeeze %dma_wait3A_381 : memref<1x32xi32, #tpu.memory_space<vmem>> -> memref<32xi32, #tpu.memory_space<vmem>>
      %dma_wait3A_383 = arith.constant 0 : i32
      %dma_wait3A_384 = tpu.memref_slice %arg4[%add3A, %add3A_378, %dma_wait3A_383] : memref<32x313x32xi32, #tpu.memory_space<hbm>> -> memref<1x1x32xi32, #tpu.memory_space<hbm>>
      %dma_wait3A_385 = tpu.memref_squeeze %dma_wait3A_384 : memref<1x1x32xi32, #tpu.memory_space<hbm>> -> memref<32xi32, #tpu.memory_space<hbm>>
      %dma_wait3A_386 = arith.constant 0 : i32
      %dma_wait3A_387 = tpu.memref_slice %arg9[%dma_wait3A_379, %dma_wait3A_386] : memref<4x32xi32, #tpu.memory_space<vmem>> -> memref<1x32xi32, #tpu.memory_space<vmem>>
      %dma_wait3A_388 = tpu.memref_squeeze %dma_wait3A_387 : memref<1x32xi32, #tpu.memory_space<vmem>> -> memref<32xi32, #tpu.memory_space<vmem>>
      %dma_wait3A_389 = arith.constant 0 : i32
      %dma_wait3A_390 = tpu.memref_slice %arg4[%add3A, %add3A_378, %dma_wait3A_389] : memref<32x313x32xi32, #tpu.memory_space<hbm>> -> memref<1x1x32xi32, #tpu.memory_space<hbm>>
      %dma_wait3A_391 = tpu.memref_squeeze %dma_wait3A_390 : memref<1x1x32xi32, #tpu.memory_space<hbm>> -> memref<32xi32, #tpu.memory_space<hbm>>
      tpu.wait_dma2 semaphore(%arg16 : memref<!tpu.dma_semaphore, #tpu.memory_space<semaphore_mem>>) src(%dma_wait3A_391 : memref<32xi32, #tpu.memory_space<hbm>>) dst(%dma_wait3A_388 : memref<32xi32, #tpu.memory_space<vmem>>)
      %dma_wait3A_392 = arith.constant 2 : i32
      %dma_wait3A_393 = arith.constant 0 : i32
      %dma_wait3A_394 = tpu.memref_slice %arg10[%dma_wait3A_392, %dma_wait3A_393] : memref<4x32xi32, #tpu.memory_space<vmem>> -> memref<1x32xi32, #tpu.memory_space<vmem>>
      %dma_wait3A_395 = tpu.memref_squeeze %dma_wait3A_394 : memref<1x32xi32, #tpu.memory_space<vmem>> -> memref<32xi32, #tpu.memory_space<vmem>>
      %dma_wait3A_396 = arith.constant 0 : i32
      %dma_wait3A_397 = tpu.memref_slice %arg5[%add3A, %add3A_378, %dma_wait3A_396] : memref<32x313x32xi32, #tpu.memory_space<hbm>> -> memref<1x1x32xi32, #tpu.memory_space<hbm>>
      %dma_wait3A_398 = tpu.memref_squeeze %dma_wait3A_397 : memref<1x1x32xi32, #tpu.memory_space<hbm>> -> memref<32xi32, #tpu.memory_space<hbm>>
      %dma_wait3A_399 = arith.constant 0 : i32
      %dma_wait3A_400 = tpu.memref_slice %arg10[%dma_wait3A_392, %dma_wait3A_399] : memref<4x32xi32, #tpu.memory_space<vmem>> -> memref<1x32xi32, #tpu.memory_space<vmem>>
      %dma_wait3A_401 = tpu.memref_squeeze %dma_wait3A_400 : memref<1x32xi32, #tpu.memory_space<vmem>> -> memref<32xi32, #tpu.memory_space<vmem>>
      %dma_wait3A_402 = arith.constant 0 : i32
      %dma_wait3A_403 = tpu.memref_slice %arg5[%add3A, %add3A_378, %dma_wait3A_402] : memref<32x313x32xi32, #tpu.memory_space<hbm>> -> memref<1x1x32xi32, #tpu.memory_space<hbm>>
      %dma_wait3A_404 = tpu.memref_squeeze %dma_wait3A_403 : memref<1x1x32xi32, #tpu.memory_space<hbm>> -> memref<32xi32, #tpu.memory_space<hbm>>
      tpu.wait_dma2 semaphore(%arg16 : memref<!tpu.dma_semaphore, #tpu.memory_space<semaphore_mem>>) src(%dma_wait3A_404 : memref<32xi32, #tpu.memory_space<hbm>>) dst(%dma_wait3A_401 : memref<32xi32, #tpu.memory_space<vmem>>)
      %dma_start3A_405 = arith.constant 2 : i32
      %dma_start3A_406 = arith.constant 0 : i32
      %dma_start3A_407 = arith.constant 0 : i32
      %dma_start3A_408 = arith.constant 0 : i32
      %dma_start3A_409 = tpu.memref_slice %arg11[%dma_start3A_406, %dma_start3A_407, %dma_start3A_408] : memref<2x32x128xf32, #tpu.memory_space<vmem>> -> memref<1x32x128xf32, #tpu.memory_space<vmem>>
      %dma_start3A_410 = tpu.memref_squeeze %dma_start3A_409 : memref<1x32x128xf32, #tpu.memory_space<vmem>> -> memref<32x128xf32, #tpu.memory_space<vmem>>
      %dma_start3A_411 = arith.constant 0 : i32
      %dma_start3A_412 = tpu.memref_slice %arg9[%dma_start3A_405, %dma_start3A_411] : memref<4x32xi32, #tpu.memory_space<vmem>> -> memref<1x32xi32, #tpu.memory_space<vmem>>
      %dma_start3A_413 = tpu.memref_squeeze %dma_start3A_412 : memref<1x32xi32, #tpu.memory_space<vmem>> -> memref<32xi32, #tpu.memory_space<vmem>>
      %dma_start3A_414 = arith.constant 0 : i32
      %dma_start3A_415 = arith.constant 0 : i32
      %dma_start3A_416 = tpu.memref_slice %arg2[%dma_start3A_414, %dma_start3A_415] : memref<10240x128xf32, #tpu.memory_space<hbm>> -> memref<10240x128xf32, #tpu.memory_space<hbm>>
      tpu.enqueue_indirect_dma source(%dma_start3A_416 : memref<10240x128xf32, #tpu.memory_space<hbm>>) target(%dma_start3A_410 : memref<32x128xf32, #tpu.memory_space<vmem>>) offsets(%dma_start3A_413 : memref<32xi32, #tpu.memory_space<vmem>>) semaphore(%arg17 : memref<!tpu.dma_semaphore, #tpu.memory_space<semaphore_mem>>)
      %dma_start3A_417 = arith.constant 2 : i32
      %dma_start3A_418 = arith.constant 0 : i32
      %dma_start3A_419 = arith.constant 0 : i32
      %dma_start3A_420 = arith.constant 0 : i32
      %dma_start3A_421 = tpu.memref_slice %arg12[%dma_start3A_418, %dma_start3A_419, %dma_start3A_420] : memref<2x32x128xf32, #tpu.memory_space<vmem>> -> memref<1x32x128xf32, #tpu.memory_space<vmem>>
      %dma_start3A_422 = tpu.memref_squeeze %dma_start3A_421 : memref<1x32x128xf32, #tpu.memory_space<vmem>> -> memref<32x128xf32, #tpu.memory_space<vmem>>
      %dma_start3A_423 = arith.constant 0 : i32
      %dma_start3A_424 = tpu.memref_slice %arg10[%dma_start3A_417, %dma_start3A_423] : memref<4x32xi32, #tpu.memory_space<vmem>> -> memref<1x32xi32, #tpu.memory_space<vmem>>
      %dma_start3A_425 = tpu.memref_squeeze %dma_start3A_424 : memref<1x32xi32, #tpu.memory_space<vmem>> -> memref<32xi32, #tpu.memory_space<vmem>>
      %dma_start3A_426 = arith.constant 0 : i32
      %dma_start3A_427 = arith.constant 0 : i32
      %dma_start3A_428 = tpu.memref_slice %arg3[%dma_start3A_426, %dma_start3A_427] : memref<10240x128xf32, #tpu.memory_space<hbm>> -> memref<10240x128xf32, #tpu.memory_space<hbm>>
      tpu.enqueue_indirect_dma source(%dma_start3A_428 : memref<10240x128xf32, #tpu.memory_space<hbm>>) target(%dma_start3A_422 : memref<32x128xf32, #tpu.memory_space<vmem>>) offsets(%dma_start3A_425 : memref<32xi32, #tpu.memory_space<vmem>>) semaphore(%arg17 : memref<!tpu.dma_semaphore, #tpu.memory_space<semaphore_mem>>)
      %ge3A_429 = arith.constant 1 : i32
      %ge3A_430 = arith.cmpi sge, %scan3A_215, %ge3A_429 : i32
      %convert_element_type3A_431 = arith.extui %ge3A_430 : i1 to i32
      %cond3A_432 = arith.constant 0 : i32
      %cond3A_433 = arith.cmpi ne, %convert_element_type3A_431, %cond3A_432 : i32
      scf.if %cond3A_433 {
        %dma_wait3A_747 = arith.constant 1 : i32
        %dma_wait3A_748 = arith.constant 3 : i32
        %dma_wait3A_749 = arith.constant 0 : i32
        %dma_wait3A_750 = arith.constant 0 : i32
        %dma_wait3A_751 = tpu.memref_slice %arg13[%dma_wait3A_747, %dma_wait3A_749, %dma_wait3A_750] : memref<2x32x128xf32, #tpu.memory_space<vmem>> -> memref<1x32x128xf32, #tpu.memory_space<vmem>>
        %dma_wait3A_752 = tpu.memref_squeeze %dma_wait3A_751 : memref<1x32x128xf32, #tpu.memory_space<vmem>> -> memref<32x128xf32, #tpu.memory_space<vmem>>
        %dma_wait3A_753 = arith.constant 0 : i32
        %dma_wait3A_754 = tpu.memref_slice %arg10[%dma_wait3A_748, %dma_wait3A_753] : memref<4x32xi32, #tpu.memory_space<vmem>> -> memref<1x32xi32, #tpu.memory_space<vmem>>
        %dma_wait3A_755 = tpu.memref_squeeze %dma_wait3A_754 : memref<1x32xi32, #tpu.memory_space<vmem>> -> memref<32xi32, #tpu.memory_space<vmem>>
        %dma_wait3A_756 = arith.constant 0 : i32
        %dma_wait3A_757 = arith.constant 0 : i32
        %dma_wait3A_758 = tpu.memref_slice %arg15[%dma_wait3A_756, %dma_wait3A_757] : memref<10240x128xf32, #tpu.memory_space<vmem_shared>> -> memref<10240x128xf32, #tpu.memory_space<vmem_shared>>
        tpu.wait_indirect_dma semaphore(%arg20 : memref<!tpu.dma_semaphore, #tpu.memory_space<semaphore_mem>>) src(%dma_wait3A_752 : memref<32x128xf32, #tpu.memory_space<vmem>>) dst(%dma_wait3A_758 : memref<10240x128xf32, #tpu.memory_space<vmem_shared>>)
      } else {
      }
      %add3A_434 = arith.constant 2 : i32
      %add3A_435 = arith.addi %add3A_352, %add3A_434 : i32
      %dma_start3A_436 = arith.constant 3 : i32
      %dma_start3A_437 = arith.constant 0 : i32
      %dma_start3A_438 = tpu.memref_slice %arg9[%dma_start3A_436, %dma_start3A_437] : memref<4x32xi32, #tpu.memory_space<vmem>> -> memref<1x32xi32, #tpu.memory_space<vmem>>
      %dma_start3A_439 = tpu.memref_squeeze %dma_start3A_438 : memref<1x32xi32, #tpu.memory_space<vmem>> -> memref<32xi32, #tpu.memory_space<vmem>>
      %dma_start3A_440 = arith.constant 0 : i32
      %dma_start3A_441 = tpu.memref_slice %arg4[%add3A, %add3A_435, %dma_start3A_440] : memref<32x313x32xi32, #tpu.memory_space<hbm>> -> memref<1x1x32xi32, #tpu.memory_space<hbm>>
      %dma_start3A_442 = tpu.memref_squeeze %dma_start3A_441 : memref<1x1x32xi32, #tpu.memory_space<hbm>> -> memref<32xi32, #tpu.memory_space<hbm>>
      %dma_start3A_443 = arith.constant 0 : i32
      %dma_start3A_444 = tpu.memref_slice %arg9[%dma_start3A_436, %dma_start3A_443] : memref<4x32xi32, #tpu.memory_space<vmem>> -> memref<1x32xi32, #tpu.memory_space<vmem>>
      %dma_start3A_445 = tpu.memref_squeeze %dma_start3A_444 : memref<1x32xi32, #tpu.memory_space<vmem>> -> memref<32xi32, #tpu.memory_space<vmem>>
      %dma_start3A_446 = arith.constant 0 : i32
      %dma_start3A_447 = tpu.memref_slice %arg4[%add3A, %add3A_435, %dma_start3A_446] : memref<32x313x32xi32, #tpu.memory_space<hbm>> -> memref<1x1x32xi32, #tpu.memory_space<hbm>>
      %dma_start3A_448 = tpu.memref_squeeze %dma_start3A_447 : memref<1x1x32xi32, #tpu.memory_space<hbm>> -> memref<32xi32, #tpu.memory_space<hbm>>
      tpu.enqueue_dma source(%dma_start3A_448 : memref<32xi32, #tpu.memory_space<hbm>>) target(%dma_start3A_445 : memref<32xi32, #tpu.memory_space<vmem>>) target_semaphore(%arg16 : memref<!tpu.dma_semaphore, #tpu.memory_space<semaphore_mem>>)
      %dma_start3A_449 = arith.constant 3 : i32
      %dma_start3A_450 = arith.constant 0 : i32
      %dma_start3A_451 = tpu.memref_slice %arg10[%dma_start3A_449, %dma_start3A_450] : memref<4x32xi32, #tpu.memory_space<vmem>> -> memref<1x32xi32, #tpu.memory_space<vmem>>
      %dma_start3A_452 = tpu.memref_squeeze %dma_start3A_451 : memref<1x32xi32, #tpu.memory_space<vmem>> -> memref<32xi32, #tpu.memory_space<vmem>>
      %dma_start3A_453 = arith.constant 0 : i32
      %dma_start3A_454 = tpu.memref_slice %arg5[%add3A, %add3A_435, %dma_start3A_453] : memref<32x313x32xi32, #tpu.memory_space<hbm>> -> memref<1x1x32xi32, #tpu.memory_space<hbm>>
      %dma_start3A_455 = tpu.memref_squeeze %dma_start3A_454 : memref<1x1x32xi32, #tpu.memory_space<hbm>> -> memref<32xi32, #tpu.memory_space<hbm>>
      %dma_start3A_456 = arith.constant 0 : i32
      %dma_start3A_457 = tpu.memref_slice %arg10[%dma_start3A_449, %dma_start3A_456] : memref<4x32xi32, #tpu.memory_space<vmem>> -> memref<1x32xi32, #tpu.memory_space<vmem>>
      %dma_start3A_458 = tpu.memref_squeeze %dma_start3A_457 : memref<1x32xi32, #tpu.memory_space<vmem>> -> memref<32xi32, #tpu.memory_space<vmem>>
      %dma_start3A_459 = arith.constant 0 : i32
      %dma_start3A_460 = tpu.memref_slice %arg5[%add3A, %add3A_435, %dma_start3A_459] : memref<32x313x32xi32, #tpu.memory_space<hbm>> -> memref<1x1x32xi32, #tpu.memory_space<hbm>>
      %dma_start3A_461 = tpu.memref_squeeze %dma_start3A_460 : memref<1x1x32xi32, #tpu.memory_space<hbm>> -> memref<32xi32, #tpu.memory_space<hbm>>
      tpu.enqueue_dma source(%dma_start3A_461 : memref<32xi32, #tpu.memory_space<hbm>>) target(%dma_start3A_458 : memref<32xi32, #tpu.memory_space<vmem>>) target_semaphore(%arg16 : memref<!tpu.dma_semaphore, #tpu.memory_space<semaphore_mem>>)
      %parallel_loop3A_462 = arith.constant 0 : i32
      %parallel_loop3A_463 = arith.constant 32 : i32
      %parallel_loop3A_464 = arith.constant 1 : i32
      scf.for %parallel_loop3A_747 = %parallel_loop3A_462 to %parallel_loop3A_463 step %parallel_loop3A_464  : i32 {
        %parallel_loop3A_748 = arith.constant 1 : i32
        %parallel_loop3A_749 = arith.index_cast %parallel_loop3A_748 : i32 to index
        %parallel_loop3A_750 = arith.index_cast %parallel_loop3A_747 : i32 to index
        %parallel_loop3A_751 = arith.constant 0 : index
        %parallel_loop3A_752 = tpu.vector_load %arg11[%parallel_loop3A_749, %parallel_loop3A_750, %parallel_loop3A_751] {strides = array<i32>} : memref<2x32x128xf32, #tpu.memory_space<vmem>>, vector<16xf32>,
        %parallel_loop3A_753 = arith.constant 1 : i32
        %parallel_loop3A_754 = arith.index_cast %parallel_loop3A_753 : i32 to index
        %parallel_loop3A_755 = arith.index_cast %parallel_loop3A_747 : i32 to index
        %parallel_loop3A_756 = arith.constant 0 : index
        %parallel_loop3A_757 = tpu.vector_load %arg12[%parallel_loop3A_754, %parallel_loop3A_755, %parallel_loop3A_756] {strides = array<i32>} : memref<2x32x128xf32, #tpu.memory_space<vmem>>, vector<16xf32>,
        %parallel_loop3A_758 = arith.addf %parallel_loop3A_752, %parallel_loop3A_757 : vector<16xf32>
        %parallel_loop3A_759 = arith.constant 0.000000e+00 : f32
        %parallel_loop3A_760 = vector.broadcast %parallel_loop3A_759 : f32 to vector<16xf32>
        %parallel_loop3A_761 = arith.maximumf %parallel_loop3A_758, %parallel_loop3A_760 : vector<16xf32>
        %parallel_loop3A_762 = arith.constant 1 : i32
        %parallel_loop3A_763 = arith.index_cast %parallel_loop3A_762 : i32 to index
        %parallel_loop3A_764 = arith.index_cast %parallel_loop3A_747 : i32 to index
        %parallel_loop3A_765 = arith.constant 0 : index
        %parallel_loop3A_766 = tpu.vector_load %arg13[%parallel_loop3A_763, %parallel_loop3A_764, %parallel_loop3A_765] {strides = array<i32>} : memref<2x32x128xf32, #tpu.memory_space<vmem>>, vector<16xf32>,
        tpu.vector_store %arg13[%parallel_loop3A_763, %parallel_loop3A_764, %parallel_loop3A_765], %parallel_loop3A_761 {strides = array<i32>} : memref<2x32x128xf32, #tpu.memory_space<vmem>>, vector<16xf32>,
        %parallel_loop3A_767 = arith.constant 1 : i32
        %parallel_loop3A_768 = arith.index_cast %parallel_loop3A_767 : i32 to index
        %parallel_loop3A_769 = arith.index_cast %parallel_loop3A_747 : i32 to index
        %parallel_loop3A_770 = arith.constant 16 : index
        %parallel_loop3A_771 = tpu.vector_load %arg11[%parallel_loop3A_768, %parallel_loop3A_769, %parallel_loop3A_770] {strides = array<i32>} : memref<2x32x128xf32, #tpu.memory_space<vmem>>, vector<16xf32>,
        %parallel_loop3A_772 = arith.constant 1 : i32
        %parallel_loop3A_773 = arith.index_cast %parallel_loop3A_772 : i32 to index
        %parallel_loop3A_774 = arith.index_cast %parallel_loop3A_747 : i32 to index
        %parallel_loop3A_775 = arith.constant 16 : index
        %parallel_loop3A_776 = tpu.vector_load %arg12[%parallel_loop3A_773, %parallel_loop3A_774, %parallel_loop3A_775] {strides = array<i32>} : memref<2x32x128xf32, #tpu.memory_space<vmem>>, vector<16xf32>,
        %parallel_loop3A_777 = arith.addf %parallel_loop3A_771, %parallel_loop3A_776 : vector<16xf32>
        %parallel_loop3A_778 = arith.constant 0.000000e+00 : f32
        %parallel_loop3A_779 = vector.broadcast %parallel_loop3A_778 : f32 to vector<16xf32>
        %parallel_loop3A_780 = arith.maximumf %parallel_loop3A_777, %parallel_loop3A_779 : vector<16xf32>
        %parallel_loop3A_781 = arith.constant 1 : i32
        %parallel_loop3A_782 = arith.index_cast %parallel_loop3A_781 : i32 to index
        %parallel_loop3A_783 = arith.index_cast %parallel_loop3A_747 : i32 to index
        %parallel_loop3A_784 = arith.constant 16 : index
        %parallel_loop3A_785 = tpu.vector_load %arg13[%parallel_loop3A_782, %parallel_loop3A_783, %parallel_loop3A_784] {strides = array<i32>} : memref<2x32x128xf32, #tpu.memory_space<vmem>>, vector<16xf32>,
        tpu.vector_store %arg13[%parallel_loop3A_782, %parallel_loop3A_783, %parallel_loop3A_784], %parallel_loop3A_780 {strides = array<i32>} : memref<2x32x128xf32, #tpu.memory_space<vmem>>, vector<16xf32>,
        %parallel_loop3A_786 = arith.constant 1 : i32
        %parallel_loop3A_787 = arith.index_cast %parallel_loop3A_786 : i32 to index
        %parallel_loop3A_788 = arith.index_cast %parallel_loop3A_747 : i32 to index
        %parallel_loop3A_789 = arith.constant 32 : index
        %parallel_loop3A_790 = tpu.vector_load %arg11[%parallel_loop3A_787, %parallel_loop3A_788, %parallel_loop3A_789] {strides = array<i32>} : memref<2x32x128xf32, #tpu.memory_space<vmem>>, vector<16xf32>,
        %parallel_loop3A_791 = arith.constant 1 : i32
        %parallel_loop3A_792 = arith.index_cast %parallel_loop3A_791 : i32 to index
        %parallel_loop3A_793 = arith.index_cast %parallel_loop3A_747 : i32 to index
        %parallel_loop3A_794 = arith.constant 32 : index
        %parallel_loop3A_795 = tpu.vector_load %arg12[%parallel_loop3A_792, %parallel_loop3A_793, %parallel_loop3A_794] {strides = array<i32>} : memref<2x32x128xf32, #tpu.memory_space<vmem>>, vector<16xf32>,
        %parallel_loop3A_796 = arith.addf %parallel_loop3A_790, %parallel_loop3A_795 : vector<16xf32>
        %parallel_loop3A_797 = arith.constant 0.000000e+00 : f32
        %parallel_loop3A_798 = vector.broadcast %parallel_loop3A_797 : f32 to vector<16xf32>
        %parallel_loop3A_799 = arith.maximumf %parallel_loop3A_796, %parallel_loop3A_798 : vector<16xf32>
        %parallel_loop3A_800 = arith.constant 1 : i32
        %parallel_loop3A_801 = arith.index_cast %parallel_loop3A_800 : i32 to index
        %parallel_loop3A_802 = arith.index_cast %parallel_loop3A_747 : i32 to index
        %parallel_loop3A_803 = arith.constant 32 : index
        %parallel_loop3A_804 = tpu.vector_load %arg13[%parallel_loop3A_801, %parallel_loop3A_802, %parallel_loop3A_803] {strides = array<i32>} : memref<2x32x128xf32, #tpu.memory_space<vmem>>, vector<16xf32>,
        tpu.vector_store %arg13[%parallel_loop3A_801, %parallel_loop3A_802, %parallel_loop3A_803], %parallel_loop3A_799 {strides = array<i32>} : memref<2x32x128xf32, #tpu.memory_space<vmem>>, vector<16xf32>,
        %parallel_loop3A_805 = arith.constant 1 : i32
        %parallel_loop3A_806 = arith.index_cast %parallel_loop3A_805 : i32 to index
        %parallel_loop3A_807 = arith.index_cast %parallel_loop3A_747 : i32 to index
        %parallel_loop3A_808 = arith.constant 48 : index
        %parallel_loop3A_809 = tpu.vector_load %arg11[%parallel_loop3A_806, %parallel_loop3A_807, %parallel_loop3A_808] {strides = array<i32>} : memref<2x32x128xf32, #tpu.memory_space<vmem>>, vector<16xf32>,
        %parallel_loop3A_810 = arith.constant 1 : i32
        %parallel_loop3A_811 = arith.index_cast %parallel_loop3A_810 : i32 to index
        %parallel_loop3A_812 = arith.index_cast %parallel_loop3A_747 : i32 to index
        %parallel_loop3A_813 = arith.constant 48 : index
        %parallel_loop3A_814 = tpu.vector_load %arg12[%parallel_loop3A_811, %parallel_loop3A_812, %parallel_loop3A_813] {strides = array<i32>} : memref<2x32x128xf32, #tpu.memory_space<vmem>>, vector<16xf32>,
        %parallel_loop3A_815 = arith.addf %parallel_loop3A_809, %parallel_loop3A_814 : vector<16xf32>
        %parallel_loop3A_816 = arith.constant 0.000000e+00 : f32
        %parallel_loop3A_817 = vector.broadcast %parallel_loop3A_816 : f32 to vector<16xf32>
        %parallel_loop3A_818 = arith.maximumf %parallel_loop3A_815, %parallel_loop3A_817 : vector<16xf32>
        %parallel_loop3A_819 = arith.constant 1 : i32
        %parallel_loop3A_820 = arith.index_cast %parallel_loop3A_819 : i32 to index
        %parallel_loop3A_821 = arith.index_cast %parallel_loop3A_747 : i32 to index
        %parallel_loop3A_822 = arith.constant 48 : index
        %parallel_loop3A_823 = tpu.vector_load %arg13[%parallel_loop3A_820, %parallel_loop3A_821, %parallel_loop3A_822] {strides = array<i32>} : memref<2x32x128xf32, #tpu.memory_space<vmem>>, vector<16xf32>,
        tpu.vector_store %arg13[%parallel_loop3A_820, %parallel_loop3A_821, %parallel_loop3A_822], %parallel_loop3A_818 {strides = array<i32>} : memref<2x32x128xf32, #tpu.memory_space<vmem>>, vector<16xf32>,
        %parallel_loop3A_824 = arith.constant 1 : i32
        %parallel_loop3A_825 = arith.index_cast %parallel_loop3A_824 : i32 to index
        %parallel_loop3A_826 = arith.index_cast %parallel_loop3A_747 : i32 to index
        %parallel_loop3A_827 = arith.constant 64 : index
        %parallel_loop3A_828 = tpu.vector_load %arg11[%parallel_loop3A_825, %parallel_loop3A_826, %parallel_loop3A_827] {strides = array<i32>} : memref<2x32x128xf32, #tpu.memory_space<vmem>>, vector<16xf32>,
        %parallel_loop3A_829 = arith.constant 1 : i32
        %parallel_loop3A_830 = arith.index_cast %parallel_loop3A_829 : i32 to index
        %parallel_loop3A_831 = arith.index_cast %parallel_loop3A_747 : i32 to index
        %parallel_loop3A_832 = arith.constant 64 : index
        %parallel_loop3A_833 = tpu.vector_load %arg12[%parallel_loop3A_830, %parallel_loop3A_831, %parallel_loop3A_832] {strides = array<i32>} : memref<2x32x128xf32, #tpu.memory_space<vmem>>, vector<16xf32>,
        %parallel_loop3A_834 = arith.addf %parallel_loop3A_828, %parallel_loop3A_833 : vector<16xf32>
        %parallel_loop3A_835 = arith.constant 0.000000e+00 : f32
        %parallel_loop3A_836 = vector.broadcast %parallel_loop3A_835 : f32 to vector<16xf32>
        %parallel_loop3A_837 = arith.maximumf %parallel_loop3A_834, %parallel_loop3A_836 : vector<16xf32>
        %parallel_loop3A_838 = arith.constant 1 : i32
        %parallel_loop3A_839 = arith.index_cast %parallel_loop3A_838 : i32 to index
        %parallel_loop3A_840 = arith.index_cast %parallel_loop3A_747 : i32 to index
        %parallel_loop3A_841 = arith.constant 64 : index
        %parallel_loop3A_842 = tpu.vector_load %arg13[%parallel_loop3A_839, %parallel_loop3A_840, %parallel_loop3A_841] {strides = array<i32>} : memref<2x32x128xf32, #tpu.memory_space<vmem>>, vector<16xf32>,
        tpu.vector_store %arg13[%parallel_loop3A_839, %parallel_loop3A_840, %parallel_loop3A_841], %parallel_loop3A_837 {strides = array<i32>} : memref<2x32x128xf32, #tpu.memory_space<vmem>>, vector<16xf32>,
        %parallel_loop3A_843 = arith.constant 1 : i32
        %parallel_loop3A_844 = arith.index_cast %parallel_loop3A_843 : i32 to index
        %parallel_loop3A_845 = arith.index_cast %parallel_loop3A_747 : i32 to index
        %parallel_loop3A_846 = arith.constant 80 : index
        %parallel_loop3A_847 = tpu.vector_load %arg11[%parallel_loop3A_844, %parallel_loop3A_845, %parallel_loop3A_846] {strides = array<i32>} : memref<2x32x128xf32, #tpu.memory_space<vmem>>, vector<16xf32>,
        %parallel_loop3A_848 = arith.constant 1 : i32
        %parallel_loop3A_849 = arith.index_cast %parallel_loop3A_848 : i32 to index
        %parallel_loop3A_850 = arith.index_cast %parallel_loop3A_747 : i32 to index
        %parallel_loop3A_851 = arith.constant 80 : index
        %parallel_loop3A_852 = tpu.vector_load %arg12[%parallel_loop3A_849, %parallel_loop3A_850, %parallel_loop3A_851] {strides = array<i32>} : memref<2x32x128xf32, #tpu.memory_space<vmem>>, vector<16xf32>,
        %parallel_loop3A_853 = arith.addf %parallel_loop3A_847, %parallel_loop3A_852 : vector<16xf32>
        %parallel_loop3A_854 = arith.constant 0.000000e+00 : f32
        %parallel_loop3A_855 = vector.broadcast %parallel_loop3A_854 : f32 to vector<16xf32>
        %parallel_loop3A_856 = arith.maximumf %parallel_loop3A_853, %parallel_loop3A_855 : vector<16xf32>
        %parallel_loop3A_857 = arith.constant 1 : i32
        %parallel_loop3A_858 = arith.index_cast %parallel_loop3A_857 : i32 to index
        %parallel_loop3A_859 = arith.index_cast %parallel_loop3A_747 : i32 to index
        %parallel_loop3A_860 = arith.constant 80 : index
        %parallel_loop3A_861 = tpu.vector_load %arg13[%parallel_loop3A_858, %parallel_loop3A_859, %parallel_loop3A_860] {strides = array<i32>} : memref<2x32x128xf32, #tpu.memory_space<vmem>>, vector<16xf32>,
        tpu.vector_store %arg13[%parallel_loop3A_858, %parallel_loop3A_859, %parallel_loop3A_860], %parallel_loop3A_856 {strides = array<i32>} : memref<2x32x128xf32, #tpu.memory_space<vmem>>, vector<16xf32>,
        %parallel_loop3A_862 = arith.constant 1 : i32
        %parallel_loop3A_863 = arith.index_cast %parallel_loop3A_862 : i32 to index
        %parallel_loop3A_864 = arith.index_cast %parallel_loop3A_747 : i32 to index
        %parallel_loop3A_865 = arith.constant 96 : index
        %parallel_loop3A_866 = tpu.vector_load %arg11[%parallel_loop3A_863, %parallel_loop3A_864, %parallel_loop3A_865] {strides = array<i32>} : memref<2x32x128xf32, #tpu.memory_space<vmem>>, vector<16xf32>,
        %parallel_loop3A_867 = arith.constant 1 : i32
        %parallel_loop3A_868 = arith.index_cast %parallel_loop3A_867 : i32 to index
        %parallel_loop3A_869 = arith.index_cast %parallel_loop3A_747 : i32 to index
        %parallel_loop3A_870 = arith.constant 96 : index
        %parallel_loop3A_871 = tpu.vector_load %arg12[%parallel_loop3A_868, %parallel_loop3A_869, %parallel_loop3A_870] {strides = array<i32>} : memref<2x32x128xf32, #tpu.memory_space<vmem>>, vector<16xf32>,
        %parallel_loop3A_872 = arith.addf %parallel_loop3A_866, %parallel_loop3A_871 : vector<16xf32>
        %parallel_loop3A_873 = arith.constant 0.000000e+00 : f32
        %parallel_loop3A_874 = vector.broadcast %parallel_loop3A_873 : f32 to vector<16xf32>
        %parallel_loop3A_875 = arith.maximumf %parallel_loop3A_872, %parallel_loop3A_874 : vector<16xf32>
        %parallel_loop3A_876 = arith.constant 1 : i32
        %parallel_loop3A_877 = arith.index_cast %parallel_loop3A_876 : i32 to index
        %parallel_loop3A_878 = arith.index_cast %parallel_loop3A_747 : i32 to index
        %parallel_loop3A_879 = arith.constant 96 : index
        %parallel_loop3A_880 = tpu.vector_load %arg13[%parallel_loop3A_877, %parallel_loop3A_878, %parallel_loop3A_879] {strides = array<i32>} : memref<2x32x128xf32, #tpu.memory_space<vmem>>, vector<16xf32>,
        tpu.vector_store %arg13[%parallel_loop3A_877, %parallel_loop3A_878, %parallel_loop3A_879], %parallel_loop3A_875 {strides = array<i32>} : memref<2x32x128xf32, #tpu.memory_space<vmem>>, vector<16xf32>,
        %parallel_loop3A_881 = arith.constant 1 : i32
        %parallel_loop3A_882 = arith.index_cast %parallel_loop3A_881 : i32 to index
        %parallel_loop3A_883 = arith.index_cast %parallel_loop3A_747 : i32 to index
        %parallel_loop3A_884 = arith.constant 112 : index
        %parallel_loop3A_885 = tpu.vector_load %arg11[%parallel_loop3A_882, %parallel_loop3A_883, %parallel_loop3A_884] {strides = array<i32>} : memref<2x32x128xf32, #tpu.memory_space<vmem>>, vector<16xf32>,
        %parallel_loop3A_886 = arith.constant 1 : i32
        %parallel_loop3A_887 = arith.index_cast %parallel_loop3A_886 : i32 to index
        %parallel_loop3A_888 = arith.index_cast %parallel_loop3A_747 : i32 to index
        %parallel_loop3A_889 = arith.constant 112 : index
        %parallel_loop3A_890 = tpu.vector_load %arg12[%parallel_loop3A_887, %parallel_loop3A_888, %parallel_loop3A_889] {strides = array<i32>} : memref<2x32x128xf32, #tpu.memory_space<vmem>>, vector<16xf32>,
        %parallel_loop3A_891 = arith.addf %parallel_loop3A_885, %parallel_loop3A_890 : vector<16xf32>
        %parallel_loop3A_892 = arith.constant 0.000000e+00 : f32
        %parallel_loop3A_893 = vector.broadcast %parallel_loop3A_892 : f32 to vector<16xf32>
        %parallel_loop3A_894 = arith.maximumf %parallel_loop3A_891, %parallel_loop3A_893 : vector<16xf32>
        %parallel_loop3A_895 = arith.constant 1 : i32
        %parallel_loop3A_896 = arith.index_cast %parallel_loop3A_895 : i32 to index
        %parallel_loop3A_897 = arith.index_cast %parallel_loop3A_747 : i32 to index
        %parallel_loop3A_898 = arith.constant 112 : index
        %parallel_loop3A_899 = tpu.vector_load %arg13[%parallel_loop3A_896, %parallel_loop3A_897, %parallel_loop3A_898] {strides = array<i32>} : memref<2x32x128xf32, #tpu.memory_space<vmem>>, vector<16xf32>,
        tpu.vector_store %arg13[%parallel_loop3A_896, %parallel_loop3A_897, %parallel_loop3A_898], %parallel_loop3A_894 {strides = array<i32>} : memref<2x32x128xf32, #tpu.memory_space<vmem>>, vector<16xf32>,
      } {sc.loop_unroll_factor = 4 : i64, sc.parallel_access}
      %get3A_465 = arith.constant 1 : i32
      %get3A_466 = arith.index_cast %get3A_465 : i32 to index
      %get3A_467 = arith.constant 0 : index
      %get3A_468 = tpu.vector_load %arg10[%get3A_466, %get3A_467] {strides = array<i32>} : memref<4x32xi32, #tpu.memory_space<vmem>>, vector<16xi32>,
      tpu.vector_store_idx %arg14[%get3A_468], %broadcast_in_dim3A_11 {add = true} : memref<10240xf32, #tpu.memory_space<vmem>>[vector<16xi32>], vector<16xf32>,
      %get3A_469 = arith.constant 1 : i32
      %get3A_470 = arith.index_cast %get3A_469 : i32 to index
      %get3A_471 = arith.constant 16 : index
      %get3A_472 = tpu.vector_load %arg10[%get3A_470, %get3A_471] {strides = array<i32>} : memref<4x32xi32, #tpu.memory_space<vmem>>, vector<16xi32>,
      tpu.vector_store_idx %arg14[%get3A_472], %broadcast_in_dim3A_11 {add = true} : memref<10240xf32, #tpu.memory_space<vmem>>[vector<16xi32>], vector<16xf32>,
      %dma_start3A_473 = arith.constant 1 : i32
      %dma_start3A_474 = arith.constant 1 : i32
      %dma_start3A_475 = arith.constant 0 : i32
      %dma_start3A_476 = arith.constant 0 : i32
      %dma_start3A_477 = tpu.memref_slice %arg13[%dma_start3A_473, %dma_start3A_475, %dma_start3A_476] : memref<2x32x128xf32, #tpu.memory_space<vmem>> -> memref<1x32x128xf32, #tpu.memory_space<vmem>>
      %dma_start3A_478 = tpu.memref_squeeze %dma_start3A_477 : memref<1x32x128xf32, #tpu.memory_space<vmem>> -> memref<32x128xf32, #tpu.memory_space<vmem>>
      %dma_start3A_479 = arith.constant 0 : i32
      %dma_start3A_480 = tpu.memref_slice %arg10[%dma_start3A_474, %dma_start3A_479] : memref<4x32xi32, #tpu.memory_space<vmem>> -> memref<1x32xi32, #tpu.memory_space<vmem>>
      %dma_start3A_481 = tpu.memref_squeeze %dma_start3A_480 : memref<1x32xi32, #tpu.memory_space<vmem>> -> memref<32xi32, #tpu.memory_space<vmem>>
      %dma_start3A_482 = arith.constant 0 : i32
      %dma_start3A_483 = arith.constant 0 : i32
      %dma_start3A_484 = tpu.memref_slice %arg15[%dma_start3A_482, %dma_start3A_483] : memref<10240x128xf32, #tpu.memory_space<vmem_shared>> -> memref<10240x128xf32, #tpu.memory_space<vmem_shared>>
      tpu.enqueue_indirect_dma source(%dma_start3A_478 : memref<32x128xf32, #tpu.memory_space<vmem>>) target(%dma_start3A_484 : memref<10240x128xf32, #tpu.memory_space<vmem_shared>>) offsets(%dma_start3A_481 : memref<32xi32, #tpu.memory_space<vmem>>) semaphore(%arg20 : memref<!tpu.dma_semaphore, #tpu.memory_space<semaphore_mem>>) {add = true}
      %mul3A_485 = arith.constant 4 : i32
      %mul3A_486 = arith.muli %scan3A_215, %mul3A_485 : i32
      %add3A_487 = arith.constant 2 : i32
      %add3A_488 = arith.addi %mul3A_486, %add3A_487 : i32
      %dma_wait3A_489 = arith.constant 2 : i32
      %dma_wait3A_490 = arith.constant 0 : i32
      %dma_wait3A_491 = arith.constant 0 : i32
      %dma_wait3A_492 = arith.constant 0 : i32
      %dma_wait3A_493 = tpu.memref_slice %arg11[%dma_wait3A_490, %dma_wait3A_491, %dma_wait3A_492] : memref<2x32x128xf32, #tpu.memory_space<vmem>> -> memref<1x32x128xf32, #tpu.memory_space<vmem>>
      %dma_wait3A_494 = tpu.memref_squeeze %dma_wait3A_493 : memref<1x32x128xf32, #tpu.memory_space<vmem>> -> memref<32x128xf32, #tpu.memory_space<vmem>>
      %dma_wait3A_495 = arith.constant 0 : i32
      %dma_wait3A_496 = tpu.memref_slice %arg9[%dma_wait3A_489, %dma_wait3A_495] : memref<4x32xi32, #tpu.memory_space<vmem>> -> memref<1x32xi32, #tpu.memory_space<vmem>>
      %dma_wait3A_497 = tpu.memref_squeeze %dma_wait3A_496 : memref<1x32xi32, #tpu.memory_space<vmem>> -> memref<32xi32, #tpu.memory_space<vmem>>
      %dma_wait3A_498 = arith.constant 0 : i32
      %dma_wait3A_499 = arith.constant 0 : i32
      %dma_wait3A_500 = tpu.memref_slice %arg2[%dma_wait3A_498, %dma_wait3A_499] : memref<10240x128xf32, #tpu.memory_space<hbm>> -> memref<10240x128xf32, #tpu.memory_space<hbm>>
      tpu.wait_indirect_dma semaphore(%arg17 : memref<!tpu.dma_semaphore, #tpu.memory_space<semaphore_mem>>) src(%dma_wait3A_500 : memref<10240x128xf32, #tpu.memory_space<hbm>>) dst(%dma_wait3A_494 : memref<32x128xf32, #tpu.memory_space<vmem>>)
      %dma_wait3A_501 = arith.constant 2 : i32
      %dma_wait3A_502 = arith.constant 0 : i32
      %dma_wait3A_503 = arith.constant 0 : i32
      %dma_wait3A_504 = arith.constant 0 : i32
      %dma_wait3A_505 = tpu.memref_slice %arg12[%dma_wait3A_502, %dma_wait3A_503, %dma_wait3A_504] : memref<2x32x128xf32, #tpu.memory_space<vmem>> -> memref<1x32x128xf32, #tpu.memory_space<vmem>>
      %dma_wait3A_506 = tpu.memref_squeeze %dma_wait3A_505 : memref<1x32x128xf32, #tpu.memory_space<vmem>> -> memref<32x128xf32, #tpu.memory_space<vmem>>
      %dma_wait3A_507 = arith.constant 0 : i32
      %dma_wait3A_508 = tpu.memref_slice %arg10[%dma_wait3A_501, %dma_wait3A_507] : memref<4x32xi32, #tpu.memory_space<vmem>> -> memref<1x32xi32, #tpu.memory_space<vmem>>
      %dma_wait3A_509 = tpu.memref_squeeze %dma_wait3A_508 : memref<1x32xi32, #tpu.memory_space<vmem>> -> memref<32xi32, #tpu.memory_space<vmem>>
      %dma_wait3A_510 = arith.constant 0 : i32
      %dma_wait3A_511 = arith.constant 0 : i32
      %dma_wait3A_512 = tpu.memref_slice %arg3[%dma_wait3A_510, %dma_wait3A_511] : memref<10240x128xf32, #tpu.memory_space<hbm>> -> memref<10240x128xf32, #tpu.memory_space<hbm>>
      tpu.wait_indirect_dma semaphore(%arg17 : memref<!tpu.dma_semaphore, #tpu.memory_space<semaphore_mem>>) src(%dma_wait3A_512 : memref<10240x128xf32, #tpu.memory_space<hbm>>) dst(%dma_wait3A_506 : memref<32x128xf32, #tpu.memory_space<vmem>>)
      %add3A_513 = arith.constant 1 : i32
      %add3A_514 = arith.addi %add3A_488, %add3A_513 : i32
      %dma_wait3A_515 = arith.constant 3 : i32
      %dma_wait3A_516 = arith.constant 0 : i32
      %dma_wait3A_517 = tpu.memref_slice %arg9[%dma_wait3A_515, %dma_wait3A_516] : memref<4x32xi32, #tpu.memory_space<vmem>> -> memref<1x32xi32, #tpu.memory_space<vmem>>
      %dma_wait3A_518 = tpu.memref_squeeze %dma_wait3A_517 : memref<1x32xi32, #tpu.memory_space<vmem>> -> memref<32xi32, #tpu.memory_space<vmem>>
      %dma_wait3A_519 = arith.constant 0 : i32
      %dma_wait3A_520 = tpu.memref_slice %arg4[%add3A, %add3A_514, %dma_wait3A_519] : memref<32x313x32xi32, #tpu.memory_space<hbm>> -> memref<1x1x32xi32, #tpu.memory_space<hbm>>
      %dma_wait3A_521 = tpu.memref_squeeze %dma_wait3A_520 : memref<1x1x32xi32, #tpu.memory_space<hbm>> -> memref<32xi32, #tpu.memory_space<hbm>>
      %dma_wait3A_522 = arith.constant 0 : i32
      %dma_wait3A_523 = tpu.memref_slice %arg9[%dma_wait3A_515, %dma_wait3A_522] : memref<4x32xi32, #tpu.memory_space<vmem>> -> memref<1x32xi32, #tpu.memory_space<vmem>>
      %dma_wait3A_524 = tpu.memref_squeeze %dma_wait3A_523 : memref<1x32xi32, #tpu.memory_space<vmem>> -> memref<32xi32, #tpu.memory_space<vmem>>
      %dma_wait3A_525 = arith.constant 0 : i32
      %dma_wait3A_526 = tpu.memref_slice %arg4[%add3A, %add3A_514, %dma_wait3A_525] : memref<32x313x32xi32, #tpu.memory_space<hbm>> -> memref<1x1x32xi32, #tpu.memory_space<hbm>>
      %dma_wait3A_527 = tpu.memref_squeeze %dma_wait3A_526 : memref<1x1x32xi32, #tpu.memory_space<hbm>> -> memref<32xi32, #tpu.memory_space<hbm>>
      tpu.wait_dma2 semaphore(%arg16 : memref<!tpu.dma_semaphore, #tpu.memory_space<semaphore_mem>>) src(%dma_wait3A_527 : memref<32xi32, #tpu.memory_space<hbm>>) dst(%dma_wait3A_524 : memref<32xi32, #tpu.memory_space<vmem>>)
      %dma_wait3A_528 = arith.constant 3 : i32
      %dma_wait3A_529 = arith.constant 0 : i32
      %dma_wait3A_530 = tpu.memref_slice %arg10[%dma_wait3A_528, %dma_wait3A_529] : memref<4x32xi32, #tpu.memory_space<vmem>> -> memref<1x32xi32, #tpu.memory_space<vmem>>
      %dma_wait3A_531 = tpu.memref_squeeze %dma_wait3A_530 : memref<1x32xi32, #tpu.memory_space<vmem>> -> memref<32xi32, #tpu.memory_space<vmem>>
      %dma_wait3A_532 = arith.constant 0 : i32
      %dma_wait3A_533 = tpu.memref_slice %arg5[%add3A, %add3A_514, %dma_wait3A_532] : memref<32x313x32xi32, #tpu.memory_space<hbm>> -> memref<1x1x32xi32, #tpu.memory_space<hbm>>
      %dma_wait3A_534 = tpu.memref_squeeze %dma_wait3A_533 : memref<1x1x32xi32, #tpu.memory_space<hbm>> -> memref<32xi32, #tpu.memory_space<hbm>>
      %dma_wait3A_535 = arith.constant 0 : i32
      %dma_wait3A_536 = tpu.memref_slice %arg10[%dma_wait3A_528, %dma_wait3A_535] : memref<4x32xi32, #tpu.memory_space<vmem>> -> memref<1x32xi32, #tpu.memory_space<vmem>>
      %dma_wait3A_537 = tpu.memref_squeeze %dma_wait3A_536 : memref<1x32xi32, #tpu.memory_space<vmem>> -> memref<32xi32, #tpu.memory_space<vmem>>
      %dma_wait3A_538 = arith.constant 0 : i32
      %dma_wait3A_539 = tpu.memref_slice %arg5[%add3A, %add3A_514, %dma_wait3A_538] : memref<32x313x32xi32, #tpu.memory_space<hbm>> -> memref<1x1x32xi32, #tpu.memory_space<hbm>>
      %dma_wait3A_540 = tpu.memref_squeeze %dma_wait3A_539 : memref<1x1x32xi32, #tpu.memory_space<hbm>> -> memref<32xi32, #tpu.memory_space<hbm>>
      tpu.wait_dma2 semaphore(%arg16 : memref<!tpu.dma_semaphore, #tpu.memory_space<semaphore_mem>>) src(%dma_wait3A_540 : memref<32xi32, #tpu.memory_space<hbm>>) dst(%dma_wait3A_537 : memref<32xi32, #tpu.memory_space<vmem>>)
      %dma_start3A_541 = arith.constant 3 : i32
      %dma_start3A_542 = arith.constant 1 : i32
      %dma_start3A_543 = arith.constant 0 : i32
      %dma_start3A_544 = arith.constant 0 : i32
      %dma_start3A_545 = tpu.memref_slice %arg11[%dma_start3A_542, %dma_start3A_543, %dma_start3A_544] : memref<2x32x128xf32, #tpu.memory_space<vmem>> -> memref<1x32x128xf32, #tpu.memory_space<vmem>>
      %dma_start3A_546 = tpu.memref_squeeze %dma_start3A_545 : memref<1x32x128xf32, #tpu.memory_space<vmem>> -> memref<32x128xf32, #tpu.memory_space<vmem>>
      %dma_start3A_547 = arith.constant 0 : i32
      %dma_start3A_548 = tpu.memref_slice %arg9[%dma_start3A_541, %dma_start3A_547] : memref<4x32xi32, #tpu.memory_space<vmem>> -> memref<1x32xi32, #tpu.memory_space<vmem>>
      %dma_start3A_549 = tpu.memref_squeeze %dma_start3A_548 : memref<1x32xi32, #tpu.memory_space<vmem>> -> memref<32xi32, #tpu.memory_space<vmem>>
      %dma_start3A_550 = arith.constant 0 : i32
      %dma_start3A_551 = arith.constant 0 : i32
      %dma_start3A_552 = tpu.memref_slice %arg2[%dma_start3A_550, %dma_start3A_551] : memref<10240x128xf32, #tpu.memory_space<hbm>> -> memref<10240x128xf32, #tpu.memory_space<hbm>>
      tpu.enqueue_indirect_dma source(%dma_start3A_552 : memref<10240x128xf32, #tpu.memory_space<hbm>>) target(%dma_start3A_546 : memref<32x128xf32, #tpu.memory_space<vmem>>) offsets(%dma_start3A_549 : memref<32xi32, #tpu.memory_space<vmem>>) semaphore(%arg18 : memref<!tpu.dma_semaphore, #tpu.memory_space<semaphore_mem>>)
      %dma_start3A_553 = arith.constant 3 : i32
      %dma_start3A_554 = arith.constant 1 : i32
      %dma_start3A_555 = arith.constant 0 : i32
      %dma_start3A_556 = arith.constant 0 : i32
      %dma_start3A_557 = tpu.memref_slice %arg12[%dma_start3A_554, %dma_start3A_555, %dma_start3A_556] : memref<2x32x128xf32, #tpu.memory_space<vmem>> -> memref<1x32x128xf32, #tpu.memory_space<vmem>>
      %dma_start3A_558 = tpu.memref_squeeze %dma_start3A_557 : memref<1x32x128xf32, #tpu.memory_space<vmem>> -> memref<32x128xf32, #tpu.memory_space<vmem>>
      %dma_start3A_559 = arith.constant 0 : i32
      %dma_start3A_560 = tpu.memref_slice %arg10[%dma_start3A_553, %dma_start3A_559] : memref<4x32xi32, #tpu.memory_space<vmem>> -> memref<1x32xi32, #tpu.memory_space<vmem>>
      %dma_start3A_561 = tpu.memref_squeeze %dma_start3A_560 : memref<1x32xi32, #tpu.memory_space<vmem>> -> memref<32xi32, #tpu.memory_space<vmem>>
      %dma_start3A_562 = arith.constant 0 : i32
      %dma_start3A_563 = arith.constant 0 : i32
      %dma_start3A_564 = tpu.memref_slice %arg3[%dma_start3A_562, %dma_start3A_563] : memref<10240x128xf32, #tpu.memory_space<hbm>> -> memref<10240x128xf32, #tpu.memory_space<hbm>>
      tpu.enqueue_indirect_dma source(%dma_start3A_564 : memref<10240x128xf32, #tpu.memory_space<hbm>>) target(%dma_start3A_558 : memref<32x128xf32, #tpu.memory_space<vmem>>) offsets(%dma_start3A_561 : memref<32xi32, #tpu.memory_space<vmem>>) semaphore(%arg18 : memref<!tpu.dma_semaphore, #tpu.memory_space<semaphore_mem>>)
      %dma_wait3A_565 = arith.constant 0 : i32
      %dma_wait3A_566 = arith.constant 0 : i32
      %dma_wait3A_567 = arith.constant 0 : i32
      %dma_wait3A_568 = arith.constant 0 : i32
      %dma_wait3A_569 = tpu.memref_slice %arg13[%dma_wait3A_565, %dma_wait3A_567, %dma_wait3A_568] : memref<2x32x128xf32, #tpu.memory_space<vmem>> -> memref<1x32x128xf32, #tpu.memory_space<vmem>>
      %dma_wait3A_570 = tpu.memref_squeeze %dma_wait3A_569 : memref<1x32x128xf32, #tpu.memory_space<vmem>> -> memref<32x128xf32, #tpu.memory_space<vmem>>
      %dma_wait3A_571 = arith.constant 0 : i32
      %dma_wait3A_572 = tpu.memref_slice %arg10[%dma_wait3A_566, %dma_wait3A_571] : memref<4x32xi32, #tpu.memory_space<vmem>> -> memref<1x32xi32, #tpu.memory_space<vmem>>
      %dma_wait3A_573 = tpu.memref_squeeze %dma_wait3A_572 : memref<1x32xi32, #tpu.memory_space<vmem>> -> memref<32xi32, #tpu.memory_space<vmem>>
      %dma_wait3A_574 = arith.constant 0 : i32
      %dma_wait3A_575 = arith.constant 0 : i32
      %dma_wait3A_576 = tpu.memref_slice %arg15[%dma_wait3A_574, %dma_wait3A_575] : memref<10240x128xf32, #tpu.memory_space<vmem_shared>> -> memref<10240x128xf32, #tpu.memory_space<vmem_shared>>
      tpu.wait_indirect_dma semaphore(%arg19 : memref<!tpu.dma_semaphore, #tpu.memory_space<semaphore_mem>>) src(%dma_wait3A_570 : memref<32x128xf32, #tpu.memory_space<vmem>>) dst(%dma_wait3A_576 : memref<10240x128xf32, #tpu.memory_space<vmem_shared>>)
      %add3A_577 = arith.constant 2 : i32
      %add3A_578 = arith.addi %add3A_488, %add3A_577 : i32
      %dma_start3A_579 = arith.constant 0 : i32
      %dma_start3A_580 = arith.constant 0 : i32
      %dma_start3A_581 = tpu.memref_slice %arg9[%dma_start3A_579, %dma_start3A_580] : memref<4x32xi32, #tpu.memory_space<vmem>> -> memref<1x32xi32, #tpu.memory_space<vmem>>
      %dma_start3A_582 = tpu.memref_squeeze %dma_start3A_581 : memref<1x32xi32, #tpu.memory_space<vmem>> -> memref<32xi32, #tpu.memory_space<vmem>>
      %dma_start3A_583 = arith.constant 0 : i32
      %dma_start3A_584 = tpu.memref_slice %arg4[%add3A, %add3A_578, %dma_start3A_583] : memref<32x313x32xi32, #tpu.memory_space<hbm>> -> memref<1x1x32xi32, #tpu.memory_space<hbm>>
      %dma_start3A_585 = tpu.memref_squeeze %dma_start3A_584 : memref<1x1x32xi32, #tpu.memory_space<hbm>> -> memref<32xi32, #tpu.memory_space<hbm>>
      %dma_start3A_586 = arith.constant 0 : i32
      %dma_start3A_587 = tpu.memref_slice %arg9[%dma_start3A_579, %dma_start3A_586] : memref<4x32xi32, #tpu.memory_space<vmem>> -> memref<1x32xi32, #tpu.memory_space<vmem>>
      %dma_start3A_588 = tpu.memref_squeeze %dma_start3A_587 : memref<1x32xi32, #tpu.memory_space<vmem>> -> memref<32xi32, #tpu.memory_space<vmem>>
      %dma_start3A_589 = arith.constant 0 : i32
      %dma_start3A_590 = tpu.memref_slice %arg4[%add3A, %add3A_578, %dma_start3A_589] : memref<32x313x32xi32, #tpu.memory_space<hbm>> -> memref<1x1x32xi32, #tpu.memory_space<hbm>>
      %dma_start3A_591 = tpu.memref_squeeze %dma_start3A_590 : memref<1x1x32xi32, #tpu.memory_space<hbm>> -> memref<32xi32, #tpu.memory_space<hbm>>
      tpu.enqueue_dma source(%dma_start3A_591 : memref<32xi32, #tpu.memory_space<hbm>>) target(%dma_start3A_588 : memref<32xi32, #tpu.memory_space<vmem>>) target_semaphore(%arg16 : memref<!tpu.dma_semaphore, #tpu.memory_space<semaphore_mem>>)
      %dma_start3A_592 = arith.constant 0 : i32
      %dma_start3A_593 = arith.constant 0 : i32
      %dma_start3A_594 = tpu.memref_slice %arg10[%dma_start3A_592, %dma_start3A_593] : memref<4x32xi32, #tpu.memory_space<vmem>> -> memref<1x32xi32, #tpu.memory_space<vmem>>
      %dma_start3A_595 = tpu.memref_squeeze %dma_start3A_594 : memref<1x32xi32, #tpu.memory_space<vmem>> -> memref<32xi32, #tpu.memory_space<vmem>>
      %dma_start3A_596 = arith.constant 0 : i32
      %dma_start3A_597 = tpu.memref_slice %arg5[%add3A, %add3A_578, %dma_start3A_596] : memref<32x313x32xi32, #tpu.memory_space<hbm>> -> memref<1x1x32xi32, #tpu.memory_space<hbm>>
      %dma_start3A_598 = tpu.memref_squeeze %dma_start3A_597 : memref<1x1x32xi32, #tpu.memory_space<hbm>> -> memref<32xi32, #tpu.memory_space<hbm>>
      %dma_start3A_599 = arith.constant 0 : i32
      %dma_start3A_600 = tpu.memref_slice %arg10[%dma_start3A_592, %dma_start3A_599] : memref<4x32xi32, #tpu.memory_space<vmem>> -> memref<1x32xi32, #tpu.memory_space<vmem>>
      %dma_start3A_601 = tpu.memref_squeeze %dma_start3A_600 : memref<1x32xi32, #tpu.memory_space<vmem>> -> memref<32xi32, #tpu.memory_space<vmem>>
      %dma_start3A_602 = arith.constant 0 : i32
      %dma_start3A_603 = tpu.memref_slice %arg5[%add3A, %add3A_578, %dma_start3A_602] : memref<32x313x32xi32, #tpu.memory_space<hbm>> -> memref<1x1x32xi32, #tpu.memory_space<hbm>>
      %dma_start3A_604 = tpu.memref_squeeze %dma_start3A_603 : memref<1x1x32xi32, #tpu.memory_space<hbm>> -> memref<32xi32, #tpu.memory_space<hbm>>
      tpu.enqueue_dma source(%dma_start3A_604 : memref<32xi32, #tpu.memory_space<hbm>>) target(%dma_start3A_601 : memref<32xi32, #tpu.memory_space<vmem>>) target_semaphore(%arg16 : memref<!tpu.dma_semaphore, #tpu.memory_space<semaphore_mem>>)
      %parallel_loop3A_605 = arith.constant 0 : i32
      %parallel_loop3A_606 = arith.constant 32 : i32
      %parallel_loop3A_607 = arith.constant 1 : i32
      scf.for %parallel_loop3A_747 = %parallel_loop3A_605 to %parallel_loop3A_606 step %parallel_loop3A_607  : i32 {
        %parallel_loop3A_748 = arith.constant 0 : i32
        %parallel_loop3A_749 = arith.index_cast %parallel_loop3A_748 : i32 to index
        %parallel_loop3A_750 = arith.index_cast %parallel_loop3A_747 : i32 to index
        %parallel_loop3A_751 = arith.constant 0 : index
        %parallel_loop3A_752 = tpu.vector_load %arg11[%parallel_loop3A_749, %parallel_loop3A_750, %parallel_loop3A_751] {strides = array<i32>} : memref<2x32x128xf32, #tpu.memory_space<vmem>>, vector<16xf32>,
        %parallel_loop3A_753 = arith.constant 0 : i32
        %parallel_loop3A_754 = arith.index_cast %parallel_loop3A_753 : i32 to index
        %parallel_loop3A_755 = arith.index_cast %parallel_loop3A_747 : i32 to index
        %parallel_loop3A_756 = arith.constant 0 : index
        %parallel_loop3A_757 = tpu.vector_load %arg12[%parallel_loop3A_754, %parallel_loop3A_755, %parallel_loop3A_756] {strides = array<i32>} : memref<2x32x128xf32, #tpu.memory_space<vmem>>, vector<16xf32>,
        %parallel_loop3A_758 = arith.addf %parallel_loop3A_752, %parallel_loop3A_757 : vector<16xf32>
        %parallel_loop3A_759 = arith.constant 0.000000e+00 : f32
        %parallel_loop3A_760 = vector.broadcast %parallel_loop3A_759 : f32 to vector<16xf32>
        %parallel_loop3A_761 = arith.maximumf %parallel_loop3A_758, %parallel_loop3A_760 : vector<16xf32>
        %parallel_loop3A_762 = arith.constant 0 : i32
        %parallel_loop3A_763 = arith.index_cast %parallel_loop3A_762 : i32 to index
        %parallel_loop3A_764 = arith.index_cast %parallel_loop3A_747 : i32 to index
        %parallel_loop3A_765 = arith.constant 0 : index
        %parallel_loop3A_766 = tpu.vector_load %arg13[%parallel_loop3A_763, %parallel_loop3A_764, %parallel_loop3A_765] {strides = array<i32>} : memref<2x32x128xf32, #tpu.memory_space<vmem>>, vector<16xf32>,
        tpu.vector_store %arg13[%parallel_loop3A_763, %parallel_loop3A_764, %parallel_loop3A_765], %parallel_loop3A_761 {strides = array<i32>} : memref<2x32x128xf32, #tpu.memory_space<vmem>>, vector<16xf32>,
        %parallel_loop3A_767 = arith.constant 0 : i32
        %parallel_loop3A_768 = arith.index_cast %parallel_loop3A_767 : i32 to index
        %parallel_loop3A_769 = arith.index_cast %parallel_loop3A_747 : i32 to index
        %parallel_loop3A_770 = arith.constant 16 : index
        %parallel_loop3A_771 = tpu.vector_load %arg11[%parallel_loop3A_768, %parallel_loop3A_769, %parallel_loop3A_770] {strides = array<i32>} : memref<2x32x128xf32, #tpu.memory_space<vmem>>, vector<16xf32>,
        %parallel_loop3A_772 = arith.constant 0 : i32
        %parallel_loop3A_773 = arith.index_cast %parallel_loop3A_772 : i32 to index
        %parallel_loop3A_774 = arith.index_cast %parallel_loop3A_747 : i32 to index
        %parallel_loop3A_775 = arith.constant 16 : index
        %parallel_loop3A_776 = tpu.vector_load %arg12[%parallel_loop3A_773, %parallel_loop3A_774, %parallel_loop3A_775] {strides = array<i32>} : memref<2x32x128xf32, #tpu.memory_space<vmem>>, vector<16xf32>,
        %parallel_loop3A_777 = arith.addf %parallel_loop3A_771, %parallel_loop3A_776 : vector<16xf32>
        %parallel_loop3A_778 = arith.constant 0.000000e+00 : f32
        %parallel_loop3A_779 = vector.broadcast %parallel_loop3A_778 : f32 to vector<16xf32>
        %parallel_loop3A_780 = arith.maximumf %parallel_loop3A_777, %parallel_loop3A_779 : vector<16xf32>
        %parallel_loop3A_781 = arith.constant 0 : i32
        %parallel_loop3A_782 = arith.index_cast %parallel_loop3A_781 : i32 to index
        %parallel_loop3A_783 = arith.index_cast %parallel_loop3A_747 : i32 to index
        %parallel_loop3A_784 = arith.constant 16 : index
        %parallel_loop3A_785 = tpu.vector_load %arg13[%parallel_loop3A_782, %parallel_loop3A_783, %parallel_loop3A_784] {strides = array<i32>} : memref<2x32x128xf32, #tpu.memory_space<vmem>>, vector<16xf32>,
        tpu.vector_store %arg13[%parallel_loop3A_782, %parallel_loop3A_783, %parallel_loop3A_784], %parallel_loop3A_780 {strides = array<i32>} : memref<2x32x128xf32, #tpu.memory_space<vmem>>, vector<16xf32>,
        %parallel_loop3A_786 = arith.constant 0 : i32
        %parallel_loop3A_787 = arith.index_cast %parallel_loop3A_786 : i32 to index
        %parallel_loop3A_788 = arith.index_cast %parallel_loop3A_747 : i32 to index
        %parallel_loop3A_789 = arith.constant 32 : index
        %parallel_loop3A_790 = tpu.vector_load %arg11[%parallel_loop3A_787, %parallel_loop3A_788, %parallel_loop3A_789] {strides = array<i32>} : memref<2x32x128xf32, #tpu.memory_space<vmem>>, vector<16xf32>,
        %parallel_loop3A_791 = arith.constant 0 : i32
        %parallel_loop3A_792 = arith.index_cast %parallel_loop3A_791 : i32 to index
        %parallel_loop3A_793 = arith.index_cast %parallel_loop3A_747 : i32 to index
        %parallel_loop3A_794 = arith.constant 32 : index
        %parallel_loop3A_795 = tpu.vector_load %arg12[%parallel_loop3A_792, %parallel_loop3A_793, %parallel_loop3A_794] {strides = array<i32>} : memref<2x32x128xf32, #tpu.memory_space<vmem>>, vector<16xf32>,
        %parallel_loop3A_796 = arith.addf %parallel_loop3A_790, %parallel_loop3A_795 : vector<16xf32>
        %parallel_loop3A_797 = arith.constant 0.000000e+00 : f32
        %parallel_loop3A_798 = vector.broadcast %parallel_loop3A_797 : f32 to vector<16xf32>
        %parallel_loop3A_799 = arith.maximumf %parallel_loop3A_796, %parallel_loop3A_798 : vector<16xf32>
        %parallel_loop3A_800 = arith.constant 0 : i32
        %parallel_loop3A_801 = arith.index_cast %parallel_loop3A_800 : i32 to index
        %parallel_loop3A_802 = arith.index_cast %parallel_loop3A_747 : i32 to index
        %parallel_loop3A_803 = arith.constant 32 : index
        %parallel_loop3A_804 = tpu.vector_load %arg13[%parallel_loop3A_801, %parallel_loop3A_802, %parallel_loop3A_803] {strides = array<i32>} : memref<2x32x128xf32, #tpu.memory_space<vmem>>, vector<16xf32>,
        tpu.vector_store %arg13[%parallel_loop3A_801, %parallel_loop3A_802, %parallel_loop3A_803], %parallel_loop3A_799 {strides = array<i32>} : memref<2x32x128xf32, #tpu.memory_space<vmem>>, vector<16xf32>,
        %parallel_loop3A_805 = arith.constant 0 : i32
        %parallel_loop3A_806 = arith.index_cast %parallel_loop3A_805 : i32 to index
        %parallel_loop3A_807 = arith.index_cast %parallel_loop3A_747 : i32 to index
        %parallel_loop3A_808 = arith.constant 48 : index
        %parallel_loop3A_809 = tpu.vector_load %arg11[%parallel_loop3A_806, %parallel_loop3A_807, %parallel_loop3A_808] {strides = array<i32>} : memref<2x32x128xf32, #tpu.memory_space<vmem>>, vector<16xf32>,
        %parallel_loop3A_810 = arith.constant 0 : i32
        %parallel_loop3A_811 = arith.index_cast %parallel_loop3A_810 : i32 to index
        %parallel_loop3A_812 = arith.index_cast %parallel_loop3A_747 : i32 to index
        %parallel_loop3A_813 = arith.constant 48 : index
        %parallel_loop3A_814 = tpu.vector_load %arg12[%parallel_loop3A_811, %parallel_loop3A_812, %parallel_loop3A_813] {strides = array<i32>} : memref<2x32x128xf32, #tpu.memory_space<vmem>>, vector<16xf32>,
        %parallel_loop3A_815 = arith.addf %parallel_loop3A_809, %parallel_loop3A_814 : vector<16xf32>
        %parallel_loop3A_816 = arith.constant 0.000000e+00 : f32
        %parallel_loop3A_817 = vector.broadcast %parallel_loop3A_816 : f32 to vector<16xf32>
        %parallel_loop3A_818 = arith.maximumf %parallel_loop3A_815, %parallel_loop3A_817 : vector<16xf32>
        %parallel_loop3A_819 = arith.constant 0 : i32
        %parallel_loop3A_820 = arith.index_cast %parallel_loop3A_819 : i32 to index
        %parallel_loop3A_821 = arith.index_cast %parallel_loop3A_747 : i32 to index
        %parallel_loop3A_822 = arith.constant 48 : index
        %parallel_loop3A_823 = tpu.vector_load %arg13[%parallel_loop3A_820, %parallel_loop3A_821, %parallel_loop3A_822] {strides = array<i32>} : memref<2x32x128xf32, #tpu.memory_space<vmem>>, vector<16xf32>,
        tpu.vector_store %arg13[%parallel_loop3A_820, %parallel_loop3A_821, %parallel_loop3A_822], %parallel_loop3A_818 {strides = array<i32>} : memref<2x32x128xf32, #tpu.memory_space<vmem>>, vector<16xf32>,
        %parallel_loop3A_824 = arith.constant 0 : i32
        %parallel_loop3A_825 = arith.index_cast %parallel_loop3A_824 : i32 to index
        %parallel_loop3A_826 = arith.index_cast %parallel_loop3A_747 : i32 to index
        %parallel_loop3A_827 = arith.constant 64 : index
        %parallel_loop3A_828 = tpu.vector_load %arg11[%parallel_loop3A_825, %parallel_loop3A_826, %parallel_loop3A_827] {strides = array<i32>} : memref<2x32x128xf32, #tpu.memory_space<vmem>>, vector<16xf32>,
        %parallel_loop3A_829 = arith.constant 0 : i32
        %parallel_loop3A_830 = arith.index_cast %parallel_loop3A_829 : i32 to index
        %parallel_loop3A_831 = arith.index_cast %parallel_loop3A_747 : i32 to index
        %parallel_loop3A_832 = arith.constant 64 : index
        %parallel_loop3A_833 = tpu.vector_load %arg12[%parallel_loop3A_830, %parallel_loop3A_831, %parallel_loop3A_832] {strides = array<i32>} : memref<2x32x128xf32, #tpu.memory_space<vmem>>, vector<16xf32>,
        %parallel_loop3A_834 = arith.addf %parallel_loop3A_828, %parallel_loop3A_833 : vector<16xf32>
        %parallel_loop3A_835 = arith.constant 0.000000e+00 : f32
        %parallel_loop3A_836 = vector.broadcast %parallel_loop3A_835 : f32 to vector<16xf32>
        %parallel_loop3A_837 = arith.maximumf %parallel_loop3A_834, %parallel_loop3A_836 : vector<16xf32>
        %parallel_loop3A_838 = arith.constant 0 : i32
        %parallel_loop3A_839 = arith.index_cast %parallel_loop3A_838 : i32 to index
        %parallel_loop3A_840 = arith.index_cast %parallel_loop3A_747 : i32 to index
        %parallel_loop3A_841 = arith.constant 64 : index
        %parallel_loop3A_842 = tpu.vector_load %arg13[%parallel_loop3A_839, %parallel_loop3A_840, %parallel_loop3A_841] {strides = array<i32>} : memref<2x32x128xf32, #tpu.memory_space<vmem>>, vector<16xf32>,
        tpu.vector_store %arg13[%parallel_loop3A_839, %parallel_loop3A_840, %parallel_loop3A_841], %parallel_loop3A_837 {strides = array<i32>} : memref<2x32x128xf32, #tpu.memory_space<vmem>>, vector<16xf32>,
        %parallel_loop3A_843 = arith.constant 0 : i32
        %parallel_loop3A_844 = arith.index_cast %parallel_loop3A_843 : i32 to index
        %parallel_loop3A_845 = arith.index_cast %parallel_loop3A_747 : i32 to index
        %parallel_loop3A_846 = arith.constant 80 : index
        %parallel_loop3A_847 = tpu.vector_load %arg11[%parallel_loop3A_844, %parallel_loop3A_845, %parallel_loop3A_846] {strides = array<i32>} : memref<2x32x128xf32, #tpu.memory_space<vmem>>, vector<16xf32>,
        %parallel_loop3A_848 = arith.constant 0 : i32
        %parallel_loop3A_849 = arith.index_cast %parallel_loop3A_848 : i32 to index
        %parallel_loop3A_850 = arith.index_cast %parallel_loop3A_747 : i32 to index
        %parallel_loop3A_851 = arith.constant 80 : index
        %parallel_loop3A_852 = tpu.vector_load %arg12[%parallel_loop3A_849, %parallel_loop3A_850, %parallel_loop3A_851] {strides = array<i32>} : memref<2x32x128xf32, #tpu.memory_space<vmem>>, vector<16xf32>,
        %parallel_loop3A_853 = arith.addf %parallel_loop3A_847, %parallel_loop3A_852 : vector<16xf32>
        %parallel_loop3A_854 = arith.constant 0.000000e+00 : f32
        %parallel_loop3A_855 = vector.broadcast %parallel_loop3A_854 : f32 to vector<16xf32>
        %parallel_loop3A_856 = arith.maximumf %parallel_loop3A_853, %parallel_loop3A_855 : vector<16xf32>
        %parallel_loop3A_857 = arith.constant 0 : i32
        %parallel_loop3A_858 = arith.index_cast %parallel_loop3A_857 : i32 to index
        %parallel_loop3A_859 = arith.index_cast %parallel_loop3A_747 : i32 to index
        %parallel_loop3A_860 = arith.constant 80 : index
        %parallel_loop3A_861 = tpu.vector_load %arg13[%parallel_loop3A_858, %parallel_loop3A_859, %parallel_loop3A_860] {strides = array<i32>} : memref<2x32x128xf32, #tpu.memory_space<vmem>>, vector<16xf32>,
        tpu.vector_store %arg13[%parallel_loop3A_858, %parallel_loop3A_859, %parallel_loop3A_860], %parallel_loop3A_856 {strides = array<i32>} : memref<2x32x128xf32, #tpu.memory_space<vmem>>, vector<16xf32>,
        %parallel_loop3A_862 = arith.constant 0 : i32
        %parallel_loop3A_863 = arith.index_cast %parallel_loop3A_862 : i32 to index
        %parallel_loop3A_864 = arith.index_cast %parallel_loop3A_747 : i32 to index
        %parallel_loop3A_865 = arith.constant 96 : index
        %parallel_loop3A_866 = tpu.vector_load %arg11[%parallel_loop3A_863, %parallel_loop3A_864, %parallel_loop3A_865] {strides = array<i32>} : memref<2x32x128xf32, #tpu.memory_space<vmem>>, vector<16xf32>,
        %parallel_loop3A_867 = arith.constant 0 : i32
        %parallel_loop3A_868 = arith.index_cast %parallel_loop3A_867 : i32 to index
        %parallel_loop3A_869 = arith.index_cast %parallel_loop3A_747 : i32 to index
        %parallel_loop3A_870 = arith.constant 96 : index
        %parallel_loop3A_871 = tpu.vector_load %arg12[%parallel_loop3A_868, %parallel_loop3A_869, %parallel_loop3A_870] {strides = array<i32>} : memref<2x32x128xf32, #tpu.memory_space<vmem>>, vector<16xf32>,
        %parallel_loop3A_872 = arith.addf %parallel_loop3A_866, %parallel_loop3A_871 : vector<16xf32>
        %parallel_loop3A_873 = arith.constant 0.000000e+00 : f32
        %parallel_loop3A_874 = vector.broadcast %parallel_loop3A_873 : f32 to vector<16xf32>
        %parallel_loop3A_875 = arith.maximumf %parallel_loop3A_872, %parallel_loop3A_874 : vector<16xf32>
        %parallel_loop3A_876 = arith.constant 0 : i32
        %parallel_loop3A_877 = arith.index_cast %parallel_loop3A_876 : i32 to index
        %parallel_loop3A_878 = arith.index_cast %parallel_loop3A_747 : i32 to index
        %parallel_loop3A_879 = arith.constant 96 : index
        %parallel_loop3A_880 = tpu.vector_load %arg13[%parallel_loop3A_877, %parallel_loop3A_878, %parallel_loop3A_879] {strides = array<i32>} : memref<2x32x128xf32, #tpu.memory_space<vmem>>, vector<16xf32>,
        tpu.vector_store %arg13[%parallel_loop3A_877, %parallel_loop3A_878, %parallel_loop3A_879], %parallel_loop3A_875 {strides = array<i32>} : memref<2x32x128xf32, #tpu.memory_space<vmem>>, vector<16xf32>,
        %parallel_loop3A_881 = arith.constant 0 : i32
        %parallel_loop3A_882 = arith.index_cast %parallel_loop3A_881 : i32 to index
        %parallel_loop3A_883 = arith.index_cast %parallel_loop3A_747 : i32 to index
        %parallel_loop3A_884 = arith.constant 112 : index
        %parallel_loop3A_885 = tpu.vector_load %arg11[%parallel_loop3A_882, %parallel_loop3A_883, %parallel_loop3A_884] {strides = array<i32>} : memref<2x32x128xf32, #tpu.memory_space<vmem>>, vector<16xf32>,
        %parallel_loop3A_886 = arith.constant 0 : i32
        %parallel_loop3A_887 = arith.index_cast %parallel_loop3A_886 : i32 to index
        %parallel_loop3A_888 = arith.index_cast %parallel_loop3A_747 : i32 to index
        %parallel_loop3A_889 = arith.constant 112 : index
        %parallel_loop3A_890 = tpu.vector_load %arg12[%parallel_loop3A_887, %parallel_loop3A_888, %parallel_loop3A_889] {strides = array<i32>} : memref<2x32x128xf32, #tpu.memory_space<vmem>>, vector<16xf32>,
        %parallel_loop3A_891 = arith.addf %parallel_loop3A_885, %parallel_loop3A_890 : vector<16xf32>
        %parallel_loop3A_892 = arith.constant 0.000000e+00 : f32
        %parallel_loop3A_893 = vector.broadcast %parallel_loop3A_892 : f32 to vector<16xf32>
        %parallel_loop3A_894 = arith.maximumf %parallel_loop3A_891, %parallel_loop3A_893 : vector<16xf32>
        %parallel_loop3A_895 = arith.constant 0 : i32
        %parallel_loop3A_896 = arith.index_cast %parallel_loop3A_895 : i32 to index
        %parallel_loop3A_897 = arith.index_cast %parallel_loop3A_747 : i32 to index
        %parallel_loop3A_898 = arith.constant 112 : index
        %parallel_loop3A_899 = tpu.vector_load %arg13[%parallel_loop3A_896, %parallel_loop3A_897, %parallel_loop3A_898] {strides = array<i32>} : memref<2x32x128xf32, #tpu.memory_space<vmem>>, vector<16xf32>,
        tpu.vector_store %arg13[%parallel_loop3A_896, %parallel_loop3A_897, %parallel_loop3A_898], %parallel_loop3A_894 {strides = array<i32>} : memref<2x32x128xf32, #tpu.memory_space<vmem>>, vector<16xf32>,
      } {sc.loop_unroll_factor = 4 : i64, sc.parallel_access}
      %get3A_608 = arith.constant 2 : i32
      %get3A_609 = arith.index_cast %get3A_608 : i32 to index
      %get3A_610 = arith.constant 0 : index
      %get3A_611 = tpu.vector_load %arg10[%get3A_609, %get3A_610] {strides = array<i32>} : memref<4x32xi32, #tpu.memory_space<vmem>>, vector<16xi32>,
      tpu.vector_store_idx %arg14[%get3A_611], %broadcast_in_dim3A_11 {add = true} : memref<10240xf32, #tpu.memory_space<vmem>>[vector<16xi32>], vector<16xf32>,
      %get3A_612 = arith.constant 2 : i32
      %get3A_613 = arith.index_cast %get3A_612 : i32 to index
      %get3A_614 = arith.constant 16 : index
      %get3A_615 = tpu.vector_load %arg10[%get3A_613, %get3A_614] {strides = array<i32>} : memref<4x32xi32, #tpu.memory_space<vmem>>, vector<16xi32>,
      tpu.vector_store_idx %arg14[%get3A_615], %broadcast_in_dim3A_11 {add = true} : memref<10240xf32, #tpu.memory_space<vmem>>[vector<16xi32>], vector<16xf32>,
      %dma_start3A_616 = arith.constant 0 : i32
      %dma_start3A_617 = arith.constant 2 : i32
      %dma_start3A_618 = arith.constant 0 : i32
      %dma_start3A_619 = arith.constant 0 : i32
      %dma_start3A_620 = tpu.memref_slice %arg13[%dma_start3A_616, %dma_start3A_618, %dma_start3A_619] : memref<2x32x128xf32, #tpu.memory_space<vmem>> -> memref<1x32x128xf32, #tpu.memory_space<vmem>>
      %dma_start3A_621 = tpu.memref_squeeze %dma_start3A_620 : memref<1x32x128xf32, #tpu.memory_space<vmem>> -> memref<32x128xf32, #tpu.memory_space<vmem>>
      %dma_start3A_622 = arith.constant 0 : i32
      %dma_start3A_623 = tpu.memref_slice %arg10[%dma_start3A_617, %dma_start3A_622] : memref<4x32xi32, #tpu.memory_space<vmem>> -> memref<1x32xi32, #tpu.memory_space<vmem>>
      %dma_start3A_624 = tpu.memref_squeeze %dma_start3A_623 : memref<1x32xi32, #tpu.memory_space<vmem>> -> memref<32xi32, #tpu.memory_space<vmem>>
      %dma_start3A_625 = arith.constant 0 : i32
      %dma_start3A_626 = arith.constant 0 : i32
      %dma_start3A_627 = tpu.memref_slice %arg15[%dma_start3A_625, %dma_start3A_626] : memref<10240x128xf32, #tpu.memory_space<vmem_shared>> -> memref<10240x128xf32, #tpu.memory_space<vmem_shared>>
      tpu.enqueue_indirect_dma source(%dma_start3A_621 : memref<32x128xf32, #tpu.memory_space<vmem>>) target(%dma_start3A_627 : memref<10240x128xf32, #tpu.memory_space<vmem_shared>>) offsets(%dma_start3A_624 : memref<32xi32, #tpu.memory_space<vmem>>) semaphore(%arg19 : memref<!tpu.dma_semaphore, #tpu.memory_space<semaphore_mem>>) {add = true}
      %mul3A_628 = arith.constant 4 : i32
      %mul3A_629 = arith.muli %scan3A_215, %mul3A_628 : i32
      %add3A_630 = arith.constant 3 : i32
      %add3A_631 = arith.addi %mul3A_629, %add3A_630 : i32
      %dma_wait3A_632 = arith.constant 3 : i32
      %dma_wait3A_633 = arith.constant 1 : i32
      %dma_wait3A_634 = arith.constant 0 : i32
      %dma_wait3A_635 = arith.constant 0 : i32
      %dma_wait3A_636 = tpu.memref_slice %arg11[%dma_wait3A_633, %dma_wait3A_634, %dma_wait3A_635] : memref<2x32x128xf32, #tpu.memory_space<vmem>> -> memref<1x32x128xf32, #tpu.memory_space<vmem>>
      %dma_wait3A_637 = tpu.memref_squeeze %dma_wait3A_636 : memref<1x32x128xf32, #tpu.memory_space<vmem>> -> memref<32x128xf32, #tpu.memory_space<vmem>>
      %dma_wait3A_638 = arith.constant 0 : i32
      %dma_wait3A_639 = tpu.memref_slice %arg9[%dma_wait3A_632, %dma_wait3A_638] : memref<4x32xi32, #tpu.memory_space<vmem>> -> memref<1x32xi32, #tpu.memory_space<vmem>>
      %dma_wait3A_640 = tpu.memref_squeeze %dma_wait3A_639 : memref<1x32xi32, #tpu.memory_space<vmem>> -> memref<32xi32, #tpu.memory_space<vmem>>
      %dma_wait3A_641 = arith.constant 0 : i32
      %dma_wait3A_642 = arith.constant 0 : i32
      %dma_wait3A_643 = tpu.memref_slice %arg2[%dma_wait3A_641, %dma_wait3A_642] : memref<10240x128xf32, #tpu.memory_space<hbm>> -> memref<10240x128xf32, #tpu.memory_space<hbm>>
      tpu.wait_indirect_dma semaphore(%arg18 : memref<!tpu.dma_semaphore, #tpu.memory_space<semaphore_mem>>) src(%dma_wait3A_643 : memref<10240x128xf32, #tpu.memory_space<hbm>>) dst(%dma_wait3A_637 : memref<32x128xf32, #tpu.memory_space<vmem>>)
      %dma_wait3A_644 = arith.constant 3 : i32
      %dma_wait3A_645 = arith.constant 1 : i32
      %dma_wait3A_646 = arith.constant 0 : i32
      %dma_wait3A_647 = arith.constant 0 : i32
      %dma_wait3A_648 = tpu.memref_slice %arg12[%dma_wait3A_645, %dma_wait3A_646, %dma_wait3A_647] : memref<2x32x128xf32, #tpu.memory_space<vmem>> -> memref<1x32x128xf32, #tpu.memory_space<vmem>>
      %dma_wait3A_649 = tpu.memref_squeeze %dma_wait3A_648 : memref<1x32x128xf32, #tpu.memory_space<vmem>> -> memref<32x128xf32, #tpu.memory_space<vmem>>
      %dma_wait3A_650 = arith.constant 0 : i32
      %dma_wait3A_651 = tpu.memref_slice %arg10[%dma_wait3A_644, %dma_wait3A_650] : memref<4x32xi32, #tpu.memory_space<vmem>> -> memref<1x32xi32, #tpu.memory_space<vmem>>
      %dma_wait3A_652 = tpu.memref_squeeze %dma_wait3A_651 : memref<1x32xi32, #tpu.memory_space<vmem>> -> memref<32xi32, #tpu.memory_space<vmem>>
      %dma_wait3A_653 = arith.constant 0 : i32
      %dma_wait3A_654 = arith.constant 0 : i32
      %dma_wait3A_655 = tpu.memref_slice %arg3[%dma_wait3A_653, %dma_wait3A_654] : memref<10240x128xf32, #tpu.memory_space<hbm>> -> memref<10240x128xf32, #tpu.memory_space<hbm>>
      tpu.wait_indirect_dma semaphore(%arg18 : memref<!tpu.dma_semaphore, #tpu.memory_space<semaphore_mem>>) src(%dma_wait3A_655 : memref<10240x128xf32, #tpu.memory_space<hbm>>) dst(%dma_wait3A_649 : memref<32x128xf32, #tpu.memory_space<vmem>>)
      %add3A_656 = arith.constant 1 : i32
      %add3A_657 = arith.addi %add3A_631, %add3A_656 : i32
      %dma_wait3A_658 = arith.constant 0 : i32
      %dma_wait3A_659 = arith.constant 0 : i32
      %dma_wait3A_660 = tpu.memref_slice %arg9[%dma_wait3A_658, %dma_wait3A_659] : memref<4x32xi32, #tpu.memory_space<vmem>> -> memref<1x32xi32, #tpu.memory_space<vmem>>
      %dma_wait3A_661 = tpu.memref_squeeze %dma_wait3A_660 : memref<1x32xi32, #tpu.memory_space<vmem>> -> memref<32xi32, #tpu.memory_space<vmem>>
      %dma_wait3A_662 = arith.constant 0 : i32
      %dma_wait3A_663 = tpu.memref_slice %arg4[%add3A, %add3A_657, %dma_wait3A_662] : memref<32x313x32xi32, #tpu.memory_space<hbm>> -> memref<1x1x32xi32, #tpu.memory_space<hbm>>
      %dma_wait3A_664 = tpu.memref_squeeze %dma_wait3A_663 : memref<1x1x32xi32, #tpu.memory_space<hbm>> -> memref<32xi32, #tpu.memory_space<hbm>>
      %dma_wait3A_665 = arith.constant 0 : i32
      %dma_wait3A_666 = tpu.memref_slice %arg9[%dma_wait3A_658, %dma_wait3A_665] : memref<4x32xi32, #tpu.memory_space<vmem>> -> memref<1x32xi32, #tpu.memory_space<vmem>>
      %dma_wait3A_667 = tpu.memref_squeeze %dma_wait3A_666 : memref<1x32xi32, #tpu.memory_space<vmem>> -> memref<32xi32, #tpu.memory_space<vmem>>
      %dma_wait3A_668 = arith.constant 0 : i32
      %dma_wait3A_669 = tpu.memref_slice %arg4[%add3A, %add3A_657, %dma_wait3A_668] : memref<32x313x32xi32, #tpu.memory_space<hbm>> -> memref<1x1x32xi32, #tpu.memory_space<hbm>>
      %dma_wait3A_670 = tpu.memref_squeeze %dma_wait3A_669 : memref<1x1x32xi32, #tpu.memory_space<hbm>> -> memref<32xi32, #tpu.memory_space<hbm>>
      tpu.wait_dma2 semaphore(%arg16 : memref<!tpu.dma_semaphore, #tpu.memory_space<semaphore_mem>>) src(%dma_wait3A_670 : memref<32xi32, #tpu.memory_space<hbm>>) dst(%dma_wait3A_667 : memref<32xi32, #tpu.memory_space<vmem>>)
      %dma_wait3A_671 = arith.constant 0 : i32
      %dma_wait3A_672 = arith.constant 0 : i32
      %dma_wait3A_673 = tpu.memref_slice %arg10[%dma_wait3A_671, %dma_wait3A_672] : memref<4x32xi32, #tpu.memory_space<vmem>> -> memref<1x32xi32, #tpu.memory_space<vmem>>
      %dma_wait3A_674 = tpu.memref_squeeze %dma_wait3A_673 : memref<1x32xi32, #tpu.memory_space<vmem>> -> memref<32xi32, #tpu.memory_space<vmem>>
      %dma_wait3A_675 = arith.constant 0 : i32
      %dma_wait3A_676 = tpu.memref_slice %arg5[%add3A, %add3A_657, %dma_wait3A_675] : memref<32x313x32xi32, #tpu.memory_space<hbm>> -> memref<1x1x32xi32, #tpu.memory_space<hbm>>
      %dma_wait3A_677 = tpu.memref_squeeze %dma_wait3A_676 : memref<1x1x32xi32, #tpu.memory_space<hbm>> -> memref<32xi32, #tpu.memory_space<hbm>>
      %dma_wait3A_678 = arith.constant 0 : i32
      %dma_wait3A_679 = tpu.memref_slice %arg10[%dma_wait3A_671, %dma_wait3A_678] : memref<4x32xi32, #tpu.memory_space<vmem>> -> memref<1x32xi32, #tpu.memory_space<vmem>>
      %dma_wait3A_680 = tpu.memref_squeeze %dma_wait3A_679 : memref<1x32xi32, #tpu.memory_space<vmem>> -> memref<32xi32, #tpu.memory_space<vmem>>
      %dma_wait3A_681 = arith.constant 0 : i32
      %dma_wait3A_682 = tpu.memref_slice %arg5[%add3A, %add3A_657, %dma_wait3A_681] : memref<32x313x32xi32, #tpu.memory_space<hbm>> -> memref<1x1x32xi32, #tpu.memory_space<hbm>>
      %dma_wait3A_683 = tpu.memref_squeeze %dma_wait3A_682 : memref<1x1x32xi32, #tpu.memory_space<hbm>> -> memref<32xi32, #tpu.memory_space<hbm>>
      tpu.wait_dma2 semaphore(%arg16 : memref<!tpu.dma_semaphore, #tpu.memory_space<semaphore_mem>>) src(%dma_wait3A_683 : memref<32xi32, #tpu.memory_space<hbm>>) dst(%dma_wait3A_680 : memref<32xi32, #tpu.memory_space<vmem>>)
      %dma_start3A_684 = arith.constant 0 : i32
      %dma_start3A_685 = arith.constant 0 : i32
      %dma_start3A_686 = arith.constant 0 : i32
      %dma_start3A_687 = arith.constant 0 : i32
      %dma_start3A_688 = tpu.memref_slice %arg11[%dma_start3A_685, %dma_start3A_686, %dma_start3A_687] : memref<2x32x128xf32, #tpu.memory_space<vmem>> -> memref<1x32x128xf32, #tpu.memory_space<vmem>>
      %dma_start3A_689 = tpu.memref_squeeze %dma_start3A_688 : memref<1x32x128xf32, #tpu.memory_space<vmem>> -> memref<32x128xf32, #tpu.memory_space<vmem>>
      %dma_start3A_690 = arith.constant 0 : i32
      %dma_start3A_691 = tpu.memref_slice %arg9[%dma_start3A_684, %dma_start3A_690] : memref<4x32xi32, #tpu.memory_space<vmem>> -> memref<1x32xi32, #tpu.memory_space<vmem>>
      %dma_start3A_692 = tpu.memref_squeeze %dma_start3A_691 : memref<1x32xi32, #tpu.memory_space<vmem>> -> memref<32xi32, #tpu.memory_space<vmem>>
      %dma_start3A_693 = arith.constant 0 : i32
      %dma_start3A_694 = arith.constant 0 : i32
      %dma_start3A_695 = tpu.memref_slice %arg2[%dma_start3A_693, %dma_start3A_694] : memref<10240x128xf32, #tpu.memory_space<hbm>> -> memref<10240x128xf32, #tpu.memory_space<hbm>>
      tpu.enqueue_indirect_dma source(%dma_start3A_695 : memref<10240x128xf32, #tpu.memory_space<hbm>>) target(%dma_start3A_689 : memref<32x128xf32, #tpu.memory_space<vmem>>) offsets(%dma_start3A_692 : memref<32xi32, #tpu.memory_space<vmem>>) semaphore(%arg17 : memref<!tpu.dma_semaphore, #tpu.memory_space<semaphore_mem>>)
      %dma_start3A_696 = arith.constant 0 : i32
      %dma_start3A_697 = arith.constant 0 : i32
      %dma_start3A_698 = arith.constant 0 : i32
      %dma_start3A_699 = arith.constant 0 : i32
      %dma_start3A_700 = tpu.memref_slice %arg12[%dma_start3A_697, %dma_start3A_698, %dma_start3A_699] : memref<2x32x128xf32, #tpu.memory_space<vmem>> -> memref<1x32x128xf32, #tpu.memory_space<vmem>>
      %dma_start3A_701 = tpu.memref_squeeze %dma_start3A_700 : memref<1x32x128xf32, #tpu.memory_space<vmem>> -> memref<32x128xf32, #tpu.memory_space<vmem>>
      %dma_start3A_702 = arith.constant 0 : i32
      %dma_start3A_703 = tpu.memref_slice %arg10[%dma_start3A_696, %dma_start3A_702] : memref<4x32xi32, #tpu.memory_space<vmem>> -> memref<1x32xi32, #tpu.memory_space<vmem>>
      %dma_start3A_704 = tpu.memref_squeeze %dma_start3A_703 : memref<1x32xi32, #tpu.memory_space<vmem>> -> memref<32xi32, #tpu.memory_space<vmem>>
      %dma_start3A_705 = arith.constant 0 : i32
      %dma_start3A_706 = arith.constant 0 : i32
      %dma_start3A_707 = tpu.memref_slice %arg3[%dma_start3A_705, %dma_start3A_706] : memref<10240x128xf32, #tpu.memory_space<hbm>> -> memref<10240x128xf32, #tpu.memory_space<hbm>>
      tpu.enqueue_indirect_dma source(%dma_start3A_707 : memref<10240x128xf32, #tpu.memory_space<hbm>>) target(%dma_start3A_701 : memref<32x128xf32, #tpu.memory_space<vmem>>) offsets(%dma_start3A_704 : memref<32xi32, #tpu.memory_space<vmem>>) semaphore(%arg17 : memref<!tpu.dma_semaphore, #tpu.memory_space<semaphore_mem>>)
      %dma_wait3A_708 = arith.constant 1 : i32
      %dma_wait3A_709 = arith.constant 1 : i32
      %dma_wait3A_710 = arith.constant 0 : i32
      %dma_wait3A_711 = arith.constant 0 : i32
      %dma_wait3A_712 = tpu.memref_slice %arg13[%dma_wait3A_708, %dma_wait3A_710, %dma_wait3A_711] : memref<2x32x128xf32, #tpu.memory_space<vmem>> -> memref<1x32x128xf32, #tpu.memory_space<vmem>>
      %dma_wait3A_713 = tpu.memref_squeeze %dma_wait3A_712 : memref<1x32x128xf32, #tpu.memory_space<vmem>> -> memref<32x128xf32, #tpu.memory_space<vmem>>
      %dma_wait3A_714 = arith.constant 0 : i32
      %dma_wait3A_715 = tpu.memref_slice %arg10[%dma_wait3A_709, %dma_wait3A_714] : memref<4x32xi32, #tpu.memory_space<vmem>> -> memref<1x32xi32, #tpu.memory_space<vmem>>
      %dma_wait3A_716 = tpu.memref_squeeze %dma_wait3A_715 : memref<1x32xi32, #tpu.memory_space<vmem>> -> memref<32xi32, #tpu.memory_space<vmem>>
      %dma_wait3A_717 = arith.constant 0 : i32
      %dma_wait3A_718 = arith.constant 0 : i32
      %dma_wait3A_719 = tpu.memref_slice %arg15[%dma_wait3A_717, %dma_wait3A_718] : memref<10240x128xf32, #tpu.memory_space<vmem_shared>> -> memref<10240x128xf32, #tpu.memory_space<vmem_shared>>
      tpu.wait_indirect_dma semaphore(%arg20 : memref<!tpu.dma_semaphore, #tpu.memory_space<semaphore_mem>>) src(%dma_wait3A_713 : memref<32x128xf32, #tpu.memory_space<vmem>>) dst(%dma_wait3A_719 : memref<10240x128xf32, #tpu.memory_space<vmem_shared>>)
      %lt3A = arith.constant 77 : i32
      %lt3A_720 = arith.cmpi slt, %scan3A_215, %lt3A : i32
      %convert_element_type3A_721 = arith.extui %lt3A_720 : i1 to i32
      %cond3A_722 = arith.constant 0 : i32
      %cond3A_723 = arith.cmpi ne, %convert_element_type3A_721, %cond3A_722 : i32
      scf.if %cond3A_723 {
        %add3A_747 = arith.constant 2 : i32
        %add3A_748 = arith.addi %add3A_631, %add3A_747 : i32
        %dma_start3A_749 = arith.constant 1 : i32
        %dma_start3A_750 = arith.constant 0 : i32
        %dma_start3A_751 = tpu.memref_slice %arg9[%dma_start3A_749, %dma_start3A_750] : memref<4x32xi32, #tpu.memory_space<vmem>> -> memref<1x32xi32, #tpu.memory_space<vmem>>
        %dma_start3A_752 = tpu.memref_squeeze %dma_start3A_751 : memref<1x32xi32, #tpu.memory_space<vmem>> -> memref<32xi32, #tpu.memory_space<vmem>>
        %dma_start3A_753 = arith.constant 0 : i32
        %dma_start3A_754 = tpu.memref_slice %arg4[%add3A, %add3A_748, %dma_start3A_753] : memref<32x313x32xi32, #tpu.memory_space<hbm>> -> memref<1x1x32xi32, #tpu.memory_space<hbm>>
        %dma_start3A_755 = tpu.memref_squeeze %dma_start3A_754 : memref<1x1x32xi32, #tpu.memory_space<hbm>> -> memref<32xi32, #tpu.memory_space<hbm>>
        %dma_start3A_756 = arith.constant 0 : i32
        %dma_start3A_757 = tpu.memref_slice %arg9[%dma_start3A_749, %dma_start3A_756] : memref<4x32xi32, #tpu.memory_space<vmem>> -> memref<1x32xi32, #tpu.memory_space<vmem>>
        %dma_start3A_758 = tpu.memref_squeeze %dma_start3A_757 : memref<1x32xi32, #tpu.memory_space<vmem>> -> memref<32xi32, #tpu.memory_space<vmem>>
        %dma_start3A_759 = arith.constant 0 : i32
        %dma_start3A_760 = tpu.memref_slice %arg4[%add3A, %add3A_748, %dma_start3A_759] : memref<32x313x32xi32, #tpu.memory_space<hbm>> -> memref<1x1x32xi32, #tpu.memory_space<hbm>>
        %dma_start3A_761 = tpu.memref_squeeze %dma_start3A_760 : memref<1x1x32xi32, #tpu.memory_space<hbm>> -> memref<32xi32, #tpu.memory_space<hbm>>
        tpu.enqueue_dma source(%dma_start3A_761 : memref<32xi32, #tpu.memory_space<hbm>>) target(%dma_start3A_758 : memref<32xi32, #tpu.memory_space<vmem>>) target_semaphore(%arg16 : memref<!tpu.dma_semaphore, #tpu.memory_space<semaphore_mem>>)
        %dma_start3A_762 = arith.constant 1 : i32
        %dma_start3A_763 = arith.constant 0 : i32
        %dma_start3A_764 = tpu.memref_slice %arg10[%dma_start3A_762, %dma_start3A_763] : memref<4x32xi32, #tpu.memory_space<vmem>> -> memref<1x32xi32, #tpu.memory_space<vmem>>
        %dma_start3A_765 = tpu.memref_squeeze %dma_start3A_764 : memref<1x32xi32, #tpu.memory_space<vmem>> -> memref<32xi32, #tpu.memory_space<vmem>>
        %dma_start3A_766 = arith.constant 0 : i32
        %dma_start3A_767 = tpu.memref_slice %arg5[%add3A, %add3A_748, %dma_start3A_766] : memref<32x313x32xi32, #tpu.memory_space<hbm>> -> memref<1x1x32xi32, #tpu.memory_space<hbm>>
        %dma_start3A_768 = tpu.memref_squeeze %dma_start3A_767 : memref<1x1x32xi32, #tpu.memory_space<hbm>> -> memref<32xi32, #tpu.memory_space<hbm>>
        %dma_start3A_769 = arith.constant 0 : i32
        %dma_start3A_770 = tpu.memref_slice %arg10[%dma_start3A_762, %dma_start3A_769] : memref<4x32xi32, #tpu.memory_space<vmem>> -> memref<1x32xi32, #tpu.memory_space<vmem>>
        %dma_start3A_771 = tpu.memref_squeeze %dma_start3A_770 : memref<1x32xi32, #tpu.memory_space<vmem>> -> memref<32xi32, #tpu.memory_space<vmem>>
        %dma_start3A_772 = arith.constant 0 : i32
        %dma_start3A_773 = tpu.memref_slice %arg5[%add3A, %add3A_748, %dma_start3A_772] : memref<32x313x32xi32, #tpu.memory_space<hbm>> -> memref<1x1x32xi32, #tpu.memory_space<hbm>>
        %dma_start3A_774 = tpu.memref_squeeze %dma_start3A_773 : memref<1x1x32xi32, #tpu.memory_space<hbm>> -> memref<32xi32, #tpu.memory_space<hbm>>
        tpu.enqueue_dma source(%dma_start3A_774 : memref<32xi32, #tpu.memory_space<hbm>>) target(%dma_start3A_771 : memref<32xi32, #tpu.memory_space<vmem>>) target_semaphore(%arg16 : memref<!tpu.dma_semaphore, #tpu.memory_space<semaphore_mem>>)
      } else {
      }
      %parallel_loop3A_724 = arith.constant 0 : i32
      %parallel_loop3A_725 = arith.constant 32 : i32
      %parallel_loop3A_726 = arith.constant 1 : i32
      scf.for %parallel_loop3A_747 = %parallel_loop3A_724 to %parallel_loop3A_725 step %parallel_loop3A_726  : i32 {
        %parallel_loop3A_748 = arith.constant 1 : i32
        %parallel_loop3A_749 = arith.index_cast %parallel_loop3A_748 : i32 to index
        %parallel_loop3A_750 = arith.index_cast %parallel_loop3A_747 : i32 to index
        %parallel_loop3A_751 = arith.constant 0 : index
        %parallel_loop3A_752 = tpu.vector_load %arg11[%parallel_loop3A_749, %parallel_loop3A_750, %parallel_loop3A_751] {strides = array<i32>} : memref<2x32x128xf32, #tpu.memory_space<vmem>>, vector<16xf32>,
        %parallel_loop3A_753 = arith.constant 1 : i32
        %parallel_loop3A_754 = arith.index_cast %parallel_loop3A_753 : i32 to index
        %parallel_loop3A_755 = arith.index_cast %parallel_loop3A_747 : i32 to index
        %parallel_loop3A_756 = arith.constant 0 : index
        %parallel_loop3A_757 = tpu.vector_load %arg12[%parallel_loop3A_754, %parallel_loop3A_755, %parallel_loop3A_756] {strides = array<i32>} : memref<2x32x128xf32, #tpu.memory_space<vmem>>, vector<16xf32>,
        %parallel_loop3A_758 = arith.addf %parallel_loop3A_752, %parallel_loop3A_757 : vector<16xf32>
        %parallel_loop3A_759 = arith.constant 0.000000e+00 : f32
        %parallel_loop3A_760 = vector.broadcast %parallel_loop3A_759 : f32 to vector<16xf32>
        %parallel_loop3A_761 = arith.maximumf %parallel_loop3A_758, %parallel_loop3A_760 : vector<16xf32>
        %parallel_loop3A_762 = arith.constant 1 : i32
        %parallel_loop3A_763 = arith.index_cast %parallel_loop3A_762 : i32 to index
        %parallel_loop3A_764 = arith.index_cast %parallel_loop3A_747 : i32 to index
        %parallel_loop3A_765 = arith.constant 0 : index
        %parallel_loop3A_766 = tpu.vector_load %arg13[%parallel_loop3A_763, %parallel_loop3A_764, %parallel_loop3A_765] {strides = array<i32>} : memref<2x32x128xf32, #tpu.memory_space<vmem>>, vector<16xf32>,
        tpu.vector_store %arg13[%parallel_loop3A_763, %parallel_loop3A_764, %parallel_loop3A_765], %parallel_loop3A_761 {strides = array<i32>} : memref<2x32x128xf32, #tpu.memory_space<vmem>>, vector<16xf32>,
        %parallel_loop3A_767 = arith.constant 1 : i32
        %parallel_loop3A_768 = arith.index_cast %parallel_loop3A_767 : i32 to index
        %parallel_loop3A_769 = arith.index_cast %parallel_loop3A_747 : i32 to index
        %parallel_loop3A_770 = arith.constant 16 : index
        %parallel_loop3A_771 = tpu.vector_load %arg11[%parallel_loop3A_768, %parallel_loop3A_769, %parallel_loop3A_770] {strides = array<i32>} : memref<2x32x128xf32, #tpu.memory_space<vmem>>, vector<16xf32>,
        %parallel_loop3A_772 = arith.constant 1 : i32
        %parallel_loop3A_773 = arith.index_cast %parallel_loop3A_772 : i32 to index
        %parallel_loop3A_774 = arith.index_cast %parallel_loop3A_747 : i32 to index
        %parallel_loop3A_775 = arith.constant 16 : index
        %parallel_loop3A_776 = tpu.vector_load %arg12[%parallel_loop3A_773, %parallel_loop3A_774, %parallel_loop3A_775] {strides = array<i32>} : memref<2x32x128xf32, #tpu.memory_space<vmem>>, vector<16xf32>,
        %parallel_loop3A_777 = arith.addf %parallel_loop3A_771, %parallel_loop3A_776 : vector<16xf32>
        %parallel_loop3A_778 = arith.constant 0.000000e+00 : f32
        %parallel_loop3A_779 = vector.broadcast %parallel_loop3A_778 : f32 to vector<16xf32>
        %parallel_loop3A_780 = arith.maximumf %parallel_loop3A_777, %parallel_loop3A_779 : vector<16xf32>
        %parallel_loop3A_781 = arith.constant 1 : i32
        %parallel_loop3A_782 = arith.index_cast %parallel_loop3A_781 : i32 to index
        %parallel_loop3A_783 = arith.index_cast %parallel_loop3A_747 : i32 to index
        %parallel_loop3A_784 = arith.constant 16 : index
        %parallel_loop3A_785 = tpu.vector_load %arg13[%parallel_loop3A_782, %parallel_loop3A_783, %parallel_loop3A_784] {strides = array<i32>} : memref<2x32x128xf32, #tpu.memory_space<vmem>>, vector<16xf32>,
        tpu.vector_store %arg13[%parallel_loop3A_782, %parallel_loop3A_783, %parallel_loop3A_784], %parallel_loop3A_780 {strides = array<i32>} : memref<2x32x128xf32, #tpu.memory_space<vmem>>, vector<16xf32>,
        %parallel_loop3A_786 = arith.constant 1 : i32
        %parallel_loop3A_787 = arith.index_cast %parallel_loop3A_786 : i32 to index
        %parallel_loop3A_788 = arith.index_cast %parallel_loop3A_747 : i32 to index
        %parallel_loop3A_789 = arith.constant 32 : index
        %parallel_loop3A_790 = tpu.vector_load %arg11[%parallel_loop3A_787, %parallel_loop3A_788, %parallel_loop3A_789] {strides = array<i32>} : memref<2x32x128xf32, #tpu.memory_space<vmem>>, vector<16xf32>,
        %parallel_loop3A_791 = arith.constant 1 : i32
        %parallel_loop3A_792 = arith.index_cast %parallel_loop3A_791 : i32 to index
        %parallel_loop3A_793 = arith.index_cast %parallel_loop3A_747 : i32 to index
        %parallel_loop3A_794 = arith.constant 32 : index
        %parallel_loop3A_795 = tpu.vector_load %arg12[%parallel_loop3A_792, %parallel_loop3A_793, %parallel_loop3A_794] {strides = array<i32>} : memref<2x32x128xf32, #tpu.memory_space<vmem>>, vector<16xf32>,
        %parallel_loop3A_796 = arith.addf %parallel_loop3A_790, %parallel_loop3A_795 : vector<16xf32>
        %parallel_loop3A_797 = arith.constant 0.000000e+00 : f32
        %parallel_loop3A_798 = vector.broadcast %parallel_loop3A_797 : f32 to vector<16xf32>
        %parallel_loop3A_799 = arith.maximumf %parallel_loop3A_796, %parallel_loop3A_798 : vector<16xf32>
        %parallel_loop3A_800 = arith.constant 1 : i32
        %parallel_loop3A_801 = arith.index_cast %parallel_loop3A_800 : i32 to index
        %parallel_loop3A_802 = arith.index_cast %parallel_loop3A_747 : i32 to index
        %parallel_loop3A_803 = arith.constant 32 : index
        %parallel_loop3A_804 = tpu.vector_load %arg13[%parallel_loop3A_801, %parallel_loop3A_802, %parallel_loop3A_803] {strides = array<i32>} : memref<2x32x128xf32, #tpu.memory_space<vmem>>, vector<16xf32>,
        tpu.vector_store %arg13[%parallel_loop3A_801, %parallel_loop3A_802, %parallel_loop3A_803], %parallel_loop3A_799 {strides = array<i32>} : memref<2x32x128xf32, #tpu.memory_space<vmem>>, vector<16xf32>,
        %parallel_loop3A_805 = arith.constant 1 : i32
        %parallel_loop3A_806 = arith.index_cast %parallel_loop3A_805 : i32 to index
        %parallel_loop3A_807 = arith.index_cast %parallel_loop3A_747 : i32 to index
        %parallel_loop3A_808 = arith.constant 48 : index
        %parallel_loop3A_809 = tpu.vector_load %arg11[%parallel_loop3A_806, %parallel_loop3A_807, %parallel_loop3A_808] {strides = array<i32>} : memref<2x32x128xf32, #tpu.memory_space<vmem>>, vector<16xf32>,
        %parallel_loop3A_810 = arith.constant 1 : i32
        %parallel_loop3A_811 = arith.index_cast %parallel_loop3A_810 : i32 to index
        %parallel_loop3A_812 = arith.index_cast %parallel_loop3A_747 : i32 to index
        %parallel_loop3A_813 = arith.constant 48 : index
        %parallel_loop3A_814 = tpu.vector_load %arg12[%parallel_loop3A_811, %parallel_loop3A_812, %parallel_loop3A_813] {strides = array<i32>} : memref<2x32x128xf32, #tpu.memory_space<vmem>>, vector<16xf32>,
        %parallel_loop3A_815 = arith.addf %parallel_loop3A_809, %parallel_loop3A_814 : vector<16xf32>
        %parallel_loop3A_816 = arith.constant 0.000000e+00 : f32
        %parallel_loop3A_817 = vector.broadcast %parallel_loop3A_816 : f32 to vector<16xf32>
        %parallel_loop3A_818 = arith.maximumf %parallel_loop3A_815, %parallel_loop3A_817 : vector<16xf32>
        %parallel_loop3A_819 = arith.constant 1 : i32
        %parallel_loop3A_820 = arith.index_cast %parallel_loop3A_819 : i32 to index
        %parallel_loop3A_821 = arith.index_cast %parallel_loop3A_747 : i32 to index
        %parallel_loop3A_822 = arith.constant 48 : index
        %parallel_loop3A_823 = tpu.vector_load %arg13[%parallel_loop3A_820, %parallel_loop3A_821, %parallel_loop3A_822] {strides = array<i32>} : memref<2x32x128xf32, #tpu.memory_space<vmem>>, vector<16xf32>,
        tpu.vector_store %arg13[%parallel_loop3A_820, %parallel_loop3A_821, %parallel_loop3A_822], %parallel_loop3A_818 {strides = array<i32>} : memref<2x32x128xf32, #tpu.memory_space<vmem>>, vector<16xf32>,
        %parallel_loop3A_824 = arith.constant 1 : i32
        %parallel_loop3A_825 = arith.index_cast %parallel_loop3A_824 : i32 to index
        %parallel_loop3A_826 = arith.index_cast %parallel_loop3A_747 : i32 to index
        %parallel_loop3A_827 = arith.constant 64 : index
        %parallel_loop3A_828 = tpu.vector_load %arg11[%parallel_loop3A_825, %parallel_loop3A_826, %parallel_loop3A_827] {strides = array<i32>} : memref<2x32x128xf32, #tpu.memory_space<vmem>>, vector<16xf32>,
        %parallel_loop3A_829 = arith.constant 1 : i32
        %parallel_loop3A_830 = arith.index_cast %parallel_loop3A_829 : i32 to index
        %parallel_loop3A_831 = arith.index_cast %parallel_loop3A_747 : i32 to index
        %parallel_loop3A_832 = arith.constant 64 : index
        %parallel_loop3A_833 = tpu.vector_load %arg12[%parallel_loop3A_830, %parallel_loop3A_831, %parallel_loop3A_832] {strides = array<i32>} : memref<2x32x128xf32, #tpu.memory_space<vmem>>, vector<16xf32>,
        %parallel_loop3A_834 = arith.addf %parallel_loop3A_828, %parallel_loop3A_833 : vector<16xf32>
        %parallel_loop3A_835 = arith.constant 0.000000e+00 : f32
        %parallel_loop3A_836 = vector.broadcast %parallel_loop3A_835 : f32 to vector<16xf32>
        %parallel_loop3A_837 = arith.maximumf %parallel_loop3A_834, %parallel_loop3A_836 : vector<16xf32>
        %parallel_loop3A_838 = arith.constant 1 : i32
        %parallel_loop3A_839 = arith.index_cast %parallel_loop3A_838 : i32 to index
        %parallel_loop3A_840 = arith.index_cast %parallel_loop3A_747 : i32 to index
        %parallel_loop3A_841 = arith.constant 64 : index
        %parallel_loop3A_842 = tpu.vector_load %arg13[%parallel_loop3A_839, %parallel_loop3A_840, %parallel_loop3A_841] {strides = array<i32>} : memref<2x32x128xf32, #tpu.memory_space<vmem>>, vector<16xf32>,
        tpu.vector_store %arg13[%parallel_loop3A_839, %parallel_loop3A_840, %parallel_loop3A_841], %parallel_loop3A_837 {strides = array<i32>} : memref<2x32x128xf32, #tpu.memory_space<vmem>>, vector<16xf32>,
        %parallel_loop3A_843 = arith.constant 1 : i32
        %parallel_loop3A_844 = arith.index_cast %parallel_loop3A_843 : i32 to index
        %parallel_loop3A_845 = arith.index_cast %parallel_loop3A_747 : i32 to index
        %parallel_loop3A_846 = arith.constant 80 : index
        %parallel_loop3A_847 = tpu.vector_load %arg11[%parallel_loop3A_844, %parallel_loop3A_845, %parallel_loop3A_846] {strides = array<i32>} : memref<2x32x128xf32, #tpu.memory_space<vmem>>, vector<16xf32>,
        %parallel_loop3A_848 = arith.constant 1 : i32
        %parallel_loop3A_849 = arith.index_cast %parallel_loop3A_848 : i32 to index
        %parallel_loop3A_850 = arith.index_cast %parallel_loop3A_747 : i32 to index
        %parallel_loop3A_851 = arith.constant 80 : index
        %parallel_loop3A_852 = tpu.vector_load %arg12[%parallel_loop3A_849, %parallel_loop3A_850, %parallel_loop3A_851] {strides = array<i32>} : memref<2x32x128xf32, #tpu.memory_space<vmem>>, vector<16xf32>,
        %parallel_loop3A_853 = arith.addf %parallel_loop3A_847, %parallel_loop3A_852 : vector<16xf32>
        %parallel_loop3A_854 = arith.constant 0.000000e+00 : f32
        %parallel_loop3A_855 = vector.broadcast %parallel_loop3A_854 : f32 to vector<16xf32>
        %parallel_loop3A_856 = arith.maximumf %parallel_loop3A_853, %parallel_loop3A_855 : vector<16xf32>
        %parallel_loop3A_857 = arith.constant 1 : i32
        %parallel_loop3A_858 = arith.index_cast %parallel_loop3A_857 : i32 to index
        %parallel_loop3A_859 = arith.index_cast %parallel_loop3A_747 : i32 to index
        %parallel_loop3A_860 = arith.constant 80 : index
        %parallel_loop3A_861 = tpu.vector_load %arg13[%parallel_loop3A_858, %parallel_loop3A_859, %parallel_loop3A_860] {strides = array<i32>} : memref<2x32x128xf32, #tpu.memory_space<vmem>>, vector<16xf32>,
        tpu.vector_store %arg13[%parallel_loop3A_858, %parallel_loop3A_859, %parallel_loop3A_860], %parallel_loop3A_856 {strides = array<i32>} : memref<2x32x128xf32, #tpu.memory_space<vmem>>, vector<16xf32>,
        %parallel_loop3A_862 = arith.constant 1 : i32
        %parallel_loop3A_863 = arith.index_cast %parallel_loop3A_862 : i32 to index
        %parallel_loop3A_864 = arith.index_cast %parallel_loop3A_747 : i32 to index
        %parallel_loop3A_865 = arith.constant 96 : index
        %parallel_loop3A_866 = tpu.vector_load %arg11[%parallel_loop3A_863, %parallel_loop3A_864, %parallel_loop3A_865] {strides = array<i32>} : memref<2x32x128xf32, #tpu.memory_space<vmem>>, vector<16xf32>,
        %parallel_loop3A_867 = arith.constant 1 : i32
        %parallel_loop3A_868 = arith.index_cast %parallel_loop3A_867 : i32 to index
        %parallel_loop3A_869 = arith.index_cast %parallel_loop3A_747 : i32 to index
        %parallel_loop3A_870 = arith.constant 96 : index
        %parallel_loop3A_871 = tpu.vector_load %arg12[%parallel_loop3A_868, %parallel_loop3A_869, %parallel_loop3A_870] {strides = array<i32>} : memref<2x32x128xf32, #tpu.memory_space<vmem>>, vector<16xf32>,
        %parallel_loop3A_872 = arith.addf %parallel_loop3A_866, %parallel_loop3A_871 : vector<16xf32>
        %parallel_loop3A_873 = arith.constant 0.000000e+00 : f32
        %parallel_loop3A_874 = vector.broadcast %parallel_loop3A_873 : f32 to vector<16xf32>
        %parallel_loop3A_875 = arith.maximumf %parallel_loop3A_872, %parallel_loop3A_874 : vector<16xf32>
        %parallel_loop3A_876 = arith.constant 1 : i32
        %parallel_loop3A_877 = arith.index_cast %parallel_loop3A_876 : i32 to index
        %parallel_loop3A_878 = arith.index_cast %parallel_loop3A_747 : i32 to index
        %parallel_loop3A_879 = arith.constant 96 : index
        %parallel_loop3A_880 = tpu.vector_load %arg13[%parallel_loop3A_877, %parallel_loop3A_878, %parallel_loop3A_879] {strides = array<i32>} : memref<2x32x128xf32, #tpu.memory_space<vmem>>, vector<16xf32>,
        tpu.vector_store %arg13[%parallel_loop3A_877, %parallel_loop3A_878, %parallel_loop3A_879], %parallel_loop3A_875 {strides = array<i32>} : memref<2x32x128xf32, #tpu.memory_space<vmem>>, vector<16xf32>,
        %parallel_loop3A_881 = arith.constant 1 : i32
        %parallel_loop3A_882 = arith.index_cast %parallel_loop3A_881 : i32 to index
        %parallel_loop3A_883 = arith.index_cast %parallel_loop3A_747 : i32 to index
        %parallel_loop3A_884 = arith.constant 112 : index
        %parallel_loop3A_885 = tpu.vector_load %arg11[%parallel_loop3A_882, %parallel_loop3A_883, %parallel_loop3A_884] {strides = array<i32>} : memref<2x32x128xf32, #tpu.memory_space<vmem>>, vector<16xf32>,
        %parallel_loop3A_886 = arith.constant 1 : i32
        %parallel_loop3A_887 = arith.index_cast %parallel_loop3A_886 : i32 to index
        %parallel_loop3A_888 = arith.index_cast %parallel_loop3A_747 : i32 to index
        %parallel_loop3A_889 = arith.constant 112 : index
        %parallel_loop3A_890 = tpu.vector_load %arg12[%parallel_loop3A_887, %parallel_loop3A_888, %parallel_loop3A_889] {strides = array<i32>} : memref<2x32x128xf32, #tpu.memory_space<vmem>>, vector<16xf32>,
        %parallel_loop3A_891 = arith.addf %parallel_loop3A_885, %parallel_loop3A_890 : vector<16xf32>
        %parallel_loop3A_892 = arith.constant 0.000000e+00 : f32
        %parallel_loop3A_893 = vector.broadcast %parallel_loop3A_892 : f32 to vector<16xf32>
        %parallel_loop3A_894 = arith.maximumf %parallel_loop3A_891, %parallel_loop3A_893 : vector<16xf32>
        %parallel_loop3A_895 = arith.constant 1 : i32
        %parallel_loop3A_896 = arith.index_cast %parallel_loop3A_895 : i32 to index
        %parallel_loop3A_897 = arith.index_cast %parallel_loop3A_747 : i32 to index
        %parallel_loop3A_898 = arith.constant 112 : index
        %parallel_loop3A_899 = tpu.vector_load %arg13[%parallel_loop3A_896, %parallel_loop3A_897, %parallel_loop3A_898] {strides = array<i32>} : memref<2x32x128xf32, #tpu.memory_space<vmem>>, vector<16xf32>,
        tpu.vector_store %arg13[%parallel_loop3A_896, %parallel_loop3A_897, %parallel_loop3A_898], %parallel_loop3A_894 {strides = array<i32>} : memref<2x32x128xf32, #tpu.memory_space<vmem>>, vector<16xf32>,
      } {sc.loop_unroll_factor = 4 : i64, sc.parallel_access}
      %get3A_727 = arith.constant 3 : i32
      %get3A_728 = arith.index_cast %get3A_727 : i32 to index
      %get3A_729 = arith.constant 0 : index
      %get3A_730 = tpu.vector_load %arg10[%get3A_728, %get3A_729] {strides = array<i32>} : memref<4x32xi32, #tpu.memory_space<vmem>>, vector<16xi32>,
      tpu.vector_store_idx %arg14[%get3A_730], %broadcast_in_dim3A_11 {add = true} : memref<10240xf32, #tpu.memory_space<vmem>>[vector<16xi32>], vector<16xf32>,
      %get3A_731 = arith.constant 3 : i32
      %get3A_732 = arith.index_cast %get3A_731 : i32 to index
      %get3A_733 = arith.constant 16 : index
      %get3A_734 = tpu.vector_load %arg10[%get3A_732, %get3A_733] {strides = array<i32>} : memref<4x32xi32, #tpu.memory_space<vmem>>, vector<16xi32>,
      tpu.vector_store_idx %arg14[%get3A_734], %broadcast_in_dim3A_11 {add = true} : memref<10240xf32, #tpu.memory_space<vmem>>[vector<16xi32>], vector<16xf32>,
      %dma_start3A_735 = arith.constant 1 : i32
      %dma_start3A_736 = arith.constant 3 : i32
      %dma_start3A_737 = arith.constant 0 : i32
      %dma_start3A_738 = arith.constant 0 : i32
      %dma_start3A_739 = tpu.memref_slice %arg13[%dma_start3A_735, %dma_start3A_737, %dma_start3A_738] : memref<2x32x128xf32, #tpu.memory_space<vmem>> -> memref<1x32x128xf32, #tpu.memory_space<vmem>>
      %dma_start3A_740 = tpu.memref_squeeze %dma_start3A_739 : memref<1x32x128xf32, #tpu.memory_space<vmem>> -> memref<32x128xf32, #tpu.memory_space<vmem>>
      %dma_start3A_741 = arith.constant 0 : i32
      %dma_start3A_742 = tpu.memref_slice %arg10[%dma_start3A_736, %dma_start3A_741] : memref<4x32xi32, #tpu.memory_space<vmem>> -> memref<1x32xi32, #tpu.memory_space<vmem>>
      %dma_start3A_743 = tpu.memref_squeeze %dma_start3A_742 : memref<1x32xi32, #tpu.memory_space<vmem>> -> memref<32xi32, #tpu.memory_space<vmem>>
      %dma_start3A_744 = arith.constant 0 : i32
      %dma_start3A_745 = arith.constant 0 : i32
      %dma_start3A_746 = tpu.memref_slice %arg15[%dma_start3A_744, %dma_start3A_745] : memref<10240x128xf32, #tpu.memory_space<vmem_shared>> -> memref<10240x128xf32, #tpu.memory_space<vmem_shared>>
      tpu.enqueue_indirect_dma source(%dma_start3A_740 : memref<32x128xf32, #tpu.memory_space<vmem>>) target(%dma_start3A_746 : memref<10240x128xf32, #tpu.memory_space<vmem_shared>>) offsets(%dma_start3A_743 : memref<32xi32, #tpu.memory_space<vmem>>) semaphore(%arg20 : memref<!tpu.dma_semaphore, #tpu.memory_space<semaphore_mem>>) {add = true}
    }
    %scan3A_123 = arith.constant 78 : i32
    %dma_wait3A_124 = arith.constant 0 : i32
    %dma_wait3A_125 = arith.constant 0 : i32
    %dma_wait3A_126 = arith.constant 0 : i32
    %dma_wait3A_127 = arith.constant 0 : i32
    %dma_wait3A_128 = tpu.memref_slice %arg11[%dma_wait3A_125, %dma_wait3A_126, %dma_wait3A_127] : memref<2x32x128xf32, #tpu.memory_space<vmem>> -> memref<1x32x128xf32, #tpu.memory_space<vmem>>
    %dma_wait3A_129 = tpu.memref_squeeze %dma_wait3A_128 : memref<1x32x128xf32, #tpu.memory_space<vmem>> -> memref<32x128xf32, #tpu.memory_space<vmem>>
    %dma_wait3A_130 = arith.constant 0 : i32
    %dma_wait3A_131 = tpu.memref_slice %arg9[%dma_wait3A_124, %dma_wait3A_130] : memref<4x32xi32, #tpu.memory_space<vmem>> -> memref<1x32xi32, #tpu.memory_space<vmem>>
    %dma_wait3A_132 = tpu.memref_squeeze %dma_wait3A_131 : memref<1x32xi32, #tpu.memory_space<vmem>> -> memref<32xi32, #tpu.memory_space<vmem>>
    %dma_wait3A_133 = arith.constant 0 : i32
    %dma_wait3A_134 = arith.constant 0 : i32
    %dma_wait3A_135 = tpu.memref_slice %arg2[%dma_wait3A_133, %dma_wait3A_134] : memref<10240x128xf32, #tpu.memory_space<hbm>> -> memref<10240x128xf32, #tpu.memory_space<hbm>>
    tpu.wait_indirect_dma semaphore(%arg17 : memref<!tpu.dma_semaphore, #tpu.memory_space<semaphore_mem>>) src(%dma_wait3A_135 : memref<10240x128xf32, #tpu.memory_space<hbm>>) dst(%dma_wait3A_129 : memref<32x128xf32, #tpu.memory_space<vmem>>)
    %dma_wait3A_136 = arith.constant 0 : i32
    %dma_wait3A_137 = arith.constant 0 : i32
    %dma_wait3A_138 = arith.constant 0 : i32
    %dma_wait3A_139 = arith.constant 0 : i32
    %dma_wait3A_140 = tpu.memref_slice %arg12[%dma_wait3A_137, %dma_wait3A_138, %dma_wait3A_139] : memref<2x32x128xf32, #tpu.memory_space<vmem>> -> memref<1x32x128xf32, #tpu.memory_space<vmem>>
    %dma_wait3A_141 = tpu.memref_squeeze %dma_wait3A_140 : memref<1x32x128xf32, #tpu.memory_space<vmem>> -> memref<32x128xf32, #tpu.memory_space<vmem>>
    %dma_wait3A_142 = arith.constant 0 : i32
    %dma_wait3A_143 = tpu.memref_slice %arg10[%dma_wait3A_136, %dma_wait3A_142] : memref<4x32xi32, #tpu.memory_space<vmem>> -> memref<1x32xi32, #tpu.memory_space<vmem>>
    %dma_wait3A_144 = tpu.memref_squeeze %dma_wait3A_143 : memref<1x32xi32, #tpu.memory_space<vmem>> -> memref<32xi32, #tpu.memory_space<vmem>>
    %dma_wait3A_145 = arith.constant 0 : i32
    %dma_wait3A_146 = arith.constant 0 : i32
    %dma_wait3A_147 = tpu.memref_slice %arg3[%dma_wait3A_145, %dma_wait3A_146] : memref<10240x128xf32, #tpu.memory_space<hbm>> -> memref<10240x128xf32, #tpu.memory_space<hbm>>
    tpu.wait_indirect_dma semaphore(%arg17 : memref<!tpu.dma_semaphore, #tpu.memory_space<semaphore_mem>>) src(%dma_wait3A_147 : memref<10240x128xf32, #tpu.memory_space<hbm>>) dst(%dma_wait3A_141 : memref<32x128xf32, #tpu.memory_space<vmem>>)
    %dma_wait3A_148 = arith.constant 0 : i32
    %dma_wait3A_149 = arith.constant 2 : i32
    %dma_wait3A_150 = arith.constant 0 : i32
    %dma_wait3A_151 = arith.constant 0 : i32
    %dma_wait3A_152 = tpu.memref_slice %arg13[%dma_wait3A_148, %dma_wait3A_150, %dma_wait3A_151] : memref<2x32x128xf32, #tpu.memory_space<vmem>> -> memref<1x32x128xf32, #tpu.memory_space<vmem>>
    %dma_wait3A_153 = tpu.memref_squeeze %dma_wait3A_152 : memref<1x32x128xf32, #tpu.memory_space<vmem>> -> memref<32x128xf32, #tpu.memory_space<vmem>>
    %dma_wait3A_154 = arith.constant 0 : i32
    %dma_wait3A_155 = tpu.memref_slice %arg10[%dma_wait3A_149, %dma_wait3A_154] : memref<4x32xi32, #tpu.memory_space<vmem>> -> memref<1x32xi32, #tpu.memory_space<vmem>>
    %dma_wait3A_156 = tpu.memref_squeeze %dma_wait3A_155 : memref<1x32xi32, #tpu.memory_space<vmem>> -> memref<32xi32, #tpu.memory_space<vmem>>
    %dma_wait3A_157 = arith.constant 0 : i32
    %dma_wait3A_158 = arith.constant 0 : i32
    %dma_wait3A_159 = tpu.memref_slice %arg15[%dma_wait3A_157, %dma_wait3A_158] : memref<10240x128xf32, #tpu.memory_space<vmem_shared>> -> memref<10240x128xf32, #tpu.memory_space<vmem_shared>>
    tpu.wait_indirect_dma semaphore(%arg19 : memref<!tpu.dma_semaphore, #tpu.memory_space<semaphore_mem>>) src(%dma_wait3A_153 : memref<32x128xf32, #tpu.memory_space<vmem>>) dst(%dma_wait3A_159 : memref<10240x128xf32, #tpu.memory_space<vmem_shared>>)
    %parallel_loop3A = arith.constant 0 : i32
    %parallel_loop3A_160 = arith.constant 32 : i32
    %parallel_loop3A_161 = arith.constant 1 : i32
    scf.for %parallel_loop3A_215 = %parallel_loop3A to %parallel_loop3A_160 step %parallel_loop3A_161  : i32 {
      %parallel_loop3A_216 = arith.constant 0 : i32
      %parallel_loop3A_217 = arith.index_cast %parallel_loop3A_216 : i32 to index
      %parallel_loop3A_218 = arith.index_cast %parallel_loop3A_215 : i32 to index
      %parallel_loop3A_219 = arith.constant 0 : index
      %parallel_loop3A_220 = tpu.vector_load %arg11[%parallel_loop3A_217, %parallel_loop3A_218, %parallel_loop3A_219] {strides = array<i32>} : memref<2x32x128xf32, #tpu.memory_space<vmem>>, vector<16xf32>,
      %parallel_loop3A_221 = arith.constant 0 : i32
      %parallel_loop3A_222 = arith.index_cast %parallel_loop3A_221 : i32 to index
      %parallel_loop3A_223 = arith.index_cast %parallel_loop3A_215 : i32 to index
      %parallel_loop3A_224 = arith.constant 0 : index
      %parallel_loop3A_225 = tpu.vector_load %arg12[%parallel_loop3A_222, %parallel_loop3A_223, %parallel_loop3A_224] {strides = array<i32>} : memref<2x32x128xf32, #tpu.memory_space<vmem>>, vector<16xf32>,
      %parallel_loop3A_226 = arith.addf %parallel_loop3A_220, %parallel_loop3A_225 : vector<16xf32>
      %parallel_loop3A_227 = arith.constant 0.000000e+00 : f32
      %parallel_loop3A_228 = vector.broadcast %parallel_loop3A_227 : f32 to vector<16xf32>
      %parallel_loop3A_229 = arith.maximumf %parallel_loop3A_226, %parallel_loop3A_228 : vector<16xf32>
      %parallel_loop3A_230 = arith.constant 0 : i32
      %parallel_loop3A_231 = arith.index_cast %parallel_loop3A_230 : i32 to index
      %parallel_loop3A_232 = arith.index_cast %parallel_loop3A_215 : i32 to index
      %parallel_loop3A_233 = arith.constant 0 : index
      %parallel_loop3A_234 = tpu.vector_load %arg13[%parallel_loop3A_231, %parallel_loop3A_232, %parallel_loop3A_233] {strides = array<i32>} : memref<2x32x128xf32, #tpu.memory_space<vmem>>, vector<16xf32>,
      tpu.vector_store %arg13[%parallel_loop3A_231, %parallel_loop3A_232, %parallel_loop3A_233], %parallel_loop3A_229 {strides = array<i32>} : memref<2x32x128xf32, #tpu.memory_space<vmem>>, vector<16xf32>,
      %parallel_loop3A_235 = arith.constant 0 : i32
      %parallel_loop3A_236 = arith.index_cast %parallel_loop3A_235 : i32 to index
      %parallel_loop3A_237 = arith.index_cast %parallel_loop3A_215 : i32 to index
      %parallel_loop3A_238 = arith.constant 16 : index
      %parallel_loop3A_239 = tpu.vector_load %arg11[%parallel_loop3A_236, %parallel_loop3A_237, %parallel_loop3A_238] {strides = array<i32>} : memref<2x32x128xf32, #tpu.memory_space<vmem>>, vector<16xf32>,
      %parallel_loop3A_240 = arith.constant 0 : i32
      %parallel_loop3A_241 = arith.index_cast %parallel_loop3A_240 : i32 to index
      %parallel_loop3A_242 = arith.index_cast %parallel_loop3A_215 : i32 to index
      %parallel_loop3A_243 = arith.constant 16 : index
      %parallel_loop3A_244 = tpu.vector_load %arg12[%parallel_loop3A_241, %parallel_loop3A_242, %parallel_loop3A_243] {strides = array<i32>} : memref<2x32x128xf32, #tpu.memory_space<vmem>>, vector<16xf32>,
      %parallel_loop3A_245 = arith.addf %parallel_loop3A_239, %parallel_loop3A_244 : vector<16xf32>
      %parallel_loop3A_246 = arith.constant 0.000000e+00 : f32
      %parallel_loop3A_247 = vector.broadcast %parallel_loop3A_246 : f32 to vector<16xf32>
      %parallel_loop3A_248 = arith.maximumf %parallel_loop3A_245, %parallel_loop3A_247 : vector<16xf32>
      %parallel_loop3A_249 = arith.constant 0 : i32
      %parallel_loop3A_250 = arith.index_cast %parallel_loop3A_249 : i32 to index
      %parallel_loop3A_251 = arith.index_cast %parallel_loop3A_215 : i32 to index
      %parallel_loop3A_252 = arith.constant 16 : index
      %parallel_loop3A_253 = tpu.vector_load %arg13[%parallel_loop3A_250, %parallel_loop3A_251, %parallel_loop3A_252] {strides = array<i32>} : memref<2x32x128xf32, #tpu.memory_space<vmem>>, vector<16xf32>,
      tpu.vector_store %arg13[%parallel_loop3A_250, %parallel_loop3A_251, %parallel_loop3A_252], %parallel_loop3A_248 {strides = array<i32>} : memref<2x32x128xf32, #tpu.memory_space<vmem>>, vector<16xf32>,
      %parallel_loop3A_254 = arith.constant 0 : i32
      %parallel_loop3A_255 = arith.index_cast %parallel_loop3A_254 : i32 to index
      %parallel_loop3A_256 = arith.index_cast %parallel_loop3A_215 : i32 to index
      %parallel_loop3A_257 = arith.constant 32 : index
      %parallel_loop3A_258 = tpu.vector_load %arg11[%parallel_loop3A_255, %parallel_loop3A_256, %parallel_loop3A_257] {strides = array<i32>} : memref<2x32x128xf32, #tpu.memory_space<vmem>>, vector<16xf32>,
      %parallel_loop3A_259 = arith.constant 0 : i32
      %parallel_loop3A_260 = arith.index_cast %parallel_loop3A_259 : i32 to index
      %parallel_loop3A_261 = arith.index_cast %parallel_loop3A_215 : i32 to index
      %parallel_loop3A_262 = arith.constant 32 : index
      %parallel_loop3A_263 = tpu.vector_load %arg12[%parallel_loop3A_260, %parallel_loop3A_261, %parallel_loop3A_262] {strides = array<i32>} : memref<2x32x128xf32, #tpu.memory_space<vmem>>, vector<16xf32>,
      %parallel_loop3A_264 = arith.addf %parallel_loop3A_258, %parallel_loop3A_263 : vector<16xf32>
      %parallel_loop3A_265 = arith.constant 0.000000e+00 : f32
      %parallel_loop3A_266 = vector.broadcast %parallel_loop3A_265 : f32 to vector<16xf32>
      %parallel_loop3A_267 = arith.maximumf %parallel_loop3A_264, %parallel_loop3A_266 : vector<16xf32>
      %parallel_loop3A_268 = arith.constant 0 : i32
      %parallel_loop3A_269 = arith.index_cast %parallel_loop3A_268 : i32 to index
      %parallel_loop3A_270 = arith.index_cast %parallel_loop3A_215 : i32 to index
      %parallel_loop3A_271 = arith.constant 32 : index
      %parallel_loop3A_272 = tpu.vector_load %arg13[%parallel_loop3A_269, %parallel_loop3A_270, %parallel_loop3A_271] {strides = array<i32>} : memref<2x32x128xf32, #tpu.memory_space<vmem>>, vector<16xf32>,
      tpu.vector_store %arg13[%parallel_loop3A_269, %parallel_loop3A_270, %parallel_loop3A_271], %parallel_loop3A_267 {strides = array<i32>} : memref<2x32x128xf32, #tpu.memory_space<vmem>>, vector<16xf32>,
      %parallel_loop3A_273 = arith.constant 0 : i32
      %parallel_loop3A_274 = arith.index_cast %parallel_loop3A_273 : i32 to index
      %parallel_loop3A_275 = arith.index_cast %parallel_loop3A_215 : i32 to index
      %parallel_loop3A_276 = arith.constant 48 : index
      %parallel_loop3A_277 = tpu.vector_load %arg11[%parallel_loop3A_274, %parallel_loop3A_275, %parallel_loop3A_276] {strides = array<i32>} : memref<2x32x128xf32, #tpu.memory_space<vmem>>, vector<16xf32>,
      %parallel_loop3A_278 = arith.constant 0 : i32
      %parallel_loop3A_279 = arith.index_cast %parallel_loop3A_278 : i32 to index
      %parallel_loop3A_280 = arith.index_cast %parallel_loop3A_215 : i32 to index
      %parallel_loop3A_281 = arith.constant 48 : index
      %parallel_loop3A_282 = tpu.vector_load %arg12[%parallel_loop3A_279, %parallel_loop3A_280, %parallel_loop3A_281] {strides = array<i32>} : memref<2x32x128xf32, #tpu.memory_space<vmem>>, vector<16xf32>,
      %parallel_loop3A_283 = arith.addf %parallel_loop3A_277, %parallel_loop3A_282 : vector<16xf32>
      %parallel_loop3A_284 = arith.constant 0.000000e+00 : f32
      %parallel_loop3A_285 = vector.broadcast %parallel_loop3A_284 : f32 to vector<16xf32>
      %parallel_loop3A_286 = arith.maximumf %parallel_loop3A_283, %parallel_loop3A_285 : vector<16xf32>
      %parallel_loop3A_287 = arith.constant 0 : i32
      %parallel_loop3A_288 = arith.index_cast %parallel_loop3A_287 : i32 to index
      %parallel_loop3A_289 = arith.index_cast %parallel_loop3A_215 : i32 to index
      %parallel_loop3A_290 = arith.constant 48 : index
      %parallel_loop3A_291 = tpu.vector_load %arg13[%parallel_loop3A_288, %parallel_loop3A_289, %parallel_loop3A_290] {strides = array<i32>} : memref<2x32x128xf32, #tpu.memory_space<vmem>>, vector<16xf32>,
      tpu.vector_store %arg13[%parallel_loop3A_288, %parallel_loop3A_289, %parallel_loop3A_290], %parallel_loop3A_286 {strides = array<i32>} : memref<2x32x128xf32, #tpu.memory_space<vmem>>, vector<16xf32>,
      %parallel_loop3A_292 = arith.constant 0 : i32
      %parallel_loop3A_293 = arith.index_cast %parallel_loop3A_292 : i32 to index
      %parallel_loop3A_294 = arith.index_cast %parallel_loop3A_215 : i32 to index
      %parallel_loop3A_295 = arith.constant 64 : index
      %parallel_loop3A_296 = tpu.vector_load %arg11[%parallel_loop3A_293, %parallel_loop3A_294, %parallel_loop3A_295] {strides = array<i32>} : memref<2x32x128xf32, #tpu.memory_space<vmem>>, vector<16xf32>,
      %parallel_loop3A_297 = arith.constant 0 : i32
      %parallel_loop3A_298 = arith.index_cast %parallel_loop3A_297 : i32 to index
      %parallel_loop3A_299 = arith.index_cast %parallel_loop3A_215 : i32 to index
      %parallel_loop3A_300 = arith.constant 64 : index
      %parallel_loop3A_301 = tpu.vector_load %arg12[%parallel_loop3A_298, %parallel_loop3A_299, %parallel_loop3A_300] {strides = array<i32>} : memref<2x32x128xf32, #tpu.memory_space<vmem>>, vector<16xf32>,
      %parallel_loop3A_302 = arith.addf %parallel_loop3A_296, %parallel_loop3A_301 : vector<16xf32>
      %parallel_loop3A_303 = arith.constant 0.000000e+00 : f32
      %parallel_loop3A_304 = vector.broadcast %parallel_loop3A_303 : f32 to vector<16xf32>
      %parallel_loop3A_305 = arith.maximumf %parallel_loop3A_302, %parallel_loop3A_304 : vector<16xf32>
      %parallel_loop3A_306 = arith.constant 0 : i32
      %parallel_loop3A_307 = arith.index_cast %parallel_loop3A_306 : i32 to index
      %parallel_loop3A_308 = arith.index_cast %parallel_loop3A_215 : i32 to index
      %parallel_loop3A_309 = arith.constant 64 : index
      %parallel_loop3A_310 = tpu.vector_load %arg13[%parallel_loop3A_307, %parallel_loop3A_308, %parallel_loop3A_309] {strides = array<i32>} : memref<2x32x128xf32, #tpu.memory_space<vmem>>, vector<16xf32>,
      tpu.vector_store %arg13[%parallel_loop3A_307, %parallel_loop3A_308, %parallel_loop3A_309], %parallel_loop3A_305 {strides = array<i32>} : memref<2x32x128xf32, #tpu.memory_space<vmem>>, vector<16xf32>,
      %parallel_loop3A_311 = arith.constant 0 : i32
      %parallel_loop3A_312 = arith.index_cast %parallel_loop3A_311 : i32 to index
      %parallel_loop3A_313 = arith.index_cast %parallel_loop3A_215 : i32 to index
      %parallel_loop3A_314 = arith.constant 80 : index
      %parallel_loop3A_315 = tpu.vector_load %arg11[%parallel_loop3A_312, %parallel_loop3A_313, %parallel_loop3A_314] {strides = array<i32>} : memref<2x32x128xf32, #tpu.memory_space<vmem>>, vector<16xf32>,
      %parallel_loop3A_316 = arith.constant 0 : i32
      %parallel_loop3A_317 = arith.index_cast %parallel_loop3A_316 : i32 to index
      %parallel_loop3A_318 = arith.index_cast %parallel_loop3A_215 : i32 to index
      %parallel_loop3A_319 = arith.constant 80 : index
      %parallel_loop3A_320 = tpu.vector_load %arg12[%parallel_loop3A_317, %parallel_loop3A_318, %parallel_loop3A_319] {strides = array<i32>} : memref<2x32x128xf32, #tpu.memory_space<vmem>>, vector<16xf32>,
      %parallel_loop3A_321 = arith.addf %parallel_loop3A_315, %parallel_loop3A_320 : vector<16xf32>
      %parallel_loop3A_322 = arith.constant 0.000000e+00 : f32
      %parallel_loop3A_323 = vector.broadcast %parallel_loop3A_322 : f32 to vector<16xf32>
      %parallel_loop3A_324 = arith.maximumf %parallel_loop3A_321, %parallel_loop3A_323 : vector<16xf32>
      %parallel_loop3A_325 = arith.constant 0 : i32
      %parallel_loop3A_326 = arith.index_cast %parallel_loop3A_325 : i32 to index
      %parallel_loop3A_327 = arith.index_cast %parallel_loop3A_215 : i32 to index
      %parallel_loop3A_328 = arith.constant 80 : index
      %parallel_loop3A_329 = tpu.vector_load %arg13[%parallel_loop3A_326, %parallel_loop3A_327, %parallel_loop3A_328] {strides = array<i32>} : memref<2x32x128xf32, #tpu.memory_space<vmem>>, vector<16xf32>,
      tpu.vector_store %arg13[%parallel_loop3A_326, %parallel_loop3A_327, %parallel_loop3A_328], %parallel_loop3A_324 {strides = array<i32>} : memref<2x32x128xf32, #tpu.memory_space<vmem>>, vector<16xf32>,
      %parallel_loop3A_330 = arith.constant 0 : i32
      %parallel_loop3A_331 = arith.index_cast %parallel_loop3A_330 : i32 to index
      %parallel_loop3A_332 = arith.index_cast %parallel_loop3A_215 : i32 to index
      %parallel_loop3A_333 = arith.constant 96 : index
      %parallel_loop3A_334 = tpu.vector_load %arg11[%parallel_loop3A_331, %parallel_loop3A_332, %parallel_loop3A_333] {strides = array<i32>} : memref<2x32x128xf32, #tpu.memory_space<vmem>>, vector<16xf32>,
      %parallel_loop3A_335 = arith.constant 0 : i32
      %parallel_loop3A_336 = arith.index_cast %parallel_loop3A_335 : i32 to index
      %parallel_loop3A_337 = arith.index_cast %parallel_loop3A_215 : i32 to index
      %parallel_loop3A_338 = arith.constant 96 : index
      %parallel_loop3A_339 = tpu.vector_load %arg12[%parallel_loop3A_336, %parallel_loop3A_337, %parallel_loop3A_338] {strides = array<i32>} : memref<2x32x128xf32, #tpu.memory_space<vmem>>, vector<16xf32>,
      %parallel_loop3A_340 = arith.addf %parallel_loop3A_334, %parallel_loop3A_339 : vector<16xf32>
      %parallel_loop3A_341 = arith.constant 0.000000e+00 : f32
      %parallel_loop3A_342 = vector.broadcast %parallel_loop3A_341 : f32 to vector<16xf32>
      %parallel_loop3A_343 = arith.maximumf %parallel_loop3A_340, %parallel_loop3A_342 : vector<16xf32>
      %parallel_loop3A_344 = arith.constant 0 : i32
      %parallel_loop3A_345 = arith.index_cast %parallel_loop3A_344 : i32 to index
      %parallel_loop3A_346 = arith.index_cast %parallel_loop3A_215 : i32 to index
      %parallel_loop3A_347 = arith.constant 96 : index
      %parallel_loop3A_348 = tpu.vector_load %arg13[%parallel_loop3A_345, %parallel_loop3A_346, %parallel_loop3A_347] {strides = array<i32>} : memref<2x32x128xf32, #tpu.memory_space<vmem>>, vector<16xf32>,
      tpu.vector_store %arg13[%parallel_loop3A_345, %parallel_loop3A_346, %parallel_loop3A_347], %parallel_loop3A_343 {strides = array<i32>} : memref<2x32x128xf32, #tpu.memory_space<vmem>>, vector<16xf32>,
      %parallel_loop3A_349 = arith.constant 0 : i32
      %parallel_loop3A_350 = arith.index_cast %parallel_loop3A_349 : i32 to index
      %parallel_loop3A_351 = arith.index_cast %parallel_loop3A_215 : i32 to index
      %parallel_loop3A_352 = arith.constant 112 : index
      %parallel_loop3A_353 = tpu.vector_load %arg11[%parallel_loop3A_350, %parallel_loop3A_351, %parallel_loop3A_352] {strides = array<i32>} : memref<2x32x128xf32, #tpu.memory_space<vmem>>, vector<16xf32>,
      %parallel_loop3A_354 = arith.constant 0 : i32
      %parallel_loop3A_355 = arith.index_cast %parallel_loop3A_354 : i32 to index
      %parallel_loop3A_356 = arith.index_cast %parallel_loop3A_215 : i32 to index
      %parallel_loop3A_357 = arith.constant 112 : index
      %parallel_loop3A_358 = tpu.vector_load %arg12[%parallel_loop3A_355, %parallel_loop3A_356, %parallel_loop3A_357] {strides = array<i32>} : memref<2x32x128xf32, #tpu.memory_space<vmem>>, vector<16xf32>,
      %parallel_loop3A_359 = arith.addf %parallel_loop3A_353, %parallel_loop3A_358 : vector<16xf32>
      %parallel_loop3A_360 = arith.constant 0.000000e+00 : f32
      %parallel_loop3A_361 = vector.broadcast %parallel_loop3A_360 : f32 to vector<16xf32>
      %parallel_loop3A_362 = arith.maximumf %parallel_loop3A_359, %parallel_loop3A_361 : vector<16xf32>
      %parallel_loop3A_363 = arith.constant 0 : i32
      %parallel_loop3A_364 = arith.index_cast %parallel_loop3A_363 : i32 to index
      %parallel_loop3A_365 = arith.index_cast %parallel_loop3A_215 : i32 to index
      %parallel_loop3A_366 = arith.constant 112 : index
      %parallel_loop3A_367 = tpu.vector_load %arg13[%parallel_loop3A_364, %parallel_loop3A_365, %parallel_loop3A_366] {strides = array<i32>} : memref<2x32x128xf32, #tpu.memory_space<vmem>>, vector<16xf32>,
      tpu.vector_store %arg13[%parallel_loop3A_364, %parallel_loop3A_365, %parallel_loop3A_366], %parallel_loop3A_362 {strides = array<i32>} : memref<2x32x128xf32, #tpu.memory_space<vmem>>, vector<16xf32>,
    } {sc.loop_unroll_factor = 4 : i64, sc.parallel_access}
    %get3A = arith.constant 0 : i32
    %get3A_162 = arith.index_cast %get3A : i32 to index
    %get3A_163 = arith.constant 0 : index
    %get3A_164 = tpu.vector_load %arg10[%get3A_162, %get3A_163] {strides = array<i32>} : memref<4x32xi32, #tpu.memory_space<vmem>>, vector<16xi32>,
    tpu.vector_store_idx %arg14[%get3A_164], %broadcast_in_dim3A_11 {add = true} : memref<10240xf32, #tpu.memory_space<vmem>>[vector<16xi32>], vector<16xf32>,
    %get3A_165 = arith.constant 0 : i32
    %get3A_166 = arith.index_cast %get3A_165 : i32 to index
    %get3A_167 = arith.constant 16 : index
    %get3A_168 = tpu.vector_load %arg10[%get3A_166, %get3A_167] {strides = array<i32>} : memref<4x32xi32, #tpu.memory_space<vmem>>, vector<16xi32>,
    tpu.vector_store_idx %arg14[%get3A_168], %broadcast_in_dim3A_11 {add = true} : memref<10240xf32, #tpu.memory_space<vmem>>[vector<16xi32>], vector<16xf32>,
    %dma_start3A_169 = arith.constant 0 : i32
    %dma_start3A_170 = arith.constant 0 : i32
    %dma_start3A_171 = arith.constant 0 : i32
    %dma_start3A_172 = arith.constant 0 : i32
    %dma_start3A_173 = tpu.memref_slice %arg13[%dma_start3A_169, %dma_start3A_171, %dma_start3A_172] : memref<2x32x128xf32, #tpu.memory_space<vmem>> -> memref<1x32x128xf32, #tpu.memory_space<vmem>>
    %dma_start3A_174 = tpu.memref_squeeze %dma_start3A_173 : memref<1x32x128xf32, #tpu.memory_space<vmem>> -> memref<32x128xf32, #tpu.memory_space<vmem>>
    %dma_start3A_175 = arith.constant 0 : i32
    %dma_start3A_176 = tpu.memref_slice %arg10[%dma_start3A_170, %dma_start3A_175] : memref<4x32xi32, #tpu.memory_space<vmem>> -> memref<1x32xi32, #tpu.memory_space<vmem>>
    %dma_start3A_177 = tpu.memref_squeeze %dma_start3A_176 : memref<1x32xi32, #tpu.memory_space<vmem>> -> memref<32xi32, #tpu.memory_space<vmem>>
    %dma_start3A_178 = arith.constant 0 : i32
    %dma_start3A_179 = arith.constant 0 : i32
    %dma_start3A_180 = tpu.memref_slice %arg15[%dma_start3A_178, %dma_start3A_179] : memref<10240x128xf32, #tpu.memory_space<vmem_shared>> -> memref<10240x128xf32, #tpu.memory_space<vmem_shared>>
    tpu.enqueue_indirect_dma source(%dma_start3A_174 : memref<32x128xf32, #tpu.memory_space<vmem>>) target(%dma_start3A_180 : memref<10240x128xf32, #tpu.memory_space<vmem_shared>>) offsets(%dma_start3A_177 : memref<32xi32, #tpu.memory_space<vmem>>) semaphore(%arg19 : memref<!tpu.dma_semaphore, #tpu.memory_space<semaphore_mem>>) {add = true}
    %dma_wait3A_181 = arith.constant 1 : i32
    %dma_wait3A_182 = arith.constant 3 : i32
    %dma_wait3A_183 = arith.constant 0 : i32
    %dma_wait3A_184 = arith.constant 0 : i32
    %dma_wait3A_185 = tpu.memref_slice %arg13[%dma_wait3A_181, %dma_wait3A_183, %dma_wait3A_184] : memref<2x32x128xf32, #tpu.memory_space<vmem>> -> memref<1x32x128xf32, #tpu.memory_space<vmem>>
    %dma_wait3A_186 = tpu.memref_squeeze %dma_wait3A_185 : memref<1x32x128xf32, #tpu.memory_space<vmem>> -> memref<32x128xf32, #tpu.memory_space<vmem>>
    %dma_wait3A_187 = arith.constant 0 : i32
    %dma_wait3A_188 = tpu.memref_slice %arg10[%dma_wait3A_182, %dma_wait3A_187] : memref<4x32xi32, #tpu.memory_space<vmem>> -> memref<1x32xi32, #tpu.memory_space<vmem>>
    %dma_wait3A_189 = tpu.memref_squeeze %dma_wait3A_188 : memref<1x32xi32, #tpu.memory_space<vmem>> -> memref<32xi32, #tpu.memory_space<vmem>>
    %dma_wait3A_190 = arith.constant 0 : i32
    %dma_wait3A_191 = arith.constant 0 : i32
    %dma_wait3A_192 = tpu.memref_slice %arg15[%dma_wait3A_190, %dma_wait3A_191] : memref<10240x128xf32, #tpu.memory_space<vmem_shared>> -> memref<10240x128xf32, #tpu.memory_space<vmem_shared>>
    tpu.wait_indirect_dma semaphore(%arg20 : memref<!tpu.dma_semaphore, #tpu.memory_space<semaphore_mem>>) src(%dma_wait3A_186 : memref<32x128xf32, #tpu.memory_space<vmem>>) dst(%dma_wait3A_192 : memref<10240x128xf32, #tpu.memory_space<vmem_shared>>)
    %dma_wait3A_193 = arith.constant 0 : i32
    %dma_wait3A_194 = arith.constant 0 : i32
    %dma_wait3A_195 = arith.constant 0 : i32
    %dma_wait3A_196 = arith.constant 0 : i32
    %dma_wait3A_197 = tpu.memref_slice %arg13[%dma_wait3A_193, %dma_wait3A_195, %dma_wait3A_196] : memref<2x32x128xf32, #tpu.memory_space<vmem>> -> memref<1x32x128xf32, #tpu.memory_space<vmem>>
    %dma_wait3A_198 = tpu.memref_squeeze %dma_wait3A_197 : memref<1x32x128xf32, #tpu.memory_space<vmem>> -> memref<32x128xf32, #tpu.memory_space<vmem>>
    %dma_wait3A_199 = arith.constant 0 : i32
    %dma_wait3A_200 = tpu.memref_slice %arg10[%dma_wait3A_194, %dma_wait3A_199] : memref<4x32xi32, #tpu.memory_space<vmem>> -> memref<1x32xi32, #tpu.memory_space<vmem>>
    %dma_wait3A_201 = tpu.memref_squeeze %dma_wait3A_200 : memref<1x32xi32, #tpu.memory_space<vmem>> -> memref<32xi32, #tpu.memory_space<vmem>>
    %dma_wait3A_202 = arith.constant 0 : i32
    %dma_wait3A_203 = arith.constant 0 : i32
    %dma_wait3A_204 = tpu.memref_slice %arg15[%dma_wait3A_202, %dma_wait3A_203] : memref<10240x128xf32, #tpu.memory_space<vmem_shared>> -> memref<10240x128xf32, #tpu.memory_space<vmem_shared>>
    tpu.wait_indirect_dma semaphore(%arg19 : memref<!tpu.dma_semaphore, #tpu.memory_space<semaphore_mem>>) src(%dma_wait3A_198 : memref<32x128xf32, #tpu.memory_space<vmem>>) dst(%dma_wait3A_204 : memref<10240x128xf32, #tpu.memory_space<vmem_shared>>)
    %mul3A_205 = arith.constant 10240 : i32
    %mul3A_206 = arith.muli %add3A, %mul3A_205 : i32
    "tpu.region"() ({
      %run_scoped3A = tpu.sem_alloc : memref<!tpu.dma_semaphore, #tpu.memory_space<semaphore_mem>>
      %dma_start3A_215 = tpu.memref_slice %arg8[%mul3A_206] : memref<327680xf32, #tpu.memory_space<hbm>> -> memref<10240xf32, #tpu.memory_space<hbm>>
      %dma_start3A_216 = tpu.memref_slice %arg8[%mul3A_206] : memref<327680xf32, #tpu.memory_space<hbm>> -> memref<10240xf32, #tpu.memory_space<hbm>>
      tpu.enqueue_dma source(%arg14 : memref<10240xf32, #tpu.memory_space<vmem>>) target(%dma_start3A_216 : memref<10240xf32, #tpu.memory_space<hbm>>) target_semaphore(%run_scoped3A : memref<!tpu.dma_semaphore, #tpu.memory_space<semaphore_mem>>)
      %dma_wait3A_217 = tpu.memref_slice %arg8[%mul3A_206] : memref<327680xf32, #tpu.memory_space<hbm>> -> memref<10240xf32, #tpu.memory_space<hbm>>
      %dma_wait3A_218 = tpu.memref_slice %arg8[%mul3A_206] : memref<327680xf32, #tpu.memory_space<hbm>> -> memref<10240xf32, #tpu.memory_space<hbm>>
      tpu.wait_dma2 semaphore(%run_scoped3A : memref<!tpu.dma_semaphore, #tpu.memory_space<semaphore_mem>>) src(%arg14 : memref<10240xf32, #tpu.memory_space<vmem>>) dst(%dma_wait3A_218 : memref<10240xf32, #tpu.memory_space<hbm>>)
      tpu.yield
    }) : () -> ()
    %barrier3A_207 = arith.constant 0 : index
    tpu.barrier barrier_id(%barrier3A_207)
    %mul3A_208 = arith.constant 640 : i32
    %mul3A_209 = arith.muli %arg1, %mul3A_208 : i32
    %mul3A_210 = arith.constant 10240 : i32
    %mul3A_211 = arith.muli %arg0, %mul3A_210 : i32
    %mul3A_212 = arith.constant 640 : i32
    %mul3A_213 = arith.muli %arg1, %mul3A_212 : i32
    %add3A_214 = arith.addi %mul3A_211, %mul3A_213 : i32
    "tpu.region"() ({
      %run_scoped3A = tpu.sem_alloc : memref<!tpu.dma_semaphore, #tpu.memory_space<semaphore_mem>>
      %dma_start3A_215 = arith.constant 0 : i32
      %dma_start3A_216 = tpu.memref_slice %arg7[%add3A_214, %dma_start3A_215] : memref<20480x128xf32, #tpu.memory_space<hbm>> -> memref<640x128xf32, #tpu.memory_space<hbm>>
      %dma_start3A_217 = arith.constant 0 : i32
      %dma_start3A_218 = tpu.memref_slice %arg15[%mul3A_209, %dma_start3A_217] : memref<10240x128xf32, #tpu.memory_space<vmem_shared>> -> memref<640x128xf32, #tpu.memory_space<vmem_shared>>
      tpu.enqueue_dma source(%dma_start3A_218 : memref<640x128xf32, #tpu.memory_space<vmem_shared>>) target(%dma_start3A_216 : memref<640x128xf32, #tpu.memory_space<hbm>>) target_semaphore(%run_scoped3A : memref<!tpu.dma_semaphore, #tpu.memory_space<semaphore_mem>>)
      %dma_wait3A_219 = arith.constant 0 : i32
      %dma_wait3A_220 = tpu.memref_slice %arg7[%add3A_214, %dma_wait3A_219] : memref<20480x128xf32, #tpu.memory_space<hbm>> -> memref<640x128xf32, #tpu.memory_space<hbm>>
      %dma_wait3A_221 = arith.constant 0 : i32
      %dma_wait3A_222 = tpu.memref_slice %arg15[%mul3A_209, %dma_wait3A_221] : memref<10240x128xf32, #tpu.memory_space<vmem_shared>> -> memref<640x128xf32, #tpu.memory_space<vmem_shared>>
      tpu.wait_dma2 semaphore(%run_scoped3A : memref<!tpu.dma_semaphore, #tpu.memory_space<semaphore_mem>>) src(%dma_wait3A_222 : memref<640x128xf32, #tpu.memory_space<vmem_shared>>) dst(%dma_wait3A_220 : memref<640x128xf32, #tpu.memory_space<hbm>>)
      tpu.yield
    }) : () -> ()
    return
  }
}

module attributes {stable_mosaic.version = 14 : i64} {
  func.func @_tc_prep_body(%arg0: i32, %arg1: memref<2048x128xf32, #tpu.memory_space<vmem>>, %arg2: memref<256x128xf32, #tpu.memory_space<vmem>>, %arg3: memref<1x128xf32, #tpu.memory_space<vmem>>, %arg4: memref<2048x128xf32, #tpu.memory_space<vmem>>, %arg5: memref<2048x128xf32, #tpu.memory_space<vmem>>) attributes {dimension_semantics = [#tpu.dimension_semantics<arbitrary>], iteration_bounds = array<i64: 5>, scalar_prefetch = 0 : i64, scratch_operands = 0 : i64, tpu.core_type = #tpu.core_type<tc>, window_params = [{transform_indices = @transform_0, window_bounds = array<i64: 2048, 128>}, {pipeline_mode = #tpu.pipeline_mode<synchronous>, transform_indices = @transform_1, window_bounds = array<i64: 256, 128>}, {pipeline_mode = #tpu.pipeline_mode<synchronous>, transform_indices = @transform_2, window_bounds = array<i64: 1, 128>}, {transform_indices = @transform_3, window_bounds = array<i64: 2048, 128>}, {transform_indices = @transform_4, window_bounds = array<i64: 2048, 128>}]} {
    %get3A = arith.constant 0 : index
    %get3A_0 = arith.constant 0 : index
    %get3A_1 = vector.load %arg1[%get3A, %get3A_0] : memref<2048x128xf32, #tpu.memory_space<vmem>>, vector<2048x128xf32>
    %get3A_2 = arith.constant 0 : index
    %get3A_3 = arith.constant 0 : index
    %get3A_4 = vector.load %arg2[%get3A_2, %get3A_3] : memref<256x128xf32, #tpu.memory_space<vmem>>, vector<128x128xf32>
    %dot_general3A = arith.constant dense<0.000000e+00> : vector<2048x128xf32>
    %dot_general3A_5 = tpu.matmul %get3A_1, %get3A_4, %dot_general3A {dimension_numbers = #tpu.dot_dimension_numbers<[1], [0], [0], [1], [0, 0, 1, 1], [], []>, transpose_lhs_hint = false} : vector<2048x128xf32>, vector<128x128xf32>, vector<2048x128xf32> -> vector<2048x128xf32>
    %swap3A = arith.constant 0 : index
    %swap3A_6 = arith.constant 0 : index
    %swap3A_7 = vector.load %arg4[%swap3A, %swap3A_6] : memref<2048x128xf32, #tpu.memory_space<vmem>>, vector<2048x128xf32>
    tpu.vector_store %arg4[%swap3A, %swap3A_6], %dot_general3A_5 {strides = array<i32>} : memref<2048x128xf32, #tpu.memory_space<vmem>>, vector<2048x128xf32>,
    %get3A_8 = arith.constant 128 : index
    %get3A_9 = arith.constant 0 : index
    %get3A_10 = vector.load %arg2[%get3A_8, %get3A_9] : memref<256x128xf32, #tpu.memory_space<vmem>>, vector<128x128xf32>
    %dot_general3A_11 = arith.constant dense<0.000000e+00> : vector<2048x128xf32>
    %dot_general3A_12 = tpu.matmul %get3A_1, %get3A_10, %dot_general3A_11 {dimension_numbers = #tpu.dot_dimension_numbers<[1], [0], [0], [1], [0, 0, 1, 1], [], []>, transpose_lhs_hint = false} : vector<2048x128xf32>, vector<128x128xf32>, vector<2048x128xf32> -> vector<2048x128xf32>
    %get3A_13 = arith.constant 0 : index
    %get3A_14 = arith.constant 0 : index
    %get3A_15 = vector.load %arg3[%get3A_13, %get3A_14] : memref<1x128xf32, #tpu.memory_space<vmem>>, vector<1x128xf32>
    %add3A = vector.broadcast %get3A_15 : vector<1x128xf32> to vector<2048x128xf32>
    %add3A_16 = arith.addf %dot_general3A_12, %add3A : vector<2048x128xf32>
    %swap3A_17 = arith.constant 0 : index
    %swap3A_18 = arith.constant 0 : index
    %swap3A_19 = vector.load %arg5[%swap3A_17, %swap3A_18] : memref<2048x128xf32, #tpu.memory_space<vmem>>, vector<2048x128xf32>
    tpu.vector_store %arg5[%swap3A_17, %swap3A_18], %add3A_16 {strides = array<i32>} : memref<2048x128xf32, #tpu.memory_space<vmem>>, vector<2048x128xf32>,
    return
  }
  func.func @transform_0(%arg0: i32) -> (i32, i32) {
    %c0_i32 = arith.constant 0 : i32
    %c0_i32_0 = arith.constant 0 : i32
    return %arg0, %c0_i32 : i32, i32
  }
  func.func @transform_1(%arg0: i32) -> (i32, i32) {
    %c0_i32 = arith.constant 0 : i32
    %c0_i32_0 = arith.constant 0 : i32
    %c0_i32_1 = arith.constant 0 : i32
    return %c0_i32, %c0_i32_0 : i32, i32
  }
  func.func @transform_2(%arg0: i32) -> (i32, i32) {
    %c0_i32 = arith.constant 0 : i32
    %c0_i32_0 = arith.constant 0 : i32
    %c0_i32_1 = arith.constant 0 : i32
    return %c0_i32, %c0_i32_0 : i32, i32
  }
  func.func @transform_3(%arg0: i32) -> (i32, i32) {
    %c0_i32 = arith.constant 0 : i32
    %c0_i32_0 = arith.constant 0 : i32
    return %arg0, %c0_i32 : i32, i32
  }
  func.func @transform_4(%arg0: i32) -> (i32, i32) {
    %c0_i32 = arith.constant 0 : i32
    %c0_i32_0 = arith.constant 0 : i32
    return %arg0, %c0_i32 : i32, i32
  }
}

module attributes {stable_mosaic.version = 14 : i64} {
  func.func @_tc_mid_body(%arg0: i32, %arg1: memref<2048x128xf32, #tpu.memory_space<vmem>>, %arg2: memref<2048x128xf32, #tpu.memory_space<vmem>>, %arg3: memref<2048x128xf32, #tpu.memory_space<vmem>>, %arg4: memref<32x2048xf32, #tpu.memory_space<vmem>>, %arg5: memref<256x128xf32, #tpu.memory_space<vmem>>, %arg6: memref<1x128xf32, #tpu.memory_space<vmem>>, %arg7: memref<256x128xf32, #tpu.memory_space<vmem>>, %arg8: memref<1x128xf32, #tpu.memory_space<vmem>>, %arg9: memref<2048x128xf32, #tpu.memory_space<vmem>>, %arg10: memref<2048x128xf32, #tpu.memory_space<vmem>>) attributes {dimension_semantics = [#tpu.dimension_semantics<arbitrary>], iteration_bounds = array<i64: 5>, scalar_prefetch = 0 : i64, scratch_operands = 0 : i64, tpu.core_type = #tpu.core_type<tc>, window_params = [{transform_indices = @transform_0, window_bounds = array<i64: 2048, 128>}, {transform_indices = @transform_1, window_bounds = array<i64: 2048, 128>}, {transform_indices = @transform_2, window_bounds = array<i64: 2048, 128>}, {transform_indices = @transform_3, window_bounds = array<i64: 32, 2048>}, {pipeline_mode = #tpu.pipeline_mode<synchronous>, transform_indices = @transform_4, window_bounds = array<i64: 256, 128>}, {pipeline_mode = #tpu.pipeline_mode<synchronous>, transform_indices = @transform_5, window_bounds = array<i64: 1, 128>}, {pipeline_mode = #tpu.pipeline_mode<synchronous>, transform_indices = @transform_6, window_bounds = array<i64: 256, 128>}, {pipeline_mode = #tpu.pipeline_mode<synchronous>, transform_indices = @transform_7, window_bounds = array<i64: 1, 128>}, {transform_indices = @transform_8, window_bounds = array<i64: 2048, 128>}, {transform_indices = @transform_9, window_bounds = array<i64: 2048, 128>}]} {
    %get3A = arith.constant 0 : index
    %get3A_0 = arith.constant 0 : index
    %get3A_1 = vector.load %arg2[%get3A, %get3A_0] : memref<2048x128xf32, #tpu.memory_space<vmem>>, vector<2048x128xf32>
    %get3A_2 = arith.constant 0 : index
    %get3A_3 = arith.constant 0 : index
    %get3A_4 = vector.load %arg3[%get3A_2, %get3A_3] : memref<2048x128xf32, #tpu.memory_space<vmem>>, vector<2048x128xf32>
    %add3A = arith.addf %get3A_1, %get3A_4 : vector<2048x128xf32>
    %get3A_5 = arith.constant 0 : index
    %get3A_6 = arith.constant 0 : index
    %get3A_7 = vector.load %arg4[%get3A_5, %get3A_6] : memref<32x2048xf32, #tpu.memory_space<vmem>>, vector<32x2048xf32>
    %broadcast_in_dim3A = arith.constant 1.000000e+00 : f32
    %broadcast_in_dim3A_8 = vector.broadcast %broadcast_in_dim3A : f32 to vector<32x1xf32>
    %dot_general3A = arith.constant dense<0.000000e+00> : vector<2048x1xf32>
    %dot_general3A_9 = tpu.matmul %get3A_7, %broadcast_in_dim3A_8, %dot_general3A {dimension_numbers = #tpu.dot_dimension_numbers<[0], [0], [1], [1], [0, 1, 1, 1], [], []>, transpose_lhs_hint = false} : vector<32x2048xf32>, vector<32x1xf32>, vector<2048x1xf32> -> vector<2048x1xf32>
    %max3A = arith.constant 1.000000e+00 : f32
    %max3A_10 = vector.broadcast %max3A : f32 to vector<2048x1xf32>
    %max3A_11 = arith.maximumf %dot_general3A_9, %max3A_10 : vector<2048x1xf32>
    %div3A = vector.broadcast %max3A_11 : vector<2048x1xf32> to vector<2048x128xf32>
    %div3A_12 = arith.divf %add3A, %div3A : vector<2048x128xf32>
    %get3A_13 = arith.constant 0 : index
    %get3A_14 = arith.constant 0 : index
    %get3A_15 = vector.load %arg1[%get3A_13, %get3A_14] : memref<2048x128xf32, #tpu.memory_space<vmem>>, vector<2048x128xf32>
    %get3A_16 = arith.constant 0 : index
    %get3A_17 = arith.constant 0 : index
    %get3A_18 = vector.load %arg5[%get3A_16, %get3A_17] : memref<256x128xf32, #tpu.memory_space<vmem>>, vector<128x128xf32>
    %dot_general3A_19 = arith.constant dense<0.000000e+00> : vector<2048x128xf32>
    %dot_general3A_20 = tpu.matmul %get3A_15, %get3A_18, %dot_general3A_19 {dimension_numbers = #tpu.dot_dimension_numbers<[1], [0], [0], [1], [0, 0, 1, 1], [], []>, transpose_lhs_hint = false} : vector<2048x128xf32>, vector<128x128xf32>, vector<2048x128xf32> -> vector<2048x128xf32>
    %get3A_21 = arith.constant 128 : index
    %get3A_22 = arith.constant 0 : index
    %get3A_23 = vector.load %arg5[%get3A_21, %get3A_22] : memref<256x128xf32, #tpu.memory_space<vmem>>, vector<128x128xf32>
    %dot_general3A_24 = arith.constant dense<0.000000e+00> : vector<2048x128xf32>
    %dot_general3A_25 = tpu.matmul %div3A_12, %get3A_23, %dot_general3A_24 {dimension_numbers = #tpu.dot_dimension_numbers<[1], [0], [0], [1], [0, 0, 1, 1], [], []>, transpose_lhs_hint = false} : vector<2048x128xf32>, vector<128x128xf32>, vector<2048x128xf32> -> vector<2048x128xf32>
    %add3A_26 = arith.addf %dot_general3A_20, %dot_general3A_25 : vector<2048x128xf32>
    %get3A_27 = arith.constant 0 : index
    %get3A_28 = arith.constant 0 : index
    %get3A_29 = vector.load %arg6[%get3A_27, %get3A_28] : memref<1x128xf32, #tpu.memory_space<vmem>>, vector<1x128xf32>
    %add3A_30 = vector.broadcast %get3A_29 : vector<1x128xf32> to vector<2048x128xf32>
    %add3A_31 = arith.addf %add3A_26, %add3A_30 : vector<2048x128xf32>
    %max3A_32 = arith.constant 0.000000e+00 : f32
    %max3A_33 = vector.broadcast %max3A_32 : f32 to vector<2048x128xf32>
    %max3A_34 = arith.maximumf %add3A_31, %max3A_33 : vector<2048x128xf32>
    %get3A_35 = arith.constant 0 : index
    %get3A_36 = arith.constant 0 : index
    %get3A_37 = vector.load %arg7[%get3A_35, %get3A_36] : memref<256x128xf32, #tpu.memory_space<vmem>>, vector<128x128xf32>
    %dot_general3A_38 = arith.constant dense<0.000000e+00> : vector<2048x128xf32>
    %dot_general3A_39 = tpu.matmul %max3A_34, %get3A_37, %dot_general3A_38 {dimension_numbers = #tpu.dot_dimension_numbers<[1], [0], [0], [1], [0, 0, 1, 1], [], []>, transpose_lhs_hint = false} : vector<2048x128xf32>, vector<128x128xf32>, vector<2048x128xf32> -> vector<2048x128xf32>
    %swap3A = arith.constant 0 : index
    %swap3A_40 = arith.constant 0 : index
    %swap3A_41 = vector.load %arg9[%swap3A, %swap3A_40] : memref<2048x128xf32, #tpu.memory_space<vmem>>, vector<2048x128xf32>
    tpu.vector_store %arg9[%swap3A, %swap3A_40], %dot_general3A_39 {strides = array<i32>} : memref<2048x128xf32, #tpu.memory_space<vmem>>, vector<2048x128xf32>,
    %get3A_42 = arith.constant 128 : index
    %get3A_43 = arith.constant 0 : index
    %get3A_44 = vector.load %arg7[%get3A_42, %get3A_43] : memref<256x128xf32, #tpu.memory_space<vmem>>, vector<128x128xf32>
    %dot_general3A_45 = arith.constant dense<0.000000e+00> : vector<2048x128xf32>
    %dot_general3A_46 = tpu.matmul %max3A_34, %get3A_44, %dot_general3A_45 {dimension_numbers = #tpu.dot_dimension_numbers<[1], [0], [0], [1], [0, 0, 1, 1], [], []>, transpose_lhs_hint = false} : vector<2048x128xf32>, vector<128x128xf32>, vector<2048x128xf32> -> vector<2048x128xf32>
    %get3A_47 = arith.constant 0 : index
    %get3A_48 = arith.constant 0 : index
    %get3A_49 = vector.load %arg8[%get3A_47, %get3A_48] : memref<1x128xf32, #tpu.memory_space<vmem>>, vector<1x128xf32>
    %add3A_50 = vector.broadcast %get3A_49 : vector<1x128xf32> to vector<2048x128xf32>
    %add3A_51 = arith.addf %dot_general3A_46, %add3A_50 : vector<2048x128xf32>
    %swap3A_52 = arith.constant 0 : index
    %swap3A_53 = arith.constant 0 : index
    %swap3A_54 = vector.load %arg10[%swap3A_52, %swap3A_53] : memref<2048x128xf32, #tpu.memory_space<vmem>>, vector<2048x128xf32>
    tpu.vector_store %arg10[%swap3A_52, %swap3A_53], %add3A_51 {strides = array<i32>} : memref<2048x128xf32, #tpu.memory_space<vmem>>, vector<2048x128xf32>,
    return
  }
  func.func @transform_0(%arg0: i32) -> (i32, i32) {
    %c0_i32 = arith.constant 0 : i32
    %c0_i32_0 = arith.constant 0 : i32
    return %arg0, %c0_i32 : i32, i32
  }
  func.func @transform_1(%arg0: i32) -> (i32, i32) {
    %c0_i32 = arith.constant 0 : i32
    %c0_i32_0 = arith.constant 0 : i32
    return %arg0, %c0_i32 : i32, i32
  }
  func.func @transform_2(%arg0: i32) -> (i32, i32) {
    %c0_i32 = arith.constant 0 : i32
    %c0_i32_0 = arith.constant 0 : i32
    return %arg0, %c0_i32 : i32, i32
  }
  func.func @transform_3(%arg0: i32) -> (i32, i32) {
    %c0_i32 = arith.constant 0 : i32
    %c0_i32_0 = arith.constant 0 : i32
    return %c0_i32, %arg0 : i32, i32
  }
  func.func @transform_4(%arg0: i32) -> (i32, i32) {
    %c0_i32 = arith.constant 0 : i32
    %c0_i32_0 = arith.constant 0 : i32
    %c0_i32_1 = arith.constant 0 : i32
    return %c0_i32, %c0_i32_0 : i32, i32
  }
  func.func @transform_5(%arg0: i32) -> (i32, i32) {
    %c0_i32 = arith.constant 0 : i32
    %c0_i32_0 = arith.constant 0 : i32
    %c0_i32_1 = arith.constant 0 : i32
    return %c0_i32, %c0_i32_0 : i32, i32
  }
  func.func @transform_6(%arg0: i32) -> (i32, i32) {
    %c0_i32 = arith.constant 0 : i32
    %c0_i32_0 = arith.constant 0 : i32
    %c0_i32_1 = arith.constant 0 : i32
    return %c0_i32, %c0_i32_0 : i32, i32
  }
  func.func @transform_7(%arg0: i32) -> (i32, i32) {
    %c0_i32 = arith.constant 0 : i32
    %c0_i32_0 = arith.constant 0 : i32
    %c0_i32_1 = arith.constant 0 : i32
    return %c0_i32, %c0_i32_0 : i32, i32
  }
  func.func @transform_8(%arg0: i32) -> (i32, i32) {
    %c0_i32 = arith.constant 0 : i32
    %c0_i32_0 = arith.constant 0 : i32
    return %arg0, %c0_i32 : i32, i32
  }
  func.func @transform_9(%arg0: i32) -> (i32, i32) {
    %c0_i32 = arith.constant 0 : i32
    %c0_i32_0 = arith.constant 0 : i32
    return %arg0, %c0_i32 : i32, i32
  }
}

module attributes {stable_mosaic.version = 14 : i64} {
  func.func @_tc_final_body(%arg0: i32, %arg1: memref<8000x16xf32, #tpu.memory_space<vmem>>, %arg2: memref<8000x16xf32, #tpu.memory_space<vmem>>, %arg3: memref<1x16xf32, #tpu.memory_space<vmem>>, %arg4: memref<1x1xf32, #tpu.memory_space<vmem>>, %arg5: memref<32x8x16xf32, #tpu.memory_space<vmem>>, %arg6: memref<8000x1xf32, #tpu.memory_space<vmem>>, %arg7: memref<1x1xf32, #tpu.memory_space<vmem>>) attributes {dimension_semantics = [#tpu.dimension_semantics<arbitrary>], iteration_bounds = array<i64: 40>, scalar_prefetch = 0 : i64, scratch_operands = 0 : i64, tpu.core_type = #tpu.core_type<tc>, window_params = [{transform_indices = @transform_0, window_bounds = array<i64: 8000, 16>}, {transform_indices = @transform_1, window_bounds = array<i64: 8000, 16>}, {pipeline_mode = #tpu.pipeline_mode<synchronous>, transform_indices = @transform_2, window_bounds = array<i64: 1, 16>}, {pipeline_mode = #tpu.pipeline_mode<synchronous>, transform_indices = @transform_3, window_bounds = array<i64: 1, 1>}, {pipeline_mode = #tpu.pipeline_mode<synchronous>, transform_indices = @transform_4, window_bounds = array<i64: 32, 8, 16>}, {transform_indices = @transform_5, window_bounds = array<i64: 8000, 1>}, {pipeline_mode = #tpu.pipeline_mode<synchronous>, transform_indices = @transform_6, window_bounds = array<i64: 1, 1>}]} {
    %get3A = arith.constant 0 : index
    %get3A_0 = arith.constant 0 : index
    %get3A_1 = vector.load %arg1[%get3A, %get3A_0] : memref<8000x16xf32, #tpu.memory_space<vmem>>, vector<8000x16xf32>
    %reduce_sum3A = arith.constant dense<0.000000e+00> : vector<8000xf32>
    %reduce_sum3A_2 = vector.multi_reduction <add>, %get3A_1, %reduce_sum3A [1] : vector<8000x16xf32> to vector<8000xf32>
    %broadcast_in_dim3A = vector.shape_cast %reduce_sum3A_2 : vector<8000xf32> to vector<8000x1xf32>
    %get3A_3 = arith.constant 0 : index
    %get3A_4 = arith.constant 0 : index
    %get3A_5 = vector.load %arg2[%get3A_3, %get3A_4] : memref<8000x16xf32, #tpu.memory_space<vmem>>, vector<8000x16xf32>
    %get3A_6 = arith.constant 0 : index
    %get3A_7 = arith.constant 0 : index
    %get3A_8 = vector.load %arg3[%get3A_6, %get3A_7] : memref<1x16xf32, #tpu.memory_space<vmem>>, vector<1x16xf32>
    %mul3A = vector.broadcast %get3A_8 : vector<1x16xf32> to vector<8000x16xf32>
    %mul3A_9 = arith.mulf %get3A_5, %mul3A : vector<8000x16xf32>
    %reduce_sum3A_10 = arith.constant dense<0.000000e+00> : vector<8000xf32>
    %reduce_sum3A_11 = vector.multi_reduction <add>, %mul3A_9, %reduce_sum3A_10 [1] : vector<8000x16xf32> to vector<8000xf32>
    %broadcast_in_dim3A_12 = vector.shape_cast %reduce_sum3A_11 : vector<8000xf32> to vector<8000x1xf32>
    %add3A = arith.addf %broadcast_in_dim3A, %broadcast_in_dim3A_12 : vector<8000x1xf32>
    %get3A_13 = arith.constant 0 : index
    %get3A_14 = arith.constant 0 : index
    %get3A_15 = vector.load %arg4[%get3A_13, %get3A_14] : memref<1x1xf32, #tpu.memory_space<vmem>>, vector<1x1xf32>
    %add3A_16 = vector.broadcast %get3A_15 : vector<1x1xf32> to vector<8000x1xf32>
    %add3A_17 = arith.addf %add3A, %add3A_16 : vector<8000x1xf32>
    %swap3A = arith.constant 0 : index
    %swap3A_18 = arith.constant 0 : index
    %swap3A_19 = vector.load %arg6[%swap3A, %swap3A_18] : memref<8000x1xf32, #tpu.memory_space<vmem>>, vector<8000x1xf32>
    tpu.vector_store %arg6[%swap3A, %swap3A_18], %add3A_17 {strides = array<i32>} : memref<8000x1xf32, #tpu.memory_space<vmem>>, vector<8000x1xf32>,
    %eq3A = arith.constant 0 : i32
    %eq3A_20 = arith.cmpi eq, %arg0, %eq3A : i32
    %convert_element_type3A = arith.extui %eq3A_20 : i1 to i32
    %cond3A = arith.constant 0 : i32
    %cond3A_21 = arith.cmpi ne, %convert_element_type3A, %cond3A : i32
    scf.if %cond3A_21 {
      %get3A_22 = arith.constant 0 : index
      %get3A_23 = arith.constant 0 : index
      %get3A_24 = arith.constant 0 : index
      %get3A_25 = vector.load %arg5[%get3A_22, %get3A_23, %get3A_24] : memref<32x8x16xf32, #tpu.memory_space<vmem>>, vector<32x8x16xf32>
      %reduce_sum3A_26 = vector.shape_cast %get3A_25 : vector<32x8x16xf32> to vector<1x32x8x16xf32>
      %reduce_sum3A_27 = arith.constant dense<0.000000e+00> : vector<1xf32>
      %reduce_sum3A_28 = vector.multi_reduction <add>, %reduce_sum3A_26, %reduce_sum3A_27 [1, 2, 3] : vector<1x32x8x16xf32> to vector<1xf32>
      %reduce_sum3A_29 = vector.shape_cast %reduce_sum3A_28 : vector<1xf32> to vector<1x1x1x1xf32>
      %reduce_sum3A_30 = vector.extract %reduce_sum3A_29[0, 0, 0, 0] : f32 from vector<1x1x1x1xf32>
      %reshape3A = vector.broadcast %reduce_sum3A_30 : f32 to vector<1x1xf32>
      %div3A = arith.constant 4.096000e+07 : f32
      %div3A_31 = vector.broadcast %div3A : f32 to vector<1x1xf32>
      %div3A_32 = arith.divf %reshape3A, %div3A_31 : vector<1x1xf32>
      %swap3A_33 = arith.constant 0 : index
      %swap3A_34 = arith.constant 0 : index
      %swap3A_35 = vector.load %arg7[%swap3A_33, %swap3A_34] : memref<1x1xf32, #tpu.memory_space<vmem>>, vector<1x1xf32>
      tpu.vector_store %arg7[%swap3A_33, %swap3A_34], %div3A_32 {strides = array<i32>} : memref<1x1xf32, #tpu.memory_space<vmem>>, vector<1x1xf32>,
    } else {
    }
    return
  }
  func.func @transform_0(%arg0: i32) -> (i32, i32) {
    %c0_i32 = arith.constant 0 : i32
    %c0_i32_0 = arith.constant 0 : i32
    return %arg0, %c0_i32 : i32, i32
  }
  func.func @transform_1(%arg0: i32) -> (i32, i32) {
    %c0_i32 = arith.constant 0 : i32
    %c0_i32_0 = arith.constant 0 : i32
    return %arg0, %c0_i32 : i32, i32
  }
  func.func @transform_2(%arg0: i32) -> (i32, i32) {
    %c0_i32 = arith.constant 0 : i32
    %c0_i32_0 = arith.constant 0 : i32
    %c0_i32_1 = arith.constant 0 : i32
    return %c0_i32, %c0_i32_0 : i32, i32
  }
  func.func @transform_3(%arg0: i32) -> (i32, i32) {
    %c0_i32 = arith.constant 0 : i32
    %c0_i32_0 = arith.constant 0 : i32
    %c0_i32_1 = arith.constant 0 : i32
    return %c0_i32, %c0_i32_0 : i32, i32
  }
  func.func @transform_4(%arg0: i32) -> (i32, i32, i32) {
    %c0_i32 = arith.constant 0 : i32
    %c0_i32_0 = arith.constant 0 : i32
    %c0_i32_1 = arith.constant 0 : i32
    %c0_i32_2 = arith.constant 0 : i32
    return %c0_i32, %c0_i32_0, %c0_i32_1 : i32, i32, i32
  }
  func.func @transform_5(%arg0: i32) -> (i32, i32) {
    %c0_i32 = arith.constant 0 : i32
    %c0_i32_0 = arith.constant 0 : i32
    return %arg0, %c0_i32 : i32, i32
  }
  func.func @transform_6(%arg0: i32) -> (i32, i32) {
    %c0_i32 = arith.constant 0 : i32
    %c0_i32_0 = arith.constant 0 : i32
    %c0_i32_1 = arith.constant 0 : i32
    return %c0_i32, %c0_i32_0 : i32, i32
  }
}

</mosaic_0001>

<sc_bundles>
// kernel: kernel.10.cloned.1.call-start
scs
__scs_entry_jumppad:
0x0: {  	(pc) =	sbr.rel $0x88, $3  }
0x1: {  	(tag) =	ssettag $0x0;
	lr =	simm.s32 $0x1  }
0x2: {  	[smem:$0x3F96] =	sst lr;
	_ =	strace $0xD0000000  }
0x3: {  	_ = 	snop  }
0x4: {  	_ = 	snop  }
0x5: {  	_ = 	snop  }
0x6: {  	_ = 	snop  }
0x7: {  	_ = 	snop  }
__scs_overlays_trampoline_lowered:
0x8: {  	[smem:$0x3FA5] =	sst s0  }
0x9: {  	[smem:$0x3FA6] =	sst s1  }
0xa: {  	[smem:$0x3FA7] =	sst s2  }
0xb: {  	[smem:$0x3FA8] =	sst s3  }
0xc: {  	[smem:$0x3FA9] =	sst s4  }
0xd: {  	[smem:$0x3FAA] =	sst s5  }
0xe: {  	[smem:$0x3FAB] =	sst s6  }
0xf: {  	[smem:$0x3FAC] =	sst s7  }
0x10: {  	[smem:$0x3FAD] =	sst s8  }
0x11: {  	[smem:$0x3FAE] =	sst s9;
	s0 =	simm.s32 @!p0 $0x0  }
0x12: {  	s1 =	sld [smem:$0x3F94];
	s0 =	simm.s32 @p0 $0x1  }
0x13: {  	[smem:$0x3FAF] =	sst s0;
	s0 =	simm.s32 @!p1 $0x0  }
0x14: {  	s2 =	sld [smem:$0x3F93];
	s0 =	simm.s32 @p1 $0x1  }
0x15: {  	[smem:$0x3FB0] =	sst s0;
	s0 =	simm.s32 @!p2 $0x0  }
0x16: {  	s3 =	sld [smem:$0x3FDB];
	s0 =	simm.s32 @p2 $0x1  }
0x17: {  	s4 =	simm.s32 $0x1BF5;
	[smem:$0x3FB2] =	sst s0  }
0x18: {  	s0 =	sld [smem:$0x3F95];
	_ =	swait.ge [sflag:s4], $0x0  }
0x19: {  	s7 =	sld [smem:$0x3F96]  }
0x1a: {  	s8 =	sadd.s32 $0xFFFFE003, lr  }
0x1b: {  	s9 =	sadd.s32 $0xFFFFFEF7, lr;
	s5 =	simm.s32 $0xFFFFFFFF;
	p2 =	slt.u32 s8, $0xFFFFF086  }
0x1c: {  	p1 =	slt.u32 s9, $0xF7A;
	s5 =	simm.s32 @!p2 $0x0  }
0x1d: {  	s5 =	simm.s32 @p1 $0x1;
	p0 =	seq.s32 s7, s2  }
0x1e: {  	s7 =	smul.u32 @!p0 $0xF7A, s2;
	p2 =	seq.s32 @!p0 s5, $0x0  }
0x1f: {  	s9 =	smul.u32 $0xF7A, s1;
	s8 =	simm.s32 @!p0 $0x1BF5;
	p2 =	por !p2, p0  }
0x20: {  	[sflag:s8] =	ssyncset.s32 @!p0 $0xFFFFF086;
	s6 =	sadd.s32 @!p0 s3, s7;
	s7 =	simm.s32 @!p0 $0x108  }
0x21: {  	s3 =	sadd.s32 s3, s9;
	s6 =	sadd.s32 @!p0 $0x88, s6;
	s7 =	simm.s32 @p2 $0x1082  }
0x22: {  	[simem:s7], [sflag:s8] =	dma.local @!p0 [hbm:s6], $0xF7A  }
0x23: {  	s9 =	sor.u32 $0xD0000000, s2;
	s6 =	simm.s32 $0x108;
	_ =	swait.ge @!p0 [sflag:s8], $0x0  }
0x24: {  	s3 =	sadd.s32 $0x88, s3;
	s6 =	simm.s32 @!p1 $0x1082;
	[sflag:s4] =	ssyncset.s32 $0xFFFFF086  }
0x25: {  	[simem:s6], [sflag:s4] =	dma.local [hbm:s3], $0xF7A  }
0x26: {  	[smem:$0x3F96] =	sst s1;
	(tag) =	ssettag s2;
	_ =	strace s9  }
0x27: {  	s1 =	sld [smem:$0x3FA6]  }
0x28: {  	s2 =	sld [smem:$0x3FA7]  }
0x29: {  	s4 =	sld [smem:$0x3FA9]  }
0x2a: {  	p0 =	seq.s32 s5, $0x0;
	s5 =	sld [smem:$0x3FAA]  }
0x2b: {  	s6 =	sld [smem:$0x3FAB]  }
0x2c: {  	s7 =	sld [smem:$0x3FAC]  }
0x2d: {  	s3 =	simm.s32 $0x108;
	s8 =	sld [smem:$0x3FAD]  }
0x2e: {  	s3 =	simm.s32 @!p0 $0x1082;
	s9 =	sld [smem:$0x3FAE]  }
0x2f: {  	lr =	sadd.s32 s0, s3;
	s0 =	sld [smem:$0x3FA5]  }
0x30: {  	s3 =	sld [smem:$0x3FA8]  }
0x31: {  	[smem:$0x3FB1] =	sst s10  }
0x32: {  	s10 =	sld [smem:$0x3FAF];
	_ =	sdelay $0x3  }
0x33: {  	p0 =	seq.s32 s10, $0x1;
	s10 =	sld [smem:$0x3FB1];
	_ =	sdelay $0x3  }
0x34: {  	[smem:$0x3FB1] =	sst s10  }
0x35: {  	s10 =	sld [smem:$0x3FB0];
	_ =	sdelay $0x3  }
0x36: {  	p1 =	seq.s32 s10, $0x1;
	s10 =	sld [smem:$0x3FB1];
	_ =	sdelay $0x3  }
0x37: {  	[smem:$0x3FB1] =	sst s10  }
0x38: {  	s10 =	sld [smem:$0x3FB2]  }
0x39: {  	_ = 	snop;
	(pc) =	sbr.ind lr, $3  }
0x3a: {  	_ = 	snop  }
0x3b: {  	_ = 	snop  }
0x3c: {  	p2 =	seq.s32 s10, $0x1;
	s10 =	sld [smem:$0x3FB1]  }
0x3d: {  	_ =	shalt  }
0x3e: {  	_ =	shalt  }
0x3f: {  	_ =	shalt  }
0x40: {  	_ =	shalt  }
0x41: {  	_ =	shalt  }
0x42: {  	_ =	shalt  }
0x43: {  	_ =	shalt  }
0x44: {  	_ =	shalt  }
0x45: {  	_ =	shalt  }
0x46: {  	_ =	shalt  }
0x47: {  	_ =	shalt  }
0x48: {  	_ =	shalt  }
0x49: {  	_ =	shalt  }
0x4a: {  	_ =	shalt  }
0x4b: {  	_ =	shalt  }
0x4c: {  	_ =	shalt  }
0x4d: {  	_ =	shalt  }
0x4e: {  	_ =	shalt  }
0x4f: {  	_ =	shalt  }
0x50: {  	_ =	shalt  }
0x51: {  	_ =	shalt  }
0x52: {  	_ =	shalt  }
0x53: {  	_ =	shalt  }
0x54: {  	_ =	shalt  }
0x55: {  	_ =	shalt  }
0x56: {  	_ =	shalt  }
0x57: {  	_ =	shalt  }
0x58: {  	_ =	shalt  }
0x59: {  	_ =	shalt  }
0x5a: {  	_ =	shalt  }
0x5b: {  	_ =	shalt  }
0x5c: {  	_ =	shalt  }
0x5d: {  	_ =	shalt  }
0x5e: {  	_ =	shalt  }
0x5f: {  	_ =	shalt  }
0x60: {  	_ =	shalt  }
0x61: {  	_ =	shalt  }
0x62: {  	_ =	shalt  }
0x63: {  	_ =	shalt  }
0x64: {  	_ =	shalt  }
0x65: {  	_ =	shalt  }
0x66: {  	_ =	shalt  }
0x67: {  	_ =	shalt  }
0x68: {  	_ =	shalt  }
0x69: {  	_ =	shalt  }
0x6a: {  	_ =	shalt  }
0x6b: {  	_ =	shalt  }
0x6c: {  	_ =	shalt  }
0x6d: {  	_ =	shalt  }
0x6e: {  	_ =	shalt  }
0x6f: {  	_ =	shalt  }
0x70: {  	_ =	shalt  }
0x71: {  	_ =	shalt  }
0x72: {  	_ =	shalt  }
0x73: {  	_ =	shalt  }
0x74: {  	_ =	shalt  }
0x75: {  	_ =	shalt  }
0x76: {  	_ =	shalt  }
0x77: {  	_ =	shalt  }
0x78: {  	_ =	shalt  }
0x79: {  	_ =	shalt  }
0x7a: {  	_ =	shalt  }
0x7b: {  	_ =	shalt  }
0x7c: {  	_ =	shalt  }
0x7d: {  	_ =	shalt  }
0x7e: {  	_ =	shalt  }
0x7f: {  	_ =	shalt  }
0x80: {  	_ =	shalt  }
0x81: {  	_ =	shalt  }
0x82: {  	_ =	shalt  }
0x83: {  	_ =	shalt  }
0x84: {  	_ =	shalt  }
0x85: {  	_ =	shalt  }
0x86: {  	_ =	shalt  }
0x87: {  	_ =	shalt  }
.Lfunc_end0:
.L_simem_size_0:
called_computation.1_lowered:
.L_overlay_start_0:
0x88: {  	s2 =	sld [smem:$0x3FD9]  }
0x89: {  	s3 =	sld [smem:$0x3FFE];
	_ =	sdelay $0x1  }
0x8a: {  	s1 =	srdreg.scid  }
0x8b: {  	s0 =	sand.u32 $0x1, s1  }
0x8c: {  	s14 =	sshll.u32 s0, $0xA;
	s2 =	sadd.s32 s3, s2  }
0x8d: {  	s2 =	sadd.s32 s2, s14  }
0x8e: {  	[smem:$0x3FBD] =	sst s2  }
0x8f: {  	_ = 	snop  }
0x90: {  	s2 =	sld [smem:$0x3FD0];
	_ =	sdelay $0x2  }
0x91: {  	s15 =	simm.s32 $0xA;
	s4 =	simm.s32 $0x10  }
0x92: {  	[smem:s4], [sflag:s15] =	dma.local [hbm:s2], $0x1  }
0x93: {  	_ =	swait.eq [sflag:s15], $0x1  }
0x94: {  	[sflag:s15] =	ssyncset.done $0x0  }
0x95: {  	[sflag:s15] =	ssyncadd.s32 $0xFFFFFFFF  }
0x96: {  	s16 =	sld [smem:$0x10];
	(tm) =	ssettm $0x1  }
0x97: {  	s17 =	sld [smem:$0x3FFB];
	_ =	sdelay $0x3  }
0x98: {  	_ =	strace s17  }
0x99: {  	s3 =	sld [smem:$0x3FFC];
	_ =	sdelay $0x3  }
0x9a: {  	_ =	strace s3  }
0x9b: {  	s3 =	sld [smem:$0x3FFD];
	_ =	sdelay $0x3  }
0x9c: {  	_ =	strace s3  }
0x9d: {  	_ =	strace $0x8FFFFFFF  }
0x9e: {  	s18 =	sld [smem:$0x3FDB];
	_ =	sdelay $0x1  }
0x9f: {  	s19 =	simm.s32 $_scs_section_size  }
0xa0: {  	s5 =	simm.s32 $_size__tile_overlayer_lowered;
	s6 =	simm.s32 $_tile_overlayer_lowered  }
0xa1: {  	s22 =	simm.s32 $0x1BFF;
	s21 =	sshll.u32 s6, $0x1;
	s3 =	sadd.s32 s19, s18  }
0xa2: {  	s7 =	simm.s32 $0x0;
	s20 =	sshll.u32 s5, $0x1;
	s5 =	sadd.s32 s21, s3  }
0xa3: {  	[timem:s7], [sflag:s22] =	dma.local [hbm:s5], s20  }
0xa4: {  	_ =	swait.ge [sflag:s22], s20  }
0xa5: {  	s4 =	ssub.s32 $0x0, s20;
	[sflag:s22] =	ssyncset.done $0x0  }
0xa6: {  	[sflag:s22] =	ssyncadd.s32 s4;
	_ =	sdelay $0x1  }
0xa7: {  	s23 =	simm.s32 $0x1B8B  }
0xa8: {  	_ =	swait.ge [sflag:s23], $0x1  }
0xa9: {  	[sflag:s23] =	ssyncset.done $0x0  }
0xaa: {  	s25 =	simm.s32 $0x1B8E;
	s24 =	sld [smem:$0x3FFE];
	[sflag:s23] =	ssyncadd.s32 $0xFFFFFFFF  }
0xab: {  	s26 =	simm.s32 $execute0_lowered;
	[smem:$0x3FD2] =	sst s25  }
0xac: {  	s5 =	sshll.u32 s26, $0x1;
	_ =	strace $0x80000049;
	[dreg:$0x1] =	wrdreg $0xFFFFFFFF  }
0xad: {  	s28 =	simm.s32 $_size_execute0_lowered;
	s3 =	sadd.s32 s3, s5;
	[dreg:$0x0] =	wrdreg $0x0  }
0xae: {  	s5 =	sshll.u32 s28, $0x1;
	[dreg:$0x2] =	wrdreg s3  }
0xaf: {  	[dreg:$0x3] =	wrdreg s5  }
0xb0: {  	[dreg:$0x4] =	wrdreg $0xC0  }
0xb1: {  	_ =	task [dreg:s7], $0x5FFFF  }
0xb2: {  	[dreg:$0x1] =	wrdreg $0xFFFFFFFF  }
0xb3: {  	[dreg:$0x0] =	wrdreg $0x60  }
0xb4: {  	[dreg:$0x2] =	wrdreg s24  }
0xb5: {  	[dreg:$0x3] =	wrdreg s16  }
0xb6: {  	[dreg:$0x4] =	wrdreg $0x9  }
0xb7: {  	_ =	task.clear_ibuf [dreg:s7], $0x5FFFF;
	_ =	strace $0x90000049  }
0xb8: {  	s29 =	simm.s32 $0x9;
	_ =	strace $0x8000004B  }
0xb9: {  	_ =	swait.ge [sflag:s29], $0x1  }
0xba: {  	[sflag:s29] =	ssyncadd.s32 $0xFFFFFFFF  }
0xbb: {  	_ =	strace $0x9000004B  }
0xbc: {  	_ =	sfence  }
0xbd: {  	s30 =	sld [smem:$0x0];
	_ =	sdelay $0x2  }
0xbe: {  	s31 =	sshll.u32 s1, $0xD;
	s1 =	sshrl.u32 s1, $0x2  }
0xbf: {  	s3 =	sand.u32 $0x4000, s31;
	s1 =	sadd.s32 s1, s30  }
0xc0: {  	s0 =	sor.u32 s3, s0;
	s1 =	sshll.u32 s1, $0x11  }
0xc1: {  	s0 =	sor.u32 s1, s0  }
0xc2: {  	s0 =	sadd.s32 $0x8F2B, s0  }
0xc3: {  	[sflag:s0] =	ssyncadd.remote.s32 $0x1  }
0xc4: {  	_ =	sfence.sel $0xFFFF  }
0xc5: {  	[dreg:$0x0] =	wrdreg $0xFFFFFFFF;
	(pc) =	sbr.abs _section_cstart, $3  }
0xc6: {  	[dreg:$0x1] =	wrdreg $0xFFFFFFFF  }
0xc7: {  	_ =	task.clear_ibuf [dreg:s7], $0x2FFFF;
	_ =	strace $0x9FFFFFFF  }
0xc8: {  	(tm) =	ssettm $0x7FFFFFFF  }
0xc9: {  	_ =	shalt  }
tec
execute0_lowered:
.L_overlay_start_1:
0x0: {  	(tag) =	ssettag $0x1  }
0x1: {  	s0 =	rddreg [dreg:$0x0]  }
0x2: {  	s2 =	rddreg [dreg:$0x1];
	s1 =	simm.s32 $0x0;
	s3 =	srdreg.scid  }
0x3: {  	s7 =	stileid.u32;
	s14 =	simm.s32 $0x5;
	s15 =	simm.s32 $0x4000  }
0x4: {  	s16 =	simm.s32 $0x50;
	s17 =	simm.s32 $0x8000;
	s18 =	simm.s32 $0xD000  }
0x5: {  	s19 =	simm.s32 $0x1;
	s20 =	simm.s32 $0xA800;
	s21 =	simm.s32 $0xF800  }
0x6: {  	s22 =	simm.s32 $0x12000;
	s23 =	simm.s32 $0x2;
	s24 =	simm.s32 $0x14800  }
0x7: {  	s25 =	simm.s32 $0x3;
	s26 =	simm.s32 $0x4;
	s29 =	simm.s32 $0x0  }
0x8: {  	[smem:$0x7FF] =	sst s1;
	s5 =	sand.u32 $0x1, s3;
	s3 =	sadd.s32 $0x4000, s0  }
0x9: {  	s4 =	sadd.s32 $0x2C000, s0;
	_ =	strace $0x8000004A;
	s6 =	sshll.u32 s5, $0x4  }
0xa: {  	s28 =	ssub.s32 $0x2, s5;
	s5 =	sadd.s32 $0x146000, s0;
	s11 =	sor.u32 s7, s6  }
0xb: {  	s10 =	sshrl.u32 s28, $0x1;
	s6 =	sshll.u32 s11, $0xB;
	s8 =	smul.u32 $0x138800, s11  }
0xc: {  	s30 =	ssub.s32 s28, s10;
	s7 =	smul.u32 $0x2710, s11;
	s11 =	sshll.u32 s11, $0x7  }
0xd: {  	s9 =	sadd.s32 s6, s0;
	s6 =	sadd.s32 $0x146200, s0;
	s31 =	sshrl.u32 s8, $0x3  }
0xe: {  	s11 =	sadd.s32 s2, s11;
	s12 =	smax.u32 s30, $0x1;
	s10 =	sadd.s32 s6, s31  }
0xf: {  	v0 =	vimm.f32 $0.0e+00;
	s8 =	sadd.s32 $0x136000, s9;
	s9 =	sadd.s32 $0x126000, s9;
	s10 =	sadd.s32 $0x26C00, s10  }
.LBB2_1:
0x10: {  	s0 =	simm.s32 $0x17000  }
0x11: {  	[tilespmem:s0], [sflag:$0x5] =	stream.linear.gather [hbm4b:s5+s1], $0x400, $0x38;
	[tilespmem:$0x17800] =	vst v63  }
0x12: {  	_ =	swait.ge [sflag:s14], $0x400  }
0x13: {  	[sflag:s14] =	ssyncset.done $0x0  }
0x14: {  	[sflag:s14] =	ssyncadd.s32 $0xFFFFFC00  }
0x15: {  	[tilespmem:s1], [sflag:$0x5] =	stream.linear.gather [hbm4b:s8+s1], $0x3E80, $0x38;
	[tilespmem:$0x17800] =	vst v63  }
0x16: {  	_ =	swait.ge [sflag:s14], $0x3E80  }
0x17: {  	[sflag:s14] =	ssyncset.done $0x0  }
0x18: {  	[sflag:s14] =	ssyncadd.s32 $0xFFFFC180  }
0x19: {  	[tilespmem:s15], [sflag:$0x5] =	stream.linear.gather [hbm4b:s9+s1], $0x3E80, $0x38;
	[tilespmem:$0x17800] =	vst v63  }
0x1a: {  	_ =	swait.ge [sflag:s14], $0x3E80  }
0x1b: {  	[sflag:s14] =	ssyncset.done $0x0  }
0x1c: {  	[sflag:s14] =	ssyncadd.s32 $0xFFFFC180  }
0x1d: {  	[tilespmem:s17], [sflag:$0x1] =	stream.indirect.gather [hbm4b:s3+s16], $0x80, s1, s16, $0xb8;
	[tilespmem:$0x17800] =	vst v63  }
0x1e: {  	s30 =	simm.s32 $0x0  }
0x1f: {  	v6 =	vimm.f32 $0.0e+00;
	[tilespmem:s18], [sflag:$0x1] =	stream.indirect.gather [hbm4b:s4+s16], $0x80, s15, s16, $0xb8;
	[tilespmem:$0x17800] =	vst v63  }
.LBB2_2:
0x20: {  	_ =	swait.ge [sflag:s19], $0x2800  }
0x21: {  	[sflag:s19] =	ssyncset.done $0x0  }
0x22: {  	[sflag:s19] =	ssyncadd.s32 $0xFFFFD800  }
0x23: {  	_ =	swait.ge [sflag:s19], $0x2800  }
0x24: {  	s31 =	sshllo.u32 s30, $0x1;
	[sflag:s19] =	ssyncset.done $0x0  }
0x25: {  	s0 =	sshll.u32 s31, $0x7;
	[sflag:s19] =	ssyncadd.s32 $0xFFFFD800  }
0x26: {  	[tilespmem:s20], [sflag:$0x2] =	stream.indirect.gather [hbm4b:s3+s16], $0x80, s0, s16, $0xb8;
	[tilespmem:$0x17800] =	vst v63  }
0x27: {  	p0 =	seq.s32 s30, $0x0;
	s0 =	sadd.s32 $0x4000, s0  }
0x28: {  	[tilespmem:s21], [sflag:$0x2] =	stream.indirect.gather [hbm4b:s4+s16], $0x80, s0, s16, $0xb8;
	[tilespmem:$0x17800] =	vst v63  }
0x29: {  	s0 =	simm.s32 @!p0 $0x3  }
0x2a: {  	_ =	swait.ge @!p0 [sflag:s0], $0x2800  }
0x2b: {  	[sflag:s0] =	ssyncset.done @!p0 $0x0  }
0x2c: {  	[sflag:s0] =	ssyncadd.s32 @!p0 $0xFFFFD800  }
0x2d: {  	v1 =	vld [tilespmem:$0x17380]  }
0x2e: {  	v2 =	vld [tilespmem:$0x17300]  }
0x2f: {  	v4 =	vld [tilespmem:$0x17280]  }
0x30: {  	v3 =	vld [tilespmem:$0x17200]  }
0x31: {  	v5 =	vld [tilespmem:$0x17180]  }
0x32: {  	v16 =	vld [tilespmem:$0x17100]  }
0x33: {  	v7 =	vld [tilespmem:$0x17080]  }
0x34: {  	s0 =	simm.s32 $0x8080;
	v8 =	vld [tilespmem:$0x17000]  }
0x35: {  	s2 =	simm.s32 $0xD080;
	v9 =	vld [tilespmem:s0+$0xFFFFFF80]  }
0x36: {  	v10 =	vld [tilespmem:s2+$0xFFFFFF80]  }
0x37: {  	v11 =	vld [tilespmem:s0+$0xFFFFFF90]  }
0x38: {  	v12 =	vld [tilespmem:s2+$0xFFFFFF90]  }
0x39: {  	v13 =	vld [tilespmem:s0+$0xFFFFFFA0]  }
0x3a: {  	v14 =	vld [tilespmem:s2+$0xFFFFFFA0]  }
0x3b: {  	v15 =	vld [tilespmem:s2+$0xFFFFFFB0]  }
0x3c: {  	v18 =	vld [tilespmem:s2+$0xFFFFFFC0];
	v9 =	vadd.f32 v10, v9  }
0x3d: {  	v10 =	vld [tilespmem:s0+$0xFFFFFFB0]  }
0x3e: {  	v11 =	vadd.f32 v12, v11;
	v12 =	vld [tilespmem:s0+$0xFFFFFFC0];
	v17 =	vmul.f32 v9, v9  }
0x3f: {  	v19 =	vld [tilespmem:s2+$0xFFFFFFD0];
	v13 =	vadd.f32 v14, v13  }
0x40: {  	v14 =	vld [tilespmem:s0+$0xFFFFFFD0];
	v9 =	vmax.f32 v9, $0.0e+00;
	v6 =	vadd.f32 v17, v6;
	v17 =	vmul.f32 v11, v11  }
0x41: {  	v20 =	vld [tilespmem:s2+$0xFFFFFFE0];
	v9 =	vmul.f32 v9, v8;
	v11 =	vmax.f32 v11, $0.0e+00  }
0x42: {  	v62 =	vld [tilespmem:s0+$0x10];
	v10 =	vadd.f32 v15, v10;
	v6 =	vadd.f32 v17, v6;
	v17 =	vmul.f32 v13, v13  }
0x43: {  	v15 =	vld [tilespmem:s0+$0xFFFFFFE0];
	v9 =	vadd.f32 $0.0e+00, v9;
	v11 =	vmul.f32 v11, v7;
	v12 =	vadd.f32 v18, v12  }
0x44: {  	v18 =	vld [tilespmem:s0+$0xFFFFFFF0];
	v13 =	vmax.f32 v13, $0.0e+00;
	v6 =	vadd.f32 v17, v6;
	v17 =	vmul.f32 v10, v10  }
0x45: {  	v14 =	vadd.f32 v19, v14;
	v9 =	vadd.f32 v11, v9;
	v11 =	vmul.f32 v13, v16;
	v13 =	vld [tilespmem:s2+$0xFFFFFFF0]  }
0x46: {  	v19 =	vld [tilespmem:s0+$0x0];
	v10 =	vmax.f32 v10, $0.0e+00;
	v6 =	vadd.f32 v17, v6;
	v17 =	vmul.f32 v12, v12  }
0x47: {  	v9 =	vadd.f32 v11, v9;
	v10 =	vmul.f32 v10, v5;
	v11 =	vmax.f32 v12, $0.0e+00;
	v12 =	vld [tilespmem:s2+$0x0]  }
0x48: {  	v63 =	vld [tilespmem:s0+$0x40];
	v15 =	vadd.f32 v20, v15;
	v6 =	vadd.f32 v17, v6;
	v17 =	vmul.f32 v14, v14  }
0x49: {  	v9 =	vadd.f32 v10, v9;
	v10 =	vmul.f32 v11, v3;
	v11 =	vmax.f32 v14, $0.0e+00;
	v14 =	vld [tilespmem:s2+$0x10]  }
0x4a: {  	v13 =	vadd.f32 v13, v18;
	v18 =	vld [tilespmem:s0+$0x20];
	v6 =	vadd.f32 v17, v6;
	v17 =	vmul.f32 v15, v15  }
0x4b: {  	v9 =	vadd.f32 v10, v9;
	v10 =	vmul.f32 v11, v4;
	v11 =	vmax.f32 v15, $0.0e+00;
	v15 =	vld [tilespmem:s2+$0x20]  }
0x4c: {  	v12 =	vadd.f32 v12, v19;
	v19 =	vld [tilespmem:s0+$0x30];
	v6 =	vadd.f32 v17, v6;
	v17 =	vmul.f32 v13, v13  }
0x4d: {  	v9 =	vadd.f32 v10, v9;
	v10 =	vmul.f32 v11, v2;
	v11 =	vmax.f32 v13, $0.0e+00;
	v13 =	vld [tilespmem:s2+$0x30]  }
0x4e: {  	v21 =	vld [tilespmem:s2+$0x40];
	v14 =	vadd.f32 v14, v62;
	v6 =	vadd.f32 v17, v6;
	v17 =	vmul.f32 v12, v12  }
0x4f: {  	v11 =	vmul.f32 v11, v1;
	v9 =	vadd.f32 v10, v9;
	v12 =	vmax.f32 v12, $0.0e+00  }
0x50: {  	v10 =	vld [tilespmem:s0+$0x50];
	v15 =	vadd.f32 v15, v18;
	v6 =	vadd.f32 v17, v6;
	v17 =	vmul.f32 v14, v14  }
0x51: {  	v18 =	vadd.f32 v11, v9;
	v8 =	vmul.f32 v12, v8;
	v9 =	vmax.f32 v14, $0.0e+00;
	v12 =	vld [tilespmem:s2+$0x50]  }
0x52: {  	v11 =	vld [tilespmem:s0+$0x60];
	v19 =	vadd.f32 v13, v19;
	v6 =	vadd.f32 v17, v6;
	v17 =	vmul.f32 v15, v15  }
0x53: {  	v23 =	vmul.f32 v9, v7;
	v14 =	vld [tilespmem:s2+$0x60];
	v7 =	vadd.f32 v21, v63;
	v22 =	vadd.f32 $0.0e+00, v8  }
0x54: {  	s13 =	simm.s32 $0x12080;
	v24 =	vmax.f32 v15, $0.0e+00;
	v13 =	vld [tilespmem:s0+$0x70];
	v9 =	vmul.f32 v19, v19;
	v8 =	vadd.f32 v17, v6  }
0x55: {  	s28 =	simm.s32 $0x0;
	[tilespmem:s13+$0xFFFFFF80] =	vst v18;
	v16 =	vmul.f32 v24, v16;
	v15 =	vadd.f32 v23, v22;
	v17 =	vmax.f32 v19, $0.0e+00;
	v6 =	vld [tilespmem:s2+$0x70]  }
.LBB2_3:
0x56: {  	v18 =	vld [tilespmem:$0x17380];
	v8 =	vadd.f32 v9, v8;
	v9 =	vmul.f32 v7, v7;
	v10 =	vadd.f32 v12, v10  }
0x57: {  	v5 =	vmul.f32 v17, v5;
	v7 =	vmax.f32 v7, $0.0e+00;
	v12 =	vld [tilespmem:$0x17300];
	v15 =	vadd.f32 v16, v15  }
0x58: {  	v16 =	vld [tilespmem:$0x17280];
	v8 =	vadd.f32 v9, v8;
	v9 =	vmul.f32 v10, v10;
	v11 =	vadd.f32 v14, v11  }
0x59: {  	v7 =	vmul.f32 v7, v3;
	v10 =	vmax.f32 v10, $0.0e+00;
	v14 =	vadd.f32 v5, v15;
	v3 =	vld [tilespmem:$0x17200]  }
0x5a: {  	v5 =	vld [tilespmem:$0x17180];
	v8 =	vadd.f32 v9, v8;
	v9 =	vmul.f32 v11, v11;
	v13 =	vadd.f32 v6, v13  }
0x5b: {  	v15 =	vmul.f32 v10, v4;
	v10 =	vmax.f32 v11, $0.0e+00;
	v6 =	vld [tilespmem:$0x17100];
	v14 =	vadd.f32 v7, v14  }
0x5c: {  	v7 =	vld [tilespmem:$0x17080];
	v8 =	vadd.f32 v9, v8;
	v9 =	vmul.f32 v10, v2;
	v10 =	vmul.f32 v13, v13;
	v2 =	vmovc v12  }
0x5d: {  	s0 =	sadd.s32 $0x100, s0;
	v13 =	vmax.f32 v13, $0.0e+00;
	v11 =	vld [tilespmem:$0x17000];
	v12 =	vadd.f32 v15, v14;
	v4 =	vmov v16  }
0x5e: {  	s2 =	sadd.s32 $0x100, s2;
	v14 =	vld [tilespmem:s0+$0xFFFFFF80];
	v8 =	vadd.f32 v10, v8;
	v10 =	vmul.f32 v13, v1;
	v1 =	vmov v18  }
0x5f: {  	s28 =	sadd.s32 $0x2, s28;
	v13 =	vld [tilespmem:s2+$0xFFFFFF80];
	v9 =	vadd.f32 v9, v12  }
0x60: {  	p1 =	slt.u32 s28, $0x4E;
	v12 =	vld [tilespmem:s0+$0xFFFFFF90]  }
0x61: {  	v15 =	vld [tilespmem:s2+$0xFFFFFF90];
	v9 =	vadd.f32 v10, v9  }
0x62: {  	v10 =	vld [tilespmem:s0+$0xFFFFFFA0]  }
0x63: {  	v16 =	vld [tilespmem:s2+$0xFFFFFFA0];
	[tilespmem:s13+$0x0] =	vst v9  }
0x64: {  	v9 =	vadd.f32 v13, v14;
	v13 =	vld [tilespmem:s0+$0xFFFFFFB0]  }
0x65: {  	v14 =	vld [tilespmem:s2+$0xFFFFFFB0]  }
0x66: {  	v17 =	vmul.f32 v9, v9;
	v9 =	vmax.f32 v9, $0.0e+00;
	v12 =	vadd.f32 v15, v12;
	v15 =	vld [tilespmem:s0+$0xFFFFFFC0]  }
0x67: {  	v9 =	vmul.f32 v9, v11;
	v18 =	vld [tilespmem:s2+$0xFFFFFFC0]  }
0x68: {  	v8 =	vadd.f32 v17, v8;
	v17 =	vmul.f32 v12, v12;
	v10 =	vadd.f32 v16, v10;
	v16 =	vld [tilespmem:s0+$0xFFFFFFD0]  }
0x69: {  	v12 =	vmax.f32 v12, $0.0e+00;
	v9 =	vadd.f32 $0.0e+00, v9;
	v19 =	vld [tilespmem:s2+$0xFFFFFFD0]  }
0x6a: {  	v8 =	vadd.f32 v17, v8;
	v17 =	vmul.f32 v10, v10;
	v13 =	vadd.f32 v14, v13;
	v14 =	vld [tilespmem:s0+$0xFFFFFFE0]  }
0x6b: {  	v12 =	vmul.f32 v12, v7;
	v10 =	vmax.f32 v10, $0.0e+00;
	v20 =	vld [tilespmem:s2+$0xFFFFFFE0]  }
0x6c: {  	v8 =	vadd.f32 v17, v8;
	v17 =	vmul.f32 v13, v13;
	v15 =	vadd.f32 v18, v15;
	v18 =	vld [tilespmem:s0+$0xFFFFFFF0]  }
0x6d: {  	v9 =	vadd.f32 v12, v9;
	v10 =	vmul.f32 v10, v6;
	v12 =	vmax.f32 v13, $0.0e+00;
	v13 =	vld [tilespmem:s2+$0xFFFFFFF0]  }
0x6e: {  	v8 =	vadd.f32 v17, v8;
	v17 =	vmul.f32 v15, v15;
	v16 =	vadd.f32 v19, v16;
	v19 =	vld [tilespmem:s0+$0x0]  }
0x6f: {  	v9 =	vadd.f32 v10, v9;
	v10 =	vmul.f32 v12, v5;
	v12 =	vmax.f32 v15, $0.0e+00;
	v15 =	vld [tilespmem:s2+$0x0]  }
0x70: {  	v8 =	vadd.f32 v17, v8;
	v17 =	vmul.f32 v16, v16;
	v14 =	vadd.f32 v20, v14;
	v20 =	vld [tilespmem:s0+$0x10]  }
0x71: {  	v9 =	vadd.f32 v10, v9;
	v10 =	vmul.f32 v12, v3;
	v12 =	vmax.f32 v16, $0.0e+00;
	v16 =	vld [tilespmem:s2+$0x10]  }
0x72: {  	v8 =	vadd.f32 v17, v8;
	v17 =	vmul.f32 v14, v14;
	v13 =	vadd.f32 v13, v18;
	v18 =	vld [tilespmem:s0+$0x20]  }
0x73: {  	v9 =	vadd.f32 v10, v9;
	v10 =	vmul.f32 v12, v4;
	v12 =	vmax.f32 v14, $0.0e+00;
	v14 =	vld [tilespmem:s2+$0x20]  }
0x74: {  	v8 =	vadd.f32 v17, v8;
	v17 =	vmul.f32 v13, v13;
	v15 =	vadd.f32 v15, v19;
	v19 =	vld [tilespmem:s0+$0x30]  }
0x75: {  	v9 =	vadd.f32 v10, v9;
	v10 =	vmul.f32 v12, v2;
	v12 =	vmax.f32 v13, $0.0e+00;
	v13 =	vld [tilespmem:s2+$0x30]  }
0x76: {  	v8 =	vadd.f32 v17, v8;
	v17 =	vmul.f32 v15, v15;
	v16 =	vadd.f32 v16, v20;
	v20 =	vld [tilespmem:s0+$0x40]  }
0x77: {  	v9 =	vadd.f32 v10, v9;
	v12 =	vmul.f32 v12, v1;
	v15 =	vmax.f32 v15, $0.0e+00;
	v21 =	vld [tilespmem:s2+$0x40]  }
0x78: {  	v8 =	vadd.f32 v17, v8;
	v17 =	vmul.f32 v16, v16;
	v14 =	vadd.f32 v14, v18;
	v10 =	vld [tilespmem:s0+$0x50]  }
.Ltmp0:
0x79: {  	v9 =	vadd.f32 v12, v9;
	v15 =	vmul.f32 v15, v11;
	v16 =	vmax.f32 v16, $0.0e+00;
	v12 =	vld [tilespmem:s2+$0x50];
	(pc) =	sbr.rel @p1 .LBB2_3-.Ltmp0, $4  }
0x7a: {  	s13 =	sadd.s32 $0x100, s13;
	v8 =	vadd.f32 v17, v8;
	v17 =	vmul.f32 v14, v14;
	v18 =	vadd.f32 v13, v19;
	v11 =	vld [tilespmem:s0+$0x60]  }
0x7b: {  	v15 =	vadd.f32 $0.0e+00, v15;
	v16 =	vmul.f32 v16, v7;
	v19 =	vmax.f32 v14, $0.0e+00;
	[tilespmem:s13+$0xFFFFFF80] =	vst v9;
	v14 =	vld [tilespmem:s2+$0x60]  }
0x7c: {  	v8 =	vadd.f32 v17, v8;
	v9 =	vmul.f32 v18, v18;
	v7 =	vadd.f32 v21, v20;
	v13 =	vld [tilespmem:s0+$0x70]  }
0x7d: {  	v15 =	vadd.f32 v16, v15;
	v16 =	vmul.f32 v19, v6;
	v17 =	vmax.f32 v18, $0.0e+00;
	v6 =	vld [tilespmem:s2+$0x70]  }
0x7e: {  	_ = 	snop  }
0x7f: {  	v5 =	vmul.f32 v17, v5;
	v15 =	vadd.f32 v16, v15  }
0x80: {  	v10 =	vadd.f32 v12, v10;
	v12 =	vmax.f32 v7, $0.0e+00  }
0x81: {  	v3 =	vmul.f32 v12, v3;
	v5 =	vadd.f32 v5, v15  }
0x82: {  	v11 =	vadd.f32 v14, v11;
	v12 =	vmax.f32 v10, $0.0e+00  }
0x83: {  	v4 =	vmul.f32 v12, v4;
	v3 =	vadd.f32 v3, v5  }
0x84: {  	v6 =	vadd.f32 v6, v13;
	v5 =	vmax.f32 v11, $0.0e+00  }
0x85: {  	v2 =	vmul.f32 v5, v2;
	v3 =	vadd.f32 v4, v3  }
0x86: {  	v4 =	vmax.f32 v6, $0.0e+00  }
0x87: {  	s0 =	smul.u32 $0xA0, s30;
	v1 =	vmul.f32 v4, v1;
	v2 =	vadd.f32 v2, v3;
	_ =	sdelay $0x1  }
0x88: {  	s0 =	sadd.s32 s7, s0;
	v1 =	vadd.f32 v1, v2  }
0x89: {  	s0 =	sshll.u32 s0, $0x4  }
0x8a: {  	s0 =	sadd.s32 s6, s0;
	[tilespmem:s13+$0x0] =	vst v1  }
0x8b: {  	[hbm4b:s0+s1] =	stream.linear.scatter [tilespmem:s22], [sflag:$0x3], $0x2800, $0x38;
	[tilespmem:$0x17800] =	vst v63  }
0x8c: {  	_ =	swait.ge [sflag:s23], $0x2800  }
0x8d: {  	[sflag:s23] =	ssyncset.done $0x0  }
0x8e: {  	[sflag:s23] =	ssyncadd.s32 $0xFFFFD800  }
0x8f: {  	_ =	swait.ge [sflag:s23], $0x2800  }
0x90: {  	s13 =	sshll.u32 s30, $0x8;
	[sflag:s23] =	ssyncset.done $0x0  }
0x91: {  	s2 =	sadd.s32 $0x100, s13;
	[sflag:s23] =	ssyncadd.s32 $0xFFFFD800  }
0x92: {  	[tilespmem:s17], [sflag:$0x1] =	stream.indirect.gather [hbm4b:s3+s16], $0x80, s2, s16, $0xb8;
	[tilespmem:$0x17800] =	vst v63  }
0x93: {  	s0 =	sadd.s32 $0x4100, s13  }
0x94: {  	[tilespmem:s18], [sflag:$0x1] =	stream.indirect.gather [hbm4b:s4+s16], $0x80, s0, s16, $0xb8;
	[tilespmem:$0x17800] =	vst v63  }
0x95: {  	s0 =	simm.s32 @!p0 $0x4  }
0x96: {  	_ =	swait.ge @!p0 [sflag:s0], $0x2800  }
0x97: {  	[sflag:s0] =	ssyncset.done @!p0 $0x0  }
0x98: {  	[sflag:s0] =	ssyncadd.s32 @!p0 $0xFFFFD800  }
0x99: {  	v1 =	vld [tilespmem:$0x17380]  }
0x9a: {  	v2 =	vld [tilespmem:$0x17300]  }
0x9b: {  	v4 =	vld [tilespmem:$0x17280]  }
0x9c: {  	v3 =	vld [tilespmem:$0x17200]  }
0x9d: {  	v5 =	vld [tilespmem:$0x17180]  }
0x9e: {  	v16 =	vld [tilespmem:$0x17100]  }
0x9f: {  	v12 =	vld [tilespmem:$0x17080]  }
0xa0: {  	s0 =	simm.s32 $0xA8F0;
	v13 =	vld [tilespmem:$0x17000]  }
0xa1: {  	v8 =	vadd.f32 v9, v8;
	v7 =	vmul.f32 v7, v7;
	s2 =	simm.s32 $0xF8F0;
	v9 =	vld [tilespmem:s0+$0xFFFFFF10]  }
0xa2: {  	v14 =	vld [tilespmem:s2+$0xFFFFFF10]  }
0xa3: {  	v7 =	vadd.f32 v7, v8;
	v8 =	vmul.f32 v10, v10;
	v10 =	vld [tilespmem:s0+$0xFFFFFF20]  }
0xa4: {  	v15 =	vld [tilespmem:s2+$0xFFFFFF20]  }
0xa5: {  	v7 =	vadd.f32 v8, v7;
	v8 =	vmul.f32 v11, v11;
	v11 =	vld [tilespmem:s0+$0xFFFFFF30]  }
0xa6: {  	v17 =	vld [tilespmem:s2+$0xFFFFFF30]  }
0xa7: {  	v18 =	vld [tilespmem:s2+$0xFFFFFF50]  }
0xa8: {  	v7 =	vadd.f32 v8, v7;
	v6 =	vmul.f32 v6, v6;
	v8 =	vadd.f32 v14, v9;
	v9 =	vld [tilespmem:s0+$0xFFFFFF40]  }
0xa9: {  	v14 =	vld [tilespmem:s2+$0xFFFFFF40]  }
0xaa: {  	v6 =	vadd.f32 v6, v7;
	v10 =	vadd.f32 v15, v10;
	v15 =	vld [tilespmem:s0+$0xFFFFFF50];
	v7 =	vmul.f32 v8, v8  }
0xab: {  	v19 =	vld [tilespmem:s2+$0xFFFFFF60];
	v11 =	vadd.f32 v17, v11  }
0xac: {  	v17 =	vld [tilespmem:s0+$0xFFFFFF60];
	v8 =	vmax.f32 v8, $0.0e+00;
	v6 =	vadd.f32 v7, v6;
	v7 =	vmul.f32 v10, v10  }
0xad: {  	v20 =	vld [tilespmem:s2+$0xFFFFFF70];
	v8 =	vmul.f32 v8, v13;
	v10 =	vmax.f32 v10, $0.0e+00  }
0xae: {  	v62 =	vld [tilespmem:s0+$0xFFFFFFA0];
	v9 =	vadd.f32 v14, v9;
	v6 =	vadd.f32 v7, v6;
	v7 =	vmul.f32 v11, v11  }
0xaf: {  	v14 =	vld [tilespmem:s0+$0xFFFFFF70];
	v8 =	vadd.f32 $0.0e+00, v8;
	v10 =	vmul.f32 v10, v12;
	v15 =	vadd.f32 v18, v15  }
0xb0: {  	v18 =	vld [tilespmem:s0+$0xFFFFFF80];
	v11 =	vmax.f32 v11, $0.0e+00;
	v6 =	vadd.f32 v7, v6;
	v7 =	vmul.f32 v9, v9  }
0xb1: {  	v17 =	vadd.f32 v19, v17;
	v8 =	vadd.f32 v10, v8;
	v10 =	vmul.f32 v11, v16;
	v11 =	vld [tilespmem:s2+$0xFFFFFF80]  }
0xb2: {  	v19 =	vld [tilespmem:s0+$0xFFFFFF90];
	v9 =	vmax.f32 v9, $0.0e+00;
	v6 =	vadd.f32 v7, v6;
	v7 =	vmul.f32 v15, v15  }
0xb3: {  	v8 =	vadd.f32 v10, v8;
	v9 =	vmul.f32 v9, v5;
	v10 =	vmax.f32 v15, $0.0e+00;
	v15 =	vld [tilespmem:s2+$0xFFFFFF90]  }
0xb4: {  	v63 =	vld [tilespmem:s0+$0xFFFFFFD0];
	v14 =	vadd.f32 v20, v14;
	v6 =	vadd.f32 v7, v6;
	v7 =	vmul.f32 v17, v17  }
0xb5: {  	v8 =	vadd.f32 v9, v8;
	v9 =	vmul.f32 v10, v3;
	v10 =	vmax.f32 v17, $0.0e+00;
	v17 =	vld [tilespmem:s2+$0xFFFFFFA0]  }
0xb6: {  	v11 =	vadd.f32 v11, v18;
	v18 =	vld [tilespmem:s0+$0xFFFFFFB0];
	v6 =	vadd.f32 v7, v6;
	v7 =	vmul.f32 v14, v14  }
0xb7: {  	v8 =	vadd.f32 v9, v8;
	v9 =	vmul.f32 v10, v4;
	v10 =	vmax.f32 v14, $0.0e+00;
	v14 =	vld [tilespmem:s2+$0xFFFFFFB0]  }
0xb8: {  	v15 =	vadd.f32 v15, v19;
	v19 =	vld [tilespmem:s0+$0xFFFFFFC0];
	v6 =	vadd.f32 v7, v6;
	v7 =	vmul.f32 v11, v11  }
0xb9: {  	v8 =	vadd.f32 v9, v8;
	v9 =	vmul.f32 v10, v2;
	v10 =	vmax.f32 v11, $0.0e+00;
	v11 =	vld [tilespmem:s2+$0xFFFFFFC0]  }
0xba: {  	v21 =	vld [tilespmem:s2+$0xFFFFFFD0];
	v17 =	vadd.f32 v17, v62;
	v6 =	vadd.f32 v7, v6;
	v7 =	vmul.f32 v15, v15  }
0xbb: {  	v10 =	vmul.f32 v10, v1;
	v9 =	vadd.f32 v9, v8;
	v15 =	vmax.f32 v15, $0.0e+00  }
0xbc: {  	v8 =	vld [tilespmem:s0+$0xFFFFFFE0];
	v14 =	vadd.f32 v14, v18;
	v6 =	vadd.f32 v7, v6;
	v7 =	vmul.f32 v17, v17  }
0xbd: {  	v18 =	vadd.f32 v10, v9;
	v13 =	vmul.f32 v15, v13;
	v15 =	vmax.f32 v17, $0.0e+00;
	v10 =	vld [tilespmem:s2+$0xFFFFFFE0]  }
0xbe: {  	v9 =	vld [tilespmem:s0+$0xFFFFFFF0];
	v17 =	vadd.f32 v11, v19;
	v6 =	vadd.f32 v7, v6;
	v7 =	vmul.f32 v14, v14  }
0xbf: {  	v15 =	vmul.f32 v15, v12;
	v12 =	vadd.f32 v21, v63;
	v19 =	vadd.f32 $0.0e+00, v13;
	v11 =	vld [tilespmem:s2+$0xFFFFFFF0]  }
0xc0: {  	s13 =	simm.s32 $0x14880;
	v22 =	vmax.f32 v14, $0.0e+00;
	v14 =	vmul.f32 v17, v17;
	v13 =	vadd.f32 v7, v6;
	v7 =	vld [tilespmem:s0+$0x0]  }
0xc1: {  	s28 =	simm.s32 $0x0;
	[tilespmem:s13+$0xFFFFFF80] =	vst v18;
	v16 =	vmul.f32 v22, v16;
	v15 =	vadd.f32 v15, v19;
	v17 =	vmax.f32 v17, $0.0e+00;
	v6 =	vld [tilespmem:s2+$0x0]  }
.LBB2_5:
0xc2: {  	v18 =	vld [tilespmem:$0x17380];
	v13 =	vadd.f32 v14, v13;
	v14 =	vmul.f32 v12, v12;
	v8 =	vadd.f32 v10, v8  }
0xc3: {  	v5 =	vmul.f32 v17, v5;
	v12 =	vmax.f32 v12, $0.0e+00;
	v10 =	vld [tilespmem:$0x17300];
	v15 =	vadd.f32 v16, v15  }
0xc4: {  	v16 =	vld [tilespmem:$0x17280];
	v13 =	vadd.f32 v14, v13;
	v14 =	vmul.f32 v8, v8;
	v9 =	vadd.f32 v11, v9  }
0xc5: {  	v12 =	vmul.f32 v12, v3;
	v8 =	vmax.f32 v8, $0.0e+00;
	v11 =	vadd.f32 v5, v15;
	v3 =	vld [tilespmem:$0x17200]  }
0xc6: {  	v5 =	vld [tilespmem:$0x17180];
	v13 =	vadd.f32 v14, v13;
	v14 =	vmul.f32 v9, v9;
	v15 =	vadd.f32 v6, v7  }
0xc7: {  	v17 =	vmul.f32 v8, v4;
	v8 =	vmax.f32 v9, $0.0e+00;
	v6 =	vld [tilespmem:$0x17100];
	v11 =	vadd.f32 v12, v11  }
0xc8: {  	v8 =	vmul.f32 v8, v2;
	v7 =	vld [tilespmem:$0x17080];
	v9 =	vadd.f32 v14, v13;
	v12 =	vmul.f32 v15, v15;
	v2 =	vmovc v10  }
0xc9: {  	s0 =	sadd.s32 $0x100, s0;
	v13 =	vmax.f32 v15, $0.0e+00;
	v10 =	vld [tilespmem:$0x17000];
	v11 =	vadd.f32 v17, v11;
	v4 =	vmov v16  }
0xca: {  	s2 =	sadd.s32 $0x100, s2;
	v14 =	vld [tilespmem:s0+$0xFFFFFF10];
	v9 =	vadd.f32 v12, v9;
	v12 =	vmul.f32 v13, v1;
	v1 =	vmov v18  }
0xcb: {  	s28 =	sadd.s32 $0x2, s28;
	v13 =	vld [tilespmem:s2+$0xFFFFFF10];
	v8 =	vadd.f32 v8, v11  }
0xcc: {  	p0 =	slt.u32 s28, $0x4E;
	v11 =	vld [tilespmem:s0+$0xFFFFFF20]  }
0xcd: {  	v15 =	vld [tilespmem:s2+$0xFFFFFF20];
	v8 =	vadd.f32 v12, v8  }
0xce: {  	v12 =	vld [tilespmem:s0+$0xFFFFFF30]  }
0xcf: {  	v16 =	vld [tilespmem:s2+$0xFFFFFF30];
	[tilespmem:s13+$0x0] =	vst v8  }
0xd0: {  	v8 =	vadd.f32 v13, v14;
	v13 =	vld [tilespmem:s0+$0xFFFFFF40]  }
0xd1: {  	v14 =	vld [tilespmem:s2+$0xFFFFFF40]  }
0xd2: {  	v17 =	vmul.f32 v8, v8;
	v8 =	vmax.f32 v8, $0.0e+00;
	v11 =	vadd.f32 v15, v11;
	v15 =	vld [tilespmem:s0+$0xFFFFFF50]  }
0xd3: {  	v8 =	vmul.f32 v8, v10;
	v18 =	vld [tilespmem:s2+$0xFFFFFF50]  }
0xd4: {  	v9 =	vadd.f32 v17, v9;
	v17 =	vmul.f32 v11, v11;
	v12 =	vadd.f32 v16, v12;
	v16 =	vld [tilespmem:s0+$0xFFFFFF60]  }
0xd5: {  	v11 =	vmax.f32 v11, $0.0e+00;
	v8 =	vadd.f32 $0.0e+00, v8;
	v19 =	vld [tilespmem:s2+$0xFFFFFF60]  }
0xd6: {  	v9 =	vadd.f32 v17, v9;
	v17 =	vmul.f32 v12, v12;
	v13 =	vadd.f32 v14, v13;
	v14 =	vld [tilespmem:s0+$0xFFFFFF70]  }
0xd7: {  	v11 =	vmul.f32 v11, v7;
	v12 =	vmax.f32 v12, $0.0e+00;
	v20 =	vld [tilespmem:s2+$0xFFFFFF70]  }
0xd8: {  	v9 =	vadd.f32 v17, v9;
	v17 =	vmul.f32 v13, v13;
	v15 =	vadd.f32 v18, v15;
	v18 =	vld [tilespmem:s0+$0xFFFFFF80]  }
0xd9: {  	v8 =	vadd.f32 v11, v8;
	v11 =	vmul.f32 v12, v6;
	v12 =	vmax.f32 v13, $0.0e+00;
	v13 =	vld [tilespmem:s2+$0xFFFFFF80]  }
0xda: {  	v9 =	vadd.f32 v17, v9;
	v17 =	vmul.f32 v15, v15;
	v16 =	vadd.f32 v19, v16;
	v19 =	vld [tilespmem:s0+$0xFFFFFF90]  }
0xdb: {  	v8 =	vadd.f32 v11, v8;
	v11 =	vmul.f32 v12, v5;
	v12 =	vmax.f32 v15, $0.0e+00;
	v15 =	vld [tilespmem:s2+$0xFFFFFF90]  }
0xdc: {  	v9 =	vadd.f32 v17, v9;
	v17 =	vmul.f32 v16, v16;
	v14 =	vadd.f32 v20, v14;
	v20 =	vld [tilespmem:s0+$0xFFFFFFA0]  }
0xdd: {  	v8 =	vadd.f32 v11, v8;
	v11 =	vmul.f32 v12, v3;
	v12 =	vmax.f32 v16, $0.0e+00;
	v16 =	vld [tilespmem:s2+$0xFFFFFFA0]  }
0xde: {  	v9 =	vadd.f32 v17, v9;
	v17 =	vmul.f32 v14, v14;
	v13 =	vadd.f32 v13, v18;
	v18 =	vld [tilespmem:s0+$0xFFFFFFB0]  }
0xdf: {  	v8 =	vadd.f32 v11, v8;
	v11 =	vmul.f32 v12, v4;
	v12 =	vmax.f32 v14, $0.0e+00;
	v14 =	vld [tilespmem:s2+$0xFFFFFFB0]  }
0xe0: {  	v9 =	vadd.f32 v17, v9;
	v17 =	vmul.f32 v13, v13;
	v15 =	vadd.f32 v15, v19;
	v19 =	vld [tilespmem:s0+$0xFFFFFFC0]  }
0xe1: {  	v8 =	vadd.f32 v11, v8;
	v11 =	vmul.f32 v12, v2;
	v12 =	vmax.f32 v13, $0.0e+00;
	v13 =	vld [tilespmem:s2+$0xFFFFFFC0]  }
0xe2: {  	v9 =	vadd.f32 v17, v9;
	v17 =	vmul.f32 v15, v15;
	v16 =	vadd.f32 v16, v20;
	v20 =	vld [tilespmem:s0+$0xFFFFFFD0]  }
0xe3: {  	v11 =	vadd.f32 v11, v8;
	v12 =	vmul.f32 v12, v1;
	v15 =	vmax.f32 v15, $0.0e+00;
	v21 =	vld [tilespmem:s2+$0xFFFFFFD0]  }
0xe4: {  	v9 =	vadd.f32 v17, v9;
	v17 =	vmul.f32 v16, v16;
	v14 =	vadd.f32 v14, v18;
	v8 =	vld [tilespmem:s0+$0xFFFFFFE0]  }
.Ltmp1:
0xe5: {  	v11 =	vadd.f32 v12, v11;
	v12 =	vmul.f32 v15, v10;
	v15 =	vmax.f32 v16, $0.0e+00;
	v10 =	vld [tilespmem:s2+$0xFFFFFFE0];
	(pc) =	sbr.rel @p0 .LBB2_5-.Ltmp1, $4  }
0xe6: {  	s13 =	sadd.s32 $0x100, s13;
	v16 =	vadd.f32 v17, v9;
	v17 =	vmul.f32 v14, v14;
	v18 =	vadd.f32 v13, v19;
	v9 =	vld [tilespmem:s0+$0xFFFFFFF0]  }
0xe7: {  	v15 =	vmul.f32 v15, v7;
	v19 =	vadd.f32 $0.0e+00, v12;
	v22 =	vmax.f32 v14, $0.0e+00;
	[tilespmem:s13+$0xFFFFFF80] =	vst v11;
	v11 =	vld [tilespmem:s2+$0xFFFFFFF0]  }
0xe8: {  	v13 =	vadd.f32 v17, v16;
	v14 =	vmul.f32 v18, v18;
	v12 =	vadd.f32 v21, v20;
	v7 =	vld [tilespmem:s0+$0x0]  }
0xe9: {  	v15 =	vadd.f32 v15, v19;
	v16 =	vmul.f32 v22, v6;
	v17 =	vmax.f32 v18, $0.0e+00;
	v6 =	vld [tilespmem:s2+$0x0]  }
0xea: {  	v5 =	vmul.f32 v17, v5  }
0xeb: {  	v8 =	vadd.f32 v10, v8;
	v62 =	vmax.f32 v12, $0.0e+00;
	v15 =	vadd.f32 v16, v15  }
0xec: {  	v3 =	vmul.f32 v62, v3  }
0xed: {  	v9 =	vadd.f32 v11, v9;
	v63 =	vmax.f32 v8, $0.0e+00;
	v5 =	vadd.f32 v5, v15  }
0xee: {  	v4 =	vmul.f32 v63, v4  }
0xef: {  	v3 =	vadd.f32 v3, v5;
	v5 =	vadd.f32 v6, v7;
	v6 =	vmax.f32 v9, $0.0e+00  }
0xf0: {  	v7 =	vmul.f32 v12, v12;
	v2 =	vmul.f32 v6, v2  }
0xf1: {  	v3 =	vadd.f32 v4, v3;
	v4 =	vadd.f32 v14, v13;
	v6 =	vmax.f32 v5, $0.0e+00  }
0xf2: {  	v1 =	vmul.f32 v6, v1  }
0xf3: {  	s30 =	sadd.s32 $0x1, s30;
	v2 =	vadd.f32 v2, v3;
	v3 =	vadd.f32 v7, v4;
	v4 =	vmul.f32 v8, v8  }
0xf4: {  	s0 =	smul.u32 $0x50, s31;
	p0 =	sne.s32 s30, $0x3E  }
.Ltmp2:
0xf5: {  	v1 =	vadd.f32 v1, v2;
	v2 =	vadd.f32 v4, v3;
	v3 =	vmul.f32 v9, v9;
	(pc) =	sbr.rel @p0 .LBB2_2-.Ltmp2, $4  }
0xf6: {  	s0 =	sadd.s32 s7, s0  }
0xf7: {  	s0 =	sshll.u32 s0, $0x4;
	[tilespmem:s13+$0x0] =	vst v1;
	v1 =	vadd.f32 v3, v2;
	v2 =	vmul.f32 v5, v5  }
0xf8: {  	s0 =	sadd.s32 s6, s0  }
0xf9: {  	[hbm4b:s0+s1] =	stream.linear.scatter [tilespmem:s24], [sflag:$0x4], $0x2800, $0x38;
	v6 =	vadd.f32 v2, v1;
	[tilespmem:$0x17800] =	vst v63  }
0xfa: {  	_ =	swait.ge [sflag:s19], $0x2800  }
0xfb: {  	[sflag:s19] =	ssyncset.done $0x0  }
0xfc: {  	[sflag:s19] =	ssyncadd.s32 $0xFFFFD800  }
0xfd: {  	_ =	swait.ge [sflag:s19], $0x2800  }
0xfe: {  	[sflag:s19] =	ssyncset.done $0x0  }
0xff: {  	[sflag:s19] =	ssyncadd.s32 $0xFFFFD800  }
0x100: {  	_ =	swait.ge [sflag:s25], $0x2800  }
0x101: {  	[sflag:s25] =	ssyncset.done $0x0  }
0x102: {  	[sflag:s25] =	ssyncadd.s32 $0xFFFFD800  }
0x103: {  	v1 =	vld [tilespmem:$0x17380]  }
0x104: {  	v2 =	vld [tilespmem:$0x17300]  }
0x105: {  	v4 =	vld [tilespmem:$0x17280]  }
0x106: {  	v3 =	vld [tilespmem:$0x17200]  }
0x107: {  	v5 =	vld [tilespmem:$0x17180]  }
0x108: {  	v16 =	vld [tilespmem:$0x17100]  }
0x109: {  	v7 =	vld [tilespmem:$0x17080]  }
0x10a: {  	s0 =	simm.s32 $0x8080;
	v9 =	vld [tilespmem:$0x17000]  }
0x10b: {  	s2 =	simm.s32 $0xD080;
	v8 =	vld [tilespmem:s0+$0xFFFFFF80]  }
0x10c: {  	v10 =	vld [tilespmem:s2+$0xFFFFFF80]  }
0x10d: {  	v11 =	vld [tilespmem:s0+$0xFFFFFF90]  }
0x10e: {  	v12 =	vld [tilespmem:s2+$0xFFFFFF90]  }
0x10f: {  	v13 =	vld [tilespmem:s0+$0xFFFFFFA0]  }
0x110: {  	v14 =	vld [tilespmem:s2+$0xFFFFFFA0]  }
0x111: {  	v15 =	vld [tilespmem:s2+$0xFFFFFFB0]  }
0x112: {  	v18 =	vld [tilespmem:s2+$0xFFFFFFC0];
	v8 =	vadd.f32 v10, v8  }
0x113: {  	v10 =	vld [tilespmem:s0+$0xFFFFFFB0]  }
0x114: {  	v11 =	vadd.f32 v12, v11;
	v12 =	vld [tilespmem:s0+$0xFFFFFFC0];
	v17 =	vmul.f32 v8, v8  }
0x115: {  	v19 =	vld [tilespmem:s2+$0xFFFFFFD0];
	v13 =	vadd.f32 v14, v13  }
0x116: {  	v14 =	vld [tilespmem:s0+$0xFFFFFFD0];
	v8 =	vmax.f32 v8, $0.0e+00;
	v6 =	vadd.f32 v17, v6;
	v17 =	vmul.f32 v11, v11  }
0x117: {  	v20 =	vld [tilespmem:s2+$0xFFFFFFE0];
	v8 =	vmul.f32 v8, v9;
	v11 =	vmax.f32 v11, $0.0e+00  }
0x118: {  	v62 =	vld [tilespmem:s0+$0x10];
	v10 =	vadd.f32 v15, v10;
	v6 =	vadd.f32 v17, v6;
	v17 =	vmul.f32 v13, v13  }
0x119: {  	v15 =	vld [tilespmem:s0+$0xFFFFFFE0];
	v8 =	vadd.f32 $0.0e+00, v8;
	v11 =	vmul.f32 v11, v7;
	v12 =	vadd.f32 v18, v12  }
0x11a: {  	v18 =	vld [tilespmem:s0+$0xFFFFFFF0];
	v13 =	vmax.f32 v13, $0.0e+00;
	v6 =	vadd.f32 v17, v6;
	v17 =	vmul.f32 v10, v10  }
0x11b: {  	v14 =	vadd.f32 v19, v14;
	v8 =	vadd.f32 v11, v8;
	v11 =	vmul.f32 v13, v16;
	v13 =	vld [tilespmem:s2+$0xFFFFFFF0]  }
0x11c: {  	v19 =	vld [tilespmem:s0+$0x0];
	v10 =	vmax.f32 v10, $0.0e+00;
	v6 =	vadd.f32 v17, v6;
	v17 =	vmul.f32 v12, v12  }
0x11d: {  	v8 =	vadd.f32 v11, v8;
	v10 =	vmul.f32 v10, v5;
	v11 =	vmax.f32 v12, $0.0e+00;
	v12 =	vld [tilespmem:s2+$0x0]  }
0x11e: {  	v63 =	vld [tilespmem:s0+$0x40];
	v15 =	vadd.f32 v20, v15;
	v6 =	vadd.f32 v17, v6;
	v17 =	vmul.f32 v14, v14  }
0x11f: {  	v8 =	vadd.f32 v10, v8;
	v10 =	vmul.f32 v11, v3;
	v11 =	vmax.f32 v14, $0.0e+00;
	v14 =	vld [tilespmem:s2+$0x10]  }
0x120: {  	v13 =	vadd.f32 v13, v18;
	v18 =	vld [tilespmem:s0+$0x20];
	v6 =	vadd.f32 v17, v6;
	v17 =	vmul.f32 v15, v15  }
0x121: {  	v8 =	vadd.f32 v10, v8;
	v10 =	vmul.f32 v11, v4;
	v11 =	vmax.f32 v15, $0.0e+00;
	v15 =	vld [tilespmem:s2+$0x20]  }
0x122: {  	v12 =	vadd.f32 v12, v19;
	v19 =	vld [tilespmem:s0+$0x30];
	v6 =	vadd.f32 v17, v6;
	v17 =	vmul.f32 v13, v13  }
0x123: {  	v8 =	vadd.f32 v10, v8;
	v10 =	vmul.f32 v11, v2;
	v11 =	vmax.f32 v13, $0.0e+00;
	v13 =	vld [tilespmem:s2+$0x30]  }
0x124: {  	v21 =	vld [tilespmem:s2+$0x40];
	v14 =	vadd.f32 v14, v62;
	v6 =	vadd.f32 v17, v6;
	v17 =	vmul.f32 v12, v12  }
0x125: {  	v11 =	vmul.f32 v11, v1;
	v10 =	vadd.f32 v10, v8;
	v12 =	vmax.f32 v12, $0.0e+00  }
0x126: {  	v8 =	vld [tilespmem:s0+$0x50];
	v15 =	vadd.f32 v15, v18;
	v6 =	vadd.f32 v17, v6;
	v17 =	vmul.f32 v14, v14  }
0x127: {  	v18 =	vadd.f32 v11, v10;
	v11 =	vmul.f32 v12, v9;
	v12 =	vmax.f32 v14, $0.0e+00;
	v10 =	vld [tilespmem:s2+$0x50]  }
0x128: {  	v9 =	vld [tilespmem:s0+$0x60];
	v14 =	vmul.f32 v15, v15;
	v6 =	vadd.f32 v17, v6;
	v17 =	vadd.f32 v13, v19  }
0x129: {  	v22 =	vmul.f32 v12, v7;
	v7 =	vadd.f32 v21, v63;
	v19 =	vadd.f32 $0.0e+00, v11;
	v13 =	vld [tilespmem:s2+$0x60]  }
0x12a: {  	s13 =	simm.s32 $0x12080;
	v23 =	vmax.f32 v15, $0.0e+00;
	v11 =	vld [tilespmem:s0+$0x70];
	v12 =	vadd.f32 v14, v6;
	v14 =	vmul.f32 v17, v17  }
0x12b: {  	s28 =	simm.s32 $0x0;
	[tilespmem:s13+$0xFFFFFF80] =	vst v18;
	v16 =	vmul.f32 v23, v16;
	v15 =	vadd.f32 v22, v19;
	v17 =	vmax.f32 v17, $0.0e+00;
	v6 =	vld [tilespmem:s2+$0x70]  }
.LBB2_8:
0x12c: {  	v18 =	vld [tilespmem:$0x17380];
	v12 =	vadd.f32 v14, v12;
	v14 =	vmul.f32 v7, v7;
	v8 =	vadd.f32 v10, v8  }
0x12d: {  	v5 =	vmul.f32 v17, v5;
	v7 =	vmax.f32 v7, $0.0e+00;
	v10 =	vld [tilespmem:$0x17300];
	v15 =	vadd.f32 v16, v15  }
0x12e: {  	v16 =	vld [tilespmem:$0x17280];
	v12 =	vadd.f32 v14, v12;
	v14 =	vmul.f32 v8, v8;
	v9 =	vadd.f32 v13, v9  }
0x12f: {  	v7 =	vmul.f32 v7, v3;
	v8 =	vmax.f32 v8, $0.0e+00;
	v13 =	vadd.f32 v5, v15;
	v3 =	vld [tilespmem:$0x17200]  }
0x130: {  	v5 =	vld [tilespmem:$0x17180];
	v12 =	vadd.f32 v14, v12;
	v14 =	vmul.f32 v9, v9;
	v11 =	vadd.f32 v6, v11  }
0x131: {  	v15 =	vmul.f32 v8, v4;
	v8 =	vmax.f32 v9, $0.0e+00;
	v6 =	vld [tilespmem:$0x17100];
	v13 =	vadd.f32 v7, v13  }
0x132: {  	v8 =	vmul.f32 v8, v2;
	v7 =	vld [tilespmem:$0x17080];
	v9 =	vadd.f32 v14, v12;
	v12 =	vmul.f32 v11, v11;
	v2 =	vmovc v10  }
0x133: {  	s0 =	sadd.s32 $0x100, s0;
	v11 =	vmax.f32 v11, $0.0e+00;
	v10 =	vld [tilespmem:$0x17000];
	v13 =	vadd.f32 v15, v13;
	v4 =	vmov v16  }
0x134: {  	s2 =	sadd.s32 $0x100, s2;
	v11 =	vmul.f32 v11, v1;
	v1 =	vmov v18;
	v14 =	vld [tilespmem:s0+$0xFFFFFF80];
	v9 =	vadd.f32 v12, v9  }
0x135: {  	s28 =	sadd.s32 $0x2, s28;
	v12 =	vld [tilespmem:s2+$0xFFFFFF80];
	v8 =	vadd.f32 v8, v13  }
0x136: {  	p0 =	slt.u32 s28, $0x4E;
	v13 =	vld [tilespmem:s0+$0xFFFFFF90]  }
0x137: {  	v15 =	vld [tilespmem:s2+$0xFFFFFF90];
	v8 =	vadd.f32 v11, v8  }
0x138: {  	v11 =	vld [tilespmem:s0+$0xFFFFFFA0]  }
0x139: {  	v16 =	vld [tilespmem:s2+$0xFFFFFFA0];
	[tilespmem:s13+$0x0] =	vst v8  }
0x13a: {  	v8 =	vadd.f32 v12, v14;
	v12 =	vld [tilespmem:s0+$0xFFFFFFB0]  }
0x13b: {  	v14 =	vld [tilespmem:s2+$0xFFFFFFB0]  }
0x13c: {  	v17 =	vmul.f32 v8, v8;
	v8 =	vmax.f32 v8, $0.0e+00;
	v13 =	vadd.f32 v15, v13;
	v15 =	vld [tilespmem:s0+$0xFFFFFFC0]  }
0x13d: {  	v8 =	vmul.f32 v8, v10;
	v18 =	vld [tilespmem:s2+$0xFFFFFFC0]  }
0x13e: {  	v9 =	vadd.f32 v17, v9;
	v17 =	vmul.f32 v13, v13;
	v11 =	vadd.f32 v16, v11;
	v16 =	vld [tilespmem:s0+$0xFFFFFFD0]  }
0x13f: {  	v13 =	vmax.f32 v13, $0.0e+00;
	v8 =	vadd.f32 $0.0e+00, v8;
	v19 =	vld [tilespmem:s2+$0xFFFFFFD0]  }
0x140: {  	v9 =	vadd.f32 v17, v9;
	v17 =	vmul.f32 v11, v11;
	v12 =	vadd.f32 v14, v12;
	v14 =	vld [tilespmem:s0+$0xFFFFFFE0]  }
0x141: {  	v13 =	vmul.f32 v13, v7;
	v11 =	vmax.f32 v11, $0.0e+00;
	v20 =	vld [tilespmem:s2+$0xFFFFFFE0]  }
0x142: {  	v9 =	vadd.f32 v17, v9;
	v17 =	vmul.f32 v12, v12;
	v15 =	vadd.f32 v18, v15;
	v18 =	vld [tilespmem:s0+$0xFFFFFFF0]  }
0x143: {  	v8 =	vadd.f32 v13, v8;
	v11 =	vmul.f32 v11, v6;
	v12 =	vmax.f32 v12, $0.0e+00;
	v13 =	vld [tilespmem:s2+$0xFFFFFFF0]  }
0x144: {  	v9 =	vadd.f32 v17, v9;
	v17 =	vmul.f32 v15, v15;
	v16 =	vadd.f32 v19, v16;
	v19 =	vld [tilespmem:s0+$0x0]  }
0x145: {  	v8 =	vadd.f32 v11, v8;
	v11 =	vmul.f32 v12, v5;
	v12 =	vmax.f32 v15, $0.0e+00;
	v15 =	vld [tilespmem:s2+$0x0]  }
0x146: {  	v9 =	vadd.f32 v17, v9;
	v17 =	vmul.f32 v16, v16;
	v14 =	vadd.f32 v20, v14;
	v20 =	vld [tilespmem:s0+$0x10]  }
0x147: {  	v8 =	vadd.f32 v11, v8;
	v11 =	vmul.f32 v12, v3;
	v12 =	vmax.f32 v16, $0.0e+00;
	v16 =	vld [tilespmem:s2+$0x10]  }
0x148: {  	v9 =	vadd.f32 v17, v9;
	v17 =	vmul.f32 v14, v14;
	v13 =	vadd.f32 v13, v18;
	v18 =	vld [tilespmem:s0+$0x20]  }
0x149: {  	v8 =	vadd.f32 v11, v8;
	v11 =	vmul.f32 v12, v4;
	v12 =	vmax.f32 v14, $0.0e+00;
	v14 =	vld [tilespmem:s2+$0x20]  }
0x14a: {  	v9 =	vadd.f32 v17, v9;
	v17 =	vmul.f32 v13, v13;
	v15 =	vadd.f32 v15, v19;
	v19 =	vld [tilespmem:s0+$0x30]  }
0x14b: {  	v8 =	vadd.f32 v11, v8;
	v11 =	vmul.f32 v12, v2;
	v12 =	vmax.f32 v13, $0.0e+00;
	v13 =	vld [tilespmem:s2+$0x30]  }
0x14c: {  	v9 =	vadd.f32 v17, v9;
	v17 =	vmul.f32 v15, v15;
	v16 =	vadd.f32 v16, v20;
	v20 =	vld [tilespmem:s0+$0x40]  }
0x14d: {  	v11 =	vadd.f32 v11, v8;
	v12 =	vmul.f32 v12, v1;
	v15 =	vmax.f32 v15, $0.0e+00;
	v21 =	vld [tilespmem:s2+$0x40]  }
0x14e: {  	v9 =	vadd.f32 v17, v9;
	v17 =	vmul.f32 v16, v16;
	v14 =	vadd.f32 v14, v18;
	v8 =	vld [tilespmem:s0+$0x50]  }
.Ltmp3:
0x14f: {  	v11 =	vadd.f32 v12, v11;
	v12 =	vmul.f32 v15, v10;
	v15 =	vmax.f32 v16, $0.0e+00;
	v10 =	vld [tilespmem:s2+$0x50];
	(pc) =	sbr.rel @p0 .LBB2_8-.Ltmp3, $4  }
0x150: {  	s13 =	sadd.s32 $0x100, s13;
	v16 =	vadd.f32 v17, v9;
	v17 =	vmul.f32 v14, v14;
	v18 =	vadd.f32 v13, v19;
	v9 =	vld [tilespmem:s0+$0x60]  }
0x151: {  	v15 =	vmul.f32 v15, v7;
	v19 =	vadd.f32 $0.0e+00, v12;
	v22 =	vmax.f32 v14, $0.0e+00;
	[tilespmem:s13+$0xFFFFFF80] =	vst v11;
	v13 =	vld [tilespmem:s2+$0x60]  }
0x152: {  	v12 =	vadd.f32 v17, v16;
	v14 =	vmul.f32 v18, v18;
	v7 =	vadd.f32 v21, v20;
	v11 =	vld [tilespmem:s0+$0x70]  }
0x153: {  	v15 =	vadd.f32 v15, v19;
	v16 =	vmul.f32 v22, v6;
	v17 =	vmax.f32 v18, $0.0e+00;
	v6 =	vld [tilespmem:s2+$0x70]  }
0x154: {  	_ = 	snop  }
0x155: {  	v5 =	vmul.f32 v17, v5;
	v15 =	vadd.f32 v16, v15  }
0x156: {  	v8 =	vadd.f32 v10, v8;
	v59 =	vmax.f32 v7, $0.0e+00  }
0x157: {  	v3 =	vmul.f32 v59, v3;
	v5 =	vadd.f32 v5, v15  }
0x158: {  	v9 =	vadd.f32 v13, v9;
	v60 =	vmax.f32 v8, $0.0e+00  }
0x159: {  	v4 =	vmul.f32 v60, v4;
	v3 =	vadd.f32 v3, v5  }
0x15a: {  	v61 =	vadd.f32 v6, v11;
	v62 =	vmax.f32 v9, $0.0e+00  }
0x15b: {  	v2 =	vmul.f32 v62, v2;
	v3 =	vadd.f32 v4, v3  }
0x15c: {  	v63 =	vmax.f32 v61, $0.0e+00  }
0x15d: {  	v1 =	vmul.f32 v63, v1;
	v2 =	vadd.f32 v2, v3;
	_ =	sdelay $0x1  }
0x15e: {  	v1 =	vadd.f32 v1, v2;
	_ =	sdelay $0x1  }
0x15f: {  	[tilespmem:s13+$0x0] =	vst v1  }
0x160: {  	[hbm4b:s10+s1] =	stream.linear.scatter [tilespmem:s22], [sflag:$0x3], $0x2800, $0x38;
	[tilespmem:$0x17800] =	vst v63  }
0x161: {  	_ =	swait.ge [sflag:s25], $0x2800  }
0x162: {  	[sflag:s25] =	ssyncset.done $0x0  }
0x163: {  	[sflag:s25] =	ssyncadd.s32 $0xFFFFD800  }
0x164: {  	v2 =	vmul.f32 v7, v7;
	v1 =	vadd.f32 v14, v12;
	_ =	swait.ge [sflag:s26], $0x2800  }
0x165: {  	[sflag:s26] =	ssyncset.done $0x0  }
0x166: {  	v1 =	vadd.f32 v2, v1;
	v2 =	vmul.f32 v8, v8;
	[sflag:s26] =	ssyncadd.s32 $0xFFFFD800  }
0x167: {  	[tilespmem:$0x17480] =	vst v0  }
0x168: {  	v1 =	vadd.f32 v2, v1;
	v2 =	vmul.f32 v9, v9;
	[tilespmem:$0x17500] =	vst v0  }
0x169: {  	[tilespmem:$0x17580] =	vst v0  }
0x16a: {  	v1 =	vadd.f32 v2, v1;
	v2 =	vmul.f32 v61, v61;
	[tilespmem:$0x17600] =	vst v0  }
0x16b: {  	[tilespmem:$0x17680] =	vst v0  }
0x16c: {  	s29 =	sadd.s32 $0x1, s29;
	v1 =	vadd.f32 v2, v1;
	[tilespmem:$0x17700] =	vst v0  }
0x16d: {  	p0 =	sne.s32 s29, s12;
	[tilespmem:$0x17780] =	vst v0  }
.Ltmp4:
0x16e: {  	s0 =	simm.s32 $0x17400;
	[tilespmem:$0x17400] =	vst v1;
	(pc) =	sbr.rel @p0 .LBB2_1-.Ltmp4, $4  }
0x16f: {  	[hbm4b:s11+s1] =	stream.linear.scatter [tilespmem:s0], [sflag:$0x5], $0x400, $0x38;
	[tilespmem:$0x17800] =	vst v63  }
0x170: {  	_ =	swait.ge [sflag:s14], $0x400  }
0x171: {  	[sflag:s14] =	ssyncset.done $0x0  }
0x172: {  	[sflag:s14] =	ssyncadd.s32 $0xFFFFFC00  }
0x173: {  	_ =	sfence.sel $0x180000  }
0x174: {  	[bflag:$0x0] =	sbarrier.arrive $0xFFFF  }
0x175: {  	_ =	strace $0x9000004A  }
0x176: {  	s0 =	stileid.u32;
	[bflag:$0x2] =	sbarrier.arrive $0xFFFF  }
0x177: {  	p0 =	sne.s32 s0, $0x0;
	s0 =	rddreg [dreg:$0x2]  }
0x178: {  	s0 =	sadd.s32 @!p0 $0x100000, s0  }
0x179: {  	[sflag:s0] =	ssyncadd.tile.s32 @!p0 $0x1;
	_ =	shalt  }
.Lfunc_end2:
_tile_overlayer_lowered:
.L_overlay_start_2:
0x17a: {  	(tag) =	ssettag $0x2  }
0x17b: {  	s0 =	rddreg [dreg:$0x0];
	s2 =	stileid.u32  }
0x17c: {  	s1 =	rddreg [dreg:$0x1];
	p0 =	sne.s32 s2, $0x0  }
0x17d: {  	s3 =	rddreg [dreg:$0x2];
	[bflag:$0x3] =	sbarrier.arrive $0xFFFF;
	s2 =	simm.s32 @!p0 $0x1C05  }
0x17e: {  	[timem:s3], [sflag:s2] =	dma.local @!p0 [hbm:s0], s1  }
0x17f: {  	s0 =	simm.s32 @!p0 $0x5  }
0x180: {  	_ =	swait.ge @!p0 [sflag:s0], s1  }
0x181: {  	s1 =	ssub.s32 @!p0 $0x0, s1;
	[sflag:s0] =	ssyncset.done @!p0 $0x0  }
0x182: {  	[sflag:s0] =	ssyncadd.s32 @!p0 s1  }
0x183: {  	[bflag:$0x3] =	sbarrier.arrive $0xFFFF  }
0x184: {  	_ =	shalt  }

// kernel: kernel.7.cloned.1.call-start
scs
__scs_entry_jumppad:
0x0: {  	(pc) =	sbr.rel $0x88, $3  }
0x1: {  	(tag) =	ssettag $0x0;
	lr =	simm.s32 $0x1  }
0x2: {  	[smem:$0x3F96] =	sst lr;
	_ =	strace $0xD0000000  }
0x3: {  	_ = 	snop  }
0x4: {  	_ = 	snop  }
0x5: {  	_ = 	snop  }
0x6: {  	_ = 	snop  }
0x7: {  	_ = 	snop  }
__scs_overlays_trampoline_lowered:
0x8: {  	[smem:$0x3FA5] =	sst s0  }
0x9: {  	[smem:$0x3FA6] =	sst s1  }
0xa: {  	[smem:$0x3FA7] =	sst s2  }
0xb: {  	[smem:$0x3FA8] =	sst s3  }
0xc: {  	[smem:$0x3FA9] =	sst s4  }
0xd: {  	[smem:$0x3FAA] =	sst s5  }
0xe: {  	[smem:$0x3FAB] =	sst s6  }
0xf: {  	[smem:$0x3FAC] =	sst s7  }
0x10: {  	[smem:$0x3FAD] =	sst s8  }
0x11: {  	[smem:$0x3FAE] =	sst s9;
	s0 =	simm.s32 @!p0 $0x0  }
0x12: {  	s1 =	sld [smem:$0x3F94];
	s0 =	simm.s32 @p0 $0x1  }
0x13: {  	[smem:$0x3FAF] =	sst s0;
	s0 =	simm.s32 @!p1 $0x0  }
0x14: {  	s2 =	sld [smem:$0x3F93];
	s0 =	simm.s32 @p1 $0x1  }
0x15: {  	[smem:$0x3FB0] =	sst s0;
	s0 =	simm.s32 @!p2 $0x0  }
0x16: {  	s3 =	sld [smem:$0x3FDB];
	s0 =	simm.s32 @p2 $0x1  }
0x17: {  	s4 =	simm.s32 $0x1BF5;
	[smem:$0x3FB2] =	sst s0  }
0x18: {  	s0 =	sld [smem:$0x3F95];
	_ =	swait.ge [sflag:s4], $0x0  }
0x19: {  	s7 =	sld [smem:$0x3F96]  }
0x1a: {  	s8 =	sadd.s32 $0xFFFFE003, lr  }
0x1b: {  	s9 =	sadd.s32 $0xFFFFFEF7, lr;
	s5 =	simm.s32 $0xFFFFFFFF;
	p2 =	slt.u32 s8, $0xFFFFF086  }
0x1c: {  	p1 =	slt.u32 s9, $0xF7A;
	s5 =	simm.s32 @!p2 $0x0  }
0x1d: {  	s5 =	simm.s32 @p1 $0x1;
	p0 =	seq.s32 s7, s2  }
0x1e: {  	s7 =	smul.u32 @!p0 $0xF7A, s2;
	p2 =	seq.s32 @!p0 s5, $0x0  }
0x1f: {  	s9 =	smul.u32 $0xF7A, s1;
	s8 =	simm.s32 @!p0 $0x1BF5;
	p2 =	por !p2, p0  }
0x20: {  	[sflag:s8] =	ssyncset.s32 @!p0 $0xFFFFF086;
	s6 =	sadd.s32 @!p0 s3, s7;
	s7 =	simm.s32 @!p0 $0x108  }
0x21: {  	s3 =	sadd.s32 s3, s9;
	s6 =	sadd.s32 @!p0 $0x88, s6;
	s7 =	simm.s32 @p2 $0x1082  }
0x22: {  	[simem:s7], [sflag:s8] =	dma.local @!p0 [hbm:s6], $0xF7A  }
0x23: {  	s9 =	sor.u32 $0xD0000000, s2;
	s6 =	simm.s32 $0x108;
	_ =	swait.ge @!p0 [sflag:s8], $0x0  }
0x24: {  	s3 =	sadd.s32 $0x88, s3;
	s6 =	simm.s32 @!p1 $0x1082;
	[sflag:s4] =	ssyncset.s32 $0xFFFFF086  }
0x25: {  	[simem:s6], [sflag:s4] =	dma.local [hbm:s3], $0xF7A  }
0x26: {  	[smem:$0x3F96] =	sst s1;
	(tag) =	ssettag s2;
	_ =	strace s9  }
0x27: {  	s1 =	sld [smem:$0x3FA6]  }
0x28: {  	s2 =	sld [smem:$0x3FA7]  }
0x29: {  	s4 =	sld [smem:$0x3FA9]  }
0x2a: {  	p0 =	seq.s32 s5, $0x0;
	s5 =	sld [smem:$0x3FAA]  }
0x2b: {  	s6 =	sld [smem:$0x3FAB]  }
0x2c: {  	s7 =	sld [smem:$0x3FAC]  }
0x2d: {  	s3 =	simm.s32 $0x108;
	s8 =	sld [smem:$0x3FAD]  }
0x2e: {  	s3 =	simm.s32 @!p0 $0x1082;
	s9 =	sld [smem:$0x3FAE]  }
0x2f: {  	lr =	sadd.s32 s0, s3;
	s0 =	sld [smem:$0x3FA5]  }
0x30: {  	s3 =	sld [smem:$0x3FA8]  }
0x31: {  	[smem:$0x3FB1] =	sst s10  }
0x32: {  	s10 =	sld [smem:$0x3FAF];
	_ =	sdelay $0x3  }
0x33: {  	p0 =	seq.s32 s10, $0x1;
	s10 =	sld [smem:$0x3FB1];
	_ =	sdelay $0x3  }
0x34: {  	[smem:$0x3FB1] =	sst s10  }
0x35: {  	s10 =	sld [smem:$0x3FB0];
	_ =	sdelay $0x3  }
0x36: {  	p1 =	seq.s32 s10, $0x1;
	s10 =	sld [smem:$0x3FB1];
	_ =	sdelay $0x3  }
0x37: {  	[smem:$0x3FB1] =	sst s10  }
0x38: {  	s10 =	sld [smem:$0x3FB2]  }
0x39: {  	_ = 	snop;
	(pc) =	sbr.ind lr, $3  }
0x3a: {  	_ = 	snop  }
0x3b: {  	_ = 	snop  }
0x3c: {  	p2 =	seq.s32 s10, $0x1;
	s10 =	sld [smem:$0x3FB1]  }
0x3d: {  	_ =	shalt  }
0x3e: {  	_ =	shalt  }
0x3f: {  	_ =	shalt  }
0x40: {  	_ =	shalt  }
0x41: {  	_ =	shalt  }
0x42: {  	_ =	shalt  }
0x43: {  	_ =	shalt  }
0x44: {  	_ =	shalt  }
0x45: {  	_ =	shalt  }
0x46: {  	_ =	shalt  }
0x47: {  	_ =	shalt  }
0x48: {  	_ =	shalt  }
0x49: {  	_ =	shalt  }
0x4a: {  	_ =	shalt  }
0x4b: {  	_ =	shalt  }
0x4c: {  	_ =	shalt  }
0x4d: {  	_ =	shalt  }
0x4e: {  	_ =	shalt  }
0x4f: {  	_ =	shalt  }
0x50: {  	_ =	shalt  }
0x51: {  	_ =	shalt  }
0x52: {  	_ =	shalt  }
0x53: {  	_ =	shalt  }
0x54: {  	_ =	shalt  }
0x55: {  	_ =	shalt  }
0x56: {  	_ =	shalt  }
0x57: {  	_ =	shalt  }
0x58: {  	_ =	shalt  }
0x59: {  	_ =	shalt  }
0x5a: {  	_ =	shalt  }
0x5b: {  	_ =	shalt  }
0x5c: {  	_ =	shalt  }
0x5d: {  	_ =	shalt  }
0x5e: {  	_ =	shalt  }
0x5f: {  	_ =	shalt  }
0x60: {  	_ =	shalt  }
0x61: {  	_ =	shalt  }
0x62: {  	_ =	shalt  }
0x63: {  	_ =	shalt  }
0x64: {  	_ =	shalt  }
0x65: {  	_ =	shalt  }
0x66: {  	_ =	shalt  }
0x67: {  	_ =	shalt  }
0x68: {  	_ =	shalt  }
0x69: {  	_ =	shalt  }
0x6a: {  	_ =	shalt  }
0x6b: {  	_ =	shalt  }
0x6c: {  	_ =	shalt  }
0x6d: {  	_ =	shalt  }
0x6e: {  	_ =	shalt  }
0x6f: {  	_ =	shalt  }
0x70: {  	_ =	shalt  }
0x71: {  	_ =	shalt  }
0x72: {  	_ =	shalt  }
0x73: {  	_ =	shalt  }
0x74: {  	_ =	shalt  }
0x75: {  	_ =	shalt  }
0x76: {  	_ =	shalt  }
0x77: {  	_ =	shalt  }
0x78: {  	_ =	shalt  }
0x79: {  	_ =	shalt  }
0x7a: {  	_ =	shalt  }
0x7b: {  	_ =	shalt  }
0x7c: {  	_ =	shalt  }
0x7d: {  	_ =	shalt  }
0x7e: {  	_ =	shalt  }
0x7f: {  	_ =	shalt  }
0x80: {  	_ =	shalt  }
0x81: {  	_ =	shalt  }
0x82: {  	_ =	shalt  }
0x83: {  	_ =	shalt  }
0x84: {  	_ =	shalt  }
0x85: {  	_ =	shalt  }
0x86: {  	_ =	shalt  }
0x87: {  	_ =	shalt  }
.Lfunc_end0:
.L_simem_size_0:
called_computation_lowered:
.L_overlay_start_0:
0x88: {  	s2 =	sld [smem:$0x3FD9]  }
0x89: {  	s3 =	sld [smem:$0x3FFE];
	_ =	sdelay $0x1  }
0x8a: {  	s1 =	srdreg.scid  }
0x8b: {  	s0 =	sand.u32 $0x1, s1  }
0x8c: {  	s16 =	sshll.u32 s0, $0xA;
	s2 =	sadd.s32 s3, s2  }
0x8d: {  	s2 =	sadd.s32 s2, s16  }
0x8e: {  	[smem:$0x3FBD] =	sst s2  }
0x8f: {  	_ = 	snop  }
0x90: {  	(tm) =	ssettm $0x1  }
0x91: {  	s17 =	sld [smem:$0x3FFB];
	_ =	sdelay $0x3  }
0x92: {  	_ =	strace s17  }
0x93: {  	s2 =	sld [smem:$0x3FFC];
	_ =	sdelay $0x3  }
0x94: {  	_ =	strace s2  }
0x95: {  	s2 =	sld [smem:$0x3FFD];
	_ =	sdelay $0x3  }
0x96: {  	_ =	strace s2  }
0x97: {  	_ =	strace $0x8FFFFFFF  }
0x98: {  	s18 =	sld [smem:$0x3FDB];
	_ =	sdelay $0x1  }
0x99: {  	s19 =	simm.s32 $_scs_section_size  }
0x9a: {  	s4 =	simm.s32 $_size__tile_overlayer_lowered;
	s5 =	simm.s32 $_tile_overlayer_lowered  }
0x9b: {  	s22 =	simm.s32 $0x1BFF;
	s21 =	sshll.u32 s5, $0x1;
	s2 =	sadd.s32 s19, s18  }
0x9c: {  	s6 =	simm.s32 $0x0;
	s20 =	sshll.u32 s4, $0x1;
	s4 =	sadd.s32 s21, s2  }
0x9d: {  	[timem:s6], [sflag:s22] =	dma.local [hbm:s4], s20  }
0x9e: {  	_ =	swait.ge [sflag:s22], s20  }
0x9f: {  	s3 =	ssub.s32 $0x0, s20;
	[sflag:s22] =	ssyncset.done $0x0  }
0xa0: {  	[sflag:s22] =	ssyncadd.s32 s3;
	_ =	sdelay $0x1  }
0xa1: {  	s23 =	simm.s32 $0x1B8B  }
0xa2: {  	_ =	swait.ge [sflag:s23], $0x1  }
0xa3: {  	[sflag:s23] =	ssyncset.done $0x0  }
0xa4: {  	s25 =	simm.s32 $0x1B8E;
	s24 =	sld [smem:$0x3FFE];
	[sflag:s23] =	ssyncadd.s32 $0xFFFFFFFF  }
0xa5: {  	s26 =	simm.s32 $execute0_lowered;
	[smem:$0x3FD2] =	sst s25  }
0xa6: {  	s4 =	sshll.u32 s26, $0x1;
	_ =	strace $0x80000046;
	[dreg:$0x1] =	wrdreg $0xFFFFFFFF  }
0xa7: {  	s28 =	simm.s32 $_size_execute0_lowered;
	s2 =	sadd.s32 s2, s4;
	[dreg:$0x0] =	wrdreg $0x0  }
0xa8: {  	s4 =	sshll.u32 s28, $0x1;
	[dreg:$0x2] =	wrdreg s2  }
0xa9: {  	[dreg:$0x3] =	wrdreg s4  }
0xaa: {  	[dreg:$0x4] =	wrdreg $0xC0  }
0xab: {  	_ =	task [dreg:s6], $0x5FFFF  }
0xac: {  	[dreg:$0x1] =	wrdreg $0xFFFFFFFF  }
0xad: {  	[dreg:$0x0] =	wrdreg $0x60  }
0xae: {  	[dreg:$0x2] =	wrdreg s24  }
0xaf: {  	[dreg:$0x3] =	wrdreg $0x8C000  }
0xb0: {  	[dreg:$0x4] =	wrdreg $0x9  }
0xb1: {  	_ =	task.clear_ibuf [dreg:s6], $0x5FFFF;
	_ =	strace $0x90000046  }
0xb2: {  	s29 =	simm.s32 $0x9;
	_ =	strace $0x80000048  }
0xb3: {  	_ =	swait.ge [sflag:s29], $0x1  }
0xb4: {  	[sflag:s29] =	ssyncadd.s32 $0xFFFFFFFF  }
0xb5: {  	_ =	strace $0x90000048  }
0xb6: {  	_ =	sfence  }
0xb7: {  	s30 =	sld [smem:$0x0];
	_ =	sdelay $0x2  }
0xb8: {  	s31 =	sshll.u32 s1, $0xD;
	s1 =	sshrl.u32 s1, $0x2  }
0xb9: {  	s3 =	sand.u32 $0x4000, s31;
	s1 =	sadd.s32 s1, s30  }
0xba: {  	s0 =	sor.u32 s3, s0;
	s1 =	sshll.u32 s1, $0x11  }
0xbb: {  	s0 =	sor.u32 s1, s0  }
0xbc: {  	s0 =	sadd.s32 $0x8F2B, s0  }
0xbd: {  	[sflag:s0] =	ssyncadd.remote.s32 $0x1  }
0xbe: {  	_ =	sfence.sel $0xFFFF  }
0xbf: {  	[dreg:$0x0] =	wrdreg $0xFFFFFFFF;
	(pc) =	sbr.abs _section_cstart, $3  }
0xc0: {  	[dreg:$0x1] =	wrdreg $0xFFFFFFFF  }
0xc1: {  	_ =	task.clear_ibuf [dreg:s6], $0x2FFFF;
	_ =	strace $0x9FFFFFFF  }
0xc2: {  	(tm) =	ssettm $0x7FFFFFFF  }
0xc3: {  	_ =	shalt  }
tec
execute0_lowered:
.L_overlay_start_1:
0x0: {  	(tag) =	ssettag $0x1  }
0x1: {  	s0 =	rddreg [dreg:$0x0]  }
0x2: {  	s1 =	rddreg [dreg:$0x1]  }
0x3: {  	s2 =	simm.s32 $0x0;
	s3 =	srdreg.scid;
	s15 =	stileid.u32  }
0x4: {  	s17 =	simm.s32 $0x6;
	s28 =	simm.s32 $0x2;
	s31 =	simm.s32 $0x1400  }
0x5: {  	s16 =	simm.s32 $0x5;
	s18 =	simm.s32 $0x0;
	[smem:$0x7FF] =	sst s2  }
0x6: {  	s4 =	sadd.s32 $0x7C000, s0;
	s3 =	sand.u32 $0x1, s3;
	s8 =	smul.u32 $0x2800, s15  }
0x7: {  	s5 =	sadd.s32 $0x54000, s0;
	s6 =	sadd.s32 $0x4000, s0;
	s20 =	smul.u32 $0x50000, s15  }
0x8: {  	s21 =	sshll.u32 s15, $0x6;
	_ =	strace $0x80000047;
	s7 =	sshll.u32 s3, $0x4  }
0x9: {  	s9 =	smul.u32 $0x28000, s3;
	s3 =	ssub.s32 $0x2, s3;
	s10 =	sor.u32 s15, s7  }
0xa: {  	s7 =	sadd.s32 $0x2C000, s0;
	s11 =	sadd.s32 s8, s0;
	s14 =	sshrl.u32 s3, $0x1  }
0xb: {  	s15 =	simm.s32 $0x4;
	s12 =	smul.u32 $0x500, s10;
	s8 =	sadd.s32 s8, s9  }
0xc: {  	s3 =	ssub.s32 s3, s14;
	s9 =	sshrl.u32 s20, $0x2;
	s11 =	sadd.s32 $0xA4000, s11  }
0xd: {  	s14 =	sor.u32 $0x1C06, s21;
	s20 =	simm.s32 $0x200;
	s13 =	sadd.s32 s8, s0  }
0xe: {  	s8 =	smul.u32 $0xA000, s10;
	s9 =	sadd.s32 s9, s1;
	[dreg:$0x3] =	wrdreg s11  }
0xf: {  	s30 =	smax.u32 s3, $0x1;
	s3 =	simm.s32 $0x6400;
	s11 =	simm.s32 $0x3  }
0x10: {  	[dreg:$0x4] =	wrdreg s14;
	s0 =	sadd.s32 s12, s0;
	s29 =	sadd.s32 $0xCC000, s13  }
0x11: {  	[dreg:$0xb] =	wrdreg s30;
	s12 =	sshrl.u32 s9, $0x3;
	s9 =	simm.s32 $0x4400  }
0x12: {  	s13 =	simm.s32 $0x380;
	s22 =	sshrl.u32 s8, $0x3;
	[dreg:$0xa] =	wrdreg s29  }
0x13: {  	s0 =	sadd.s32 $0x11C000, s0;
	[dreg:$0xc] =	wrdreg s12;
	s23 =	sor.u32 $0x10, s22  }
0x14: {  	s24 =	sadd.s32 s6, s22;
	s25 =	sadd.s32 s7, s22;
	[dreg:$0x9] =	wrdreg s0  }
0x15: {  	s22 =	simm.s32 $0x280;
	s0 =	simm.s32 $0x300;
	[dreg:$0x5] =	wrdreg s24  }
0x16: {  	[dreg:$0x6] =	wrdreg s25;
	s26 =	sadd.s32 s6, s23;
	s10 =	sadd.s32 s7, s23  }
0x17: {  	s23 =	simm.s32 $0x1;
	s24 =	simm.s32 $0x20;
	[dreg:$0x7] =	wrdreg s26  }
0x18: {  	v0 =	vimm.f32 $0.0e+00;
	v1 =	vimm.f32 $1.000000000e+00;
	s25 =	simm.s32 $0x400;
	[dreg:$0x8] =	wrdreg s10;
	s26 =	simm.s32 $0x2400  }
.LBB2_1:
0x19: {  	[dreg:$0xd] =	wrdreg s18  }
0x1a: {  	s10 =	rddreg [dreg:$0x3]  }
0x1b: {  	[spmem:s12], [sflag:s14] =	dma.local [hbm:s10], $0x2800  }
0x1c: {  	_ =	swait.ge [sflag:s17], $0x2800  }
0x1d: {  	[sflag:s17] =	ssyncset.done $0x0  }
0x1e: {  	s10 =	simm.s32 $0x40;
	s12 =	simm.s32 $0x0;
	[sflag:s17] =	ssyncadd.s32 $0xFFFFD800  }
.LBB2_2:
0x1f: {  	p0 =	sne.s32 s10, $0x9FC0;
	[tilespmem:s12+$0x6400] =	vst v0;
	s12 =	smov.u32 s10;
	s10 =	sadd.s32 $0x40, s10  }
.Ltmp0:
0x20: {  	(pc) =	sbr.rel @p0 .LBB2_2-.Ltmp0, $2  }
0x21: {  	_ =	sdelay $0x2  }
0x22: {  	s12 =	sshra.s32 s12, $0x2  }
0x23: {  	[tilespmem:s12+$0x6400] =	vst v0  }
0x24: {  	[bflag:$0x0] =	sbarrier.arrive $0xFFFF  }
0x25: {  	s10 =	simm.s32 $0x0;
	s19 =	rddreg [dreg:$0x5]  }
0x26: {  	[tilespmem:s10], [sflag:$0x1] =	stream.linear.gather [hbm4b:s19+s10], $0x80, $0x38;
	[tilespmem:$0x1CC00] =	vst v63  }
0x27: {  	s21 =	rddreg [dreg:$0x6]  }
0x28: {  	[tilespmem:s20], [sflag:$0x1] =	stream.linear.gather [hbm4b:s21+s10], $0x80, $0x38;
	[tilespmem:$0x1CC00] =	vst v63  }
0x29: {  	s14 =	simm.s32 $0x80;
	s29 =	rddreg [dreg:$0x7]  }
0x2a: {  	[tilespmem:s14], [sflag:$0x1] =	stream.linear.gather [hbm4b:s29+s10], $0x80, $0x38;
	[tilespmem:$0x1CC00] =	vst v63  }
0x2b: {  	s30 =	rddreg [dreg:$0x8]  }
0x2c: {  	[tilespmem:s22], [sflag:$0x1] =	stream.linear.gather [hbm4b:s30+s10], $0x80, $0x38;
	[tilespmem:$0x1CC00] =	vst v63  }
0x2d: {  	_ =	swait.ge [sflag:s23], $0x80  }
0x2e: {  	[sflag:s23] =	ssyncset.done $0x0  }
0x2f: {  	[sflag:s23] =	ssyncadd.s32 $0xFFFFFF80  }
0x30: {  	_ =	swait.ge [sflag:s23], $0x80  }
0x31: {  	[sflag:s23] =	ssyncset.done $0x0  }
0x32: {  	[sflag:s23] =	ssyncadd.s32 $0xFFFFFF80  }
0x33: {  	[tilespmem:s25], [sflag:$0x2] =	stream.indirect.gather [hbm4b:s4+s24], $0x80, s10, s24, $0xb8;
	[tilespmem:$0x1CC00] =	vst v63  }
0x34: {  	_ = 	snop  }
0x35: {  	[tilespmem:s26], [sflag:$0x2] =	stream.indirect.gather [hbm4b:s5+s24], $0x80, s20, s24, $0xb8;
	[tilespmem:$0x1CC00] =	vst v63  }
.LBB2_4:
0x36: {  	_ =	swait.ge [sflag:s28], $0x1000  }
0x37: {  	[sflag:s28] =	ssyncset.done $0x0  }
0x38: {  	[sflag:s28] =	ssyncadd.s32 $0xFFFFF000  }
0x39: {  	_ =	swait.ge [sflag:s28], $0x1000  }
0x3a: {  	[sflag:s28] =	ssyncset.done $0x0  }
0x3b: {  	[sflag:s28] =	ssyncadd.s32 $0xFFFFF000  }
0x3c: {  	_ =	swait.ge [sflag:s23], $0x80  }
0x3d: {  	[sflag:s23] =	ssyncset.done $0x0  }
0x3e: {  	[sflag:s23] =	ssyncadd.s32 $0xFFFFFF80  }
0x3f: {  	_ =	swait.ge [sflag:s23], $0x80  }
0x40: {  	s18 =	sshll.u32 s10, $0x9;
	[sflag:s23] =	ssyncset.done $0x0  }
0x41: {  	s12 =	simm.s32 $0x80;
	s14 =	sand.u32 $0xFC00, s18;
	[sflag:s23] =	ssyncadd.s32 $0xFFFFFF80  }
0x42: {  	[tilespmem:s31], [sflag:$0x3] =	stream.indirect.gather [hbm4b:s4+s24], $0x80, s12, s24, $0xb8;
	[tilespmem:$0x1CC00] =	vst v63  }
0x43: {  	p0 =	seq.s32 s10, $0x0;
	s12 =	sadd.s32 s8, s14;
	s14 =	sand.u32 $0x200, s18  }
0x44: {  	s21 =	simm.s32 $0x3400;
	s17 =	simm.s32 @!p0 $0x4;
	s12 =	sor.u32 s14, s12  }
0x45: {  	[tilespmem:s21], [sflag:$0x3] =	stream.indirect.gather [hbm4b:s5+s24], $0x80, s22, s24, $0xb8;
	[tilespmem:$0x1CC00] =	vst v63  }
0x46: {  	s19 =	sshrl.u32 s12, $0x3;
	_ =	swait.ge @!p0 [sflag:s17], $0x1000  }
0x47: {  	s12 =	sor.u32 $0x20, s19;
	[sflag:s17] =	ssyncset.done @!p0 $0x0  }
0x48: {  	s21 =	simm.s32 $0x100;
	[sflag:s17] =	ssyncadd.s32 @!p0 $0xFFFFF000;
	s17 =	sadd.s32 s6, s12  }
0x49: {  	[tilespmem:s21], [sflag:$0x1] =	stream.linear.gather [hbm4b:s17+s2], $0x80, $0x38;
	[tilespmem:$0x1CC00] =	vst v63  }
0x4a: {  	s14 =	simm.s32 $0x500;
	s12 =	sadd.s32 s7, s12  }
0x4b: {  	[tilespmem:s0], [sflag:$0x1] =	stream.linear.gather [hbm4b:s12+s2], $0x80, $0x38;
	[tilespmem:$0x1CC00] =	vst v63  }
0x4c: {  	s31 =	simm.s32 $0x2500;
	v2 =	vld [tilespmem:s14+$0x80]  }
0x4d: {  	v3 =	vld [tilespmem:s31+$0x80];
	_ =	sdelay $0x4  }
0x4e: {  	v4 =	vld [tilespmem:s14+$0xFFFFFF80];
	v2 =	vadd.f32 v3, v2  }
0x4f: {  	v3 =	vld [tilespmem:s31+$0xFFFFFF80]  }
0x50: {  	s17 =	simm.s32 $0x4500;
	v5 =	vld [tilespmem:s31+$0xFFFFFF00];
	v2 =	vmax.f32 v2, $0.0e+00  }
0x51: {  	v6 =	vld [tilespmem:s14+$0xFFFFFF00];
	[tilespmem:s17+$0x80] =	vst v2  }
0x52: {  	v2 =	vld [tilespmem:s14+$0x90]  }
0x53: {  	v7 =	vld [tilespmem:s31+$0x90]  }
0x54: {  	v8 =	vld [tilespmem:s14+$0x0];
	v3 =	vadd.f32 v3, v4  }
0x55: {  	v4 =	vld [tilespmem:s31+$0x0]  }
0x56: {  	v5 =	vadd.f32 v5, v6;
	v3 =	vmax.f32 v3, $0.0e+00  }
0x57: {  	[tilespmem:s17+$0xFFFFFF80] =	vst v3  }
0x58: {  	v5 =	vmax.f32 v5, $0.0e+00;
	v3 =	vld [tilespmem:s14+$0xFFFFFF90];
	v2 =	vadd.f32 v7, v2  }
0x59: {  	[tilespmem:s17+$0xFFFFFF00] =	vst v5;
	v6 =	vld [tilespmem:s31+$0xFFFFFF90]  }
0x5a: {  	v5 =	vld [tilespmem:s14+$0xFFFFFF10];
	v4 =	vadd.f32 v4, v8;
	v2 =	vmax.f32 v2, $0.0e+00  }
0x5b: {  	v7 =	vld [tilespmem:s31+$0xFFFFFF10];
	[tilespmem:s17+$0x90] =	vst v2  }
0x5c: {  	v2 =	vmax.f32 v4, $0.0e+00;
	v4 =	vld [tilespmem:s14+$0xA0]  }
0x5d: {  	[tilespmem:s17+$0x0] =	vst v2;
	v2 =	vld [tilespmem:s31+$0xA0]  }
0x5e: {  	v8 =	vld [tilespmem:s14+$0x10];
	v3 =	vadd.f32 v6, v3  }
0x5f: {  	v6 =	vld [tilespmem:s31+$0x10]  }
0x60: {  	v3 =	vmax.f32 v3, $0.0e+00  }
0x61: {  	v5 =	vadd.f32 v7, v5;
	[tilespmem:s17+$0xFFFFFF90] =	vst v3  }
0x62: {  	v3 =	vld [tilespmem:s14+$0xFFFFFFA0];
	v2 =	vadd.f32 v2, v4  }
0x63: {  	v5 =	vmax.f32 v5, $0.0e+00;
	v4 =	vld [tilespmem:s31+$0xFFFFFFA0]  }
0x64: {  	[tilespmem:s17+$0xFFFFFF10] =	vst v5;
	v5 =	vadd.f32 v6, v8;
	v2 =	vmax.f32 v2, $0.0e+00  }
0x65: {  	[tilespmem:s17+$0xA0] =	vst v2  }
0x66: {  	v2 =	vmax.f32 v5, $0.0e+00;
	v5 =	vld [tilespmem:s14+$0xB0]  }
0x67: {  	[tilespmem:s17+$0x10] =	vst v2;
	v2 =	vld [tilespmem:s31+$0xB0]  }
0x68: {  	v3 =	vadd.f32 v4, v3;
	v4 =	vld [tilespmem:s14+$0x20]  }
0x69: {  	v8 =	vld [tilespmem:s31+$0x20]  }
0x6a: {  	v7 =	vld [tilespmem:s31+$0xFFFFFF20];
	v3 =	vmax.f32 v3, $0.0e+00  }
0x6b: {  	v6 =	vld [tilespmem:s14+$0xFFFFFF20];
	[tilespmem:s17+$0xFFFFFFA0] =	vst v3  }
0x6c: {  	v3 =	vld [tilespmem:s14+$0xFFFFFFB0];
	v2 =	vadd.f32 v2, v5  }
0x6d: {  	v5 =	vld [tilespmem:s31+$0xFFFFFFB0]  }
0x6e: {  	v4 =	vadd.f32 v8, v4;
	v2 =	vmax.f32 v2, $0.0e+00  }
0x6f: {  	[tilespmem:s17+$0xB0] =	vst v2  }
0x70: {  	v6 =	vadd.f32 v7, v6;
	v2 =	vmax.f32 v4, $0.0e+00;
	v4 =	vld [tilespmem:s14+$0xC0]  }
0x71: {  	[tilespmem:s17+$0x20] =	vst v2;
	v2 =	vld [tilespmem:s31+$0xC0]  }
0x72: {  	v6 =	vmax.f32 v6, $0.0e+00;
	v3 =	vadd.f32 v5, v3;
	v5 =	vld [tilespmem:s14+$0x30]  }
0x73: {  	[tilespmem:s17+$0xFFFFFF20] =	vst v6;
	v8 =	vld [tilespmem:s31+$0x30]  }
0x74: {  	v6 =	vld [tilespmem:s14+$0xFFFFFF30];
	v3 =	vmax.f32 v3, $0.0e+00  }
0x75: {  	v7 =	vld [tilespmem:s31+$0xFFFFFF30];
	[tilespmem:s17+$0xFFFFFFB0] =	vst v3  }
0x76: {  	v3 =	vld [tilespmem:s14+$0xFFFFFFC0];
	v2 =	vadd.f32 v2, v4  }
0x77: {  	v4 =	vld [tilespmem:s31+$0xFFFFFFC0]  }
0x78: {  	s30 =	simm.s32 $0x2700;
	v5 =	vadd.f32 v8, v5;
	v2 =	vmax.f32 v2, $0.0e+00  }
0x79: {  	v12 =	vld [tilespmem:s30+$0xFFFFFF00];
	[tilespmem:s17+$0xC0] =	vst v2  }
0x7a: {  	v2 =	vmax.f32 v5, $0.0e+00;
	v5 =	vld [tilespmem:s14+$0xD0]  }
0x7b: {  	v6 =	vadd.f32 v7, v6;
	[tilespmem:s17+$0x30] =	vst v2;
	v2 =	vld [tilespmem:s31+$0xD0]  }
0x7c: {  	v3 =	vadd.f32 v4, v3;
	v4 =	vld [tilespmem:s14+$0x40]  }
0x7d: {  	s21 =	simm.s32 $0x700;
	v6 =	vmax.f32 v6, $0.0e+00;
	v8 =	vld [tilespmem:s31+$0x40]  }
0x7e: {  	v54 =	vld [tilespmem:s21+$0xFFFFFF00];
	[tilespmem:s17+$0xFFFFFF30] =	vst v6  }
0x7f: {  	v6 =	vld [tilespmem:s14+$0xFFFFFF40]  }
0x80: {  	v7 =	vld [tilespmem:s31+$0xFFFFFF40];
	v2 =	vadd.f32 v2, v5  }
0x81: {  	v10 =	vld [tilespmem:s21+$0x80]  }
0x82: {  	v11 =	vld [tilespmem:s30+$0x80];
	v4 =	vadd.f32 v8, v4;
	v2 =	vmax.f32 v2, $0.0e+00  }
0x83: {  	v13 =	vld [tilespmem:s30+$0xFFFFFF80];
	v12 =	vadd.f32 v12, v54;
	[tilespmem:s17+$0xD0] =	vst v2  }
0x84: {  	v2 =	vmax.f32 v4, $0.0e+00;
	v4 =	vld [tilespmem:s14+$0xE0]  }
0x85: {  	s29 =	simm.s32 $0x4700;
	v12 =	vmax.f32 v12, $0.0e+00;
	v6 =	vadd.f32 v7, v6;
	[tilespmem:s17+$0x40] =	vst v2;
	v2 =	vld [tilespmem:s31+$0xE0]  }
0x86: {  	v14 =	vld [tilespmem:s21+$0x0];
	[tilespmem:s29+$0xFFFFFF00] =	vst v12;
	v3 =	vmax.f32 v3, $0.0e+00  }
0x87: {  	v12 =	vld [tilespmem:s21+$0xFFFFFF10];
	[tilespmem:s17+$0xFFFFFFC0] =	vst v3;
	v6 =	vmax.f32 v6, $0.0e+00  }
0x88: {  	v3 =	vld [tilespmem:s14+$0xFFFFFFD0];
	[tilespmem:s17+$0xFFFFFF40] =	vst v6  }
0x89: {  	v6 =	vld [tilespmem:s14+$0xFFFFFF50]  }
0x8a: {  	v7 =	vld [tilespmem:s31+$0xFFFFFF50];
	v2 =	vadd.f32 v2, v4  }
0x8b: {  	v4 =	vld [tilespmem:s21+$0xFFFFFF80]  }
0x8c: {  	v5 =	vld [tilespmem:s31+$0xFFFFFFD0];
	v2 =	vmax.f32 v2, $0.0e+00  }
0x8d: {  	v8 =	vld [tilespmem:s14+$0x50];
	[tilespmem:s17+$0xE0] =	vst v2;
	v2 =	vadd.f32 v11, v10  }
0x8e: {  	v9 =	vld [tilespmem:s31+$0x50]  }
0x8f: {  	v6 =	vadd.f32 v7, v6;
	v7 =	vld [tilespmem:s30+$0x0];
	v2 =	vmax.f32 v2, $0.0e+00  }
0x90: {  	v56 =	vld [tilespmem:s30+$0xFFFFFF10];
	v4 =	vadd.f32 v13, v4;
	[tilespmem:s29+$0x80] =	vst v2  }
0x91: {  	v2 =	vmax.f32 v6, $0.0e+00;
	v6 =	vld [tilespmem:s21+$0x90]  }
0x92: {  	v3 =	vadd.f32 v5, v3;
	[tilespmem:s17+$0xFFFFFF50] =	vst v2;
	v2 =	vmax.f32 v4, $0.0e+00;
	v4 =	vld [tilespmem:s30+$0x90]  }
0x93: {  	v8 =	vadd.f32 v9, v8;
	v10 =	vld [tilespmem:s14+$0xF0]  }
0x94: {  	v3 =	vmax.f32 v3, $0.0e+00;
	v7 =	vadd.f32 v7, v14;
	v11 =	vld [tilespmem:s31+$0xF0];
	[tilespmem:s29+$0xFFFFFF80] =	vst v2  }
0x95: {  	[tilespmem:s17+$0xFFFFFFD0] =	vst v3;
	v8 =	vmax.f32 v8, $0.0e+00;
	v5 =	vld [tilespmem:s21+$0xFFFFFF90]  }
0x96: {  	v3 =	vmax.f32 v7, $0.0e+00;
	[tilespmem:s17+$0x50] =	vst v8;
	v55 =	vld [tilespmem:s30+$0xFFFFFF90]  }
0x97: {  	v8 =	vld [tilespmem:s31+$0xFFFFFFE0];
	[tilespmem:s29+$0x0] =	vst v3;
	v3 =	vadd.f32 v4, v6  }
0x98: {  	v59 =	vld [tilespmem:s14+$0x60]  }
0x99: {  	v60 =	vld [tilespmem:s31+$0x60];
	v3 =	vmax.f32 v3, $0.0e+00  }
0x9a: {  	v2 =	vld [tilespmem:s14+$0xFFFFFF60];
	[tilespmem:s29+$0x90] =	vst v3  }
0x9b: {  	v5 =	vadd.f32 v55, v5;
	v3 =	vld [tilespmem:s21+$0xA0]  }
0x9c: {  	v57 =	vld [tilespmem:s30+$0xA0]  }
0x9d: {  	v6 =	vld [tilespmem:s21+$0x10];
	v5 =	vmax.f32 v5, $0.0e+00  }
0x9e: {  	[tilespmem:s29+$0xFFFFFF90] =	vst v5;
	v5 =	vld [tilespmem:s30+$0x10]  }
0x9f: {  	v12 =	vadd.f32 v56, v12;
	v9 =	vld [tilespmem:s21+$0xFFFFFFA0]  }
0xa0: {  	v58 =	vld [tilespmem:s30+$0xFFFFFFA0]  }
0xa1: {  	v12 =	vmax.f32 v12, $0.0e+00;
	v7 =	vld [tilespmem:s31+$0xFFFFFF60];
	v3 =	vadd.f32 v57, v3  }
0xa2: {  	[tilespmem:s29+$0xFFFFFF10] =	vst v12;
	v4 =	vld [tilespmem:s14+$0xFFFFFFE0]  }
0xa3: {  	v5 =	vadd.f32 v5, v6;
	v6 =	vld [tilespmem:s21+$0xFFFFFF20];
	v3 =	vmax.f32 v3, $0.0e+00  }
0xa4: {  	[tilespmem:s29+$0xA0] =	vst v3;
	v3 =	vld [tilespmem:s30+$0xFFFFFF20]  }
0xa5: {  	v9 =	vadd.f32 v58, v9;
	v5 =	vmax.f32 v5, $0.0e+00;
	v61 =	vld [tilespmem:s21+$0xB0]  }
0xa6: {  	v2 =	vadd.f32 v7, v2;
	[tilespmem:s29+$0x10] =	vst v5;
	v5 =	vld [tilespmem:s30+$0xB0]  }
0xa7: {  	v7 =	vmax.f32 v9, $0.0e+00;
	v9 =	vld [tilespmem:s21+$0x20]  }
0xa8: {  	v2 =	vmax.f32 v2, $0.0e+00;
	[tilespmem:s29+$0xFFFFFFA0] =	vst v7;
	v7 =	vld [tilespmem:s30+$0x20]  }
0xa9: {  	[tilespmem:s17+$0xFFFFFF60] =	vst v2;
	v2 =	vld [tilespmem:s30+$0xFFFFFFB0];
	v3 =	vadd.f32 v3, v6  }
0xaa: {  	v6 =	vld [tilespmem:s21+$0xFFFFFFB0]  }
0xab: {  	v62 =	vld [tilespmem:s14+$0xFFFFFF70];
	v5 =	vadd.f32 v5, v61;
	v3 =	vmax.f32 v3, $0.0e+00  }
0xac: {  	[tilespmem:s29+$0xFFFFFF20] =	vst v3;
	v3 =	vld [tilespmem:s31+$0xFFFFFF70]  }
0xad: {  	v7 =	vadd.f32 v7, v9;
	v5 =	vmax.f32 v5, $0.0e+00;
	v9 =	vld [tilespmem:s21+$0xFFFFFF30]  }
0xae: {  	[tilespmem:s29+$0xB0] =	vst v5;
	v5 =	vld [tilespmem:s30+$0xFFFFFF30]  }
0xaf: {  	v2 =	vadd.f32 v2, v6;
	v6 =	vmax.f32 v7, $0.0e+00;
	v7 =	vld [tilespmem:s21+$0xC0]  }
0xb0: {  	[tilespmem:s29+$0x20] =	vst v6;
	v6 =	vld [tilespmem:s30+$0xC0]  }
0xb1: {  	v4 =	vadd.f32 v8, v4;
	v2 =	vmax.f32 v2, $0.0e+00;
	v8 =	vld [tilespmem:s21+$0x30]  }
0xb2: {  	[tilespmem:s29+$0xFFFFFFB0] =	vst v2;
	v2 =	vld [tilespmem:s30+$0x30]  }
0xb3: {  	v4 =	vmax.f32 v4, $0.0e+00;
	v5 =	vadd.f32 v5, v9;
	v9 =	vld [tilespmem:s21+$0xFFFFFFC0]  }
0xb4: {  	[tilespmem:s17+$0xFFFFFFE0] =	vst v4;
	v4 =	vld [tilespmem:s30+$0xFFFFFFC0]  }
0xb5: {  	v5 =	vmax.f32 v5, $0.0e+00;
	v6 =	vadd.f32 v6, v7;
	v7 =	vld [tilespmem:s14+$0xFFFFFFF0]  }
0xb6: {  	[tilespmem:s29+$0xFFFFFF30] =	vst v5;
	v5 =	vld [tilespmem:s31+$0xFFFFFFF0]  }
0xb7: {  	v2 =	vadd.f32 v2, v8;
	v8 =	vld [tilespmem:s21+$0xFFFFFF40];
	v6 =	vmax.f32 v6, $0.0e+00  }
0xb8: {  	[tilespmem:s29+$0xC0] =	vst v6;
	v6 =	vld [tilespmem:s30+$0xFFFFFF40]  }
0xb9: {  	v4 =	vadd.f32 v4, v9;
	v2 =	vmax.f32 v2, $0.0e+00;
	v9 =	vld [tilespmem:s21+$0xD0]  }
0xba: {  	[tilespmem:s29+$0x30] =	vst v2;
	v2 =	vld [tilespmem:s30+$0xD0]  }
0xbb: {  	v12 =	vadd.f32 v60, v59;
	v4 =	vmax.f32 v4, $0.0e+00;
	v63 =	vld [tilespmem:s21+$0x40]  }
0xbc: {  	[tilespmem:s29+$0xFFFFFFC0] =	vst v4;
	v4 =	vld [tilespmem:s30+$0x40]  }
0xbd: {  	v10 =	vadd.f32 v11, v10;
	v12 =	vmax.f32 v12, $0.0e+00;
	v11 =	vld [tilespmem:s30+$0xFFFFFFD0];
	v6 =	vadd.f32 v6, v8  }
0xbe: {  	[tilespmem:s17+$0x60] =	vst v12;
	v8 =	vld [tilespmem:s21+$0xFFFFFFD0]  }
0xbf: {  	v12 =	vld [tilespmem:s31+$0x70];
	v6 =	vmax.f32 v6, $0.0e+00;
	v2 =	vadd.f32 v2, v9  }
0xc0: {  	v10 =	vmax.f32 v10, $0.0e+00;
	v3 =	vadd.f32 v3, v62;
	v9 =	vld [tilespmem:s14+$0x70];
	[tilespmem:s29+$0xFFFFFF40] =	vst v6  }
0xc1: {  	[tilespmem:s17+$0xF0] =	vst v10;
	v10 =	vadd.f32 v4, v63;
	v4 =	vld [tilespmem:s21+$0xFFFFFF50];
	v2 =	vmax.f32 v2, $0.0e+00  }
0xc2: {  	v3 =	vmax.f32 v3, $0.0e+00;
	v5 =	vadd.f32 v5, v7;
	v6 =	vld [tilespmem:s30+$0xFFFFFF50];
	[tilespmem:s29+$0xD0] =	vst v2  }
0xc3: {  	[tilespmem:s17+$0xFFFFFF70] =	vst v3;
	v2 =	vadd.f32 v11, v8;
	v7 =	vmax.f32 v10, $0.0e+00;
	v3 =	vld [tilespmem:s21+$0xE0]  }
0xc4: {  	v8 =	vmax.f32 v5, $0.0e+00;
	[tilespmem:s29+$0x40] =	vst v7;
	v5 =	vld [tilespmem:s30+$0xE0]  }
0xc5: {  	[tilespmem:s17+$0xFFFFFFF0] =	vst v8;
	v8 =	vmax.f32 v2, $0.0e+00;
	v7 =	vld [tilespmem:s21+$0x50];
	v2 =	vadd.f32 v12, v9  }
0xc6: {  	s12 =	simm.s32 $0x4;
	s31 =	simm.s32 $0x2700;
	s14 =	simm.s32 $0x900;
	[tilespmem:s29+$0xFFFFFFD0] =	vst v8;
	v8 =	vld [tilespmem:s30+$0x50]  }
.LBB2_5:
0xc7: {  	v9 =	vld [tilespmem:s14+$0x80];
	v4 =	vadd.f32 v6, v4;
	s30 =	sadd.s32 $0x200, s30;
	v2 =	vmax.f32 v2, $0.0e+00  }
0xc8: {  	v6 =	vld [tilespmem:s30+$0x80];
	[tilespmem:s17+$0x70] =	vst v2;
	s17 =	smov.u32 s29  }
0xc9: {  	v2 =	vld [tilespmem:s30+$0xFFFFFF00];
	v4 =	vmax.f32 v4, $0.0e+00;
	v3 =	vadd.f32 v5, v3  }
0xca: {  	v5 =	vld [tilespmem:s14+$0xFFFFFF80];
	[tilespmem:s29+$0xFFFFFF50] =	vst v4  }
0xcb: {  	v4 =	vld [tilespmem:s30+$0xFFFFFF80];
	v7 =	vadd.f32 v8, v7;
	v3 =	vmax.f32 v3, $0.0e+00  }
0xcc: {  	v8 =	vld [tilespmem:s14+$0x0];
	[tilespmem:s29+$0xE0] =	vst v3  }
0xcd: {  	v3 =	vadd.f32 v6, v9;
	v6 =	vmax.f32 v7, $0.0e+00;
	v7 =	vld [tilespmem:s21+$0xF0]  }
0xce: {  	[tilespmem:s29+$0x50] =	vst v6;
	v6 =	vld [tilespmem:s31+$0xF0]  }
0xcf: {  	s12 =	sadd.s32 $0x4, s12;
	s29 =	sadd.s32 $0x200, s29;
	v9 =	vld [tilespmem:s30+$0x0];
	v3 =	vmax.f32 v3, $0.0e+00  }
0xd0: {  	p1 =	slt.u32 s12, $0x1C;
	v10 =	vld [tilespmem:s14+$0xFFFFFF00];
	v4 =	vadd.f32 v4, v5;
	[tilespmem:s29+$0x80] =	vst v3  }
0xd1: {  	v3 =	vld [tilespmem:s14+$0x90]  }
0xd2: {  	v4 =	vmax.f32 v4, $0.0e+00;
	v5 =	vld [tilespmem:s30+$0x90]  }
0xd3: {  	[tilespmem:s29+$0xFFFFFF80] =	vst v4;
	v4 =	vld [tilespmem:s21+$0xFFFFFF60];
	v6 =	vadd.f32 v6, v7  }
0xd4: {  	v7 =	vld [tilespmem:s14+$0xFFFFFF90];
	v8 =	vadd.f32 v9, v8  }
0xd5: {  	v2 =	vadd.f32 v2, v10;
	v9 =	vld [tilespmem:s30+$0xFFFFFF90];
	v6 =	vmax.f32 v6, $0.0e+00  }
0xd6: {  	v8 =	vmax.f32 v8, $0.0e+00;
	v10 =	vld [tilespmem:s31+$0xFFFFFF60];
	[tilespmem:s17+$0xF0] =	vst v6  }
0xd7: {  	v2 =	vmax.f32 v2, $0.0e+00;
	[tilespmem:s29+$0x0] =	vst v8;
	v3 =	vadd.f32 v5, v3;
	v5 =	vld [tilespmem:s21+$0xFFFFFFE0]  }
0xd8: {  	[tilespmem:s29+$0xFFFFFF00] =	vst v2;
	v2 =	vld [tilespmem:s14+$0x10]  }
0xd9: {  	v6 =	vld [tilespmem:s14+$0xFFFFFF10];
	v3 =	vmax.f32 v3, $0.0e+00  }
0xda: {  	v8 =	vld [tilespmem:s30+$0xFFFFFF10];
	v7 =	vadd.f32 v9, v7;
	[tilespmem:s29+$0x90] =	vst v3  }
0xdb: {  	v3 =	vld [tilespmem:s14+$0xA0];
	v4 =	vadd.f32 v10, v4  }
0xdc: {  	v7 =	vmax.f32 v7, $0.0e+00;
	v9 =	vld [tilespmem:s30+$0xA0]  }
0xdd: {  	[tilespmem:s29+$0xFFFFFF90] =	vst v7;
	v7 =	vld [tilespmem:s30+$0x10];
	v4 =	vmax.f32 v4, $0.0e+00  }
0xde: {  	v10 =	vld [tilespmem:s14+$0xFFFFFFA0];
	[tilespmem:s17+$0xFFFFFF60] =	vst v4  }
0xdf: {  	v4 =	vadd.f32 v8, v6;
	v6 =	vld [tilespmem:s30+$0xFFFFFFA0]  }
0xe0: {  	v8 =	vld [tilespmem:s31+$0xFFFFFFE0]  }
0xe1: {  	v4 =	vmax.f32 v4, $0.0e+00;
	v3 =	vadd.f32 v9, v3;
	v9 =	vld [tilespmem:s21+$0x60]  }
0xe2: {  	[tilespmem:s29+$0xFFFFFF10] =	vst v4;
	v2 =	vadd.f32 v7, v2;
	v4 =	vld [tilespmem:s31+$0x60]  }
0xe3: {  	v7 =	vld [tilespmem:s14+$0xFFFFFF20];
	v3 =	vmax.f32 v3, $0.0e+00  }
0xe4: {  	v11 =	vld [tilespmem:s30+$0xFFFFFF20];
	v6 =	vadd.f32 v6, v10;
	v2 =	vmax.f32 v2, $0.0e+00;
	[tilespmem:s29+$0xA0] =	vst v3  }
0xe5: {  	[tilespmem:s29+$0x10] =	vst v2;
	v2 =	vld [tilespmem:s14+$0xB0];
	v3 =	vadd.f32 v8, v5  }
0xe6: {  	v5 =	vmax.f32 v6, $0.0e+00;
	v6 =	vld [tilespmem:s30+$0xB0]  }
0xe7: {  	[tilespmem:s29+$0xFFFFFFA0] =	vst v5;
	v5 =	vld [tilespmem:s14+$0x20];
	v3 =	vmax.f32 v3, $0.0e+00;
	v4 =	vadd.f32 v4, v9  }
0xe8: {  	v8 =	vld [tilespmem:s30+$0x20];
	[tilespmem:s17+$0xFFFFFFE0] =	vst v3  }
0xe9: {  	v3 =	vadd.f32 v11, v7;
	v7 =	vld [tilespmem:s14+$0xFFFFFFB0];
	v4 =	vmax.f32 v4, $0.0e+00  }
0xea: {  	v9 =	vld [tilespmem:s30+$0xFFFFFFB0];
	[tilespmem:s17+$0x60] =	vst v4  }
0xeb: {  	v3 =	vmax.f32 v3, $0.0e+00;
	v2 =	vadd.f32 v6, v2;
	v4 =	vld [tilespmem:s21+$0xFFFFFF70]  }
0xec: {  	[tilespmem:s29+$0xFFFFFF20] =	vst v3;
	v3 =	vld [tilespmem:s31+$0xFFFFFF70]  }
0xed: {  	v6 =	vld [tilespmem:s14+$0xFFFFFF30];
	v5 =	vadd.f32 v8, v5;
	v2 =	vmax.f32 v2, $0.0e+00  }
0xee: {  	v8 =	vld [tilespmem:s30+$0xFFFFFF30];
	[tilespmem:s29+$0xB0] =	vst v2  }
0xef: {  	v2 =	vadd.f32 v9, v7;
	v5 =	vmax.f32 v5, $0.0e+00;
	v7 =	vld [tilespmem:s14+$0xC0]  }
0xf0: {  	[tilespmem:s29+$0x20] =	vst v5;
	v5 =	vld [tilespmem:s30+$0xC0]  }
0xf1: {  	v2 =	vmax.f32 v2, $0.0e+00;
	v9 =	vld [tilespmem:s14+$0x30];
	v3 =	vadd.f32 v3, v4  }
0xf2: {  	[tilespmem:s29+$0xFFFFFFB0] =	vst v2;
	v2 =	vld [tilespmem:s30+$0x30]  }
0xf3: {  	v4 =	vadd.f32 v8, v6;
	v6 =	vld [tilespmem:s14+$0xFFFFFFC0];
	v3 =	vmax.f32 v3, $0.0e+00  }
0xf4: {  	v8 =	vld [tilespmem:s30+$0xFFFFFFC0];
	[tilespmem:s17+$0xFFFFFF70] =	vst v3  }
0xf5: {  	v3 =	vmax.f32 v4, $0.0e+00;
	v4 =	vadd.f32 v5, v7;
	v5 =	vld [tilespmem:s21+$0xFFFFFFF0]  }
0xf6: {  	[tilespmem:s29+$0xFFFFFF30] =	vst v3;
	v3 =	vld [tilespmem:s31+$0xFFFFFFF0]  }
0xf7: {  	v7 =	vld [tilespmem:s14+$0xFFFFFF40];
	v2 =	vadd.f32 v2, v9;
	v4 =	vmax.f32 v4, $0.0e+00  }
0xf8: {  	v9 =	vld [tilespmem:s30+$0xFFFFFF40];
	[tilespmem:s29+$0xC0] =	vst v4  }
0xf9: {  	v4 =	vadd.f32 v8, v6;
	v2 =	vmax.f32 v2, $0.0e+00;
	v6 =	vld [tilespmem:s14+$0xD0]  }
0xfa: {  	[tilespmem:s29+$0x30] =	vst v2;
	v2 =	vld [tilespmem:s30+$0xD0]  }
0xfb: {  	v4 =	vmax.f32 v4, $0.0e+00;
	v8 =	vld [tilespmem:s14+$0x40];
	v3 =	vadd.f32 v3, v5  }
0xfc: {  	[tilespmem:s29+$0xFFFFFFC0] =	vst v4;
	v5 =	vld [tilespmem:s30+$0x40]  }
0xfd: {  	v4 =	vadd.f32 v9, v7;
	v7 =	vld [tilespmem:s14+$0xFFFFFFD0];
	v3 =	vmax.f32 v3, $0.0e+00  }
0xfe: {  	v9 =	vld [tilespmem:s30+$0xFFFFFFD0];
	[tilespmem:s17+$0xFFFFFFF0] =	vst v3  }
0xff: {  	v3 =	vmax.f32 v4, $0.0e+00;
	v2 =	vadd.f32 v2, v6;
	v10 =	vld [tilespmem:s21+$0x70];
	s21 =	smov.u32 s14  }
0x100: {  	[tilespmem:s29+$0xFFFFFF40] =	vst v3;
	v11 =	vld [tilespmem:s31+$0x70];
	s31 =	smov.u32 s30  }
0x101: {  	v4 =	vld [tilespmem:s14+$0xFFFFFF50];
	v3 =	vadd.f32 v5, v8;
	v2 =	vmax.f32 v2, $0.0e+00  }
.Ltmp1:
0x102: {  	v6 =	vld [tilespmem:s30+$0xFFFFFF50];
	[tilespmem:s29+$0xD0] =	vst v2;
	(pc) =	sbr.rel @p1 .LBB2_5-.Ltmp1, $4  }
0x103: {  	v2 =	vadd.f32 v9, v7;
	v5 =	vmax.f32 v3, $0.0e+00;
	v3 =	vld [tilespmem:s14+$0xE0]  }
0x104: {  	[tilespmem:s29+$0x40] =	vst v5;
	v5 =	vld [tilespmem:s30+$0xE0]  }
0x105: {  	v8 =	vmax.f32 v2, $0.0e+00;
	v7 =	vld [tilespmem:s14+$0x50];
	v2 =	vadd.f32 v11, v10  }
0x106: {  	s14 =	sadd.s32 $0x200, s14;
	[tilespmem:s29+$0xFFFFFFD0] =	vst v8;
	v8 =	vld [tilespmem:s30+$0x50]  }
0x107: {  	v4 =	vadd.f32 v6, v4;
	_ =	sdelay $0x1  }
0x108: {  	v4 =	vmax.f32 v4, $0.0e+00  }
0x109: {  	[tilespmem:s29+$0xFFFFFF50] =	vst v4  }
0x10a: {  	v4 =	vadd.f32 v8, v7;
	v6 =	vld [tilespmem:s21+$0xFFFFFF60]  }
0x10b: {  	v7 =	vld [tilespmem:s31+$0xFFFFFF60]  }
0x10c: {  	v8 =	vld [tilespmem:s21+$0xFFFFFFE0];
	v4 =	vmax.f32 v4, $0.0e+00  }
0x10d: {  	[tilespmem:s29+$0x50] =	vst v4;
	v4 =	vld [tilespmem:s31+$0xFFFFFFE0]  }
0x10e: {  	v3 =	vadd.f32 v5, v3;
	v5 =	vld [tilespmem:s21+$0x60]  }
0x10f: {  	v9 =	vld [tilespmem:s31+$0x60]  }
0x110: {  	v3 =	vmax.f32 v3, $0.0e+00;
	v6 =	vadd.f32 v7, v6  }
0x111: {  	[tilespmem:s29+$0xE0] =	vst v3  }
0x112: {  	v3 =	vld [tilespmem:s21+$0xF0];
	v6 =	vmax.f32 v6, $0.0e+00;
	v4 =	vadd.f32 v4, v8  }
0x113: {  	v7 =	vld [tilespmem:s31+$0xF0];
	[tilespmem:s29+$0xFFFFFF60] =	vst v6  }
0x114: {  	v5 =	vadd.f32 v9, v5;
	v6 =	vld [tilespmem:s21+$0xFFFFFF70];
	v4 =	vmax.f32 v4, $0.0e+00  }
0x115: {  	[tilespmem:s29+$0xFFFFFFE0] =	vst v4;
	v4 =	vld [tilespmem:s31+$0xFFFFFF70]  }
0x116: {  	v5 =	vmax.f32 v5, $0.0e+00;
	v8 =	vld [tilespmem:s21+$0xFFFFFFF0]  }
0x117: {  	[tilespmem:s29+$0x60] =	vst v5;
	v5 =	vld [tilespmem:s31+$0xFFFFFFF0]  }
0x118: {  	v9 =	vld [tilespmem:s21+$0x70]  }
0x119: {  	v10 =	vld [tilespmem:s31+$0x70];
	_ =	sdelay $0x1  }
0x11a: {  	v3 =	vadd.f32 v7, v3  }
0x11b: {  	v2 =	vmax.f32 v2, $0.0e+00;
	v4 =	vadd.f32 v4, v6  }
0x11c: {  	[tilespmem:s17+$0x70] =	vst v2;
	v2 =	vmax.f32 v3, $0.0e+00;
	v3 =	vadd.f32 v5, v8  }
0x11d: {  	[tilespmem:s29+$0xF0] =	vst v2;
	v2 =	vmax.f32 v4, $0.0e+00;
	v4 =	vadd.f32 v10, v9  }
0x11e: {  	[tilespmem:s29+$0xFFFFFF70] =	vst v2;
	v2 =	vmax.f32 v3, $0.0e+00  }
0x11f: {  	[tilespmem:s29+$0xFFFFFFF0] =	vst v2;
	v2 =	vmax.f32 v4, $0.0e+00  }
0x120: {  	[tilespmem:s29+$0x70] =	vst v2  }
0x121: {  	v2 =	vld [tilespmem:$0x200];
	_ =	sdelay $0x7  }
0x122: {  	[tilespmem:v2+s3+$0x0] =	vst.idx.add.f32.msk $0xffff, v1  }
0x123: {  	v2 =	vld [tilespmem:$0x210];
	_ =	sdelay $0x7  }
0x124: {  	[tilespmem:v2+s3+$0x0] =	vst.idx.add.f32.msk $0xffff, v1  }
0x125: {  	[spmem:s1] =	stream.indirect.scatter.add.f32 [tilespmem:s9], [sflag:$0x4], $0x80, s20, s24, $0xb8;
	[tilespmem:$0x1CC00] =	vst v63  }
0x126: {  	_ =	swait.ge [sflag:s11], $0x1000  }
0x127: {  	[sflag:s11] =	ssyncset.done $0x0  }
0x128: {  	[sflag:s11] =	ssyncadd.s32 $0xFFFFF000  }
0x129: {  	_ =	swait.ge [sflag:s11], $0x1000  }
0x12a: {  	[sflag:s11] =	ssyncset.done $0x0  }
0x12b: {  	[sflag:s11] =	ssyncadd.s32 $0xFFFFF000  }
0x12c: {  	_ =	swait.ge [sflag:s23], $0x80  }
0x12d: {  	[sflag:s23] =	ssyncset.done $0x0  }
0x12e: {  	[sflag:s23] =	ssyncadd.s32 $0xFFFFFF80  }
0x12f: {  	_ =	swait.ge [sflag:s23], $0x80  }
0x130: {  	[sflag:s23] =	ssyncset.done $0x0  }
0x131: {  	s12 =	simm.s32 $0x100;
	[sflag:s23] =	ssyncadd.s32 $0xFFFFFF80  }
0x132: {  	[tilespmem:s25], [sflag:$0x2] =	stream.indirect.gather [hbm4b:s4+s24], $0x80, s12, s24, $0xb8;
	[tilespmem:$0x1CC00] =	vst v63  }
0x133: {  	s12 =	simm.s32 @!p0 $0x5  }
0x134: {  	[tilespmem:s26], [sflag:$0x2] =	stream.indirect.gather [hbm4b:s5+s24], $0x80, s0, s24, $0xb8;
	[tilespmem:$0x1CC00] =	vst v63  }
0x135: {  	_ =	swait.ge @!p0 [sflag:s12], $0x1000  }
0x136: {  	s14 =	sor.u32 $0x30, s19;
	[sflag:s12] =	ssyncset.done @!p0 $0x0  }
0x137: {  	s19 =	simm.s32 $0x180;
	s17 =	sadd.s32 s6, s14;
	[sflag:s12] =	ssyncadd.s32 @!p0 $0xFFFFF000  }
0x138: {  	[tilespmem:s19], [sflag:$0x1] =	stream.linear.gather [hbm4b:s17+s2], $0x80, $0x38;
	[tilespmem:$0x1CC00] =	vst v63  }
0x139: {  	s21 =	sadd.s32 s7, s14;
	s31 =	simm.s32 $0x15F0  }
0x13a: {  	[tilespmem:s13], [sflag:$0x1] =	stream.linear.gather [hbm4b:s21+s2], $0x80, $0x38;
	[tilespmem:$0x1CC00] =	vst v63  }
0x13b: {  	s30 =	simm.s32 $0x35F0;
	v2 =	vld [tilespmem:s31+$0xFFFFFF90]  }
0x13c: {  	v3 =	vld [tilespmem:s30+$0xFFFFFF90];
	_ =	sdelay $0x4  }
0x13d: {  	v4 =	vld [tilespmem:s31+$0xFFFFFE90];
	v2 =	vadd.f32 v3, v2  }
0x13e: {  	v3 =	vld [tilespmem:s30+$0xFFFFFE90]  }
0x13f: {  	s17 =	simm.s32 $0x55F0;
	v5 =	vld [tilespmem:s30+$0xFFFFFE10];
	v2 =	vmax.f32 v2, $0.0e+00  }
0x140: {  	v6 =	vld [tilespmem:s31+$0xFFFFFE10];
	[tilespmem:s17+$0xFFFFFF90] =	vst v2  }
0x141: {  	v2 =	vld [tilespmem:s31+$0xFFFFFFA0]  }
0x142: {  	v7 =	vld [tilespmem:s30+$0xFFFFFFA0]  }
0x143: {  	v8 =	vld [tilespmem:s31+$0xFFFFFF10];
	v3 =	vadd.f32 v3, v4  }
0x144: {  	v4 =	vld [tilespmem:s30+$0xFFFFFF10]  }
0x145: {  	v5 =	vadd.f32 v5, v6;
	v3 =	vmax.f32 v3, $0.0e+00  }
0x146: {  	[tilespmem:s17+$0xFFFFFE90] =	vst v3  }
0x147: {  	v5 =	vmax.f32 v5, $0.0e+00;
	v3 =	vld [tilespmem:s31+$0xFFFFFEA0];
	v2 =	vadd.f32 v7, v2  }
0x148: {  	[tilespmem:s17+$0xFFFFFE10] =	vst v5;
	v6 =	vld [tilespmem:s30+$0xFFFFFEA0]  }
0x149: {  	v5 =	vld [tilespmem:s31+$0xFFFFFE20];
	v4 =	vadd.f32 v4, v8;
	v2 =	vmax.f32 v2, $0.0e+00  }
0x14a: {  	v7 =	vld [tilespmem:s30+$0xFFFFFE20];
	[tilespmem:s17+$0xFFFFFFA0] =	vst v2  }
0x14b: {  	v2 =	vmax.f32 v4, $0.0e+00;
	v4 =	vld [tilespmem:s31+$0xFFFFFFB0]  }
0x14c: {  	[tilespmem:s17+$0xFFFFFF10] =	vst v2;
	v2 =	vld [tilespmem:s30+$0xFFFFFFB0]  }
0x14d: {  	v8 =	vld [tilespmem:s31+$0xFFFFFF20];
	v3 =	vadd.f32 v6, v3  }
0x14e: {  	v6 =	vld [tilespmem:s30+$0xFFFFFF20]  }
0x14f: {  	v3 =	vmax.f32 v3, $0.0e+00  }
0x150: {  	v5 =	vadd.f32 v7, v5;
	[tilespmem:s17+$0xFFFFFEA0] =	vst v3  }
0x151: {  	v3 =	vld [tilespmem:s31+$0xFFFFFEB0];
	v2 =	vadd.f32 v2, v4  }
0x152: {  	v5 =	vmax.f32 v5, $0.0e+00;
	v4 =	vld [tilespmem:s30+$0xFFFFFEB0]  }
0x153: {  	[tilespmem:s17+$0xFFFFFE20] =	vst v5;
	v5 =	vadd.f32 v6, v8;
	v2 =	vmax.f32 v2, $0.0e+00  }
0x154: {  	[tilespmem:s17+$0xFFFFFFB0] =	vst v2  }
0x155: {  	v2 =	vmax.f32 v5, $0.0e+00;
	v5 =	vld [tilespmem:s31+$0xFFFFFFC0]  }
0x156: {  	[tilespmem:s17+$0xFFFFFF20] =	vst v2;
	v2 =	vld [tilespmem:s30+$0xFFFFFFC0]  }
0x157: {  	v3 =	vadd.f32 v4, v3;
	v4 =	vld [tilespmem:s31+$0xFFFFFF30]  }
0x158: {  	v8 =	vld [tilespmem:s30+$0xFFFFFF30]  }
0x159: {  	v7 =	vld [tilespmem:s30+$0xFFFFFE30];
	v3 =	vmax.f32 v3, $0.0e+00  }
0x15a: {  	v6 =	vld [tilespmem:s31+$0xFFFFFE30];
	[tilespmem:s17+$0xFFFFFEB0] =	vst v3  }
0x15b: {  	v3 =	vld [tilespmem:s31+$0xFFFFFEC0];
	v2 =	vadd.f32 v2, v5  }
0x15c: {  	v5 =	vld [tilespmem:s30+$0xFFFFFEC0]  }
0x15d: {  	v4 =	vadd.f32 v8, v4;
	v2 =	vmax.f32 v2, $0.0e+00  }
0x15e: {  	[tilespmem:s17+$0xFFFFFFC0] =	vst v2  }
0x15f: {  	v6 =	vadd.f32 v7, v6;
	v2 =	vmax.f32 v4, $0.0e+00;
	v4 =	vld [tilespmem:s31+$0xFFFFFFD0]  }
0x160: {  	[tilespmem:s17+$0xFFFFFF30] =	vst v2;
	v2 =	vld [tilespmem:s30+$0xFFFFFFD0]  }
0x161: {  	v6 =	vmax.f32 v6, $0.0e+00;
	v3 =	vadd.f32 v5, v3;
	v5 =	vld [tilespmem:s31+$0xFFFFFF40]  }
0x162: {  	[tilespmem:s17+$0xFFFFFE30] =	vst v6;
	v8 =	vld [tilespmem:s30+$0xFFFFFF40]  }
0x163: {  	v6 =	vld [tilespmem:s31+$0xFFFFFE40];
	v3 =	vmax.f32 v3, $0.0e+00  }
0x164: {  	v7 =	vld [tilespmem:s30+$0xFFFFFE40];
	[tilespmem:s17+$0xFFFFFEC0] =	vst v3  }
0x165: {  	v3 =	vld [tilespmem:s31+$0xFFFFFED0];
	v2 =	vadd.f32 v2, v4  }
0x166: {  	v4 =	vld [tilespmem:s30+$0xFFFFFED0]  }
0x167: {  	s29 =	simm.s32 $0x37F0;
	v5 =	vadd.f32 v8, v5;
	v2 =	vmax.f32 v2, $0.0e+00  }
0x168: {  	v12 =	vld [tilespmem:s29+$0xFFFFFE10];
	[tilespmem:s17+$0xFFFFFFD0] =	vst v2  }
0x169: {  	v2 =	vmax.f32 v5, $0.0e+00;
	v5 =	vld [tilespmem:s31+$0xFFFFFFE0]  }
0x16a: {  	v6 =	vadd.f32 v7, v6;
	[tilespmem:s17+$0xFFFFFF40] =	vst v2;
	v2 =	vld [tilespmem:s30+$0xFFFFFFE0]  }
0x16b: {  	v3 =	vadd.f32 v4, v3;
	v4 =	vld [tilespmem:s31+$0xFFFFFF50]  }
0x16c: {  	s19 =	simm.s32 $0x17F0;
	v6 =	vmax.f32 v6, $0.0e+00;
	v8 =	vld [tilespmem:s30+$0xFFFFFF50]  }
0x16d: {  	v54 =	vld [tilespmem:s19+$0xFFFFFE10];
	[tilespmem:s17+$0xFFFFFE40] =	vst v6  }
0x16e: {  	v6 =	vld [tilespmem:s31+$0xFFFFFE50]  }
0x16f: {  	v7 =	vld [tilespmem:s30+$0xFFFFFE50];
	v2 =	vadd.f32 v2, v5  }
0x170: {  	v10 =	vld [tilespmem:s19+$0xFFFFFF90]  }
0x171: {  	v11 =	vld [tilespmem:s29+$0xFFFFFF90];
	v4 =	vadd.f32 v8, v4;
	v2 =	vmax.f32 v2, $0.0e+00  }
0x172: {  	v13 =	vld [tilespmem:s29+$0xFFFFFE90];
	v12 =	vadd.f32 v12, v54;
	[tilespmem:s17+$0xFFFFFFE0] =	vst v2  }
0x173: {  	v2 =	vmax.f32 v4, $0.0e+00;
	v4 =	vld [tilespmem:s31+$0xFFFFFFF0]  }
0x174: {  	s21 =	simm.s32 $0x57F0;
	v12 =	vmax.f32 v12, $0.0e+00;
	v6 =	vadd.f32 v7, v6;
	[tilespmem:s17+$0xFFFFFF50] =	vst v2;
	v2 =	vld [tilespmem:s30+$0xFFFFFFF0]  }
0x175: {  	v14 =	vld [tilespmem:s19+$0xFFFFFF10];
	[tilespmem:s21+$0xFFFFFE10] =	vst v12;
	v3 =	vmax.f32 v3, $0.0e+00  }
0x176: {  	v12 =	vld [tilespmem:s19+$0xFFFFFE20];
	[tilespmem:s17+$0xFFFFFED0] =	vst v3;
	v6 =	vmax.f32 v6, $0.0e+00  }
0x177: {  	v3 =	vld [tilespmem:s31+$0xFFFFFEE0];
	[tilespmem:s17+$0xFFFFFE50] =	vst v6  }
0x178: {  	v6 =	vld [tilespmem:s31+$0xFFFFFE60]  }
0x179: {  	v7 =	vld [tilespmem:s30+$0xFFFFFE60];
	v2 =	vadd.f32 v2, v4  }
0x17a: {  	v4 =	vld [tilespmem:s19+$0xFFFFFE90]  }
0x17b: {  	v5 =	vld [tilespmem:s30+$0xFFFFFEE0];
	v2 =	vmax.f32 v2, $0.0e+00  }
0x17c: {  	v8 =	vld [tilespmem:s31+$0xFFFFFF60];
	[tilespmem:s17+$0xFFFFFFF0] =	vst v2;
	v2 =	vadd.f32 v11, v10  }
0x17d: {  	v9 =	vld [tilespmem:s30+$0xFFFFFF60]  }
0x17e: {  	v6 =	vadd.f32 v7, v6;
	v7 =	vld [tilespmem:s29+$0xFFFFFF10];
	v2 =	vmax.f32 v2, $0.0e+00  }
0x17f: {  	v56 =	vld [tilespmem:s29+$0xFFFFFE20];
	v4 =	vadd.f32 v13, v4;
	[tilespmem:s21+$0xFFFFFF90] =	vst v2  }
0x180: {  	v2 =	vmax.f32 v6, $0.0e+00;
	v6 =	vld [tilespmem:s19+$0xFFFFFFA0]  }
0x181: {  	v3 =	vadd.f32 v5, v3;
	[tilespmem:s17+$0xFFFFFE60] =	vst v2;
	v2 =	vmax.f32 v4, $0.0e+00;
	v4 =	vld [tilespmem:s29+$0xFFFFFFA0]  }
0x182: {  	v8 =	vadd.f32 v9, v8;
	v10 =	vld [tilespmem:s31+$0x0]  }
0x183: {  	v3 =	vmax.f32 v3, $0.0e+00;
	v7 =	vadd.f32 v7, v14;
	v11 =	vld [tilespmem:s30+$0x0];
	[tilespmem:s21+$0xFFFFFE90] =	vst v2  }
0x184: {  	[tilespmem:s17+$0xFFFFFEE0] =	vst v3;
	v8 =	vmax.f32 v8, $0.0e+00;
	v5 =	vld [tilespmem:s19+$0xFFFFFEA0]  }
0x185: {  	v3 =	vmax.f32 v7, $0.0e+00;
	[tilespmem:s17+$0xFFFFFF60] =	vst v8;
	v55 =	vld [tilespmem:s29+$0xFFFFFEA0]  }
0x186: {  	v8 =	vld [tilespmem:s30+$0xFFFFFEF0];
	[tilespmem:s21+$0xFFFFFF10] =	vst v3;
	v3 =	vadd.f32 v4, v6  }
0x187: {  	v59 =	vld [tilespmem:s31+$0xFFFFFF70]  }
0x188: {  	v60 =	vld [tilespmem:s30+$0xFFFFFF70];
	v3 =	vmax.f32 v3, $0.0e+00  }
0x189: {  	v2 =	vld [tilespmem:s31+$0xFFFFFE70];
	[tilespmem:s21+$0xFFFFFFA0] =	vst v3  }
0x18a: {  	v5 =	vadd.f32 v55, v5;
	v3 =	vld [tilespmem:s19+$0xFFFFFFB0]  }
0x18b: {  	v57 =	vld [tilespmem:s29+$0xFFFFFFB0]  }
0x18c: {  	v6 =	vld [tilespmem:s19+$0xFFFFFF20];
	v5 =	vmax.f32 v5, $0.0e+00  }
0x18d: {  	[tilespmem:s21+$0xFFFFFEA0] =	vst v5;
	v5 =	vld [tilespmem:s29+$0xFFFFFF20]  }
0x18e: {  	v12 =	vadd.f32 v56, v12;
	v9 =	vld [tilespmem:s19+$0xFFFFFEB0]  }
0x18f: {  	v58 =	vld [tilespmem:s29+$0xFFFFFEB0]  }
0x190: {  	v12 =	vmax.f32 v12, $0.0e+00;
	v7 =	vld [tilespmem:s30+$0xFFFFFE70];
	v3 =	vadd.f32 v57, v3  }
0x191: {  	[tilespmem:s21+$0xFFFFFE20] =	vst v12;
	v4 =	vld [tilespmem:s31+$0xFFFFFEF0]  }
0x192: {  	v5 =	vadd.f32 v5, v6;
	v6 =	vld [tilespmem:s19+$0xFFFFFE30];
	v3 =	vmax.f32 v3, $0.0e+00  }
0x193: {  	[tilespmem:s21+$0xFFFFFFB0] =	vst v3;
	v3 =	vld [tilespmem:s29+$0xFFFFFE30]  }
0x194: {  	v9 =	vadd.f32 v58, v9;
	v5 =	vmax.f32 v5, $0.0e+00;
	v61 =	vld [tilespmem:s19+$0xFFFFFFC0]  }
0x195: {  	v2 =	vadd.f32 v7, v2;
	[tilespmem:s21+$0xFFFFFF20] =	vst v5;
	v5 =	vld [tilespmem:s29+$0xFFFFFFC0]  }
0x196: {  	v7 =	vmax.f32 v9, $0.0e+00;
	v9 =	vld [tilespmem:s19+$0xFFFFFF30]  }
0x197: {  	v2 =	vmax.f32 v2, $0.0e+00;
	[tilespmem:s21+$0xFFFFFEB0] =	vst v7;
	v7 =	vld [tilespmem:s29+$0xFFFFFF30]  }
0x198: {  	[tilespmem:s17+$0xFFFFFE70] =	vst v2;
	v2 =	vld [tilespmem:s29+$0xFFFFFEC0];
	v3 =	vadd.f32 v3, v6  }
0x199: {  	v6 =	vld [tilespmem:s19+$0xFFFFFEC0]  }
0x19a: {  	v62 =	vld [tilespmem:s31+$0xFFFFFE80];
	v5 =	vadd.f32 v5, v61;
	v3 =	vmax.f32 v3, $0.0e+00  }
0x19b: {  	[tilespmem:s21+$0xFFFFFE30] =	vst v3;
	v3 =	vld [tilespmem:s30+$0xFFFFFE80]  }
0x19c: {  	v7 =	vadd.f32 v7, v9;
	v5 =	vmax.f32 v5, $0.0e+00;
	v9 =	vld [tilespmem:s19+$0xFFFFFE40]  }
0x19d: {  	[tilespmem:s21+$0xFFFFFFC0] =	vst v5;
	v5 =	vld [tilespmem:s29+$0xFFFFFE40]  }
0x19e: {  	v2 =	vadd.f32 v2, v6;
	v6 =	vmax.f32 v7, $0.0e+00;
	v7 =	vld [tilespmem:s19+$0xFFFFFFD0]  }
0x19f: {  	[tilespmem:s21+$0xFFFFFF30] =	vst v6;
	v6 =	vld [tilespmem:s29+$0xFFFFFFD0]  }
0x1a0: {  	v4 =	vadd.f32 v8, v4;
	v2 =	vmax.f32 v2, $0.0e+00;
	v8 =	vld [tilespmem:s19+$0xFFFFFF40]  }
0x1a1: {  	[tilespmem:s21+$0xFFFFFEC0] =	vst v2;
	v2 =	vld [tilespmem:s29+$0xFFFFFF40]  }
0x1a2: {  	v4 =	vmax.f32 v4, $0.0e+00;
	v5 =	vadd.f32 v5, v9;
	v9 =	vld [tilespmem:s19+$0xFFFFFED0]  }
0x1a3: {  	[tilespmem:s17+$0xFFFFFEF0] =	vst v4;
	v4 =	vld [tilespmem:s29+$0xFFFFFED0]  }
0x1a4: {  	v5 =	vmax.f32 v5, $0.0e+00;
	v6 =	vadd.f32 v6, v7;
	v7 =	vld [tilespmem:s31+$0xFFFFFF00]  }
0x1a5: {  	[tilespmem:s21+$0xFFFFFE40] =	vst v5;
	v5 =	vld [tilespmem:s30+$0xFFFFFF00]  }
0x1a6: {  	v2 =	vadd.f32 v2, v8;
	v8 =	vld [tilespmem:s19+$0xFFFFFE50];
	v6 =	vmax.f32 v6, $0.0e+00  }
0x1a7: {  	[tilespmem:s21+$0xFFFFFFD0] =	vst v6;
	v6 =	vld [tilespmem:s29+$0xFFFFFE50]  }
0x1a8: {  	v4 =	vadd.f32 v4, v9;
	v2 =	vmax.f32 v2, $0.0e+00;
	v9 =	vld [tilespmem:s19+$0xFFFFFFE0]  }
0x1a9: {  	[tilespmem:s21+$0xFFFFFF40] =	vst v2;
	v2 =	vld [tilespmem:s29+$0xFFFFFFE0]  }
0x1aa: {  	v12 =	vadd.f32 v60, v59;
	v4 =	vmax.f32 v4, $0.0e+00;
	v63 =	vld [tilespmem:s19+$0xFFFFFF50]  }
0x1ab: {  	[tilespmem:s21+$0xFFFFFED0] =	vst v4;
	v4 =	vld [tilespmem:s29+$0xFFFFFF50]  }
0x1ac: {  	v10 =	vadd.f32 v11, v10;
	v12 =	vmax.f32 v12, $0.0e+00;
	v11 =	vld [tilespmem:s29+$0xFFFFFEE0];
	v6 =	vadd.f32 v6, v8  }
0x1ad: {  	[tilespmem:s17+$0xFFFFFF70] =	vst v12;
	v8 =	vld [tilespmem:s19+$0xFFFFFEE0]  }
0x1ae: {  	v12 =	vld [tilespmem:s30+$0xFFFFFF80];
	v6 =	vmax.f32 v6, $0.0e+00;
	v2 =	vadd.f32 v2, v9  }
0x1af: {  	v10 =	vmax.f32 v10, $0.0e+00;
	v3 =	vadd.f32 v3, v62;
	v9 =	vld [tilespmem:s31+$0xFFFFFF80];
	[tilespmem:s21+$0xFFFFFE50] =	vst v6  }
0x1b0: {  	[tilespmem:s17+$0x0] =	vst v10;
	v10 =	vadd.f32 v4, v63;
	v4 =	vld [tilespmem:s19+$0xFFFFFE60];
	v2 =	vmax.f32 v2, $0.0e+00  }
0x1b1: {  	v3 =	vmax.f32 v3, $0.0e+00;
	v5 =	vadd.f32 v5, v7;
	v6 =	vld [tilespmem:s29+$0xFFFFFE60];
	[tilespmem:s21+$0xFFFFFFE0] =	vst v2  }
0x1b2: {  	[tilespmem:s17+$0xFFFFFE80] =	vst v3;
	v2 =	vadd.f32 v11, v8;
	v7 =	vmax.f32 v10, $0.0e+00;
	v3 =	vld [tilespmem:s19+$0xFFFFFFF0]  }
0x1b3: {  	v8 =	vmax.f32 v5, $0.0e+00;
	[tilespmem:s21+$0xFFFFFF50] =	vst v7;
	v5 =	vld [tilespmem:s29+$0xFFFFFFF0]  }
0x1b4: {  	[tilespmem:s17+$0xFFFFFF00] =	vst v8;
	v8 =	vmax.f32 v2, $0.0e+00;
	v7 =	vld [tilespmem:s19+$0xFFFFFF60];
	v2 =	vadd.f32 v12, v9  }
0x1b5: {  	s14 =	simm.s32 $0x19F0;
	s12 =	simm.s32 $0x4;
	s30 =	simm.s32 $0x37F0;
	[tilespmem:s21+$0xFFFFFEE0] =	vst v8;
	v8 =	vld [tilespmem:s29+$0xFFFFFF60]  }
.LBB2_7:
0x1b6: {  	v9 =	vld [tilespmem:s14+$0xFFFFFF90];
	v4 =	vadd.f32 v6, v4;
	s29 =	sadd.s32 $0x200, s29;
	v2 =	vmax.f32 v2, $0.0e+00  }
0x1b7: {  	v6 =	vld [tilespmem:s29+$0xFFFFFF90];
	[tilespmem:s17+$0xFFFFFF80] =	vst v2;
	s17 =	smov.u32 s21  }
0x1b8: {  	v2 =	vld [tilespmem:s29+$0xFFFFFE10];
	v4 =	vmax.f32 v4, $0.0e+00;
	v3 =	vadd.f32 v5, v3  }
0x1b9: {  	v5 =	vld [tilespmem:s14+$0xFFFFFE90];
	[tilespmem:s21+$0xFFFFFE60] =	vst v4  }
0x1ba: {  	v4 =	vld [tilespmem:s29+$0xFFFFFE90];
	v7 =	vadd.f32 v8, v7;
	v3 =	vmax.f32 v3, $0.0e+00  }
0x1bb: {  	v8 =	vld [tilespmem:s14+$0xFFFFFF10];
	[tilespmem:s21+$0xFFFFFFF0] =	vst v3  }
0x1bc: {  	v3 =	vadd.f32 v6, v9;
	v6 =	vmax.f32 v7, $0.0e+00;
	v7 =	vld [tilespmem:s19+$0x0]  }
0x1bd: {  	[tilespmem:s21+$0xFFFFFF60] =	vst v6;
	v6 =	vld [tilespmem:s30+$0x0]  }
0x1be: {  	s12 =	sadd.s32 $0x4, s12;
	s21 =	sadd.s32 $0x200, s21;
	v9 =	vld [tilespmem:s29+$0xFFFFFF10];
	v3 =	vmax.f32 v3, $0.0e+00  }
0x1bf: {  	p0 =	slt.u32 s12, $0x1C;
	v10 =	vld [tilespmem:s14+$0xFFFFFE10];
	v4 =	vadd.f32 v4, v5;
	[tilespmem:s21+$0xFFFFFF90] =	vst v3  }
0x1c0: {  	v3 =	vld [tilespmem:s14+$0xFFFFFFA0]  }
0x1c1: {  	v4 =	vmax.f32 v4, $0.0e+00;
	v5 =	vld [tilespmem:s29+$0xFFFFFFA0]  }
0x1c2: {  	[tilespmem:s21+$0xFFFFFE90] =	vst v4;
	v4 =	vld [tilespmem:s19+$0xFFFFFE70];
	v6 =	vadd.f32 v6, v7  }
0x1c3: {  	v7 =	vld [tilespmem:s14+$0xFFFFFEA0];
	v8 =	vadd.f32 v9, v8  }
0x1c4: {  	v2 =	vadd.f32 v2, v10;
	v9 =	vld [tilespmem:s29+$0xFFFFFEA0];
	v6 =	vmax.f32 v6, $0.0e+00  }
0x1c5: {  	v8 =	vmax.f32 v8, $0.0e+00;
	v10 =	vld [tilespmem:s30+$0xFFFFFE70];
	[tilespmem:s17+$0x0] =	vst v6  }
0x1c6: {  	v2 =	vmax.f32 v2, $0.0e+00;
	[tilespmem:s21+$0xFFFFFF10] =	vst v8;
	v3 =	vadd.f32 v5, v3;
	v5 =	vld [tilespmem:s19+$0xFFFFFEF0]  }
0x1c7: {  	[tilespmem:s21+$0xFFFFFE10] =	vst v2;
	v2 =	vld [tilespmem:s14+$0xFFFFFF20]  }
0x1c8: {  	v6 =	vld [tilespmem:s14+$0xFFFFFE20];
	v3 =	vmax.f32 v3, $0.0e+00  }
0x1c9: {  	v8 =	vld [tilespmem:s29+$0xFFFFFE20];
	v7 =	vadd.f32 v9, v7;
	[tilespmem:s21+$0xFFFFFFA0] =	vst v3  }
0x1ca: {  	v3 =	vld [tilespmem:s14+$0xFFFFFFB0];
	v4 =	vadd.f32 v10, v4  }
0x1cb: {  	v7 =	vmax.f32 v7, $0.0e+00;
	v9 =	vld [tilespmem:s29+$0xFFFFFFB0]  }
0x1cc: {  	[tilespmem:s21+$0xFFFFFEA0] =	vst v7;
	v7 =	vld [tilespmem:s29+$0xFFFFFF20];
	v4 =	vmax.f32 v4, $0.0e+00  }
0x1cd: {  	v10 =	vld [tilespmem:s14+$0xFFFFFEB0];
	[tilespmem:s17+$0xFFFFFE70] =	vst v4  }
0x1ce: {  	v4 =	vadd.f32 v8, v6;
	v6 =	vld [tilespmem:s29+$0xFFFFFEB0]  }
0x1cf: {  	v8 =	vld [tilespmem:s30+$0xFFFFFEF0]  }
0x1d0: {  	v4 =	vmax.f32 v4, $0.0e+00;
	v3 =	vadd.f32 v9, v3;
	v9 =	vld [tilespmem:s19+$0xFFFFFF70]  }
0x1d1: {  	[tilespmem:s21+$0xFFFFFE20] =	vst v4;
	v2 =	vadd.f32 v7, v2;
	v4 =	vld [tilespmem:s30+$0xFFFFFF70]  }
0x1d2: {  	v7 =	vld [tilespmem:s14+$0xFFFFFE30];
	v3 =	vmax.f32 v3, $0.0e+00  }
0x1d3: {  	v11 =	vld [tilespmem:s29+$0xFFFFFE30];
	v6 =	vadd.f32 v6, v10;
	v2 =	vmax.f32 v2, $0.0e+00;
	[tilespmem:s21+$0xFFFFFFB0] =	vst v3  }
0x1d4: {  	[tilespmem:s21+$0xFFFFFF20] =	vst v2;
	v2 =	vld [tilespmem:s14+$0xFFFFFFC0];
	v3 =	vadd.f32 v8, v5  }
0x1d5: {  	v5 =	vmax.f32 v6, $0.0e+00;
	v6 =	vld [tilespmem:s29+$0xFFFFFFC0]  }
0x1d6: {  	[tilespmem:s21+$0xFFFFFEB0] =	vst v5;
	v5 =	vld [tilespmem:s14+$0xFFFFFF30];
	v3 =	vmax.f32 v3, $0.0e+00;
	v4 =	vadd.f32 v4, v9  }
0x1d7: {  	v8 =	vld [tilespmem:s29+$0xFFFFFF30];
	[tilespmem:s17+$0xFFFFFEF0] =	vst v3  }
0x1d8: {  	v3 =	vadd.f32 v11, v7;
	v7 =	vld [tilespmem:s14+$0xFFFFFEC0];
	v4 =	vmax.f32 v4, $0.0e+00  }
0x1d9: {  	v9 =	vld [tilespmem:s29+$0xFFFFFEC0];
	[tilespmem:s17+$0xFFFFFF70] =	vst v4  }
0x1da: {  	v3 =	vmax.f32 v3, $0.0e+00;
	v2 =	vadd.f32 v6, v2;
	v4 =	vld [tilespmem:s19+$0xFFFFFE80]  }
0x1db: {  	[tilespmem:s21+$0xFFFFFE30] =	vst v3;
	v3 =	vld [tilespmem:s30+$0xFFFFFE80]  }
0x1dc: {  	v6 =	vld [tilespmem:s14+$0xFFFFFE40];
	v5 =	vadd.f32 v8, v5;
	v2 =	vmax.f32 v2, $0.0e+00  }
0x1dd: {  	v8 =	vld [tilespmem:s29+$0xFFFFFE40];
	[tilespmem:s21+$0xFFFFFFC0] =	vst v2  }
0x1de: {  	v2 =	vadd.f32 v9, v7;
	v5 =	vmax.f32 v5, $0.0e+00;
	v7 =	vld [tilespmem:s14+$0xFFFFFFD0]  }
0x1df: {  	[tilespmem:s21+$0xFFFFFF30] =	vst v5;
	v5 =	vld [tilespmem:s29+$0xFFFFFFD0]  }
0x1e0: {  	v2 =	vmax.f32 v2, $0.0e+00;
	v9 =	vld [tilespmem:s14+$0xFFFFFF40];
	v3 =	vadd.f32 v3, v4  }
0x1e1: {  	[tilespmem:s21+$0xFFFFFEC0] =	vst v2;
	v2 =	vld [tilespmem:s29+$0xFFFFFF40]  }
0x1e2: {  	v4 =	vadd.f32 v8, v6;
	v6 =	vld [tilespmem:s14+$0xFFFFFED0];
	v3 =	vmax.f32 v3, $0.0e+00  }
0x1e3: {  	v8 =	vld [tilespmem:s29+$0xFFFFFED0];
	[tilespmem:s17+$0xFFFFFE80] =	vst v3  }
0x1e4: {  	v3 =	vmax.f32 v4, $0.0e+00;
	v4 =	vadd.f32 v5, v7;
	v5 =	vld [tilespmem:s19+$0xFFFFFF00]  }
0x1e5: {  	[tilespmem:s21+$0xFFFFFE40] =	vst v3;
	v3 =	vld [tilespmem:s30+$0xFFFFFF00]  }
0x1e6: {  	v7 =	vld [tilespmem:s14+$0xFFFFFE50];
	v2 =	vadd.f32 v2, v9;
	v4 =	vmax.f32 v4, $0.0e+00  }
0x1e7: {  	v9 =	vld [tilespmem:s29+$0xFFFFFE50];
	[tilespmem:s21+$0xFFFFFFD0] =	vst v4  }
0x1e8: {  	v4 =	vadd.f32 v8, v6;
	v2 =	vmax.f32 v2, $0.0e+00;
	v6 =	vld [tilespmem:s14+$0xFFFFFFE0]  }
0x1e9: {  	[tilespmem:s21+$0xFFFFFF40] =	vst v2;
	v2 =	vld [tilespmem:s29+$0xFFFFFFE0]  }
0x1ea: {  	v4 =	vmax.f32 v4, $0.0e+00;
	v8 =	vld [tilespmem:s14+$0xFFFFFF50];
	v3 =	vadd.f32 v3, v5  }
0x1eb: {  	[tilespmem:s21+$0xFFFFFED0] =	vst v4;
	v5 =	vld [tilespmem:s29+$0xFFFFFF50]  }
0x1ec: {  	v4 =	vadd.f32 v9, v7;
	v7 =	vld [tilespmem:s14+$0xFFFFFEE0];
	v3 =	vmax.f32 v3, $0.0e+00  }
0x1ed: {  	v9 =	vld [tilespmem:s29+$0xFFFFFEE0];
	[tilespmem:s17+$0xFFFFFF00] =	vst v3  }
0x1ee: {  	v3 =	vmax.f32 v4, $0.0e+00;
	v2 =	vadd.f32 v2, v6;
	v10 =	vld [tilespmem:s19+$0xFFFFFF80];
	s19 =	smov.u32 s14  }
0x1ef: {  	[tilespmem:s21+$0xFFFFFE50] =	vst v3;
	v11 =	vld [tilespmem:s30+$0xFFFFFF80];
	s30 =	smov.u32 s29  }
0x1f0: {  	v4 =	vld [tilespmem:s14+$0xFFFFFE60];
	v3 =	vadd.f32 v5, v8;
	v2 =	vmax.f32 v2, $0.0e+00  }
.Ltmp2:
0x1f1: {  	v6 =	vld [tilespmem:s29+$0xFFFFFE60];
	[tilespmem:s21+$0xFFFFFFE0] =	vst v2;
	(pc) =	sbr.rel @p0 .LBB2_7-.Ltmp2, $4  }
0x1f2: {  	v2 =	vadd.f32 v9, v7;
	v5 =	vmax.f32 v3, $0.0e+00;
	v3 =	vld [tilespmem:s14+$0xFFFFFFF0]  }
0x1f3: {  	[tilespmem:s21+$0xFFFFFF50] =	vst v5;
	v5 =	vld [tilespmem:s29+$0xFFFFFFF0]  }
0x1f4: {  	v8 =	vmax.f32 v2, $0.0e+00;
	v7 =	vld [tilespmem:s14+$0xFFFFFF60];
	v2 =	vadd.f32 v11, v10  }
0x1f5: {  	s14 =	sadd.s32 $0x200, s14;
	[tilespmem:s21+$0xFFFFFEE0] =	vst v8;
	v8 =	vld [tilespmem:s29+$0xFFFFFF60]  }
0x1f6: {  	v4 =	vadd.f32 v6, v4;
	_ =	sdelay $0x1  }
0x1f7: {  	v4 =	vmax.f32 v4, $0.0e+00  }
0x1f8: {  	[tilespmem:s21+$0xFFFFFE60] =	vst v4  }
0x1f9: {  	v4 =	vadd.f32 v8, v7;
	v6 =	vld [tilespmem:s19+$0xFFFFFE70]  }
0x1fa: {  	v7 =	vld [tilespmem:s30+$0xFFFFFE70]  }
0x1fb: {  	v8 =	vld [tilespmem:s19+$0xFFFFFEF0];
	v4 =	vmax.f32 v4, $0.0e+00  }
0x1fc: {  	[tilespmem:s21+$0xFFFFFF60] =	vst v4;
	v4 =	vld [tilespmem:s30+$0xFFFFFEF0]  }
0x1fd: {  	v3 =	vadd.f32 v5, v3;
	v5 =	vld [tilespmem:s19+$0xFFFFFF70]  }
0x1fe: {  	v9 =	vld [tilespmem:s30+$0xFFFFFF70]  }
0x1ff: {  	v3 =	vmax.f32 v3, $0.0e+00;
	v6 =	vadd.f32 v7, v6  }
0x200: {  	[tilespmem:s21+$0xFFFFFFF0] =	vst v3  }
0x201: {  	v3 =	vld [tilespmem:s19+$0x0];
	v6 =	vmax.f32 v6, $0.0e+00;
	v4 =	vadd.f32 v4, v8  }
0x202: {  	v7 =	vld [tilespmem:s30+$0x0];
	[tilespmem:s21+$0xFFFFFE70] =	vst v6  }
0x203: {  	v5 =	vadd.f32 v9, v5;
	v6 =	vld [tilespmem:s19+$0xFFFFFE80];
	v4 =	vmax.f32 v4, $0.0e+00  }
0x204: {  	[tilespmem:s21+$0xFFFFFEF0] =	vst v4;
	v4 =	vld [tilespmem:s30+$0xFFFFFE80]  }
0x205: {  	v5 =	vmax.f32 v5, $0.0e+00;
	v8 =	vld [tilespmem:s19+$0xFFFFFF00]  }
0x206: {  	[tilespmem:s21+$0xFFFFFF70] =	vst v5;
	v5 =	vld [tilespmem:s30+$0xFFFFFF00]  }
0x207: {  	v9 =	vld [tilespmem:s19+$0xFFFFFF80]  }
0x208: {  	v10 =	vld [tilespmem:s30+$0xFFFFFF80];
	_ =	sdelay $0x1  }
0x209: {  	v3 =	vadd.f32 v7, v3  }
0x20a: {  	v2 =	vmax.f32 v2, $0.0e+00;
	v4 =	vadd.f32 v4, v6  }
0x20b: {  	[tilespmem:s17+$0xFFFFFF80] =	vst v2;
	v2 =	vmax.f32 v3, $0.0e+00;
	v3 =	vadd.f32 v5, v8  }
0x20c: {  	[tilespmem:s21+$0x0] =	vst v2;
	v2 =	vmax.f32 v4, $0.0e+00;
	v4 =	vadd.f32 v10, v9  }
0x20d: {  	[tilespmem:s21+$0xFFFFFE80] =	vst v2;
	v2 =	vmax.f32 v3, $0.0e+00  }
0x20e: {  	[tilespmem:s21+$0xFFFFFF00] =	vst v2;
	v2 =	vmax.f32 v4, $0.0e+00  }
0x20f: {  	[tilespmem:s21+$0xFFFFFF80] =	vst v2  }
0x210: {  	v2 =	vld [tilespmem:$0x280];
	_ =	sdelay $0x7  }
0x211: {  	[tilespmem:v2+s3+$0x0] =	vst.idx.add.f32.msk $0xffff, v1  }
0x212: {  	v2 =	vld [tilespmem:$0x290];
	_ =	sdelay $0x7  }
0x213: {  	s12 =	simm.s32 $0x5400;
	[tilespmem:v2+s3+$0x0] =	vst.idx.add.f32.msk $0xffff, v1  }
0x214: {  	[spmem:s1] =	stream.indirect.scatter.add.f32 [tilespmem:s12], [sflag:$0x5], $0x80, s22, s24, $0xb8;
	[tilespmem:$0x1CC00] =	vst v63  }
0x215: {  	_ =	swait.ge [sflag:s28], $0x1000  }
0x216: {  	[sflag:s28] =	ssyncset.done $0x0  }
0x217: {  	[sflag:s28] =	ssyncadd.s32 $0xFFFFF000  }
0x218: {  	_ =	swait.ge [sflag:s28], $0x1000  }
0x219: {  	[sflag:s28] =	ssyncset.done $0x0  }
0x21a: {  	[sflag:s28] =	ssyncadd.s32 $0xFFFFF000  }
0x21b: {  	_ =	swait.ge [sflag:s23], $0x80  }
0x21c: {  	[sflag:s23] =	ssyncset.done $0x0  }
0x21d: {  	[sflag:s23] =	ssyncadd.s32 $0xFFFFFF80  }
0x21e: {  	_ =	swait.ge [sflag:s23], $0x80  }
0x21f: {  	s31 =	simm.s32 $0x1400;
	[sflag:s23] =	ssyncset.done $0x0  }
0x220: {  	s14 =	simm.s32 $0x180;
	s19 =	sadd.s32 $0x200, s18;
	[sflag:s23] =	ssyncadd.s32 $0xFFFFFF80  }
0x221: {  	[tilespmem:s31], [sflag:$0x3] =	stream.indirect.gather [hbm4b:s4+s24], $0x80, s14, s24, $0xb8;
	[tilespmem:$0x1CC00] =	vst v63  }
0x222: {  	s14 =	sand.u32 $0x1FC00, s19  }
0x223: {  	s17 =	simm.s32 $0x3400;
	s12 =	sand.u32 $0x200, s19;
	s14 =	sadd.s32 s8, s14  }
0x224: {  	[tilespmem:s17], [sflag:$0x3] =	stream.indirect.gather [hbm4b:s5+s24], $0x80, s13, s24, $0xb8;
	[tilespmem:$0x1CC00] =	vst v63  }
0x225: {  	s12 =	sor.u32 s12, s14;
	_ =	swait.ge [sflag:s15], $0x1000  }
0x226: {  	s12 =	sshrl.u32 s12, $0x3;
	[sflag:s15] =	ssyncset.done $0x0  }
0x227: {  	s21 =	sadd.s32 s6, s12;
	[sflag:s15] =	ssyncadd.s32 $0xFFFFF000  }
0x228: {  	[tilespmem:s2], [sflag:$0x1] =	stream.linear.gather [hbm4b:s21+s2], $0x80, $0x38;
	[tilespmem:$0x1CC00] =	vst v63  }
0x229: {  	s14 =	simm.s32 $0x500;
	s12 =	sadd.s32 s7, s12  }
0x22a: {  	[tilespmem:s20], [sflag:$0x1] =	stream.linear.gather [hbm4b:s12+s2], $0x80, $0x38;
	[tilespmem:$0x1CC00] =	vst v63  }
0x22b: {  	s30 =	simm.s32 $0x2500;
	v2 =	vld [tilespmem:s14+$0x80]  }
0x22c: {  	v3 =	vld [tilespmem:s30+$0x80];
	_ =	sdelay $0x4  }
0x22d: {  	v4 =	vld [tilespmem:s14+$0xFFFFFF80];
	v2 =	vadd.f32 v3, v2  }
0x22e: {  	v3 =	vld [tilespmem:s30+$0xFFFFFF80]  }
0x22f: {  	s17 =	simm.s32 $0x4500;
	v5 =	vld [tilespmem:s30+$0xFFFFFF00];
	v2 =	vmax.f32 v2, $0.0e+00  }
0x230: {  	v6 =	vld [tilespmem:s14+$0xFFFFFF00];
	[tilespmem:s17+$0x80] =	vst v2  }
0x231: {  	v2 =	vld [tilespmem:s14+$0x90]  }
0x232: {  	v7 =	vld [tilespmem:s30+$0x90]  }
0x233: {  	v8 =	vld [tilespmem:s14+$0x0];
	v3 =	vadd.f32 v3, v4  }
0x234: {  	v4 =	vld [tilespmem:s30+$0x0]  }
0x235: {  	v5 =	vadd.f32 v5, v6;
	v3 =	vmax.f32 v3, $0.0e+00  }
0x236: {  	[tilespmem:s17+$0xFFFFFF80] =	vst v3  }
0x237: {  	v5 =	vmax.f32 v5, $0.0e+00;
	v3 =	vld [tilespmem:s14+$0xFFFFFF90];
	v2 =	vadd.f32 v7, v2  }
0x238: {  	[tilespmem:s17+$0xFFFFFF00] =	vst v5;
	v6 =	vld [tilespmem:s30+$0xFFFFFF90]  }
0x239: {  	v5 =	vld [tilespmem:s14+$0xFFFFFF10];
	v4 =	vadd.f32 v4, v8;
	v2 =	vmax.f32 v2, $0.0e+00  }
0x23a: {  	v7 =	vld [tilespmem:s30+$0xFFFFFF10];
	[tilespmem:s17+$0x90] =	vst v2  }
0x23b: {  	v2 =	vmax.f32 v4, $0.0e+00;
	v4 =	vld [tilespmem:s14+$0xA0]  }
0x23c: {  	[tilespmem:s17+$0x0] =	vst v2;
	v2 =	vld [tilespmem:s30+$0xA0]  }
0x23d: {  	v8 =	vld [tilespmem:s14+$0x10];
	v3 =	vadd.f32 v6, v3  }
0x23e: {  	v6 =	vld [tilespmem:s30+$0x10]  }
0x23f: {  	v3 =	vmax.f32 v3, $0.0e+00  }
0x240: {  	v5 =	vadd.f32 v7, v5;
	[tilespmem:s17+$0xFFFFFF90] =	vst v3  }
0x241: {  	v3 =	vld [tilespmem:s14+$0xFFFFFFA0];
	v2 =	vadd.f32 v2, v4  }
0x242: {  	v5 =	vmax.f32 v5, $0.0e+00;
	v4 =	vld [tilespmem:s30+$0xFFFFFFA0]  }
0x243: {  	[tilespmem:s17+$0xFFFFFF10] =	vst v5;
	v5 =	vadd.f32 v6, v8;
	v2 =	vmax.f32 v2, $0.0e+00  }
0x244: {  	[tilespmem:s17+$0xA0] =	vst v2  }
0x245: {  	v2 =	vmax.f32 v5, $0.0e+00;
	v5 =	vld [tilespmem:s14+$0xB0]  }
0x246: {  	[tilespmem:s17+$0x10] =	vst v2;
	v2 =	vld [tilespmem:s30+$0xB0]  }
0x247: {  	v3 =	vadd.f32 v4, v3;
	v4 =	vld [tilespmem:s14+$0x20]  }
0x248: {  	v8 =	vld [tilespmem:s30+$0x20]  }
0x249: {  	v7 =	vld [tilespmem:s30+$0xFFFFFF20];
	v3 =	vmax.f32 v3, $0.0e+00  }
0x24a: {  	v6 =	vld [tilespmem:s14+$0xFFFFFF20];
	[tilespmem:s17+$0xFFFFFFA0] =	vst v3  }
0x24b: {  	v3 =	vld [tilespmem:s14+$0xFFFFFFB0];
	v2 =	vadd.f32 v2, v5  }
0x24c: {  	v5 =	vld [tilespmem:s30+$0xFFFFFFB0]  }
0x24d: {  	v4 =	vadd.f32 v8, v4;
	v2 =	vmax.f32 v2, $0.0e+00  }
0x24e: {  	[tilespmem:s17+$0xB0] =	vst v2  }
0x24f: {  	v6 =	vadd.f32 v7, v6;
	v2 =	vmax.f32 v4, $0.0e+00;
	v4 =	vld [tilespmem:s14+$0xC0]  }
0x250: {  	[tilespmem:s17+$0x20] =	vst v2;
	v2 =	vld [tilespmem:s30+$0xC0]  }
0x251: {  	v6 =	vmax.f32 v6, $0.0e+00;
	v3 =	vadd.f32 v5, v3;
	v5 =	vld [tilespmem:s14+$0x30]  }
0x252: {  	[tilespmem:s17+$0xFFFFFF20] =	vst v6;
	v8 =	vld [tilespmem:s30+$0x30]  }
0x253: {  	v6 =	vld [tilespmem:s14+$0xFFFFFF30];
	v3 =	vmax.f32 v3, $0.0e+00  }
0x254: {  	v7 =	vld [tilespmem:s30+$0xFFFFFF30];
	[tilespmem:s17+$0xFFFFFFB0] =	vst v3  }
0x255: {  	v3 =	vld [tilespmem:s14+$0xFFFFFFC0];
	v2 =	vadd.f32 v2, v4  }
0x256: {  	v4 =	vld [tilespmem:s30+$0xFFFFFFC0]  }
0x257: {  	s29 =	simm.s32 $0x2700;
	v5 =	vadd.f32 v8, v5;
	v2 =	vmax.f32 v2, $0.0e+00  }
0x258: {  	v12 =	vld [tilespmem:s29+$0xFFFFFF00];
	[tilespmem:s17+$0xC0] =	vst v2  }
0x259: {  	v2 =	vmax.f32 v5, $0.0e+00;
	v5 =	vld [tilespmem:s14+$0xD0]  }
0x25a: {  	v6 =	vadd.f32 v7, v6;
	[tilespmem:s17+$0x30] =	vst v2;
	v2 =	vld [tilespmem:s30+$0xD0]  }
0x25b: {  	v3 =	vadd.f32 v4, v3;
	v4 =	vld [tilespmem:s14+$0x40]  }
0x25c: {  	s19 =	simm.s32 $0x700;
	v6 =	vmax.f32 v6, $0.0e+00;
	v8 =	vld [tilespmem:s30+$0x40]  }
0x25d: {  	v54 =	vld [tilespmem:s19+$0xFFFFFF00];
	[tilespmem:s17+$0xFFFFFF30] =	vst v6  }
0x25e: {  	v6 =	vld [tilespmem:s14+$0xFFFFFF40]  }
0x25f: {  	v7 =	vld [tilespmem:s30+$0xFFFFFF40];
	v2 =	vadd.f32 v2, v5  }
0x260: {  	v10 =	vld [tilespmem:s19+$0x80]  }
0x261: {  	v11 =	vld [tilespmem:s29+$0x80];
	v4 =	vadd.f32 v8, v4;
	v2 =	vmax.f32 v2, $0.0e+00  }
0x262: {  	v13 =	vld [tilespmem:s29+$0xFFFFFF80];
	v12 =	vadd.f32 v12, v54;
	[tilespmem:s17+$0xD0] =	vst v2  }
0x263: {  	v2 =	vmax.f32 v4, $0.0e+00;
	v4 =	vld [tilespmem:s14+$0xE0]  }
0x264: {  	s21 =	simm.s32 $0x4700;
	v12 =	vmax.f32 v12, $0.0e+00;
	v6 =	vadd.f32 v7, v6;
	[tilespmem:s17+$0x40] =	vst v2;
	v2 =	vld [tilespmem:s30+$0xE0]  }
0x265: {  	v14 =	vld [tilespmem:s19+$0x0];
	[tilespmem:s21+$0xFFFFFF00] =	vst v12;
	v3 =	vmax.f32 v3, $0.0e+00  }
0x266: {  	v12 =	vld [tilespmem:s19+$0xFFFFFF10];
	[tilespmem:s17+$0xFFFFFFC0] =	vst v3;
	v6 =	vmax.f32 v6, $0.0e+00  }
0x267: {  	v3 =	vld [tilespmem:s14+$0xFFFFFFD0];
	[tilespmem:s17+$0xFFFFFF40] =	vst v6  }
0x268: {  	v6 =	vld [tilespmem:s14+$0xFFFFFF50]  }
0x269: {  	v7 =	vld [tilespmem:s30+$0xFFFFFF50];
	v2 =	vadd.f32 v2, v4  }
0x26a: {  	v4 =	vld [tilespmem:s19+$0xFFFFFF80]  }
0x26b: {  	v5 =	vld [tilespmem:s30+$0xFFFFFFD0];
	v2 =	vmax.f32 v2, $0.0e+00  }
0x26c: {  	v8 =	vld [tilespmem:s14+$0x50];
	[tilespmem:s17+$0xE0] =	vst v2;
	v2 =	vadd.f32 v11, v10  }
0x26d: {  	v9 =	vld [tilespmem:s30+$0x50]  }
0x26e: {  	v6 =	vadd.f32 v7, v6;
	v7 =	vld [tilespmem:s29+$0x0];
	v2 =	vmax.f32 v2, $0.0e+00  }
0x26f: {  	v56 =	vld [tilespmem:s29+$0xFFFFFF10];
	v4 =	vadd.f32 v13, v4;
	[tilespmem:s21+$0x80] =	vst v2  }
0x270: {  	v2 =	vmax.f32 v6, $0.0e+00;
	v6 =	vld [tilespmem:s19+$0x90]  }
0x271: {  	v3 =	vadd.f32 v5, v3;
	[tilespmem:s17+$0xFFFFFF50] =	vst v2;
	v2 =	vmax.f32 v4, $0.0e+00;
	v4 =	vld [tilespmem:s29+$0x90]  }
0x272: {  	v8 =	vadd.f32 v9, v8;
	v10 =	vld [tilespmem:s14+$0xF0]  }
0x273: {  	v3 =	vmax.f32 v3, $0.0e+00;
	v7 =	vadd.f32 v7, v14;
	v11 =	vld [tilespmem:s30+$0xF0];
	[tilespmem:s21+$0xFFFFFF80] =	vst v2  }
0x274: {  	[tilespmem:s17+$0xFFFFFFD0] =	vst v3;
	v8 =	vmax.f32 v8, $0.0e+00;
	v5 =	vld [tilespmem:s19+$0xFFFFFF90]  }
0x275: {  	v3 =	vmax.f32 v7, $0.0e+00;
	[tilespmem:s17+$0x50] =	vst v8;
	v55 =	vld [tilespmem:s29+$0xFFFFFF90]  }
0x276: {  	v8 =	vld [tilespmem:s30+$0xFFFFFFE0];
	[tilespmem:s21+$0x0] =	vst v3;
	v3 =	vadd.f32 v4, v6  }
0x277: {  	v59 =	vld [tilespmem:s14+$0x60]  }
0x278: {  	v60 =	vld [tilespmem:s30+$0x60];
	v3 =	vmax.f32 v3, $0.0e+00  }
0x279: {  	v2 =	vld [tilespmem:s14+$0xFFFFFF60];
	[tilespmem:s21+$0x90] =	vst v3  }
0x27a: {  	v5 =	vadd.f32 v55, v5;
	v3 =	vld [tilespmem:s19+$0xA0]  }
0x27b: {  	v57 =	vld [tilespmem:s29+$0xA0]  }
0x27c: {  	v6 =	vld [tilespmem:s19+$0x10];
	v5 =	vmax.f32 v5, $0.0e+00  }
0x27d: {  	[tilespmem:s21+$0xFFFFFF90] =	vst v5;
	v5 =	vld [tilespmem:s29+$0x10]  }
0x27e: {  	v12 =	vadd.f32 v56, v12;
	v9 =	vld [tilespmem:s19+$0xFFFFFFA0]  }
0x27f: {  	v58 =	vld [tilespmem:s29+$0xFFFFFFA0]  }
0x280: {  	v12 =	vmax.f32 v12, $0.0e+00;
	v7 =	vld [tilespmem:s30+$0xFFFFFF60];
	v3 =	vadd.f32 v57, v3  }
0x281: {  	[tilespmem:s21+$0xFFFFFF10] =	vst v12;
	v4 =	vld [tilespmem:s14+$0xFFFFFFE0]  }
0x282: {  	v5 =	vadd.f32 v5, v6;
	v6 =	vld [tilespmem:s19+$0xFFFFFF20];
	v3 =	vmax.f32 v3, $0.0e+00  }
0x283: {  	[tilespmem:s21+$0xA0] =	vst v3;
	v3 =	vld [tilespmem:s29+$0xFFFFFF20]  }
0x284: {  	v9 =	vadd.f32 v58, v9;
	v5 =	vmax.f32 v5, $0.0e+00;
	v61 =	vld [tilespmem:s19+$0xB0]  }
0x285: {  	v2 =	vadd.f32 v7, v2;
	[tilespmem:s21+$0x10] =	vst v5;
	v5 =	vld [tilespmem:s29+$0xB0]  }
0x286: {  	v7 =	vmax.f32 v9, $0.0e+00;
	v9 =	vld [tilespmem:s19+$0x20]  }
0x287: {  	v2 =	vmax.f32 v2, $0.0e+00;
	[tilespmem:s21+$0xFFFFFFA0] =	vst v7;
	v7 =	vld [tilespmem:s29+$0x20]  }
0x288: {  	[tilespmem:s17+$0xFFFFFF60] =	vst v2;
	v2 =	vld [tilespmem:s29+$0xFFFFFFB0];
	v3 =	vadd.f32 v3, v6  }
0x289: {  	v6 =	vld [tilespmem:s19+$0xFFFFFFB0]  }
0x28a: {  	v62 =	vld [tilespmem:s14+$0xFFFFFF70];
	v5 =	vadd.f32 v5, v61;
	v3 =	vmax.f32 v3, $0.0e+00  }
0x28b: {  	[tilespmem:s21+$0xFFFFFF20] =	vst v3;
	v3 =	vld [tilespmem:s30+$0xFFFFFF70]  }
0x28c: {  	v7 =	vadd.f32 v7, v9;
	v5 =	vmax.f32 v5, $0.0e+00;
	v9 =	vld [tilespmem:s19+$0xFFFFFF30]  }
0x28d: {  	[tilespmem:s21+$0xB0] =	vst v5;
	v5 =	vld [tilespmem:s29+$0xFFFFFF30]  }
0x28e: {  	v2 =	vadd.f32 v2, v6;
	v6 =	vmax.f32 v7, $0.0e+00;
	v7 =	vld [tilespmem:s19+$0xC0]  }
0x28f: {  	[tilespmem:s21+$0x20] =	vst v6;
	v6 =	vld [tilespmem:s29+$0xC0]  }
0x290: {  	v4 =	vadd.f32 v8, v4;
	v2 =	vmax.f32 v2, $0.0e+00;
	v8 =	vld [tilespmem:s19+$0x30]  }
0x291: {  	[tilespmem:s21+$0xFFFFFFB0] =	vst v2;
	v2 =	vld [tilespmem:s29+$0x30]  }
0x292: {  	v4 =	vmax.f32 v4, $0.0e+00;
	v5 =	vadd.f32 v5, v9;
	v9 =	vld [tilespmem:s19+$0xFFFFFFC0]  }
0x293: {  	[tilespmem:s17+$0xFFFFFFE0] =	vst v4;
	v4 =	vld [tilespmem:s29+$0xFFFFFFC0]  }
0x294: {  	v5 =	vmax.f32 v5, $0.0e+00;
	v6 =	vadd.f32 v6, v7;
	v7 =	vld [tilespmem:s14+$0xFFFFFFF0]  }
0x295: {  	[tilespmem:s21+$0xFFFFFF30] =	vst v5;
	v5 =	vld [tilespmem:s30+$0xFFFFFFF0]  }
0x296: {  	v2 =	vadd.f32 v2, v8;
	v8 =	vld [tilespmem:s19+$0xFFFFFF40];
	v6 =	vmax.f32 v6, $0.0e+00  }
0x297: {  	[tilespmem:s21+$0xC0] =	vst v6;
	v6 =	vld [tilespmem:s29+$0xFFFFFF40]  }
0x298: {  	v4 =	vadd.f32 v4, v9;
	v2 =	vmax.f32 v2, $0.0e+00;
	v9 =	vld [tilespmem:s19+$0xD0]  }
0x299: {  	[tilespmem:s21+$0x30] =	vst v2;
	v2 =	vld [tilespmem:s29+$0xD0]  }
0x29a: {  	v12 =	vadd.f32 v60, v59;
	v4 =	vmax.f32 v4, $0.0e+00;
	v63 =	vld [tilespmem:s19+$0x40]  }
0x29b: {  	[tilespmem:s21+$0xFFFFFFC0] =	vst v4;
	v4 =	vld [tilespmem:s29+$0x40]  }
0x29c: {  	v10 =	vadd.f32 v11, v10;
	v12 =	vmax.f32 v12, $0.0e+00;
	v11 =	vld [tilespmem:s29+$0xFFFFFFD0];
	v6 =	vadd.f32 v6, v8  }
0x29d: {  	[tilespmem:s17+$0x60] =	vst v12;
	v8 =	vld [tilespmem:s19+$0xFFFFFFD0]  }
0x29e: {  	v12 =	vld [tilespmem:s30+$0x70];
	v6 =	vmax.f32 v6, $0.0e+00;
	v2 =	vadd.f32 v2, v9  }
0x29f: {  	v10 =	vmax.f32 v10, $0.0e+00;
	v3 =	vadd.f32 v3, v62;
	v9 =	vld [tilespmem:s14+$0x70];
	[tilespmem:s21+$0xFFFFFF40] =	vst v6  }
0x2a0: {  	[tilespmem:s17+$0xF0] =	vst v10;
	v10 =	vadd.f32 v4, v63;
	v4 =	vld [tilespmem:s19+$0xFFFFFF50];
	v2 =	vmax.f32 v2, $0.0e+00  }
0x2a1: {  	v3 =	vmax.f32 v3, $0.0e+00;
	v5 =	vadd.f32 v5, v7;
	v6 =	vld [tilespmem:s29+$0xFFFFFF50];
	[tilespmem:s21+$0xD0] =	vst v2  }
0x2a2: {  	[tilespmem:s17+$0xFFFFFF70] =	vst v3;
	v2 =	vadd.f32 v11, v8;
	v7 =	vmax.f32 v10, $0.0e+00;
	v3 =	vld [tilespmem:s19+$0xE0]  }
0x2a3: {  	v8 =	vmax.f32 v5, $0.0e+00;
	[tilespmem:s21+$0x40] =	vst v7;
	v5 =	vld [tilespmem:s29+$0xE0]  }
0x2a4: {  	[tilespmem:s17+$0xFFFFFFF0] =	vst v8;
	v8 =	vmax.f32 v2, $0.0e+00;
	v7 =	vld [tilespmem:s19+$0x50];
	v2 =	vadd.f32 v12, v9  }
0x2a5: {  	s12 =	simm.s32 $0x4;
	s30 =	simm.s32 $0x2700;
	s14 =	simm.s32 $0x900;
	[tilespmem:s21+$0xFFFFFFD0] =	vst v8;
	v8 =	vld [tilespmem:s29+$0x50]  }
.LBB2_9:
0x2a6: {  	v9 =	vld [tilespmem:s14+$0x80];
	v4 =	vadd.f32 v6, v4;
	s29 =	sadd.s32 $0x200, s29;
	v2 =	vmax.f32 v2, $0.0e+00  }
0x2a7: {  	v6 =	vld [tilespmem:s29+$0x80];
	[tilespmem:s17+$0x70] =	vst v2;
	s17 =	smov.u32 s21  }
0x2a8: {  	v2 =	vld [tilespmem:s29+$0xFFFFFF00];
	v4 =	vmax.f32 v4, $0.0e+00;
	v3 =	vadd.f32 v5, v3  }
0x2a9: {  	v5 =	vld [tilespmem:s14+$0xFFFFFF80];
	[tilespmem:s21+$0xFFFFFF50] =	vst v4  }
0x2aa: {  	v4 =	vld [tilespmem:s29+$0xFFFFFF80];
	v7 =	vadd.f32 v8, v7;
	v3 =	vmax.f32 v3, $0.0e+00  }
0x2ab: {  	v8 =	vld [tilespmem:s14+$0x0];
	[tilespmem:s21+$0xE0] =	vst v3  }
0x2ac: {  	v3 =	vadd.f32 v6, v9;
	v6 =	vmax.f32 v7, $0.0e+00;
	v7 =	vld [tilespmem:s19+$0xF0]  }
0x2ad: {  	[tilespmem:s21+$0x50] =	vst v6;
	v6 =	vld [tilespmem:s30+$0xF0]  }
0x2ae: {  	s12 =	sadd.s32 $0x4, s12;
	s21 =	sadd.s32 $0x200, s21;
	v9 =	vld [tilespmem:s29+$0x0];
	v3 =	vmax.f32 v3, $0.0e+00  }
0x2af: {  	p0 =	slt.u32 s12, $0x1C;
	v10 =	vld [tilespmem:s14+$0xFFFFFF00];
	v4 =	vadd.f32 v4, v5;
	[tilespmem:s21+$0x80] =	vst v3  }
0x2b0: {  	v3 =	vld [tilespmem:s14+$0x90]  }
0x2b1: {  	v4 =	vmax.f32 v4, $0.0e+00;
	v5 =	vld [tilespmem:s29+$0x90]  }
0x2b2: {  	[tilespmem:s21+$0xFFFFFF80] =	vst v4;
	v4 =	vld [tilespmem:s19+$0xFFFFFF60];
	v6 =	vadd.f32 v6, v7  }
0x2b3: {  	v7 =	vld [tilespmem:s14+$0xFFFFFF90];
	v8 =	vadd.f32 v9, v8  }
0x2b4: {  	v2 =	vadd.f32 v2, v10;
	v9 =	vld [tilespmem:s29+$0xFFFFFF90];
	v6 =	vmax.f32 v6, $0.0e+00  }
0x2b5: {  	v8 =	vmax.f32 v8, $0.0e+00;
	v10 =	vld [tilespmem:s30+$0xFFFFFF60];
	[tilespmem:s17+$0xF0] =	vst v6  }
0x2b6: {  	v2 =	vmax.f32 v2, $0.0e+00;
	[tilespmem:s21+$0x0] =	vst v8;
	v3 =	vadd.f32 v5, v3;
	v5 =	vld [tilespmem:s19+$0xFFFFFFE0]  }
0x2b7: {  	[tilespmem:s21+$0xFFFFFF00] =	vst v2;
	v2 =	vld [tilespmem:s14+$0x10]  }
0x2b8: {  	v6 =	vld [tilespmem:s14+$0xFFFFFF10];
	v3 =	vmax.f32 v3, $0.0e+00  }
0x2b9: {  	v8 =	vld [tilespmem:s29+$0xFFFFFF10];
	v7 =	vadd.f32 v9, v7;
	[tilespmem:s21+$0x90] =	vst v3  }
0x2ba: {  	v3 =	vld [tilespmem:s14+$0xA0];
	v4 =	vadd.f32 v10, v4  }
0x2bb: {  	v7 =	vmax.f32 v7, $0.0e+00;
	v9 =	vld [tilespmem:s29+$0xA0]  }
0x2bc: {  	[tilespmem:s21+$0xFFFFFF90] =	vst v7;
	v7 =	vld [tilespmem:s29+$0x10];
	v4 =	vmax.f32 v4, $0.0e+00  }
0x2bd: {  	v10 =	vld [tilespmem:s14+$0xFFFFFFA0];
	[tilespmem:s17+$0xFFFFFF60] =	vst v4  }
0x2be: {  	v4 =	vadd.f32 v8, v6;
	v6 =	vld [tilespmem:s29+$0xFFFFFFA0]  }
0x2bf: {  	v8 =	vld [tilespmem:s30+$0xFFFFFFE0]  }
0x2c0: {  	v4 =	vmax.f32 v4, $0.0e+00;
	v3 =	vadd.f32 v9, v3;
	v9 =	vld [tilespmem:s19+$0x60]  }
0x2c1: {  	[tilespmem:s21+$0xFFFFFF10] =	vst v4;
	v2 =	vadd.f32 v7, v2;
	v4 =	vld [tilespmem:s30+$0x60]  }
0x2c2: {  	v7 =	vld [tilespmem:s14+$0xFFFFFF20];
	v3 =	vmax.f32 v3, $0.0e+00  }
0x2c3: {  	v11 =	vld [tilespmem:s29+$0xFFFFFF20];
	v6 =	vadd.f32 v6, v10;
	v2 =	vmax.f32 v2, $0.0e+00;
	[tilespmem:s21+$0xA0] =	vst v3  }
0x2c4: {  	[tilespmem:s21+$0x10] =	vst v2;
	v2 =	vld [tilespmem:s14+$0xB0];
	v3 =	vadd.f32 v8, v5  }
0x2c5: {  	v5 =	vmax.f32 v6, $0.0e+00;
	v6 =	vld [tilespmem:s29+$0xB0]  }
0x2c6: {  	[tilespmem:s21+$0xFFFFFFA0] =	vst v5;
	v5 =	vld [tilespmem:s14+$0x20];
	v3 =	vmax.f32 v3, $0.0e+00;
	v4 =	vadd.f32 v4, v9  }
0x2c7: {  	v8 =	vld [tilespmem:s29+$0x20];
	[tilespmem:s17+$0xFFFFFFE0] =	vst v3  }
0x2c8: {  	v3 =	vadd.f32 v11, v7;
	v7 =	vld [tilespmem:s14+$0xFFFFFFB0];
	v4 =	vmax.f32 v4, $0.0e+00  }
0x2c9: {  	v9 =	vld [tilespmem:s29+$0xFFFFFFB0];
	[tilespmem:s17+$0x60] =	vst v4  }
0x2ca: {  	v3 =	vmax.f32 v3, $0.0e+00;
	v2 =	vadd.f32 v6, v2;
	v4 =	vld [tilespmem:s19+$0xFFFFFF70]  }
0x2cb: {  	[tilespmem:s21+$0xFFFFFF20] =	vst v3;
	v3 =	vld [tilespmem:s30+$0xFFFFFF70]  }
0x2cc: {  	v6 =	vld [tilespmem:s14+$0xFFFFFF30];
	v5 =	vadd.f32 v8, v5;
	v2 =	vmax.f32 v2, $0.0e+00  }
0x2cd: {  	v8 =	vld [tilespmem:s29+$0xFFFFFF30];
	[tilespmem:s21+$0xB0] =	vst v2  }
0x2ce: {  	v2 =	vadd.f32 v9, v7;
	v5 =	vmax.f32 v5, $0.0e+00;
	v7 =	vld [tilespmem:s14+$0xC0]  }
0x2cf: {  	[tilespmem:s21+$0x20] =	vst v5;
	v5 =	vld [tilespmem:s29+$0xC0]  }
0x2d0: {  	v2 =	vmax.f32 v2, $0.0e+00;
	v9 =	vld [tilespmem:s14+$0x30];
	v3 =	vadd.f32 v3, v4  }
0x2d1: {  	[tilespmem:s21+$0xFFFFFFB0] =	vst v2;
	v2 =	vld [tilespmem:s29+$0x30]  }
0x2d2: {  	v4 =	vadd.f32 v8, v6;
	v6 =	vld [tilespmem:s14+$0xFFFFFFC0];
	v3 =	vmax.f32 v3, $0.0e+00  }
0x2d3: {  	v8 =	vld [tilespmem:s29+$0xFFFFFFC0];
	[tilespmem:s17+$0xFFFFFF70] =	vst v3  }
0x2d4: {  	v3 =	vmax.f32 v4, $0.0e+00;
	v4 =	vadd.f32 v5, v7;
	v5 =	vld [tilespmem:s19+$0xFFFFFFF0]  }
0x2d5: {  	[tilespmem:s21+$0xFFFFFF30] =	vst v3;
	v3 =	vld [tilespmem:s30+$0xFFFFFFF0]  }
0x2d6: {  	v7 =	vld [tilespmem:s14+$0xFFFFFF40];
	v2 =	vadd.f32 v2, v9;
	v4 =	vmax.f32 v4, $0.0e+00  }
0x2d7: {  	v9 =	vld [tilespmem:s29+$0xFFFFFF40];
	[tilespmem:s21+$0xC0] =	vst v4  }
0x2d8: {  	v4 =	vadd.f32 v8, v6;
	v2 =	vmax.f32 v2, $0.0e+00;
	v6 =	vld [tilespmem:s14+$0xD0]  }
0x2d9: {  	[tilespmem:s21+$0x30] =	vst v2;
	v2 =	vld [tilespmem:s29+$0xD0]  }
0x2da: {  	v4 =	vmax.f32 v4, $0.0e+00;
	v8 =	vld [tilespmem:s14+$0x40];
	v3 =	vadd.f32 v3, v5  }
0x2db: {  	[tilespmem:s21+$0xFFFFFFC0] =	vst v4;
	v5 =	vld [tilespmem:s29+$0x40]  }
0x2dc: {  	v4 =	vadd.f32 v9, v7;
	v7 =	vld [tilespmem:s14+$0xFFFFFFD0];
	v3 =	vmax.f32 v3, $0.0e+00  }
0x2dd: {  	v9 =	vld [tilespmem:s29+$0xFFFFFFD0];
	[tilespmem:s17+$0xFFFFFFF0] =	vst v3  }
0x2de: {  	v3 =	vmax.f32 v4, $0.0e+00;
	v2 =	vadd.f32 v2, v6;
	v10 =	vld [tilespmem:s19+$0x70];
	s19 =	smov.u32 s14  }
0x2df: {  	[tilespmem:s21+$0xFFFFFF40] =	vst v3;
	v11 =	vld [tilespmem:s30+$0x70];
	s30 =	smov.u32 s29  }
0x2e0: {  	v4 =	vld [tilespmem:s14+$0xFFFFFF50];
	v3 =	vadd.f32 v5, v8;
	v2 =	vmax.f32 v2, $0.0e+00  }
.Ltmp3:
0x2e1: {  	v6 =	vld [tilespmem:s29+$0xFFFFFF50];
	[tilespmem:s21+$0xD0] =	vst v2;
	(pc) =	sbr.rel @p0 .LBB2_9-.Ltmp3, $4  }
0x2e2: {  	v2 =	vadd.f32 v9, v7;
	v5 =	vmax.f32 v3, $0.0e+00;
	v3 =	vld [tilespmem:s14+$0xE0]  }
0x2e3: {  	[tilespmem:s21+$0x40] =	vst v5;
	v5 =	vld [tilespmem:s29+$0xE0]  }
0x2e4: {  	v8 =	vmax.f32 v2, $0.0e+00;
	v7 =	vld [tilespmem:s14+$0x50];
	v2 =	vadd.f32 v11, v10  }
0x2e5: {  	s14 =	sadd.s32 $0x200, s14;
	[tilespmem:s21+$0xFFFFFFD0] =	vst v8;
	v8 =	vld [tilespmem:s29+$0x50]  }
0x2e6: {  	v4 =	vadd.f32 v6, v4;
	_ =	sdelay $0x1  }
0x2e7: {  	v4 =	vmax.f32 v4, $0.0e+00  }
0x2e8: {  	[tilespmem:s21+$0xFFFFFF50] =	vst v4  }
0x2e9: {  	v4 =	vadd.f32 v8, v7;
	v6 =	vld [tilespmem:s19+$0xFFFFFF60]  }
0x2ea: {  	v7 =	vld [tilespmem:s30+$0xFFFFFF60]  }
0x2eb: {  	v8 =	vld [tilespmem:s19+$0xFFFFFFE0];
	v4 =	vmax.f32 v4, $0.0e+00  }
0x2ec: {  	[tilespmem:s21+$0x50] =	vst v4;
	v4 =	vld [tilespmem:s30+$0xFFFFFFE0]  }
0x2ed: {  	v3 =	vadd.f32 v5, v3;
	v5 =	vld [tilespmem:s19+$0x60]  }
0x2ee: {  	v9 =	vld [tilespmem:s30+$0x60]  }
0x2ef: {  	v3 =	vmax.f32 v3, $0.0e+00;
	v6 =	vadd.f32 v7, v6  }
0x2f0: {  	[tilespmem:s21+$0xE0] =	vst v3  }
0x2f1: {  	v3 =	vld [tilespmem:s19+$0xF0];
	v6 =	vmax.f32 v6, $0.0e+00;
	v4 =	vadd.f32 v4, v8  }
0x2f2: {  	v7 =	vld [tilespmem:s30+$0xF0];
	[tilespmem:s21+$0xFFFFFF60] =	vst v6  }
0x2f3: {  	v5 =	vadd.f32 v9, v5;
	v6 =	vld [tilespmem:s19+$0xFFFFFF70];
	v4 =	vmax.f32 v4, $0.0e+00  }
0x2f4: {  	[tilespmem:s21+$0xFFFFFFE0] =	vst v4;
	v4 =	vld [tilespmem:s30+$0xFFFFFF70]  }
0x2f5: {  	v5 =	vmax.f32 v5, $0.0e+00;
	v8 =	vld [tilespmem:s19+$0xFFFFFFF0]  }
0x2f6: {  	[tilespmem:s21+$0x60] =	vst v5;
	v5 =	vld [tilespmem:s30+$0xFFFFFFF0]  }
0x2f7: {  	v9 =	vld [tilespmem:s19+$0x70]  }
0x2f8: {  	v10 =	vld [tilespmem:s30+$0x70];
	_ =	sdelay $0x1  }
0x2f9: {  	v3 =	vadd.f32 v7, v3  }
0x2fa: {  	v2 =	vmax.f32 v2, $0.0e+00;
	v4 =	vadd.f32 v4, v6  }
0x2fb: {  	[tilespmem:s17+$0x70] =	vst v2;
	v2 =	vmax.f32 v3, $0.0e+00;
	v3 =	vadd.f32 v5, v8  }
0x2fc: {  	[tilespmem:s21+$0xF0] =	vst v2;
	v2 =	vmax.f32 v4, $0.0e+00;
	v4 =	vadd.f32 v10, v9  }
0x2fd: {  	[tilespmem:s21+$0xFFFFFF70] =	vst v2;
	v2 =	vmax.f32 v3, $0.0e+00  }
0x2fe: {  	[tilespmem:s21+$0xFFFFFFF0] =	vst v2;
	v2 =	vmax.f32 v4, $0.0e+00  }
0x2ff: {  	[tilespmem:s21+$0x70] =	vst v2  }
0x300: {  	v2 =	vld [tilespmem:$0x300];
	_ =	sdelay $0x7  }
0x301: {  	[tilespmem:v2+s3+$0x0] =	vst.idx.add.f32.msk $0xffff, v1  }
0x302: {  	v2 =	vld [tilespmem:$0x310];
	_ =	sdelay $0x7  }
0x303: {  	[tilespmem:v2+s3+$0x0] =	vst.idx.add.f32.msk $0xffff, v1  }
0x304: {  	[spmem:s1] =	stream.indirect.scatter.add.f32 [tilespmem:s9], [sflag:$0x4], $0x80, s0, s24, $0xb8;
	[tilespmem:$0x1CC00] =	vst v63  }
0x305: {  	_ =	swait.ge [sflag:s11], $0x1000  }
0x306: {  	[sflag:s11] =	ssyncset.done $0x0  }
0x307: {  	[sflag:s11] =	ssyncadd.s32 $0xFFFFF000  }
0x308: {  	_ =	swait.ge [sflag:s11], $0x1000  }
0x309: {  	[sflag:s11] =	ssyncset.done $0x0  }
0x30a: {  	[sflag:s11] =	ssyncadd.s32 $0xFFFFF000  }
0x30b: {  	_ =	swait.ge [sflag:s23], $0x80  }
0x30c: {  	[sflag:s23] =	ssyncset.done $0x0  }
0x30d: {  	[sflag:s23] =	ssyncadd.s32 $0xFFFFFF80  }
0x30e: {  	p0 =	seq.s32 s10, $0x4D;
	_ =	swait.ge [sflag:s23], $0x80  }
0x30f: {  	s12 =	sadd.s32 @!p0 $0x280, s18;
	[sflag:s23] =	ssyncset.done $0x0  }
0x310: {  	s14 =	sand.u32 @!p0 $0x1FC00, s12;
	[sflag:s23] =	ssyncadd.s32 $0xFFFFFF80  }
0x311: {  	[tilespmem:s25], [sflag:$0x2] =	stream.indirect.gather [hbm4b:s4+s24], $0x80, s2, s24, $0xb8;
	[tilespmem:$0x1CC00] =	vst v63  }
0x312: {  	s12 =	sand.u32 @!p0 $0x280, s12;
	s14 =	sadd.s32 @!p0 s8, s14  }
0x313: {  	[tilespmem:s26], [sflag:$0x2] =	stream.indirect.gather [hbm4b:s5+s24], $0x80, s20, s24, $0xb8;
	[tilespmem:$0x1CC00] =	vst v63  }
0x314: {  	s12 =	sor.u32 @!p0 s12, s14;
	_ =	swait.ge [sflag:s16], $0x1000  }
0x315: {  	s17 =	simm.s32 @!p0 $0x0;
	s12 =	sshrl.u32 @!p0 s12, $0x3;
	[sflag:s16] =	ssyncset.done $0x0  }
0x316: {  	s18 =	simm.s32 @!p0 $0x80;
	s14 =	sadd.s32 @!p0 s6, s12;
	[sflag:s16] =	ssyncadd.s32 $0xFFFFF000  }
0x317: {  	[tilespmem:s18], [sflag:$0x1] =	stream.linear.gather @!p0 [hbm4b:s14+s17], $0x80, $0x38;
	[tilespmem:$0x1CC00] =	vst v63  }
0x318: {  	s12 =	sadd.s32 @!p0 s7, s12;
	s30 =	simm.s32 $0x15F0;
	s14 =	simm.s32 @!p0 $0x280  }
0x319: {  	[tilespmem:s14], [sflag:$0x1] =	stream.linear.gather @!p0 [hbm4b:s12+s17], $0x80, $0x38;
	[tilespmem:$0x1CC00] =	vst v63  }
0x31a: {  	s29 =	simm.s32 $0x35F0;
	v2 =	vld [tilespmem:s30+$0xFFFFFF90]  }
0x31b: {  	v3 =	vld [tilespmem:s29+$0xFFFFFF90];
	_ =	sdelay $0x4  }
0x31c: {  	v4 =	vld [tilespmem:s30+$0xFFFFFE90];
	v2 =	vadd.f32 v3, v2  }
0x31d: {  	v3 =	vld [tilespmem:s29+$0xFFFFFE90]  }
0x31e: {  	s17 =	simm.s32 $0x55F0;
	v5 =	vld [tilespmem:s29+$0xFFFFFE10];
	v2 =	vmax.f32 v2, $0.0e+00  }
0x31f: {  	v6 =	vld [tilespmem:s30+$0xFFFFFE10];
	[tilespmem:s17+$0xFFFFFF90] =	vst v2  }
0x320: {  	v2 =	vld [tilespmem:s30+$0xFFFFFFA0]  }
0x321: {  	v7 =	vld [tilespmem:s29+$0xFFFFFFA0]  }
0x322: {  	v8 =	vld [tilespmem:s30+$0xFFFFFF10];
	v3 =	vadd.f32 v3, v4  }
0x323: {  	v4 =	vld [tilespmem:s29+$0xFFFFFF10]  }
0x324: {  	v5 =	vadd.f32 v5, v6;
	v3 =	vmax.f32 v3, $0.0e+00  }
0x325: {  	[tilespmem:s17+$0xFFFFFE90] =	vst v3  }
0x326: {  	v5 =	vmax.f32 v5, $0.0e+00;
	v3 =	vld [tilespmem:s30+$0xFFFFFEA0];
	v2 =	vadd.f32 v7, v2  }
0x327: {  	[tilespmem:s17+$0xFFFFFE10] =	vst v5;
	v6 =	vld [tilespmem:s29+$0xFFFFFEA0]  }
0x328: {  	v5 =	vld [tilespmem:s30+$0xFFFFFE20];
	v4 =	vadd.f32 v4, v8;
	v2 =	vmax.f32 v2, $0.0e+00  }
0x329: {  	v7 =	vld [tilespmem:s29+$0xFFFFFE20];
	[tilespmem:s17+$0xFFFFFFA0] =	vst v2  }
0x32a: {  	v2 =	vmax.f32 v4, $0.0e+00;
	v4 =	vld [tilespmem:s30+$0xFFFFFFB0]  }
0x32b: {  	[tilespmem:s17+$0xFFFFFF10] =	vst v2;
	v2 =	vld [tilespmem:s29+$0xFFFFFFB0]  }
0x32c: {  	v8 =	vld [tilespmem:s30+$0xFFFFFF20];
	v3 =	vadd.f32 v6, v3  }
0x32d: {  	v6 =	vld [tilespmem:s29+$0xFFFFFF20]  }
0x32e: {  	v3 =	vmax.f32 v3, $0.0e+00  }
0x32f: {  	v5 =	vadd.f32 v7, v5;
	[tilespmem:s17+$0xFFFFFEA0] =	vst v3  }
0x330: {  	v3 =	vld [tilespmem:s30+$0xFFFFFEB0];
	v2 =	vadd.f32 v2, v4  }
0x331: {  	v5 =	vmax.f32 v5, $0.0e+00;
	v4 =	vld [tilespmem:s29+$0xFFFFFEB0]  }
0x332: {  	[tilespmem:s17+$0xFFFFFE20] =	vst v5;
	v5 =	vadd.f32 v6, v8;
	v2 =	vmax.f32 v2, $0.0e+00  }
0x333: {  	[tilespmem:s17+$0xFFFFFFB0] =	vst v2  }
0x334: {  	v2 =	vmax.f32 v5, $0.0e+00;
	v5 =	vld [tilespmem:s30+$0xFFFFFFC0]  }
0x335: {  	[tilespmem:s17+$0xFFFFFF20] =	vst v2;
	v2 =	vld [tilespmem:s29+$0xFFFFFFC0]  }
0x336: {  	v3 =	vadd.f32 v4, v3;
	v4 =	vld [tilespmem:s30+$0xFFFFFF30]  }
0x337: {  	v8 =	vld [tilespmem:s29+$0xFFFFFF30]  }
0x338: {  	v7 =	vld [tilespmem:s29+$0xFFFFFE30];
	v3 =	vmax.f32 v3, $0.0e+00  }
0x339: {  	v6 =	vld [tilespmem:s30+$0xFFFFFE30];
	[tilespmem:s17+$0xFFFFFEB0] =	vst v3  }
0x33a: {  	v3 =	vld [tilespmem:s30+$0xFFFFFEC0];
	v2 =	vadd.f32 v2, v5  }
0x33b: {  	v5 =	vld [tilespmem:s29+$0xFFFFFEC0]  }
0x33c: {  	v4 =	vadd.f32 v8, v4;
	v2 =	vmax.f32 v2, $0.0e+00  }
0x33d: {  	[tilespmem:s17+$0xFFFFFFC0] =	vst v2  }
0x33e: {  	v6 =	vadd.f32 v7, v6;
	v2 =	vmax.f32 v4, $0.0e+00;
	v4 =	vld [tilespmem:s30+$0xFFFFFFD0]  }
0x33f: {  	[tilespmem:s17+$0xFFFFFF30] =	vst v2;
	v2 =	vld [tilespmem:s29+$0xFFFFFFD0]  }
0x340: {  	v6 =	vmax.f32 v6, $0.0e+00;
	v3 =	vadd.f32 v5, v3;
	v5 =	vld [tilespmem:s30+$0xFFFFFF40]  }
0x341: {  	[tilespmem:s17+$0xFFFFFE30] =	vst v6;
	v8 =	vld [tilespmem:s29+$0xFFFFFF40]  }
0x342: {  	v6 =	vld [tilespmem:s30+$0xFFFFFE40];
	v3 =	vmax.f32 v3, $0.0e+00  }
0x343: {  	v7 =	vld [tilespmem:s29+$0xFFFFFE40];
	[tilespmem:s17+$0xFFFFFEC0] =	vst v3  }
0x344: {  	v3 =	vld [tilespmem:s30+$0xFFFFFED0];
	v2 =	vadd.f32 v2, v4  }
0x345: {  	v4 =	vld [tilespmem:s29+$0xFFFFFED0]  }
0x346: {  	s21 =	simm.s32 $0x37F0;
	v5 =	vadd.f32 v8, v5;
	v2 =	vmax.f32 v2, $0.0e+00  }
0x347: {  	v12 =	vld [tilespmem:s21+$0xFFFFFE10];
	[tilespmem:s17+$0xFFFFFFD0] =	vst v2  }
0x348: {  	v2 =	vmax.f32 v5, $0.0e+00;
	v5 =	vld [tilespmem:s30+$0xFFFFFFE0]  }
0x349: {  	v6 =	vadd.f32 v7, v6;
	[tilespmem:s17+$0xFFFFFF40] =	vst v2;
	v2 =	vld [tilespmem:s29+$0xFFFFFFE0]  }
0x34a: {  	v3 =	vadd.f32 v4, v3;
	v4 =	vld [tilespmem:s30+$0xFFFFFF50]  }
0x34b: {  	s18 =	simm.s32 $0x17F0;
	v6 =	vmax.f32 v6, $0.0e+00;
	v8 =	vld [tilespmem:s29+$0xFFFFFF50]  }
0x34c: {  	v54 =	vld [tilespmem:s18+$0xFFFFFE10];
	[tilespmem:s17+$0xFFFFFE40] =	vst v6  }
0x34d: {  	v6 =	vld [tilespmem:s30+$0xFFFFFE50]  }
0x34e: {  	v7 =	vld [tilespmem:s29+$0xFFFFFE50];
	v2 =	vadd.f32 v2, v5  }
0x34f: {  	v10 =	vld [tilespmem:s18+$0xFFFFFF90]  }
0x350: {  	v11 =	vld [tilespmem:s21+$0xFFFFFF90];
	v4 =	vadd.f32 v8, v4;
	v2 =	vmax.f32 v2, $0.0e+00  }
0x351: {  	v13 =	vld [tilespmem:s21+$0xFFFFFE90];
	v12 =	vadd.f32 v12, v54;
	[tilespmem:s17+$0xFFFFFFE0] =	vst v2  }
0x352: {  	v2 =	vmax.f32 v4, $0.0e+00;
	v4 =	vld [tilespmem:s30+$0xFFFFFFF0]  }
0x353: {  	s19 =	simm.s32 $0x57F0;
	v12 =	vmax.f32 v12, $0.0e+00;
	v6 =	vadd.f32 v7, v6;
	[tilespmem:s17+$0xFFFFFF50] =	vst v2;
	v2 =	vld [tilespmem:s29+$0xFFFFFFF0]  }
0x354: {  	v14 =	vld [tilespmem:s18+$0xFFFFFF10];
	[tilespmem:s19+$0xFFFFFE10] =	vst v12;
	v3 =	vmax.f32 v3, $0.0e+00  }
0x355: {  	v12 =	vld [tilespmem:s18+$0xFFFFFE20];
	[tilespmem:s17+$0xFFFFFED0] =	vst v3;
	v6 =	vmax.f32 v6, $0.0e+00  }
0x356: {  	v3 =	vld [tilespmem:s30+$0xFFFFFEE0];
	[tilespmem:s17+$0xFFFFFE50] =	vst v6  }
0x357: {  	v6 =	vld [tilespmem:s30+$0xFFFFFE60]  }
0x358: {  	v7 =	vld [tilespmem:s29+$0xFFFFFE60];
	v2 =	vadd.f32 v2, v4  }
0x359: {  	v4 =	vld [tilespmem:s18+$0xFFFFFE90]  }
0x35a: {  	v5 =	vld [tilespmem:s29+$0xFFFFFEE0];
	v2 =	vmax.f32 v2, $0.0e+00  }
0x35b: {  	v8 =	vld [tilespmem:s30+$0xFFFFFF60];
	[tilespmem:s17+$0xFFFFFFF0] =	vst v2;
	v2 =	vadd.f32 v11, v10  }
0x35c: {  	v9 =	vld [tilespmem:s29+$0xFFFFFF60]  }
0x35d: {  	v6 =	vadd.f32 v7, v6;
	v7 =	vld [tilespmem:s21+$0xFFFFFF10];
	v2 =	vmax.f32 v2, $0.0e+00  }
0x35e: {  	v56 =	vld [tilespmem:s21+$0xFFFFFE20];
	v4 =	vadd.f32 v13, v4;
	[tilespmem:s19+$0xFFFFFF90] =	vst v2  }
0x35f: {  	v2 =	vmax.f32 v6, $0.0e+00;
	v6 =	vld [tilespmem:s18+$0xFFFFFFA0]  }
0x360: {  	v3 =	vadd.f32 v5, v3;
	[tilespmem:s17+$0xFFFFFE60] =	vst v2;
	v2 =	vmax.f32 v4, $0.0e+00;
	v4 =	vld [tilespmem:s21+$0xFFFFFFA0]  }
0x361: {  	v8 =	vadd.f32 v9, v8;
	v10 =	vld [tilespmem:s30+$0x0]  }
0x362: {  	v3 =	vmax.f32 v3, $0.0e+00;
	v7 =	vadd.f32 v7, v14;
	v11 =	vld [tilespmem:s29+$0x0];
	[tilespmem:s19+$0xFFFFFE90] =	vst v2  }
0x363: {  	[tilespmem:s17+$0xFFFFFEE0] =	vst v3;
	v8 =	vmax.f32 v8, $0.0e+00;
	v5 =	vld [tilespmem:s18+$0xFFFFFEA0]  }
0x364: {  	v3 =	vmax.f32 v7, $0.0e+00;
	[tilespmem:s17+$0xFFFFFF60] =	vst v8;
	v55 =	vld [tilespmem:s21+$0xFFFFFEA0]  }
0x365: {  	v8 =	vld [tilespmem:s29+$0xFFFFFEF0];
	[tilespmem:s19+$0xFFFFFF10] =	vst v3;
	v3 =	vadd.f32 v4, v6  }
0x366: {  	v59 =	vld [tilespmem:s30+$0xFFFFFF70]  }
0x367: {  	v60 =	vld [tilespmem:s29+$0xFFFFFF70];
	v3 =	vmax.f32 v3, $0.0e+00  }
0x368: {  	v2 =	vld [tilespmem:s30+$0xFFFFFE70];
	[tilespmem:s19+$0xFFFFFFA0] =	vst v3  }
0x369: {  	v5 =	vadd.f32 v55, v5;
	v3 =	vld [tilespmem:s18+$0xFFFFFFB0]  }
0x36a: {  	v57 =	vld [tilespmem:s21+$0xFFFFFFB0]  }
0x36b: {  	v6 =	vld [tilespmem:s18+$0xFFFFFF20];
	v5 =	vmax.f32 v5, $0.0e+00  }
0x36c: {  	[tilespmem:s19+$0xFFFFFEA0] =	vst v5;
	v5 =	vld [tilespmem:s21+$0xFFFFFF20]  }
0x36d: {  	v12 =	vadd.f32 v56, v12;
	v9 =	vld [tilespmem:s18+$0xFFFFFEB0]  }
0x36e: {  	v58 =	vld [tilespmem:s21+$0xFFFFFEB0]  }
0x36f: {  	v12 =	vmax.f32 v12, $0.0e+00;
	v7 =	vld [tilespmem:s29+$0xFFFFFE70];
	v3 =	vadd.f32 v57, v3  }
0x370: {  	[tilespmem:s19+$0xFFFFFE20] =	vst v12;
	v4 =	vld [tilespmem:s30+$0xFFFFFEF0]  }
0x371: {  	v5 =	vadd.f32 v5, v6;
	v6 =	vld [tilespmem:s18+$0xFFFFFE30];
	v3 =	vmax.f32 v3, $0.0e+00  }
0x372: {  	[tilespmem:s19+$0xFFFFFFB0] =	vst v3;
	v3 =	vld [tilespmem:s21+$0xFFFFFE30]  }
0x373: {  	v9 =	vadd.f32 v58, v9;
	v5 =	vmax.f32 v5, $0.0e+00;
	v61 =	vld [tilespmem:s18+$0xFFFFFFC0]  }
0x374: {  	v2 =	vadd.f32 v7, v2;
	[tilespmem:s19+$0xFFFFFF20] =	vst v5;
	v5 =	vld [tilespmem:s21+$0xFFFFFFC0]  }
0x375: {  	v7 =	vmax.f32 v9, $0.0e+00;
	v9 =	vld [tilespmem:s18+$0xFFFFFF30]  }
0x376: {  	v2 =	vmax.f32 v2, $0.0e+00;
	[tilespmem:s19+$0xFFFFFEB0] =	vst v7;
	v7 =	vld [tilespmem:s21+$0xFFFFFF30]  }
0x377: {  	[tilespmem:s17+$0xFFFFFE70] =	vst v2;
	v2 =	vld [tilespmem:s21+$0xFFFFFEC0];
	v3 =	vadd.f32 v3, v6  }
0x378: {  	v6 =	vld [tilespmem:s18+$0xFFFFFEC0]  }
0x379: {  	v62 =	vld [tilespmem:s30+$0xFFFFFE80];
	v5 =	vadd.f32 v5, v61;
	v3 =	vmax.f32 v3, $0.0e+00  }
0x37a: {  	[tilespmem:s19+$0xFFFFFE30] =	vst v3;
	v3 =	vld [tilespmem:s29+$0xFFFFFE80]  }
0x37b: {  	v7 =	vadd.f32 v7, v9;
	v5 =	vmax.f32 v5, $0.0e+00;
	v9 =	vld [tilespmem:s18+$0xFFFFFE40]  }
0x37c: {  	[tilespmem:s19+$0xFFFFFFC0] =	vst v5;
	v5 =	vld [tilespmem:s21+$0xFFFFFE40]  }
0x37d: {  	v2 =	vadd.f32 v2, v6;
	v6 =	vmax.f32 v7, $0.0e+00;
	v7 =	vld [tilespmem:s18+$0xFFFFFFD0]  }
0x37e: {  	[tilespmem:s19+$0xFFFFFF30] =	vst v6;
	v6 =	vld [tilespmem:s21+$0xFFFFFFD0]  }
0x37f: {  	v4 =	vadd.f32 v8, v4;
	v2 =	vmax.f32 v2, $0.0e+00;
	v8 =	vld [tilespmem:s18+$0xFFFFFF40]  }
0x380: {  	[tilespmem:s19+$0xFFFFFEC0] =	vst v2;
	v2 =	vld [tilespmem:s21+$0xFFFFFF40]  }
0x381: {  	v4 =	vmax.f32 v4, $0.0e+00;
	v5 =	vadd.f32 v5, v9;
	v9 =	vld [tilespmem:s18+$0xFFFFFED0]  }
0x382: {  	[tilespmem:s17+$0xFFFFFEF0] =	vst v4;
	v4 =	vld [tilespmem:s21+$0xFFFFFED0]  }
0x383: {  	v5 =	vmax.f32 v5, $0.0e+00;
	v6 =	vadd.f32 v6, v7;
	v7 =	vld [tilespmem:s30+$0xFFFFFF00]  }
0x384: {  	[tilespmem:s19+$0xFFFFFE40] =	vst v5;
	v5 =	vld [tilespmem:s29+$0xFFFFFF00]  }
0x385: {  	v2 =	vadd.f32 v2, v8;
	v8 =	vld [tilespmem:s18+$0xFFFFFE50];
	v6 =	vmax.f32 v6, $0.0e+00  }
0x386: {  	[tilespmem:s19+$0xFFFFFFD0] =	vst v6;
	v6 =	vld [tilespmem:s21+$0xFFFFFE50]  }
0x387: {  	v4 =	vadd.f32 v4, v9;
	v2 =	vmax.f32 v2, $0.0e+00;
	v9 =	vld [tilespmem:s18+$0xFFFFFFE0]  }
0x388: {  	[tilespmem:s19+$0xFFFFFF40] =	vst v2;
	v2 =	vld [tilespmem:s21+$0xFFFFFFE0]  }
0x389: {  	v12 =	vadd.f32 v60, v59;
	v4 =	vmax.f32 v4, $0.0e+00;
	v63 =	vld [tilespmem:s18+$0xFFFFFF50]  }
0x38a: {  	[tilespmem:s19+$0xFFFFFED0] =	vst v4;
	v4 =	vld [tilespmem:s21+$0xFFFFFF50]  }
0x38b: {  	v10 =	vadd.f32 v11, v10;
	v12 =	vmax.f32 v12, $0.0e+00;
	v11 =	vld [tilespmem:s21+$0xFFFFFEE0];
	v6 =	vadd.f32 v6, v8  }
0x38c: {  	[tilespmem:s17+$0xFFFFFF70] =	vst v12;
	v8 =	vld [tilespmem:s18+$0xFFFFFEE0]  }
0x38d: {  	v12 =	vld [tilespmem:s29+$0xFFFFFF80];
	v6 =	vmax.f32 v6, $0.0e+00;
	v2 =	vadd.f32 v2, v9  }
0x38e: {  	v10 =	vmax.f32 v10, $0.0e+00;
	v3 =	vadd.f32 v3, v62;
	v9 =	vld [tilespmem:s30+$0xFFFFFF80];
	[tilespmem:s19+$0xFFFFFE50] =	vst v6  }
0x38f: {  	[tilespmem:s17+$0x0] =	vst v10;
	v10 =	vadd.f32 v4, v63;
	v4 =	vld [tilespmem:s18+$0xFFFFFE60];
	v2 =	vmax.f32 v2, $0.0e+00  }
0x390: {  	v3 =	vmax.f32 v3, $0.0e+00;
	v5 =	vadd.f32 v5, v7;
	v6 =	vld [tilespmem:s21+$0xFFFFFE60];
	[tilespmem:s19+$0xFFFFFFE0] =	vst v2  }
0x391: {  	[tilespmem:s17+$0xFFFFFE80] =	vst v3;
	v2 =	vadd.f32 v11, v8;
	v7 =	vmax.f32 v10, $0.0e+00;
	v3 =	vld [tilespmem:s18+$0xFFFFFFF0]  }
0x392: {  	v8 =	vmax.f32 v5, $0.0e+00;
	[tilespmem:s19+$0xFFFFFF50] =	vst v7;
	v5 =	vld [tilespmem:s21+$0xFFFFFFF0]  }
0x393: {  	[tilespmem:s17+$0xFFFFFF00] =	vst v8;
	v8 =	vmax.f32 v2, $0.0e+00;
	v7 =	vld [tilespmem:s18+$0xFFFFFF60];
	v2 =	vadd.f32 v12, v9  }
0x394: {  	s12 =	simm.s32 $0x4;
	s14 =	simm.s32 $0x19F0;
	s29 =	simm.s32 $0x37F0;
	[tilespmem:s19+$0xFFFFFEE0] =	vst v8;
	v8 =	vld [tilespmem:s21+$0xFFFFFF60]  }
.LBB2_11:
0x395: {  	v9 =	vld [tilespmem:s14+$0xFFFFFF90];
	v4 =	vadd.f32 v6, v4;
	s21 =	sadd.s32 $0x200, s21;
	v2 =	vmax.f32 v2, $0.0e+00  }
0x396: {  	v6 =	vld [tilespmem:s21+$0xFFFFFF90];
	[tilespmem:s17+$0xFFFFFF80] =	vst v2;
	s17 =	smov.u32 s19  }
0x397: {  	v2 =	vld [tilespmem:s21+$0xFFFFFE10];
	v4 =	vmax.f32 v4, $0.0e+00;
	v3 =	vadd.f32 v5, v3  }
0x398: {  	v5 =	vld [tilespmem:s14+$0xFFFFFE90];
	[tilespmem:s19+$0xFFFFFE60] =	vst v4  }
0x399: {  	v4 =	vld [tilespmem:s21+$0xFFFFFE90];
	v7 =	vadd.f32 v8, v7;
	v3 =	vmax.f32 v3, $0.0e+00  }
0x39a: {  	v8 =	vld [tilespmem:s14+$0xFFFFFF10];
	[tilespmem:s19+$0xFFFFFFF0] =	vst v3  }
0x39b: {  	v3 =	vadd.f32 v6, v9;
	v6 =	vmax.f32 v7, $0.0e+00;
	v7 =	vld [tilespmem:s18+$0x0]  }
0x39c: {  	[tilespmem:s19+$0xFFFFFF60] =	vst v6;
	v6 =	vld [tilespmem:s29+$0x0]  }
0x39d: {  	s12 =	sadd.s32 $0x4, s12;
	s19 =	sadd.s32 $0x200, s19;
	v9 =	vld [tilespmem:s21+$0xFFFFFF10];
	v3 =	vmax.f32 v3, $0.0e+00  }
0x39e: {  	p0 =	slt.u32 s12, $0x1C;
	v10 =	vld [tilespmem:s14+$0xFFFFFE10];
	v4 =	vadd.f32 v4, v5;
	[tilespmem:s19+$0xFFFFFF90] =	vst v3  }
0x39f: {  	v3 =	vld [tilespmem:s14+$0xFFFFFFA0]  }
0x3a0: {  	v4 =	vmax.f32 v4, $0.0e+00;
	v5 =	vld [tilespmem:s21+$0xFFFFFFA0]  }
0x3a1: {  	[tilespmem:s19+$0xFFFFFE90] =	vst v4;
	v4 =	vld [tilespmem:s18+$0xFFFFFE70];
	v6 =	vadd.f32 v6, v7  }
0x3a2: {  	v7 =	vld [tilespmem:s14+$0xFFFFFEA0];
	v8 =	vadd.f32 v9, v8  }
0x3a3: {  	v2 =	vadd.f32 v2, v10;
	v9 =	vld [tilespmem:s21+$0xFFFFFEA0];
	v6 =	vmax.f32 v6, $0.0e+00  }
0x3a4: {  	v8 =	vmax.f32 v8, $0.0e+00;
	v10 =	vld [tilespmem:s29+$0xFFFFFE70];
	[tilespmem:s17+$0x0] =	vst v6  }
0x3a5: {  	v2 =	vmax.f32 v2, $0.0e+00;
	[tilespmem:s19+$0xFFFFFF10] =	vst v8;
	v3 =	vadd.f32 v5, v3;
	v5 =	vld [tilespmem:s18+$0xFFFFFEF0]  }
0x3a6: {  	[tilespmem:s19+$0xFFFFFE10] =	vst v2;
	v2 =	vld [tilespmem:s14+$0xFFFFFF20]  }
0x3a7: {  	v6 =	vld [tilespmem:s14+$0xFFFFFE20];
	v3 =	vmax.f32 v3, $0.0e+00  }
0x3a8: {  	v8 =	vld [tilespmem:s21+$0xFFFFFE20];
	v7 =	vadd.f32 v9, v7;
	[tilespmem:s19+$0xFFFFFFA0] =	vst v3  }
0x3a9: {  	v3 =	vld [tilespmem:s14+$0xFFFFFFB0];
	v4 =	vadd.f32 v10, v4  }
0x3aa: {  	v7 =	vmax.f32 v7, $0.0e+00;
	v9 =	vld [tilespmem:s21+$0xFFFFFFB0]  }
0x3ab: {  	[tilespmem:s19+$0xFFFFFEA0] =	vst v7;
	v7 =	vld [tilespmem:s21+$0xFFFFFF20];
	v4 =	vmax.f32 v4, $0.0e+00  }
0x3ac: {  	v10 =	vld [tilespmem:s14+$0xFFFFFEB0];
	[tilespmem:s17+$0xFFFFFE70] =	vst v4  }
0x3ad: {  	v4 =	vadd.f32 v8, v6;
	v6 =	vld [tilespmem:s21+$0xFFFFFEB0]  }
0x3ae: {  	v8 =	vld [tilespmem:s29+$0xFFFFFEF0]  }
0x3af: {  	v4 =	vmax.f32 v4, $0.0e+00;
	v3 =	vadd.f32 v9, v3;
	v9 =	vld [tilespmem:s18+$0xFFFFFF70]  }
0x3b0: {  	[tilespmem:s19+$0xFFFFFE20] =	vst v4;
	v2 =	vadd.f32 v7, v2;
	v4 =	vld [tilespmem:s29+$0xFFFFFF70]  }
0x3b1: {  	v7 =	vld [tilespmem:s14+$0xFFFFFE30];
	v3 =	vmax.f32 v3, $0.0e+00  }
0x3b2: {  	v11 =	vld [tilespmem:s21+$0xFFFFFE30];
	v6 =	vadd.f32 v6, v10;
	v2 =	vmax.f32 v2, $0.0e+00;
	[tilespmem:s19+$0xFFFFFFB0] =	vst v3  }
0x3b3: {  	[tilespmem:s19+$0xFFFFFF20] =	vst v2;
	v2 =	vld [tilespmem:s14+$0xFFFFFFC0];
	v3 =	vadd.f32 v8, v5  }
0x3b4: {  	v5 =	vmax.f32 v6, $0.0e+00;
	v6 =	vld [tilespmem:s21+$0xFFFFFFC0]  }
0x3b5: {  	[tilespmem:s19+$0xFFFFFEB0] =	vst v5;
	v5 =	vld [tilespmem:s14+$0xFFFFFF30];
	v3 =	vmax.f32 v3, $0.0e+00;
	v4 =	vadd.f32 v4, v9  }
0x3b6: {  	v8 =	vld [tilespmem:s21+$0xFFFFFF30];
	[tilespmem:s17+$0xFFFFFEF0] =	vst v3  }
0x3b7: {  	v3 =	vadd.f32 v11, v7;
	v7 =	vld [tilespmem:s14+$0xFFFFFEC0];
	v4 =	vmax.f32 v4, $0.0e+00  }
0x3b8: {  	v9 =	vld [tilespmem:s21+$0xFFFFFEC0];
	[tilespmem:s17+$0xFFFFFF70] =	vst v4  }
0x3b9: {  	v3 =	vmax.f32 v3, $0.0e+00;
	v2 =	vadd.f32 v6, v2;
	v4 =	vld [tilespmem:s18+$0xFFFFFE80]  }
0x3ba: {  	[tilespmem:s19+$0xFFFFFE30] =	vst v3;
	v3 =	vld [tilespmem:s29+$0xFFFFFE80]  }
0x3bb: {  	v6 =	vld [tilespmem:s14+$0xFFFFFE40];
	v5 =	vadd.f32 v8, v5;
	v2 =	vmax.f32 v2, $0.0e+00  }
0x3bc: {  	v8 =	vld [tilespmem:s21+$0xFFFFFE40];
	[tilespmem:s19+$0xFFFFFFC0] =	vst v2  }
0x3bd: {  	v2 =	vadd.f32 v9, v7;
	v5 =	vmax.f32 v5, $0.0e+00;
	v7 =	vld [tilespmem:s14+$0xFFFFFFD0]  }
0x3be: {  	[tilespmem:s19+$0xFFFFFF30] =	vst v5;
	v5 =	vld [tilespmem:s21+$0xFFFFFFD0]  }
0x3bf: {  	v2 =	vmax.f32 v2, $0.0e+00;
	v9 =	vld [tilespmem:s14+$0xFFFFFF40];
	v3 =	vadd.f32 v3, v4  }
0x3c0: {  	[tilespmem:s19+$0xFFFFFEC0] =	vst v2;
	v2 =	vld [tilespmem:s21+$0xFFFFFF40]  }
0x3c1: {  	v4 =	vadd.f32 v8, v6;
	v6 =	vld [tilespmem:s14+$0xFFFFFED0];
	v3 =	vmax.f32 v3, $0.0e+00  }
0x3c2: {  	v8 =	vld [tilespmem:s21+$0xFFFFFED0];
	[tilespmem:s17+$0xFFFFFE80] =	vst v3  }
0x3c3: {  	v3 =	vmax.f32 v4, $0.0e+00;
	v4 =	vadd.f32 v5, v7;
	v5 =	vld [tilespmem:s18+$0xFFFFFF00]  }
0x3c4: {  	[tilespmem:s19+$0xFFFFFE40] =	vst v3;
	v3 =	vld [tilespmem:s29+$0xFFFFFF00]  }
0x3c5: {  	v7 =	vld [tilespmem:s14+$0xFFFFFE50];
	v2 =	vadd.f32 v2, v9;
	v4 =	vmax.f32 v4, $0.0e+00  }
0x3c6: {  	v9 =	vld [tilespmem:s21+$0xFFFFFE50];
	[tilespmem:s19+$0xFFFFFFD0] =	vst v4  }
0x3c7: {  	v4 =	vadd.f32 v8, v6;
	v2 =	vmax.f32 v2, $0.0e+00;
	v6 =	vld [tilespmem:s14+$0xFFFFFFE0]  }
0x3c8: {  	[tilespmem:s19+$0xFFFFFF40] =	vst v2;
	v2 =	vld [tilespmem:s21+$0xFFFFFFE0]  }
0x3c9: {  	v4 =	vmax.f32 v4, $0.0e+00;
	v8 =	vld [tilespmem:s14+$0xFFFFFF50];
	v3 =	vadd.f32 v3, v5  }
0x3ca: {  	[tilespmem:s19+$0xFFFFFED0] =	vst v4;
	v5 =	vld [tilespmem:s21+$0xFFFFFF50]  }
0x3cb: {  	v4 =	vadd.f32 v9, v7;
	v7 =	vld [tilespmem:s14+$0xFFFFFEE0];
	v3 =	vmax.f32 v3, $0.0e+00  }
0x3cc: {  	v9 =	vld [tilespmem:s21+$0xFFFFFEE0];
	[tilespmem:s17+$0xFFFFFF00] =	vst v3  }
0x3cd: {  	v3 =	vmax.f32 v4, $0.0e+00;
	v2 =	vadd.f32 v2, v6;
	v10 =	vld [tilespmem:s18+$0xFFFFFF80];
	s18 =	smov.u32 s14  }
0x3ce: {  	[tilespmem:s19+$0xFFFFFE50] =	vst v3;
	v11 =	vld [tilespmem:s29+$0xFFFFFF80];
	s29 =	smov.u32 s21  }
0x3cf: {  	v4 =	vld [tilespmem:s14+$0xFFFFFE60];
	v3 =	vadd.f32 v5, v8;
	v2 =	vmax.f32 v2, $0.0e+00  }
.Ltmp4:
0x3d0: {  	v6 =	vld [tilespmem:s21+$0xFFFFFE60];
	[tilespmem:s19+$0xFFFFFFE0] =	vst v2;
	(pc) =	sbr.rel @p0 .LBB2_11-.Ltmp4, $4  }
0x3d1: {  	v2 =	vadd.f32 v9, v7;
	v5 =	vmax.f32 v3, $0.0e+00;
	v3 =	vld [tilespmem:s14+$0xFFFFFFF0]  }
0x3d2: {  	[tilespmem:s19+$0xFFFFFF50] =	vst v5;
	v5 =	vld [tilespmem:s21+$0xFFFFFFF0]  }
0x3d3: {  	v8 =	vmax.f32 v2, $0.0e+00;
	v7 =	vld [tilespmem:s14+$0xFFFFFF60];
	v2 =	vadd.f32 v11, v10  }
0x3d4: {  	s14 =	sadd.s32 $0x200, s14;
	[tilespmem:s19+$0xFFFFFEE0] =	vst v8;
	v8 =	vld [tilespmem:s21+$0xFFFFFF60]  }
0x3d5: {  	_ =	sdelay $0x1  }
0x3d6: {  	v4 =	vadd.f32 v6, v4;
	_ =	sdelay $0x1  }
0x3d7: {  	v55 =	vld [tilespmem:s18+$0xFFFFFEF0];
	v4 =	vmax.f32 v4, $0.0e+00;
	v52 =	vadd.f32 v8, v7  }
0x3d8: {  	v56 =	vld [tilespmem:s29+$0xFFFFFEF0];
	[tilespmem:s19+$0xFFFFFE60] =	vst v4  }
0x3d9: {  	v53 =	vld [tilespmem:s18+$0xFFFFFE70];
	v4 =	vmax.f32 v52, $0.0e+00  }
0x3da: {  	v54 =	vld [tilespmem:s29+$0xFFFFFE70];
	[tilespmem:s19+$0xFFFFFF60] =	vst v4  }
0x3db: {  	v3 =	vadd.f32 v5, v3;
	v57 =	vld [tilespmem:s18+$0xFFFFFF70]  }
0x3dc: {  	v9 =	vld [tilespmem:s29+$0xFFFFFF70]  }
0x3dd: {  	v3 =	vmax.f32 v3, $0.0e+00;
	v4 =	vadd.f32 v56, v55  }
0x3de: {  	[tilespmem:s19+$0xFFFFFFF0] =	vst v3  }
0x3df: {  	v3 =	vld [tilespmem:s18+$0x0];
	v6 =	vadd.f32 v54, v53;
	v4 =	vmax.f32 v4, $0.0e+00  }
0x3e0: {  	v58 =	vld [tilespmem:s29+$0x0];
	[tilespmem:s19+$0xFFFFFEF0] =	vst v4  }
0x3e1: {  	v6 =	vmax.f32 v6, $0.0e+00;
	v60 =	vld [tilespmem:s18+$0xFFFFFF00];
	v5 =	vadd.f32 v9, v57  }
0x3e2: {  	v61 =	vld [tilespmem:s29+$0xFFFFFF00];
	[tilespmem:s19+$0xFFFFFE70] =	vst v6  }
0x3e3: {  	v6 =	vld [tilespmem:s18+$0xFFFFFE80];
	v5 =	vmax.f32 v5, $0.0e+00  }
0x3e4: {  	v59 =	vld [tilespmem:s29+$0xFFFFFE80];
	[tilespmem:s19+$0xFFFFFF70] =	vst v5  }
0x3e5: {  	v62 =	vld [tilespmem:s18+$0xFFFFFF80]  }
0x3e6: {  	v10 =	vld [tilespmem:s29+$0xFFFFFF80];
	_ =	sdelay $0x1  }
0x3e7: {  	v3 =	vadd.f32 v58, v3  }
0x3e8: {  	v2 =	vmax.f32 v2, $0.0e+00;
	v4 =	vadd.f32 v59, v6  }
0x3e9: {  	[tilespmem:s17+$0xFFFFFF80] =	vst v2;
	v2 =	vmax.f32 v3, $0.0e+00;
	v3 =	vadd.f32 v61, v60  }
0x3ea: {  	[tilespmem:s19+$0x0] =	vst v2;
	v2 =	vmax.f32 v4, $0.0e+00;
	v63 =	vadd.f32 v10, v62  }
0x3eb: {  	[tilespmem:s19+$0xFFFFFE80] =	vst v2;
	v2 =	vmax.f32 v3, $0.0e+00  }
0x3ec: {  	[tilespmem:s19+$0xFFFFFF00] =	vst v2;
	v2 =	vmax.f32 v63, $0.0e+00  }
0x3ed: {  	[tilespmem:s19+$0xFFFFFF80] =	vst v2  }
0x3ee: {  	v2 =	vld [tilespmem:$0x380];
	_ =	sdelay $0x7  }
0x3ef: {  	[tilespmem:v2+s3+$0x0] =	vst.idx.add.f32.msk $0xffff, v1  }
0x3f0: {  	v2 =	vld [tilespmem:$0x390];
	_ =	sdelay $0x2  }
0x3f1: {  	s10 =	sadd.s32 $0x1, s10  }
0x3f2: {  	p0 =	sne.s32 s10, $0x4E  }
.Ltmp5:
0x3f3: {  	_ = 	snop;
	(pc) =	sbr.rel @p0 .LBB2_4-.Ltmp5, $3  }
0x3f4: {  	_ =	sdelay $0x1  }
0x3f5: {  	s12 =	simm.s32 $0x5400;
	[tilespmem:v2+s3+$0x0] =	vst.idx.add.f32.msk $0xffff, v1  }
0x3f6: {  	[spmem:s1] =	stream.indirect.scatter.add.f32 [tilespmem:s12], [sflag:$0x5], $0x80, s13, s24, $0xb8;
	[tilespmem:$0x1CC00] =	vst v63  }
0x3f7: {  	_ =	swait.ge [sflag:s28], $0x1000  }
0x3f8: {  	[sflag:s28] =	ssyncset.done $0x0  }
0x3f9: {  	[sflag:s28] =	ssyncadd.s32 $0xFFFFF000  }
0x3fa: {  	_ =	swait.ge [sflag:s28], $0x1000  }
0x3fb: {  	[sflag:s28] =	ssyncset.done $0x0  }
0x3fc: {  	[sflag:s28] =	ssyncadd.s32 $0xFFFFF000  }
0x3fd: {  	_ =	swait.ge [sflag:s15], $0x1000  }
0x3fe: {  	[sflag:s15] =	ssyncset.done $0x0  }
0x3ff: {  	s12 =	simm.s32 $0x500;
	[sflag:s15] =	ssyncadd.s32 $0xFFFFF000  }
0x400: {  	s21 =	simm.s32 $0x2500;
	v2 =	vld [tilespmem:s12+$0x80]  }
0x401: {  	v3 =	vld [tilespmem:s21+$0x80];
	_ =	sdelay $0x4  }
0x402: {  	v4 =	vld [tilespmem:s12+$0xFFFFFF80];
	v2 =	vadd.f32 v3, v2  }
0x403: {  	v3 =	vld [tilespmem:s21+$0xFFFFFF80]  }
0x404: {  	s10 =	simm.s32 $0x4500;
	v5 =	vld [tilespmem:s21+$0xFFFFFF00];
	v2 =	vmax.f32 v2, $0.0e+00  }
0x405: {  	v6 =	vld [tilespmem:s12+$0xFFFFFF00];
	[tilespmem:s10+$0x80] =	vst v2  }
0x406: {  	v2 =	vld [tilespmem:s12+$0x90]  }
0x407: {  	v7 =	vld [tilespmem:s21+$0x90]  }
0x408: {  	v8 =	vld [tilespmem:s12+$0x0];
	v3 =	vadd.f32 v3, v4  }
0x409: {  	v4 =	vld [tilespmem:s21+$0x0]  }
0x40a: {  	v5 =	vadd.f32 v5, v6;
	v3 =	vmax.f32 v3, $0.0e+00  }
0x40b: {  	[tilespmem:s10+$0xFFFFFF80] =	vst v3  }
0x40c: {  	v5 =	vmax.f32 v5, $0.0e+00;
	v3 =	vld [tilespmem:s12+$0xFFFFFF90];
	v2 =	vadd.f32 v7, v2  }
0x40d: {  	[tilespmem:s10+$0xFFFFFF00] =	vst v5;
	v6 =	vld [tilespmem:s21+$0xFFFFFF90]  }
0x40e: {  	v5 =	vld [tilespmem:s12+$0xFFFFFF10];
	v4 =	vadd.f32 v4, v8;
	v2 =	vmax.f32 v2, $0.0e+00  }
0x40f: {  	v7 =	vld [tilespmem:s21+$0xFFFFFF10];
	[tilespmem:s10+$0x90] =	vst v2  }
0x410: {  	v2 =	vmax.f32 v4, $0.0e+00;
	v4 =	vld [tilespmem:s12+$0xA0]  }
0x411: {  	[tilespmem:s10+$0x0] =	vst v2;
	v2 =	vld [tilespmem:s21+$0xA0]  }
0x412: {  	v8 =	vld [tilespmem:s12+$0x10];
	v3 =	vadd.f32 v6, v3  }
0x413: {  	v6 =	vld [tilespmem:s21+$0x10]  }
0x414: {  	v3 =	vmax.f32 v3, $0.0e+00  }
0x415: {  	v5 =	vadd.f32 v7, v5;
	[tilespmem:s10+$0xFFFFFF90] =	vst v3  }
0x416: {  	v3 =	vld [tilespmem:s12+$0xFFFFFFA0];
	v2 =	vadd.f32 v2, v4  }
0x417: {  	v5 =	vmax.f32 v5, $0.0e+00;
	v4 =	vld [tilespmem:s21+$0xFFFFFFA0]  }
0x418: {  	[tilespmem:s10+$0xFFFFFF10] =	vst v5;
	v5 =	vadd.f32 v6, v8;
	v2 =	vmax.f32 v2, $0.0e+00  }
0x419: {  	[tilespmem:s10+$0xA0] =	vst v2  }
0x41a: {  	v2 =	vmax.f32 v5, $0.0e+00;
	v5 =	vld [tilespmem:s12+$0xB0]  }
0x41b: {  	[tilespmem:s10+$0x10] =	vst v2;
	v2 =	vld [tilespmem:s21+$0xB0]  }
0x41c: {  	v3 =	vadd.f32 v4, v3;
	v4 =	vld [tilespmem:s12+$0x20]  }
0x41d: {  	v8 =	vld [tilespmem:s21+$0x20]  }
0x41e: {  	v7 =	vld [tilespmem:s21+$0xFFFFFF20];
	v3 =	vmax.f32 v3, $0.0e+00  }
0x41f: {  	v6 =	vld [tilespmem:s12+$0xFFFFFF20];
	[tilespmem:s10+$0xFFFFFFA0] =	vst v3  }
0x420: {  	v3 =	vld [tilespmem:s12+$0xFFFFFFB0];
	v2 =	vadd.f32 v2, v5  }
0x421: {  	v5 =	vld [tilespmem:s21+$0xFFFFFFB0]  }
0x422: {  	v4 =	vadd.f32 v8, v4;
	v2 =	vmax.f32 v2, $0.0e+00  }
0x423: {  	[tilespmem:s10+$0xB0] =	vst v2  }
0x424: {  	v6 =	vadd.f32 v7, v6;
	v2 =	vmax.f32 v4, $0.0e+00;
	v4 =	vld [tilespmem:s12+$0xC0]  }
0x425: {  	[tilespmem:s10+$0x20] =	vst v2;
	v2 =	vld [tilespmem:s21+$0xC0]  }
0x426: {  	v6 =	vmax.f32 v6, $0.0e+00;
	v3 =	vadd.f32 v5, v3;
	v5 =	vld [tilespmem:s12+$0x30]  }
0x427: {  	[tilespmem:s10+$0xFFFFFF20] =	vst v6;
	v8 =	vld [tilespmem:s21+$0x30]  }
0x428: {  	v6 =	vld [tilespmem:s12+$0xFFFFFF30];
	v3 =	vmax.f32 v3, $0.0e+00  }
0x429: {  	v7 =	vld [tilespmem:s21+$0xFFFFFF30];
	[tilespmem:s10+$0xFFFFFFB0] =	vst v3  }
0x42a: {  	v3 =	vld [tilespmem:s12+$0xFFFFFFC0];
	v2 =	vadd.f32 v2, v4  }
0x42b: {  	v4 =	vld [tilespmem:s21+$0xFFFFFFC0]  }
0x42c: {  	s19 =	simm.s32 $0x2700;
	v5 =	vadd.f32 v8, v5;
	v2 =	vmax.f32 v2, $0.0e+00  }
0x42d: {  	v12 =	vld [tilespmem:s19+$0xFFFFFF00];
	[tilespmem:s10+$0xC0] =	vst v2  }
0x42e: {  	v2 =	vmax.f32 v5, $0.0e+00;
	v5 =	vld [tilespmem:s12+$0xD0]  }
0x42f: {  	v6 =	vadd.f32 v7, v6;
	[tilespmem:s10+$0x30] =	vst v2;
	v2 =	vld [tilespmem:s21+$0xD0]  }
0x430: {  	v3 =	vadd.f32 v4, v3;
	v4 =	vld [tilespmem:s12+$0x40]  }
0x431: {  	s17 =	simm.s32 $0x700;
	v6 =	vmax.f32 v6, $0.0e+00;
	v8 =	vld [tilespmem:s21+$0x40]  }
0x432: {  	v54 =	vld [tilespmem:s17+$0xFFFFFF00];
	[tilespmem:s10+$0xFFFFFF30] =	vst v6  }
0x433: {  	v6 =	vld [tilespmem:s12+$0xFFFFFF40]  }
0x434: {  	v7 =	vld [tilespmem:s21+$0xFFFFFF40];
	v2 =	vadd.f32 v2, v5  }
0x435: {  	v10 =	vld [tilespmem:s17+$0x80]  }
0x436: {  	v11 =	vld [tilespmem:s19+$0x80];
	v4 =	vadd.f32 v8, v4;
	v2 =	vmax.f32 v2, $0.0e+00  }
0x437: {  	v13 =	vld [tilespmem:s19+$0xFFFFFF80];
	v12 =	vadd.f32 v12, v54;
	[tilespmem:s10+$0xD0] =	vst v2  }
0x438: {  	v2 =	vmax.f32 v4, $0.0e+00;
	v4 =	vld [tilespmem:s12+$0xE0]  }
0x439: {  	s18 =	simm.s32 $0x4700;
	v12 =	vmax.f32 v12, $0.0e+00;
	v6 =	vadd.f32 v7, v6;
	[tilespmem:s10+$0x40] =	vst v2;
	v2 =	vld [tilespmem:s21+$0xE0]  }
0x43a: {  	v14 =	vld [tilespmem:s17+$0x0];
	[tilespmem:s18+$0xFFFFFF00] =	vst v12;
	v3 =	vmax.f32 v3, $0.0e+00  }
0x43b: {  	v12 =	vld [tilespmem:s17+$0xFFFFFF10];
	[tilespmem:s10+$0xFFFFFFC0] =	vst v3;
	v6 =	vmax.f32 v6, $0.0e+00  }
0x43c: {  	v3 =	vld [tilespmem:s12+$0xFFFFFFD0];
	[tilespmem:s10+$0xFFFFFF40] =	vst v6  }
0x43d: {  	v6 =	vld [tilespmem:s12+$0xFFFFFF50]  }
0x43e: {  	v7 =	vld [tilespmem:s21+$0xFFFFFF50];
	v2 =	vadd.f32 v2, v4  }
0x43f: {  	v4 =	vld [tilespmem:s17+$0xFFFFFF80]  }
0x440: {  	v5 =	vld [tilespmem:s21+$0xFFFFFFD0];
	v2 =	vmax.f32 v2, $0.0e+00  }
0x441: {  	v8 =	vld [tilespmem:s12+$0x50];
	[tilespmem:s10+$0xE0] =	vst v2;
	v2 =	vadd.f32 v11, v10  }
0x442: {  	v9 =	vld [tilespmem:s21+$0x50]  }
0x443: {  	v6 =	vadd.f32 v7, v6;
	v7 =	vld [tilespmem:s19+$0x0];
	v2 =	vmax.f32 v2, $0.0e+00  }
0x444: {  	v56 =	vld [tilespmem:s19+$0xFFFFFF10];
	v4 =	vadd.f32 v13, v4;
	[tilespmem:s18+$0x80] =	vst v2  }
0x445: {  	v2 =	vmax.f32 v6, $0.0e+00;
	v6 =	vld [tilespmem:s17+$0x90]  }
0x446: {  	v3 =	vadd.f32 v5, v3;
	[tilespmem:s10+$0xFFFFFF50] =	vst v2;
	v2 =	vmax.f32 v4, $0.0e+00;
	v4 =	vld [tilespmem:s19+$0x90]  }
0x447: {  	v8 =	vadd.f32 v9, v8;
	v10 =	vld [tilespmem:s12+$0xF0]  }
0x448: {  	v3 =	vmax.f32 v3, $0.0e+00;
	v7 =	vadd.f32 v7, v14;
	v11 =	vld [tilespmem:s21+$0xF0];
	[tilespmem:s18+$0xFFFFFF80] =	vst v2  }
0x449: {  	[tilespmem:s10+$0xFFFFFFD0] =	vst v3;
	v8 =	vmax.f32 v8, $0.0e+00;
	v5 =	vld [tilespmem:s17+$0xFFFFFF90]  }
0x44a: {  	v3 =	vmax.f32 v7, $0.0e+00;
	[tilespmem:s10+$0x50] =	vst v8;
	v55 =	vld [tilespmem:s19+$0xFFFFFF90]  }
0x44b: {  	v8 =	vld [tilespmem:s21+$0xFFFFFFE0];
	[tilespmem:s18+$0x0] =	vst v3;
	v3 =	vadd.f32 v4, v6  }
0x44c: {  	v59 =	vld [tilespmem:s12+$0x60]  }
0x44d: {  	v60 =	vld [tilespmem:s21+$0x60];
	v3 =	vmax.f32 v3, $0.0e+00  }
0x44e: {  	v2 =	vld [tilespmem:s12+$0xFFFFFF60];
	[tilespmem:s18+$0x90] =	vst v3  }
0x44f: {  	v5 =	vadd.f32 v55, v5;
	v3 =	vld [tilespmem:s17+$0xA0]  }
0x450: {  	v57 =	vld [tilespmem:s19+$0xA0]  }
0x451: {  	v6 =	vld [tilespmem:s17+$0x10];
	v5 =	vmax.f32 v5, $0.0e+00  }
0x452: {  	[tilespmem:s18+$0xFFFFFF90] =	vst v5;
	v5 =	vld [tilespmem:s19+$0x10]  }
0x453: {  	v12 =	vadd.f32 v56, v12;
	v9 =	vld [tilespmem:s17+$0xFFFFFFA0]  }
0x454: {  	v58 =	vld [tilespmem:s19+$0xFFFFFFA0]  }
0x455: {  	v12 =	vmax.f32 v12, $0.0e+00;
	v7 =	vld [tilespmem:s21+$0xFFFFFF60];
	v3 =	vadd.f32 v57, v3  }
0x456: {  	[tilespmem:s18+$0xFFFFFF10] =	vst v12;
	v4 =	vld [tilespmem:s12+$0xFFFFFFE0]  }
0x457: {  	v5 =	vadd.f32 v5, v6;
	v6 =	vld [tilespmem:s17+$0xFFFFFF20];
	v3 =	vmax.f32 v3, $0.0e+00  }
0x458: {  	[tilespmem:s18+$0xA0] =	vst v3;
	v3 =	vld [tilespmem:s19+$0xFFFFFF20]  }
0x459: {  	v9 =	vadd.f32 v58, v9;
	v5 =	vmax.f32 v5, $0.0e+00;
	v61 =	vld [tilespmem:s17+$0xB0]  }
0x45a: {  	v2 =	vadd.f32 v7, v2;
	[tilespmem:s18+$0x10] =	vst v5;
	v5 =	vld [tilespmem:s19+$0xB0]  }
0x45b: {  	v7 =	vmax.f32 v9, $0.0e+00;
	v9 =	vld [tilespmem:s17+$0x20]  }
0x45c: {  	v2 =	vmax.f32 v2, $0.0e+00;
	[tilespmem:s18+$0xFFFFFFA0] =	vst v7;
	v7 =	vld [tilespmem:s19+$0x20]  }
0x45d: {  	[tilespmem:s10+$0xFFFFFF60] =	vst v2;
	v2 =	vld [tilespmem:s19+$0xFFFFFFB0];
	v3 =	vadd.f32 v3, v6  }
0x45e: {  	v6 =	vld [tilespmem:s17+$0xFFFFFFB0]  }
0x45f: {  	v62 =	vld [tilespmem:s12+$0xFFFFFF70];
	v5 =	vadd.f32 v5, v61;
	v3 =	vmax.f32 v3, $0.0e+00  }
0x460: {  	[tilespmem:s18+$0xFFFFFF20] =	vst v3;
	v3 =	vld [tilespmem:s21+$0xFFFFFF70]  }
0x461: {  	v7 =	vadd.f32 v7, v9;
	v5 =	vmax.f32 v5, $0.0e+00;
	v9 =	vld [tilespmem:s17+$0xFFFFFF30]  }
0x462: {  	[tilespmem:s18+$0xB0] =	vst v5;
	v5 =	vld [tilespmem:s19+$0xFFFFFF30]  }
0x463: {  	v2 =	vadd.f32 v2, v6;
	v6 =	vmax.f32 v7, $0.0e+00;
	v7 =	vld [tilespmem:s17+$0xC0]  }
0x464: {  	[tilespmem:s18+$0x20] =	vst v6;
	v6 =	vld [tilespmem:s19+$0xC0]  }
0x465: {  	v4 =	vadd.f32 v8, v4;
	v2 =	vmax.f32 v2, $0.0e+00;
	v8 =	vld [tilespmem:s17+$0x30]  }
0x466: {  	[tilespmem:s18+$0xFFFFFFB0] =	vst v2;
	v2 =	vld [tilespmem:s19+$0x30]  }
0x467: {  	v4 =	vmax.f32 v4, $0.0e+00;
	v5 =	vadd.f32 v5, v9;
	v9 =	vld [tilespmem:s17+$0xFFFFFFC0]  }
0x468: {  	[tilespmem:s10+$0xFFFFFFE0] =	vst v4;
	v4 =	vld [tilespmem:s19+$0xFFFFFFC0]  }
0x469: {  	v5 =	vmax.f32 v5, $0.0e+00;
	v6 =	vadd.f32 v6, v7;
	v7 =	vld [tilespmem:s12+$0xFFFFFFF0]  }
0x46a: {  	[tilespmem:s18+$0xFFFFFF30] =	vst v5;
	v5 =	vld [tilespmem:s21+$0xFFFFFFF0]  }
0x46b: {  	v2 =	vadd.f32 v2, v8;
	v8 =	vld [tilespmem:s17+$0xFFFFFF40];
	v6 =	vmax.f32 v6, $0.0e+00  }
0x46c: {  	[tilespmem:s18+$0xC0] =	vst v6;
	v6 =	vld [tilespmem:s19+$0xFFFFFF40]  }
0x46d: {  	v4 =	vadd.f32 v4, v9;
	v2 =	vmax.f32 v2, $0.0e+00;
	v9 =	vld [tilespmem:s17+$0xD0]  }
0x46e: {  	[tilespmem:s18+$0x30] =	vst v2;
	v2 =	vld [tilespmem:s19+$0xD0]  }
0x46f: {  	v12 =	vadd.f32 v60, v59;
	v4 =	vmax.f32 v4, $0.0e+00;
	v63 =	vld [tilespmem:s17+$0x40]  }
0x470: {  	[tilespmem:s18+$0xFFFFFFC0] =	vst v4;
	v4 =	vld [tilespmem:s19+$0x40]  }
0x471: {  	v10 =	vadd.f32 v11, v10;
	v12 =	vmax.f32 v12, $0.0e+00;
	v11 =	vld [tilespmem:s19+$0xFFFFFFD0];
	v6 =	vadd.f32 v6, v8  }
0x472: {  	[tilespmem:s10+$0x60] =	vst v12;
	v8 =	vld [tilespmem:s17+$0xFFFFFFD0]  }
0x473: {  	v12 =	vld [tilespmem:s21+$0x70];
	v6 =	vmax.f32 v6, $0.0e+00;
	v2 =	vadd.f32 v2, v9  }
0x474: {  	v10 =	vmax.f32 v10, $0.0e+00;
	v3 =	vadd.f32 v3, v62;
	v9 =	vld [tilespmem:s12+$0x70];
	[tilespmem:s18+$0xFFFFFF40] =	vst v6  }
0x475: {  	[tilespmem:s10+$0xF0] =	vst v10;
	v10 =	vadd.f32 v4, v63;
	v4 =	vld [tilespmem:s17+$0xFFFFFF50];
	v2 =	vmax.f32 v2, $0.0e+00  }
0x476: {  	v3 =	vmax.f32 v3, $0.0e+00;
	v5 =	vadd.f32 v5, v7;
	v6 =	vld [tilespmem:s19+$0xFFFFFF50];
	[tilespmem:s18+$0xD0] =	vst v2  }
0x477: {  	[tilespmem:s10+$0xFFFFFF70] =	vst v3;
	v2 =	vadd.f32 v11, v8;
	v7 =	vmax.f32 v10, $0.0e+00;
	v3 =	vld [tilespmem:s17+$0xE0]  }
0x478: {  	v8 =	vmax.f32 v5, $0.0e+00;
	[tilespmem:s18+$0x40] =	vst v7;
	v5 =	vld [tilespmem:s19+$0xE0]  }
0x479: {  	[tilespmem:s10+$0xFFFFFFF0] =	vst v8;
	v8 =	vmax.f32 v2, $0.0e+00;
	v7 =	vld [tilespmem:s17+$0x50];
	v2 =	vadd.f32 v12, v9  }
0x47a: {  	s14 =	simm.s32 $0x900;
	s21 =	simm.s32 $0x2700;
	s12 =	simm.s32 $0x4;
	[tilespmem:s18+$0xFFFFFFD0] =	vst v8;
	v8 =	vld [tilespmem:s19+$0x50]  }
.LBB2_14:
0x47b: {  	v9 =	vld [tilespmem:s14+$0x80];
	v4 =	vadd.f32 v6, v4;
	s19 =	sadd.s32 $0x200, s19;
	v2 =	vmax.f32 v2, $0.0e+00  }
0x47c: {  	v6 =	vld [tilespmem:s19+$0x80];
	[tilespmem:s10+$0x70] =	vst v2;
	s10 =	smov.u32 s18  }
0x47d: {  	v2 =	vld [tilespmem:s19+$0xFFFFFF00];
	v4 =	vmax.f32 v4, $0.0e+00;
	v3 =	vadd.f32 v5, v3  }
0x47e: {  	v5 =	vld [tilespmem:s14+$0xFFFFFF80];
	[tilespmem:s18+$0xFFFFFF50] =	vst v4  }
0x47f: {  	v4 =	vld [tilespmem:s19+$0xFFFFFF80];
	v7 =	vadd.f32 v8, v7;
	v3 =	vmax.f32 v3, $0.0e+00  }
0x480: {  	v8 =	vld [tilespmem:s14+$0x0];
	[tilespmem:s18+$0xE0] =	vst v3  }
0x481: {  	v3 =	vadd.f32 v6, v9;
	v6 =	vmax.f32 v7, $0.0e+00;
	v7 =	vld [tilespmem:s17+$0xF0]  }
0x482: {  	[tilespmem:s18+$0x50] =	vst v6;
	v6 =	vld [tilespmem:s21+$0xF0]  }
0x483: {  	s12 =	sadd.s32 $0x4, s12;
	s18 =	sadd.s32 $0x200, s18;
	v9 =	vld [tilespmem:s19+$0x0];
	v3 =	vmax.f32 v3, $0.0e+00  }
0x484: {  	p0 =	slt.u32 s12, $0x1C;
	v10 =	vld [tilespmem:s14+$0xFFFFFF00];
	v4 =	vadd.f32 v4, v5;
	[tilespmem:s18+$0x80] =	vst v3  }
0x485: {  	v3 =	vld [tilespmem:s14+$0x90]  }
0x486: {  	v4 =	vmax.f32 v4, $0.0e+00;
	v5 =	vld [tilespmem:s19+$0x90]  }
0x487: {  	[tilespmem:s18+$0xFFFFFF80] =	vst v4;
	v4 =	vld [tilespmem:s17+$0xFFFFFF60];
	v6 =	vadd.f32 v6, v7  }
0x488: {  	v7 =	vld [tilespmem:s14+$0xFFFFFF90];
	v8 =	vadd.f32 v9, v8  }
0x489: {  	v2 =	vadd.f32 v2, v10;
	v9 =	vld [tilespmem:s19+$0xFFFFFF90];
	v6 =	vmax.f32 v6, $0.0e+00  }
0x48a: {  	v8 =	vmax.f32 v8, $0.0e+00;
	v10 =	vld [tilespmem:s21+$0xFFFFFF60];
	[tilespmem:s10+$0xF0] =	vst v6  }
0x48b: {  	v2 =	vmax.f32 v2, $0.0e+00;
	[tilespmem:s18+$0x0] =	vst v8;
	v3 =	vadd.f32 v5, v3;
	v5 =	vld [tilespmem:s17+$0xFFFFFFE0]  }
0x48c: {  	[tilespmem:s18+$0xFFFFFF00] =	vst v2;
	v2 =	vld [tilespmem:s14+$0x10]  }
0x48d: {  	v6 =	vld [tilespmem:s14+$0xFFFFFF10];
	v3 =	vmax.f32 v3, $0.0e+00  }
0x48e: {  	v8 =	vld [tilespmem:s19+$0xFFFFFF10];
	v7 =	vadd.f32 v9, v7;
	[tilespmem:s18+$0x90] =	vst v3  }
0x48f: {  	v3 =	vld [tilespmem:s14+$0xA0];
	v4 =	vadd.f32 v10, v4  }
0x490: {  	v7 =	vmax.f32 v7, $0.0e+00;
	v9 =	vld [tilespmem:s19+$0xA0]  }
0x491: {  	[tilespmem:s18+$0xFFFFFF90] =	vst v7;
	v7 =	vld [tilespmem:s19+$0x10];
	v4 =	vmax.f32 v4, $0.0e+00  }
0x492: {  	v10 =	vld [tilespmem:s14+$0xFFFFFFA0];
	[tilespmem:s10+$0xFFFFFF60] =	vst v4  }
0x493: {  	v4 =	vadd.f32 v8, v6;
	v6 =	vld [tilespmem:s19+$0xFFFFFFA0]  }
0x494: {  	v8 =	vld [tilespmem:s21+$0xFFFFFFE0]  }
0x495: {  	v4 =	vmax.f32 v4, $0.0e+00;
	v3 =	vadd.f32 v9, v3;
	v9 =	vld [tilespmem:s17+$0x60]  }
0x496: {  	[tilespmem:s18+$0xFFFFFF10] =	vst v4;
	v2 =	vadd.f32 v7, v2;
	v4 =	vld [tilespmem:s21+$0x60]  }
0x497: {  	v7 =	vld [tilespmem:s14+$0xFFFFFF20];
	v3 =	vmax.f32 v3, $0.0e+00  }
0x498: {  	v11 =	vld [tilespmem:s19+$0xFFFFFF20];
	v6 =	vadd.f32 v6, v10;
	v2 =	vmax.f32 v2, $0.0e+00;
	[tilespmem:s18+$0xA0] =	vst v3  }
0x499: {  	[tilespmem:s18+$0x10] =	vst v2;
	v2 =	vld [tilespmem:s14+$0xB0];
	v3 =	vadd.f32 v8, v5  }
0x49a: {  	v5 =	vmax.f32 v6, $0.0e+00;
	v6 =	vld [tilespmem:s19+$0xB0]  }
0x49b: {  	[tilespmem:s18+$0xFFFFFFA0] =	vst v5;
	v5 =	vld [tilespmem:s14+$0x20];
	v3 =	vmax.f32 v3, $0.0e+00;
	v4 =	vadd.f32 v4, v9  }
0x49c: {  	v8 =	vld [tilespmem:s19+$0x20];
	[tilespmem:s10+$0xFFFFFFE0] =	vst v3  }
0x49d: {  	v3 =	vadd.f32 v11, v7;
	v7 =	vld [tilespmem:s14+$0xFFFFFFB0];
	v4 =	vmax.f32 v4, $0.0e+00  }
0x49e: {  	v9 =	vld [tilespmem:s19+$0xFFFFFFB0];
	[tilespmem:s10+$0x60] =	vst v4  }
0x49f: {  	v3 =	vmax.f32 v3, $0.0e+00;
	v2 =	vadd.f32 v6, v2;
	v4 =	vld [tilespmem:s17+$0xFFFFFF70]  }
0x4a0: {  	[tilespmem:s18+$0xFFFFFF20] =	vst v3;
	v3 =	vld [tilespmem:s21+$0xFFFFFF70]  }
0x4a1: {  	v6 =	vld [tilespmem:s14+$0xFFFFFF30];
	v5 =	vadd.f32 v8, v5;
	v2 =	vmax.f32 v2, $0.0e+00  }
0x4a2: {  	v8 =	vld [tilespmem:s19+$0xFFFFFF30];
	[tilespmem:s18+$0xB0] =	vst v2  }
0x4a3: {  	v2 =	vadd.f32 v9, v7;
	v5 =	vmax.f32 v5, $0.0e+00;
	v7 =	vld [tilespmem:s14+$0xC0]  }
0x4a4: {  	[tilespmem:s18+$0x20] =	vst v5;
	v5 =	vld [tilespmem:s19+$0xC0]  }
0x4a5: {  	v2 =	vmax.f32 v2, $0.0e+00;
	v9 =	vld [tilespmem:s14+$0x30];
	v3 =	vadd.f32 v3, v4  }
0x4a6: {  	[tilespmem:s18+$0xFFFFFFB0] =	vst v2;
	v2 =	vld [tilespmem:s19+$0x30]  }
0x4a7: {  	v4 =	vadd.f32 v8, v6;
	v6 =	vld [tilespmem:s14+$0xFFFFFFC0];
	v3 =	vmax.f32 v3, $0.0e+00  }
0x4a8: {  	v8 =	vld [tilespmem:s19+$0xFFFFFFC0];
	[tilespmem:s10+$0xFFFFFF70] =	vst v3  }
0x4a9: {  	v3 =	vmax.f32 v4, $0.0e+00;
	v4 =	vadd.f32 v5, v7;
	v5 =	vld [tilespmem:s17+$0xFFFFFFF0]  }
0x4aa: {  	[tilespmem:s18+$0xFFFFFF30] =	vst v3;
	v3 =	vld [tilespmem:s21+$0xFFFFFFF0]  }
0x4ab: {  	v7 =	vld [tilespmem:s14+$0xFFFFFF40];
	v2 =	vadd.f32 v2, v9;
	v4 =	vmax.f32 v4, $0.0e+00  }
0x4ac: {  	v9 =	vld [tilespmem:s19+$0xFFFFFF40];
	[tilespmem:s18+$0xC0] =	vst v4  }
0x4ad: {  	v4 =	vadd.f32 v8, v6;
	v2 =	vmax.f32 v2, $0.0e+00;
	v6 =	vld [tilespmem:s14+$0xD0]  }
0x4ae: {  	[tilespmem:s18+$0x30] =	vst v2;
	v2 =	vld [tilespmem:s19+$0xD0]  }
0x4af: {  	v4 =	vmax.f32 v4, $0.0e+00;
	v8 =	vld [tilespmem:s14+$0x40];
	v3 =	vadd.f32 v3, v5  }
0x4b0: {  	[tilespmem:s18+$0xFFFFFFC0] =	vst v4;
	v5 =	vld [tilespmem:s19+$0x40]  }
0x4b1: {  	v4 =	vadd.f32 v9, v7;
	v7 =	vld [tilespmem:s14+$0xFFFFFFD0];
	v3 =	vmax.f32 v3, $0.0e+00  }
0x4b2: {  	v9 =	vld [tilespmem:s19+$0xFFFFFFD0];
	[tilespmem:s10+$0xFFFFFFF0] =	vst v3  }
0x4b3: {  	v3 =	vmax.f32 v4, $0.0e+00;
	v2 =	vadd.f32 v2, v6;
	v10 =	vld [tilespmem:s17+$0x70];
	s17 =	smov.u32 s14  }
0x4b4: {  	[tilespmem:s18+$0xFFFFFF40] =	vst v3;
	v11 =	vld [tilespmem:s21+$0x70];
	s21 =	smov.u32 s19  }
0x4b5: {  	v4 =	vld [tilespmem:s14+$0xFFFFFF50];
	v3 =	vadd.f32 v5, v8;
	v2 =	vmax.f32 v2, $0.0e+00  }
.Ltmp6:
0x4b6: {  	v6 =	vld [tilespmem:s19+$0xFFFFFF50];
	[tilespmem:s18+$0xD0] =	vst v2;
	(pc) =	sbr.rel @p0 .LBB2_14-.Ltmp6, $4  }
0x4b7: {  	v2 =	vadd.f32 v9, v7;
	v5 =	vmax.f32 v3, $0.0e+00;
	v3 =	vld [tilespmem:s14+$0xE0]  }
0x4b8: {  	[tilespmem:s18+$0x40] =	vst v5;
	v5 =	vld [tilespmem:s19+$0xE0]  }
0x4b9: {  	v8 =	vmax.f32 v2, $0.0e+00;
	v7 =	vld [tilespmem:s14+$0x50];
	v2 =	vadd.f32 v11, v10  }
0x4ba: {  	s14 =	sadd.s32 $0x200, s14;
	[tilespmem:s18+$0xFFFFFFD0] =	vst v8;
	v8 =	vld [tilespmem:s19+$0x50]  }
0x4bb: {  	_ =	sdelay $0x1  }
0x4bc: {  	v4 =	vadd.f32 v6, v4;
	_ =	sdelay $0x1  }
0x4bd: {  	v55 =	vld [tilespmem:s17+$0xFFFFFFE0];
	v4 =	vmax.f32 v4, $0.0e+00;
	v52 =	vadd.f32 v8, v7  }
0x4be: {  	v56 =	vld [tilespmem:s21+$0xFFFFFFE0];
	[tilespmem:s18+$0xFFFFFF50] =	vst v4  }
0x4bf: {  	v53 =	vld [tilespmem:s17+$0xFFFFFF60];
	v4 =	vmax.f32 v52, $0.0e+00  }
0x4c0: {  	v54 =	vld [tilespmem:s21+$0xFFFFFF60];
	[tilespmem:s18+$0x50] =	vst v4  }
0x4c1: {  	v3 =	vadd.f32 v5, v3;
	v57 =	vld [tilespmem:s17+$0x60]  }
0x4c2: {  	v9 =	vld [tilespmem:s21+$0x60]  }
0x4c3: {  	v3 =	vmax.f32 v3, $0.0e+00;
	v4 =	vadd.f32 v56, v55  }
0x4c4: {  	[tilespmem:s18+$0xE0] =	vst v3  }
0x4c5: {  	v3 =	vld [tilespmem:s17+$0xF0];
	v6 =	vadd.f32 v54, v53;
	v4 =	vmax.f32 v4, $0.0e+00  }
0x4c6: {  	v58 =	vld [tilespmem:s21+$0xF0];
	[tilespmem:s18+$0xFFFFFFE0] =	vst v4  }
0x4c7: {  	v6 =	vmax.f32 v6, $0.0e+00;
	v60 =	vld [tilespmem:s17+$0xFFFFFFF0];
	v5 =	vadd.f32 v9, v57  }
0x4c8: {  	v61 =	vld [tilespmem:s21+$0xFFFFFFF0];
	[tilespmem:s18+$0xFFFFFF60] =	vst v6  }
0x4c9: {  	v6 =	vld [tilespmem:s17+$0xFFFFFF70];
	v5 =	vmax.f32 v5, $0.0e+00  }
0x4ca: {  	v59 =	vld [tilespmem:s21+$0xFFFFFF70];
	[tilespmem:s18+$0x60] =	vst v5  }
0x4cb: {  	v62 =	vld [tilespmem:s17+$0x70]  }
0x4cc: {  	v10 =	vld [tilespmem:s21+$0x70];
	_ =	sdelay $0x1  }
0x4cd: {  	v3 =	vadd.f32 v58, v3  }
0x4ce: {  	v2 =	vmax.f32 v2, $0.0e+00;
	v4 =	vadd.f32 v59, v6  }
0x4cf: {  	[tilespmem:s10+$0x70] =	vst v2;
	v2 =	vmax.f32 v3, $0.0e+00;
	v3 =	vadd.f32 v61, v60  }
0x4d0: {  	[tilespmem:s18+$0xF0] =	vst v2;
	v2 =	vmax.f32 v4, $0.0e+00;
	v63 =	vadd.f32 v10, v62  }
0x4d1: {  	[tilespmem:s18+$0xFFFFFF70] =	vst v2;
	v2 =	vmax.f32 v3, $0.0e+00  }
0x4d2: {  	[tilespmem:s18+$0xFFFFFFF0] =	vst v2;
	v2 =	vmax.f32 v63, $0.0e+00  }
0x4d3: {  	[tilespmem:s18+$0x70] =	vst v2  }
0x4d4: {  	v2 =	vld [tilespmem:$0x200];
	_ =	sdelay $0x7  }
0x4d5: {  	[tilespmem:v2+s3+$0x0] =	vst.idx.add.f32.msk $0xffff, v1  }
0x4d6: {  	v2 =	vld [tilespmem:$0x210];
	_ =	sdelay $0x7  }
0x4d7: {  	[tilespmem:v2+s3+$0x0] =	vst.idx.add.f32.msk $0xffff, v1  }
0x4d8: {  	[spmem:s1] =	stream.indirect.scatter.add.f32 [tilespmem:s9], [sflag:$0x4], $0x80, s20, s24, $0xb8;
	[tilespmem:$0x1CC00] =	vst v63  }
0x4d9: {  	_ =	swait.ge [sflag:s16], $0x1000  }
0x4da: {  	[sflag:s16] =	ssyncset.done $0x0  }
0x4db: {  	[sflag:s16] =	ssyncadd.s32 $0xFFFFF000  }
0x4dc: {  	_ =	swait.ge [sflag:s15], $0x1000  }
0x4dd: {  	[sflag:s15] =	ssyncset.done $0x0  }
0x4de: {  	s17 =	simm.s32 $0x6;
	s19 =	rddreg [dreg:$0x9];
	[sflag:s15] =	ssyncadd.s32 $0xFFFFF000  }
0x4df: {  	[hbm4b:s19+s2] =	stream.linear.scatter [tilespmem:s3], [sflag:$0x6], $0x2800, $0x38;
	[tilespmem:$0x1CC00] =	vst v63  }
0x4e0: {  	_ =	swait.ge [sflag:s17], $0x2800  }
0x4e1: {  	[sflag:s17] =	ssyncset.done $0x0  }
0x4e2: {  	[sflag:s17] =	ssyncadd.s32 $0xFFFFD800  }
0x4e3: {  	[bflag:$0x0] =	sbarrier.arrive $0xFFFF  }
0x4e4: {  	s14 =	rddreg [dreg:$0x4]  }
0x4e5: {  	s21 =	rddreg [dreg:$0xa]  }
0x4e6: {  	s12 =	rddreg [dreg:$0xc]  }
0x4e7: {  	[hbm:s21], [sflag:s14] =	dma.local [spmem:s12], $0x2800  }
0x4e8: {  	_ =	swait.ge [sflag:s17], $0x2800  }
0x4e9: {  	s29 =	rddreg [dreg:$0xd]  }
0x4ea: {  	s30 =	rddreg [dreg:$0xb];
	s18 =	sadd.s32 $0x1, s29  }
0x4eb: {  	p0 =	sne.s32 s18, s30  }
.Ltmp7:
0x4ec: {  	_ = 	snop;
	(pc) =	sbr.rel @p0 .LBB2_1-.Ltmp7, $3  }
0x4ed: {  	_ =	sdelay $0x1  }
0x4ee: {  	[sflag:s17] =	ssyncset.done $0x0  }
0x4ef: {  	[sflag:s17] =	ssyncadd.s32 $0xFFFFD800  }
0x4f0: {  	_ =	sfence.sel $0x180000  }
0x4f1: {  	[bflag:$0x0] =	sbarrier.arrive $0xFFFF  }
0x4f2: {  	_ =	strace $0x90000047  }
0x4f3: {  	s0 =	stileid.u32;
	[bflag:$0x2] =	sbarrier.arrive $0xFFFF  }
0x4f4: {  	p0 =	sne.s32 s0, $0x0;
	s0 =	rddreg [dreg:$0x2]  }
0x4f5: {  	s0 =	sadd.s32 @!p0 $0x100000, s0  }
0x4f6: {  	[sflag:s0] =	ssyncadd.tile.s32 @!p0 $0x1;
	_ =	shalt  }
.Lfunc_end2:
_tile_overlayer_lowered:
.L_overlay_start_2:
0x4f7: {  	(tag) =	ssettag $0x2  }
0x4f8: {  	s0 =	rddreg [dreg:$0x0];
	s2 =	stileid.u32  }
0x4f9: {  	s1 =	rddreg [dreg:$0x1];
	p0 =	sne.s32 s2, $0x0  }
0x4fa: {  	s3 =	rddreg [dreg:$0x2];
	[bflag:$0x3] =	sbarrier.arrive $0xFFFF;
	s2 =	simm.s32 @!p0 $0x1C06  }
0x4fb: {  	[timem:s3], [sflag:s2] =	dma.local @!p0 [hbm:s0], s1  }
0x4fc: {  	s0 =	simm.s32 @!p0 $0x6  }
0x4fd: {  	_ =	swait.ge @!p0 [sflag:s0], s1  }
0x4fe: {  	s1 =	ssub.s32 @!p0 $0x0, s1;
	[sflag:s0] =	ssyncset.done @!p0 $0x0  }
0x4ff: {  	[sflag:s0] =	ssyncadd.s32 @!p0 s1  }
0x500: {  	[bflag:$0x3] =	sbarrier.arrive $0xFFFF  }
0x501: {  	_ =	shalt  }

</sc_bundles>
